<compile_context>
chip_gen: v7x
topology: tpu7x:2x2x1
jax: 0.10.2.dev20260603
libtpu: 0.0.44.dev20260713+nightly
codegen_flags: <defaults>
</compile_context>

<pallas_src>
import functools

import jax
import jax.numpy as jnp
from jax import lax
from jax.experimental import pallas as pl
from jax.experimental.pallas import tpu as pltpu
from jax.experimental.pallas import tpu_sc as plsc

_B = 16384
_A = 128

_LANES = 16
_CHUNK = 128


def _sample_body(n_workers, rows_per_worker, table_hbm, state_hbm, e_hbm,
                 out_hbm, idx_v, rows_v, e_v, out_v, sem):
    info = plsc.get_sparse_core_info()
    wid = lax.axis_index("s") * info.num_cores + lax.axis_index("c")
    base0 = wid * rows_per_worker
    n_chunks = rows_per_worker // _CHUNK

    def chunk_body(ci, carry):
        base = base0 + ci * _CHUNK
        pltpu.sync_copy(state_hbm.at[pl.ds(base, _CHUNK)], idx_v)
        gat = pltpu.async_copy(table_hbm.at[idx_v], rows_v, sem)
        pltpu.sync_copy(e_hbm.at[pl.ds(base, _CHUNK), :], e_v)
        gat.wait()

        lane = lax.iota(jnp.int32, _LANES)

        def group_body(t, carry2):
            acc = jnp.zeros((_LANES,), jnp.int32)
            for i in range(_LANES):
                r = t * _LANES + i
                mx = jnp.full((_LANES,), -jnp.inf, jnp.float32)
                argj = jnp.zeros((_LANES,), jnp.int32)
                for j in range(_A // _LANES):
                    v = (rows_v[r, pl.ds(j * _LANES, _LANES)]
                         * e_v[r, pl.ds(j * _LANES, _LANES)])
                    upd = v > mx
                    mx = jnp.where(upd, v, mx)
                    argj = jnp.where(upd, j, argj)
                a = argj * _LANES + lane
                for s in (8, 4, 2, 1):
                    idx = lane ^ s
                    pm = mx[idx]
                    pa = a[idx]
                    take = (pm > mx) | ((pm == mx) & (pa < a))
                    mx = jnp.where(take, pm, mx)
                    a = jnp.where(take, pa, a)
                acc = jnp.where(lane == i, a, acc)
            out_v[pl.ds(t * _LANES, _LANES)] = acc
            return carry2

        lax.fori_loop(0, _CHUNK // _LANES, group_body, 0)
        pltpu.sync_copy(out_v, out_hbm.at[pl.ds(base, _CHUNK)])
        return carry

    lax.fori_loop(0, n_chunks, chunk_body, 0)


@functools.cache
def _noise():
    g = jax.random.gumbel(jax.random.key(42), (_B, _A), jnp.float32)
    return jnp.exp(g)


@functools.cache
def _build():
    info = plsc.get_sparse_core_info()
    n_workers = info.num_cores * info.num_subcores
    rows_per_worker = _B // n_workers
    mesh = plsc.VectorSubcoreMesh(core_axis_name="c", subcore_axis_name="s")
    return pl.kernel(
        functools.partial(_sample_body, n_workers, rows_per_worker),
        mesh=mesh,
        out_type=jax.ShapeDtypeStruct((_B,), jnp.int32),
        scratch_types=[
            pltpu.VMEM((_CHUNK,), jnp.int32),
            pltpu.VMEM((_CHUNK, _A), jnp.float32),
            pltpu.VMEM((_CHUNK, _A), jnp.float32),
            pltpu.VMEM((_CHUNK,), jnp.int32),
            pltpu.SemaphoreType.DMA,
        ],
    )


def kernel(probs_a_s, state):
    return _build()(probs_a_s, state.astype(jnp.int32), _noise())

# --- scband reference (transcript-rebuilt; emitter-appended) ---
"""Pipeline reference for scband-privileged-policy-23270132810348 (READ-ONLY COPY).

The authoritative reference and input builder live on the scoring server;
editing this copy changes nothing except your own understanding.
"""

import jax, jax.numpy as jnp
import numpy as np

N_STATES = 100000
N_ACTIONS = 128
BATCH = 16384


def setup_inputs(seed: int = 0) -> dict:
    key = jax.random.key(seed)
    k1, k2 = jax.random.split(key)
    # learned/privileged parameter: p(a|s) table, strictly positive (Categorical normalizes)
    probs_a_s = jax.random.uniform(k1, (N_STATES, N_ACTIONS), dtype=jnp.float32) + 1e-3
    state = jax.random.randint(k2, (BATCH,), 0, N_STATES)
    return {"probs_a_s": probs_a_s, "state": state}


def reference(probs_a_s, state):
    # PrivilegedPolicy.action(state):
    #   Categorical(probs=self.probs_a_s[state]).sample()
    gathered = jnp.take(probs_a_s, state, axis=0)  # [B, A] row gather (memory-bound)
    # torch Categorical normalizes unnormalized probs
    p = gathered / jnp.sum(gathered, axis=-1, keepdims=True)
    logp = jnp.log(p)
    # categorical sampling via Gumbel-max trick (fixed key for determinism)
    g = jax.random.gumbel(jax.random.key(42), logp.shape, dtype=logp.dtype)
    action = jnp.argmax(logp + g, axis=-1)  # int actions [B]
    return action

if __name__ == "__main__":
    import jax
    _d = setup_inputs()
    print(jax.jit(kernel)(*tuple(_d.values())))

</pallas_src>

<mosaic_0001>
#map = affine_map<(d0, d1) -> (0, 0)>
#map1 = affine_map<(d0, d1) -> (0)>
module attributes {stable_mosaic.version = 14 : i64} {
  func.func @_sample_body(%arg0: i32, %arg1: i32, %arg2: memref<100000x128xf32, #tpu.memory_space<hbm>>, %arg3: memref<16384xi32, #tpu.memory_space<hbm>>, %arg4: memref<16384x128xf32, #tpu.memory_space<hbm>>, %arg5: memref<16384xi32, #tpu.memory_space<hbm>>, %arg6: memref<128xi32, #tpu.memory_space<vmem>>, %arg7: memref<128x128xf32, #tpu.memory_space<vmem>>, %arg8: memref<128x128xf32, #tpu.memory_space<vmem>>, %arg9: memref<128xi32, #tpu.memory_space<vmem>>, %arg10: memref<!tpu.dma_semaphore, #tpu.memory_space<semaphore_mem>>) attributes {dimension_semantics = [#tpu.dimension_semantics<core_parallel>, #tpu.dimension_semantics<subcore_parallel>], iteration_bounds = array<i64: 2, 16>, scalar_prefetch = 0 : i64, scratch_operands = 5 : i64, tpu.core_type = #tpu.core_type<sc_vector_subcore>, window_params = [{transform_indices = #map}, {transform_indices = #map1}, {transform_indices = #map}, {transform_indices = #map1}]} {
    %mul3A = arith.constant 2 : i32
    %mul3A_0 = arith.muli %arg1, %mul3A : i32
    %add3A = arith.addi %mul3A_0, %arg0 : i32
    %mul3A_1 = arith.constant 512 : i32
    %mul3A_2 = arith.muli %add3A, %mul3A_1 : i32
    %scan3A = arith.constant 0 : i32
    %scan3A_3 = arith.constant 0 : i32
    %scan3A_4 = arith.constant 4 : i32
    %scan3A_5 = arith.addi %scan3A_3, %scan3A_4 : i32
    %scan3A_6 = arith.constant 1 : i32
    scf.for %scan3A_8 = %scan3A_3 to %scan3A_5 step %scan3A_6  : i32 {
      %mul3A_9 = arith.constant 128 : i32
      %mul3A_10 = arith.muli %scan3A_8, %mul3A_9 : i32
      %add3A_11 = arith.addi %mul3A_2, %mul3A_10 : i32
      "tpu.region"() ({
        %run_scoped3A = tpu.sem_alloc : memref<!tpu.dma_semaphore, #tpu.memory_space<semaphore_mem>>
        %dma_start3A_22 = tpu.memref_slice %arg3[%add3A_11] : memref<16384xi32, #tpu.memory_space<hbm>> -> memref<128xi32, #tpu.memory_space<hbm>>
        %dma_start3A_23 = tpu.memref_slice %arg3[%add3A_11] : memref<16384xi32, #tpu.memory_space<hbm>> -> memref<128xi32, #tpu.memory_space<hbm>>
        tpu.enqueue_dma source(%dma_start3A_23 : memref<128xi32, #tpu.memory_space<hbm>>) target(%arg6 : memref<128xi32, #tpu.memory_space<vmem>>) target_semaphore(%run_scoped3A : memref<!tpu.dma_semaphore, #tpu.memory_space<semaphore_mem>>)
        %dma_wait3A_24 = tpu.memref_slice %arg3[%add3A_11] : memref<16384xi32, #tpu.memory_space<hbm>> -> memref<128xi32, #tpu.memory_space<hbm>>
        %dma_wait3A_25 = tpu.memref_slice %arg3[%add3A_11] : memref<16384xi32, #tpu.memory_space<hbm>> -> memref<128xi32, #tpu.memory_space<hbm>>
        tpu.wait_dma2 semaphore(%run_scoped3A : memref<!tpu.dma_semaphore, #tpu.memory_space<semaphore_mem>>) src(%dma_wait3A_25 : memref<128xi32, #tpu.memory_space<hbm>>) dst(%arg6 : memref<128xi32, #tpu.memory_space<vmem>>)
        tpu.yield
      }) : () -> ()
      %dma_start3A = arith.constant 0 : i32
      %dma_start3A_12 = arith.constant 0 : i32
      %dma_start3A_13 = tpu.memref_slice %arg2[%dma_start3A, %dma_start3A_12] : memref<100000x128xf32, #tpu.memory_space<hbm>> -> memref<100000x128xf32, #tpu.memory_space<hbm>>
      tpu.enqueue_indirect_dma source(%dma_start3A_13 : memref<100000x128xf32, #tpu.memory_space<hbm>>) target(%arg7 : memref<128x128xf32, #tpu.memory_space<vmem>>) offsets(%arg6 : memref<128xi32, #tpu.memory_space<vmem>>) semaphore(%arg10 : memref<!tpu.dma_semaphore, #tpu.memory_space<semaphore_mem>>)
      "tpu.region"() ({
        %run_scoped3A = tpu.sem_alloc : memref<!tpu.dma_semaphore, #tpu.memory_space<semaphore_mem>>
        %dma_start3A_22 = arith.constant 0 : i32
        %dma_start3A_23 = tpu.memref_slice %arg4[%add3A_11, %dma_start3A_22] : memref<16384x128xf32, #tpu.memory_space<hbm>> -> memref<128x128xf32, #tpu.memory_space<hbm>>
        %dma_start3A_24 = arith.constant 0 : i32
        %dma_start3A_25 = tpu.memref_slice %arg4[%add3A_11, %dma_start3A_24] : memref<16384x128xf32, #tpu.memory_space<hbm>> -> memref<128x128xf32, #tpu.memory_space<hbm>>
        tpu.enqueue_dma source(%dma_start3A_25 : memref<128x128xf32, #tpu.memory_space<hbm>>) target(%arg8 : memref<128x128xf32, #tpu.memory_space<vmem>>) target_semaphore(%run_scoped3A : memref<!tpu.dma_semaphore, #tpu.memory_space<semaphore_mem>>)
        %dma_wait3A_26 = arith.constant 0 : i32
        %dma_wait3A_27 = tpu.memref_slice %arg4[%add3A_11, %dma_wait3A_26] : memref<16384x128xf32, #tpu.memory_space<hbm>> -> memref<128x128xf32, #tpu.memory_space<hbm>>
        %dma_wait3A_28 = arith.constant 0 : i32
        %dma_wait3A_29 = tpu.memref_slice %arg4[%add3A_11, %dma_wait3A_28] : memref<16384x128xf32, #tpu.memory_space<hbm>> -> memref<128x128xf32, #tpu.memory_space<hbm>>
        tpu.wait_dma2 semaphore(%run_scoped3A : memref<!tpu.dma_semaphore, #tpu.memory_space<semaphore_mem>>) src(%dma_wait3A_29 : memref<128x128xf32, #tpu.memory_space<hbm>>) dst(%arg8 : memref<128x128xf32, #tpu.memory_space<vmem>>)
        tpu.yield
      }) : () -> ()
      %dma_wait3A = arith.constant 0 : i32
      %dma_wait3A_14 = arith.constant 0 : i32
      %dma_wait3A_15 = tpu.memref_slice %arg2[%dma_wait3A, %dma_wait3A_14] : memref<100000x128xf32, #tpu.memory_space<hbm>> -> memref<100000x128xf32, #tpu.memory_space<hbm>>
      tpu.wait_indirect_dma semaphore(%arg10 : memref<!tpu.dma_semaphore, #tpu.memory_space<semaphore_mem>>) src(%dma_wait3A_15 : memref<100000x128xf32, #tpu.memory_space<hbm>>) dst(%arg7 : memref<128x128xf32, #tpu.memory_space<vmem>>)
      %iota3A = tpu.iota {dimensions = array<i32: 0>} : vector<16xi32>
      %scan3A_16 = arith.constant 0 : i32
      %scan3A_17 = arith.constant 0 : i32
      %scan3A_18 = arith.constant 8 : i32
      %scan3A_19 = arith.addi %scan3A_17, %scan3A_18 : i32
      %scan3A_20 = arith.constant 1 : i32
      scf.for %scan3A_22 = %scan3A_17 to %scan3A_19 step %scan3A_20  : i32 {
        %broadcast_in_dim3A = arith.constant 0 : i32
        %broadcast_in_dim3A_23 = vector.broadcast %broadcast_in_dim3A : i32 to vector<16xi32>
        %mul3A_24 = arith.constant 16 : i32
        %mul3A_25 = arith.muli %scan3A_22, %mul3A_24 : i32
        %add3A_26 = arith.constant 0 : i32
        %add3A_27 = arith.addi %mul3A_25, %add3A_26 : i32
        %broadcast_in_dim3A_28 = arith.constant 0xFF800000 : f32
        %broadcast_in_dim3A_29 = vector.broadcast %broadcast_in_dim3A_28 : f32 to vector<16xf32>
        %broadcast_in_dim3A_30 = arith.constant 0 : i32
        %broadcast_in_dim3A_31 = vector.broadcast %broadcast_in_dim3A_30 : i32 to vector<16xi32>
        %get3A = arith.index_cast %add3A_27 : i32 to index
        %get3A_32 = arith.constant 0 : index
        %get3A_33 = tpu.vector_load %arg7[%get3A, %get3A_32] {strides = array<i32>} : memref<128x128xf32, #tpu.memory_space<vmem>>, vector<1x16xf32>,
        %get3A_34 = vector.shape_cast %get3A_33 : vector<1x16xf32> to vector<16xf32>
        %get3A_35 = arith.index_cast %add3A_27 : i32 to index
        %get3A_36 = arith.constant 0 : index
        %get3A_37 = tpu.vector_load %arg8[%get3A_35, %get3A_36] {strides = array<i32>} : memref<128x128xf32, #tpu.memory_space<vmem>>, vector<1x16xf32>,
        %get3A_38 = vector.shape_cast %get3A_37 : vector<1x16xf32> to vector<16xf32>
        %mul3A_39 = arith.mulf %get3A_34, %get3A_38 : vector<16xf32>
        %gt3A = arith.cmpf ogt, %mul3A_39, %broadcast_in_dim3A_29 : vector<16xf32>
        %select_n3A = arith.select %gt3A, %mul3A_39, %broadcast_in_dim3A_29 : vector<16xi1>, vector<16xf32>
        %jit3A = arith.constant 0 : i32
        %broadcast_in_dim3A_40 = vector.broadcast %jit3A : i32 to vector<16xi32>
        %select_n3A_41 = arith.select %gt3A, %broadcast_in_dim3A_40, %broadcast_in_dim3A_31 : vector<16xi1>, vector<16xi32>
        %get3A_42 = arith.index_cast %add3A_27 : i32 to index
        %get3A_43 = arith.constant 16 : index
        %get3A_44 = tpu.vector_load %arg7[%get3A_42, %get3A_43] {strides = array<i32>} : memref<128x128xf32, #tpu.memory_space<vmem>>, vector<1x16xf32>,
        %get3A_45 = vector.shape_cast %get3A_44 : vector<1x16xf32> to vector<16xf32>
        %get3A_46 = arith.index_cast %add3A_27 : i32 to index
        %get3A_47 = arith.constant 16 : index
        %get3A_48 = tpu.vector_load %arg8[%get3A_46, %get3A_47] {strides = array<i32>} : memref<128x128xf32, #tpu.memory_space<vmem>>, vector<1x16xf32>,
        %get3A_49 = vector.shape_cast %get3A_48 : vector<1x16xf32> to vector<16xf32>
        %mul3A_50 = arith.mulf %get3A_45, %get3A_49 : vector<16xf32>
        %gt3A_51 = arith.cmpf ogt, %mul3A_50, %select_n3A : vector<16xf32>
        %select_n3A_52 = arith.select %gt3A_51, %mul3A_50, %select_n3A : vector<16xi1>, vector<16xf32>
        %jit3A_53 = arith.constant 1 : i32
        %broadcast_in_dim3A_54 = vector.broadcast %jit3A_53 : i32 to vector<16xi32>
        %select_n3A_55 = arith.select %gt3A_51, %broadcast_in_dim3A_54, %select_n3A_41 : vector<16xi1>, vector<16xi32>
        %get3A_56 = arith.index_cast %add3A_27 : i32 to index
        %get3A_57 = arith.constant 32 : index
        %get3A_58 = tpu.vector_load %arg7[%get3A_56, %get3A_57] {strides = array<i32>} : memref<128x128xf32, #tpu.memory_space<vmem>>, vector<1x16xf32>,
        %get3A_59 = vector.shape_cast %get3A_58 : vector<1x16xf32> to vector<16xf32>
        %get3A_60 = arith.index_cast %add3A_27 : i32 to index
        %get3A_61 = arith.constant 32 : index
        %get3A_62 = tpu.vector_load %arg8[%get3A_60, %get3A_61] {strides = array<i32>} : memref<128x128xf32, #tpu.memory_space<vmem>>, vector<1x16xf32>,
        %get3A_63 = vector.shape_cast %get3A_62 : vector<1x16xf32> to vector<16xf32>
        %mul3A_64 = arith.mulf %get3A_59, %get3A_63 : vector<16xf32>
        %gt3A_65 = arith.cmpf ogt, %mul3A_64, %select_n3A_52 : vector<16xf32>
        %select_n3A_66 = arith.select %gt3A_65, %mul3A_64, %select_n3A_52 : vector<16xi1>, vector<16xf32>
        %jit3A_67 = arith.constant 2 : i32
        %broadcast_in_dim3A_68 = vector.broadcast %jit3A_67 : i32 to vector<16xi32>
        %select_n3A_69 = arith.select %gt3A_65, %broadcast_in_dim3A_68, %select_n3A_55 : vector<16xi1>, vector<16xi32>
        %get3A_70 = arith.index_cast %add3A_27 : i32 to index
        %get3A_71 = arith.constant 48 : index
        %get3A_72 = tpu.vector_load %arg7[%get3A_70, %get3A_71] {strides = array<i32>} : memref<128x128xf32, #tpu.memory_space<vmem>>, vector<1x16xf32>,
        %get3A_73 = vector.shape_cast %get3A_72 : vector<1x16xf32> to vector<16xf32>
        %get3A_74 = arith.index_cast %add3A_27 : i32 to index
        %get3A_75 = arith.constant 48 : index
        %get3A_76 = tpu.vector_load %arg8[%get3A_74, %get3A_75] {strides = array<i32>} : memref<128x128xf32, #tpu.memory_space<vmem>>, vector<1x16xf32>,
        %get3A_77 = vector.shape_cast %get3A_76 : vector<1x16xf32> to vector<16xf32>
        %mul3A_78 = arith.mulf %get3A_73, %get3A_77 : vector<16xf32>
        %gt3A_79 = arith.cmpf ogt, %mul3A_78, %select_n3A_66 : vector<16xf32>
        %select_n3A_80 = arith.select %gt3A_79, %mul3A_78, %select_n3A_66 : vector<16xi1>, vector<16xf32>
        %jit3A_81 = arith.constant 3 : i32
        %broadcast_in_dim3A_82 = vector.broadcast %jit3A_81 : i32 to vector<16xi32>
        %select_n3A_83 = arith.select %gt3A_79, %broadcast_in_dim3A_82, %select_n3A_69 : vector<16xi1>, vector<16xi32>
        %get3A_84 = arith.index_cast %add3A_27 : i32 to index
        %get3A_85 = arith.constant 64 : index
        %get3A_86 = tpu.vector_load %arg7[%get3A_84, %get3A_85] {strides = array<i32>} : memref<128x128xf32, #tpu.memory_space<vmem>>, vector<1x16xf32>,
        %get3A_87 = vector.shape_cast %get3A_86 : vector<1x16xf32> to vector<16xf32>
        %get3A_88 = arith.index_cast %add3A_27 : i32 to index
        %get3A_89 = arith.constant 64 : index
        %get3A_90 = tpu.vector_load %arg8[%get3A_88, %get3A_89] {strides = array<i32>} : memref<128x128xf32, #tpu.memory_space<vmem>>, vector<1x16xf32>,
        %get3A_91 = vector.shape_cast %get3A_90 : vector<1x16xf32> to vector<16xf32>
        %mul3A_92 = arith.mulf %get3A_87, %get3A_91 : vector<16xf32>
        %gt3A_93 = arith.cmpf ogt, %mul3A_92, %select_n3A_80 : vector<16xf32>
        %select_n3A_94 = arith.select %gt3A_93, %mul3A_92, %select_n3A_80 : vector<16xi1>, vector<16xf32>
        %jit3A_95 = arith.constant 4 : i32
        %broadcast_in_dim3A_96 = vector.broadcast %jit3A_95 : i32 to vector<16xi32>
        %select_n3A_97 = arith.select %gt3A_93, %broadcast_in_dim3A_96, %select_n3A_83 : vector<16xi1>, vector<16xi32>
        %get3A_98 = arith.index_cast %add3A_27 : i32 to index
        %get3A_99 = arith.constant 80 : index
        %get3A_100 = tpu.vector_load %arg7[%get3A_98, %get3A_99] {strides = array<i32>} : memref<128x128xf32, #tpu.memory_space<vmem>>, vector<1x16xf32>,
        %get3A_101 = vector.shape_cast %get3A_100 : vector<1x16xf32> to vector<16xf32>
        %get3A_102 = arith.index_cast %add3A_27 : i32 to index
        %get3A_103 = arith.constant 80 : index
        %get3A_104 = tpu.vector_load %arg8[%get3A_102, %get3A_103] {strides = array<i32>} : memref<128x128xf32, #tpu.memory_space<vmem>>, vector<1x16xf32>,
        %get3A_105 = vector.shape_cast %get3A_104 : vector<1x16xf32> to vector<16xf32>
        %mul3A_106 = arith.mulf %get3A_101, %get3A_105 : vector<16xf32>
        %gt3A_107 = arith.cmpf ogt, %mul3A_106, %select_n3A_94 : vector<16xf32>
        %select_n3A_108 = arith.select %gt3A_107, %mul3A_106, %select_n3A_94 : vector<16xi1>, vector<16xf32>
        %jit3A_109 = arith.constant 5 : i32
        %broadcast_in_dim3A_110 = vector.broadcast %jit3A_109 : i32 to vector<16xi32>
        %select_n3A_111 = arith.select %gt3A_107, %broadcast_in_dim3A_110, %select_n3A_97 : vector<16xi1>, vector<16xi32>
        %get3A_112 = arith.index_cast %add3A_27 : i32 to index
        %get3A_113 = arith.constant 96 : index
        %get3A_114 = tpu.vector_load %arg7[%get3A_112, %get3A_113] {strides = array<i32>} : memref<128x128xf32, #tpu.memory_space<vmem>>, vector<1x16xf32>,
        %get3A_115 = vector.shape_cast %get3A_114 : vector<1x16xf32> to vector<16xf32>
        %get3A_116 = arith.index_cast %add3A_27 : i32 to index
        %get3A_117 = arith.constant 96 : index
        %get3A_118 = tpu.vector_load %arg8[%get3A_116, %get3A_117] {strides = array<i32>} : memref<128x128xf32, #tpu.memory_space<vmem>>, vector<1x16xf32>,
        %get3A_119 = vector.shape_cast %get3A_118 : vector<1x16xf32> to vector<16xf32>
        %mul3A_120 = arith.mulf %get3A_115, %get3A_119 : vector<16xf32>
        %gt3A_121 = arith.cmpf ogt, %mul3A_120, %select_n3A_108 : vector<16xf32>
        %select_n3A_122 = arith.select %gt3A_121, %mul3A_120, %select_n3A_108 : vector<16xi1>, vector<16xf32>
        %jit3A_123 = arith.constant 6 : i32
        %broadcast_in_dim3A_124 = vector.broadcast %jit3A_123 : i32 to vector<16xi32>
        %select_n3A_125 = arith.select %gt3A_121, %broadcast_in_dim3A_124, %select_n3A_111 : vector<16xi1>, vector<16xi32>
        %get3A_126 = arith.index_cast %add3A_27 : i32 to index
        %get3A_127 = arith.constant 112 : index
        %get3A_128 = tpu.vector_load %arg7[%get3A_126, %get3A_127] {strides = array<i32>} : memref<128x128xf32, #tpu.memory_space<vmem>>, vector<1x16xf32>,
        %get3A_129 = vector.shape_cast %get3A_128 : vector<1x16xf32> to vector<16xf32>
        %get3A_130 = arith.index_cast %add3A_27 : i32 to index
        %get3A_131 = arith.constant 112 : index
        %get3A_132 = tpu.vector_load %arg8[%get3A_130, %get3A_131] {strides = array<i32>} : memref<128x128xf32, #tpu.memory_space<vmem>>, vector<1x16xf32>,
        %get3A_133 = vector.shape_cast %get3A_132 : vector<1x16xf32> to vector<16xf32>
        %mul3A_134 = arith.mulf %get3A_129, %get3A_133 : vector<16xf32>
        %gt3A_135 = arith.cmpf ogt, %mul3A_134, %select_n3A_122 : vector<16xf32>
        %select_n3A_136 = arith.select %gt3A_135, %mul3A_134, %select_n3A_122 : vector<16xi1>, vector<16xf32>
        %jit3A_137 = arith.constant 7 : i32
        %broadcast_in_dim3A_138 = vector.broadcast %jit3A_137 : i32 to vector<16xi32>
        %select_n3A_139 = arith.select %gt3A_135, %broadcast_in_dim3A_138, %select_n3A_125 : vector<16xi1>, vector<16xi32>
        %mul3A_140 = arith.constant 16 : i32
        %mul3A_141 = vector.broadcast %mul3A_140 : i32 to vector<16xi32>
        %mul3A_142 = arith.muli %select_n3A_139, %mul3A_141 : vector<16xi32>
        %add3A_143 = arith.addi %mul3A_142, %iota3A : vector<16xi32>
        %xor3A = arith.constant 8 : i32
        %xor3A_144 = vector.broadcast %xor3A : i32 to vector<16xi32>
        %xor3A_145 = arith.xori %iota3A, %xor3A_144 : vector<16xi32>
        %lt3A = arith.constant 0 : i32
        %lt3A_146 = vector.broadcast %lt3A : i32 to vector<16xi32>
        %lt3A_147 = arith.cmpi slt, %xor3A_145, %lt3A_146 : vector<16xi32>
        %add3A_148 = arith.constant 16 : i32
        %add3A_149 = vector.broadcast %add3A_148 : i32 to vector<16xi32>
        %add3A_150 = arith.addi %xor3A_145, %add3A_149 : vector<16xi32>
        %select_n3A_151 = arith.select %lt3A_147, %add3A_150, %xor3A_145 : vector<16xi1>, vector<16xi32>
        %broadcast_in_dim3A_152 = vector.shape_cast %select_n3A_151 : vector<16xi32> to vector<16x1xi32>
        %gather3A = vector.shape_cast %broadcast_in_dim3A_152 : vector<16x1xi32> to vector<16xi32>
        %gather3A_153 = tpu.dynamic_gather %select_n3A_136[%gather3A] in [0] : vector<16xf32>, vector<16xi32> -> vector<16xf32>
        %lt3A_154 = arith.constant 0 : i32
        %lt3A_155 = vector.broadcast %lt3A_154 : i32 to vector<16xi32>
        %lt3A_156 = arith.cmpi slt, %xor3A_145, %lt3A_155 : vector<16xi32>
        %add3A_157 = arith.constant 16 : i32
        %add3A_158 = vector.broadcast %add3A_157 : i32 to vector<16xi32>
        %add3A_159 = arith.addi %xor3A_145, %add3A_158 : vector<16xi32>
        %select_n3A_160 = arith.select %lt3A_156, %add3A_159, %xor3A_145 : vector<16xi1>, vector<16xi32>
        %broadcast_in_dim3A_161 = vector.shape_cast %select_n3A_160 : vector<16xi32> to vector<16x1xi32>
        %gather3A_162 = vector.shape_cast %broadcast_in_dim3A_161 : vector<16x1xi32> to vector<16xi32>
        %gather3A_163 = tpu.dynamic_gather %add3A_143[%gather3A_162] in [0] : vector<16xi32>, vector<16xi32> -> vector<16xi32>
        %gt3A_164 = arith.cmpf ogt, %gather3A_153, %select_n3A_136 : vector<16xf32>
        %eq3A = arith.cmpf oeq, %gather3A_153, %select_n3A_136 : vector<16xf32>
        %lt3A_165 = arith.cmpi slt, %gather3A_163, %add3A_143 : vector<16xi32>
        %and3A = arith.andi %eq3A, %lt3A_165 : vector<16xi1>
        %or3A = arith.ori %gt3A_164, %and3A : vector<16xi1>
        %select_n3A_166 = arith.select %or3A, %gather3A_153, %select_n3A_136 : vector<16xi1>, vector<16xf32>
        %select_n3A_167 = arith.select %or3A, %gather3A_163, %add3A_143 : vector<16xi1>, vector<16xi32>
        %xor3A_168 = arith.constant 4 : i32
        %xor3A_169 = vector.broadcast %xor3A_168 : i32 to vector<16xi32>
        %xor3A_170 = arith.xori %iota3A, %xor3A_169 : vector<16xi32>
        %lt3A_171 = arith.constant 0 : i32
        %lt3A_172 = vector.broadcast %lt3A_171 : i32 to vector<16xi32>
        %lt3A_173 = arith.cmpi slt, %xor3A_170, %lt3A_172 : vector<16xi32>
        %add3A_174 = arith.constant 16 : i32
        %add3A_175 = vector.broadcast %add3A_174 : i32 to vector<16xi32>
        %add3A_176 = arith.addi %xor3A_170, %add3A_175 : vector<16xi32>
        %select_n3A_177 = arith.select %lt3A_173, %add3A_176, %xor3A_170 : vector<16xi1>, vector<16xi32>
        %broadcast_in_dim3A_178 = vector.shape_cast %select_n3A_177 : vector<16xi32> to vector<16x1xi32>
        %gather3A_179 = vector.shape_cast %broadcast_in_dim3A_178 : vector<16x1xi32> to vector<16xi32>
        %gather3A_180 = tpu.dynamic_gather %select_n3A_166[%gather3A_179] in [0] : vector<16xf32>, vector<16xi32> -> vector<16xf32>
        %lt3A_181 = arith.constant 0 : i32
        %lt3A_182 = vector.broadcast %lt3A_181 : i32 to vector<16xi32>
        %lt3A_183 = arith.cmpi slt, %xor3A_170, %lt3A_182 : vector<16xi32>
        %add3A_184 = arith.constant 16 : i32
        %add3A_185 = vector.broadcast %add3A_184 : i32 to vector<16xi32>
        %add3A_186 = arith.addi %xor3A_170, %add3A_185 : vector<16xi32>
        %select_n3A_187 = arith.select %lt3A_183, %add3A_186, %xor3A_170 : vector<16xi1>, vector<16xi32>
        %broadcast_in_dim3A_188 = vector.shape_cast %select_n3A_187 : vector<16xi32> to vector<16x1xi32>
        %gather3A_189 = vector.shape_cast %broadcast_in_dim3A_188 : vector<16x1xi32> to vector<16xi32>
        %gather3A_190 = tpu.dynamic_gather %select_n3A_167[%gather3A_189] in [0] : vector<16xi32>, vector<16xi32> -> vector<16xi32>
        %gt3A_191 = arith.cmpf ogt, %gather3A_180, %select_n3A_166 : vector<16xf32>
        %eq3A_192 = arith.cmpf oeq, %gather3A_180, %select_n3A_166 : vector<16xf32>
        %lt3A_193 = arith.cmpi slt, %gather3A_190, %select_n3A_167 : vector<16xi32>
        %and3A_194 = arith.andi %eq3A_192, %lt3A_193 : vector<16xi1>
        %or3A_195 = arith.ori %gt3A_191, %and3A_194 : vector<16xi1>
        %select_n3A_196 = arith.select %or3A_195, %gather3A_180, %select_n3A_166 : vector<16xi1>, vector<16xf32>
        %select_n3A_197 = arith.select %or3A_195, %gather3A_190, %select_n3A_167 : vector<16xi1>, vector<16xi32>
        %xor3A_198 = arith.constant 2 : i32
        %xor3A_199 = vector.broadcast %xor3A_198 : i32 to vector<16xi32>
        %xor3A_200 = arith.xori %iota3A, %xor3A_199 : vector<16xi32>
        %lt3A_201 = arith.constant 0 : i32
        %lt3A_202 = vector.broadcast %lt3A_201 : i32 to vector<16xi32>
        %lt3A_203 = arith.cmpi slt, %xor3A_200, %lt3A_202 : vector<16xi32>
        %add3A_204 = arith.constant 16 : i32
        %add3A_205 = vector.broadcast %add3A_204 : i32 to vector<16xi32>
        %add3A_206 = arith.addi %xor3A_200, %add3A_205 : vector<16xi32>
        %select_n3A_207 = arith.select %lt3A_203, %add3A_206, %xor3A_200 : vector<16xi1>, vector<16xi32>
        %broadcast_in_dim3A_208 = vector.shape_cast %select_n3A_207 : vector<16xi32> to vector<16x1xi32>
        %gather3A_209 = vector.shape_cast %broadcast_in_dim3A_208 : vector<16x1xi32> to vector<16xi32>
        %gather3A_210 = tpu.dynamic_gather %select_n3A_196[%gather3A_209] in [0] : vector<16xf32>, vector<16xi32> -> vector<16xf32>
        %lt3A_211 = arith.constant 0 : i32
        %lt3A_212 = vector.broadcast %lt3A_211 : i32 to vector<16xi32>
        %lt3A_213 = arith.cmpi slt, %xor3A_200, %lt3A_212 : vector<16xi32>
        %add3A_214 = arith.constant 16 : i32
        %add3A_215 = vector.broadcast %add3A_214 : i32 to vector<16xi32>
        %add3A_216 = arith.addi %xor3A_200, %add3A_215 : vector<16xi32>
        %select_n3A_217 = arith.select %lt3A_213, %add3A_216, %xor3A_200 : vector<16xi1>, vector<16xi32>
        %broadcast_in_dim3A_218 = vector.shape_cast %select_n3A_217 : vector<16xi32> to vector<16x1xi32>
        %gather3A_219 = vector.shape_cast %broadcast_in_dim3A_218 : vector<16x1xi32> to vector<16xi32>
        %gather3A_220 = tpu.dynamic_gather %select_n3A_197[%gather3A_219] in [0] : vector<16xi32>, vector<16xi32> -> vector<16xi32>
        %gt3A_221 = arith.cmpf ogt, %gather3A_210, %select_n3A_196 : vector<16xf32>
        %eq3A_222 = arith.cmpf oeq, %gather3A_210, %select_n3A_196 : vector<16xf32>
        %lt3A_223 = arith.cmpi slt, %gather3A_220, %select_n3A_197 : vector<16xi32>
        %and3A_224 = arith.andi %eq3A_222, %lt3A_223 : vector<16xi1>
        %or3A_225 = arith.ori %gt3A_221, %and3A_224 : vector<16xi1>
        %select_n3A_226 = arith.select %or3A_225, %gather3A_210, %select_n3A_196 : vector<16xi1>, vector<16xf32>
        %select_n3A_227 = arith.select %or3A_225, %gather3A_220, %select_n3A_197 : vector<16xi1>, vector<16xi32>
        %xor3A_228 = arith.constant 1 : i32
        %xor3A_229 = vector.broadcast %xor3A_228 : i32 to vector<16xi32>
        %xor3A_230 = arith.xori %iota3A, %xor3A_229 : vector<16xi32>
        %lt3A_231 = arith.constant 0 : i32
        %lt3A_232 = vector.broadcast %lt3A_231 : i32 to vector<16xi32>
        %lt3A_233 = arith.cmpi slt, %xor3A_230, %lt3A_232 : vector<16xi32>
        %add3A_234 = arith.constant 16 : i32
        %add3A_235 = vector.broadcast %add3A_234 : i32 to vector<16xi32>
        %add3A_236 = arith.addi %xor3A_230, %add3A_235 : vector<16xi32>
        %select_n3A_237 = arith.select %lt3A_233, %add3A_236, %xor3A_230 : vector<16xi1>, vector<16xi32>
        %broadcast_in_dim3A_238 = vector.shape_cast %select_n3A_237 : vector<16xi32> to vector<16x1xi32>
        %gather3A_239 = vector.shape_cast %broadcast_in_dim3A_238 : vector<16x1xi32> to vector<16xi32>
        %gather3A_240 = tpu.dynamic_gather %select_n3A_226[%gather3A_239] in [0] : vector<16xf32>, vector<16xi32> -> vector<16xf32>
        %lt3A_241 = arith.constant 0 : i32
        %lt3A_242 = vector.broadcast %lt3A_241 : i32 to vector<16xi32>
        %lt3A_243 = arith.cmpi slt, %xor3A_230, %lt3A_242 : vector<16xi32>
        %add3A_244 = arith.constant 16 : i32
        %add3A_245 = vector.broadcast %add3A_244 : i32 to vector<16xi32>
        %add3A_246 = arith.addi %xor3A_230, %add3A_245 : vector<16xi32>
        %select_n3A_247 = arith.select %lt3A_243, %add3A_246, %xor3A_230 : vector<16xi1>, vector<16xi32>
        %broadcast_in_dim3A_248 = vector.shape_cast %select_n3A_247 : vector<16xi32> to vector<16x1xi32>
        %gather3A_249 = vector.shape_cast %broadcast_in_dim3A_248 : vector<16x1xi32> to vector<16xi32>
        %gather3A_250 = tpu.dynamic_gather %select_n3A_227[%gather3A_249] in [0] : vector<16xi32>, vector<16xi32> -> vector<16xi32>
        %gt3A_251 = arith.cmpf ogt, %gather3A_240, %select_n3A_226 : vector<16xf32>
        %eq3A_252 = arith.cmpf oeq, %gather3A_240, %select_n3A_226 : vector<16xf32>
        %lt3A_253 = arith.cmpi slt, %gather3A_250, %select_n3A_227 : vector<16xi32>
        %and3A_254 = arith.andi %eq3A_252, %lt3A_253 : vector<16xi1>
        %or3A_255 = arith.ori %gt3A_251, %and3A_254 : vector<16xi1>
        %select_n3A_256 = arith.select %or3A_255, %gather3A_240, %select_n3A_226 : vector<16xi1>, vector<16xf32>
        %select_n3A_257 = arith.select %or3A_255, %gather3A_250, %select_n3A_227 : vector<16xi1>, vector<16xi32>
        %eq3A_258 = arith.constant 0 : i32
        %eq3A_259 = vector.broadcast %eq3A_258 : i32 to vector<16xi32>
        %eq3A_260 = arith.cmpi eq, %iota3A, %eq3A_259 : vector<16xi32>
        %select_n3A_261 = arith.select %eq3A_260, %select_n3A_257, %broadcast_in_dim3A_23 : vector<16xi1>, vector<16xi32>
        %mul3A_262 = arith.constant 16 : i32
        %mul3A_263 = arith.muli %scan3A_22, %mul3A_262 : i32
        %add3A_264 = arith.constant 1 : i32
        %add3A_265 = arith.addi %mul3A_263, %add3A_264 : i32
        %broadcast_in_dim3A_266 = arith.constant 0xFF800000 : f32
        %broadcast_in_dim3A_267 = vector.broadcast %broadcast_in_dim3A_266 : f32 to vector<16xf32>
        %broadcast_in_dim3A_268 = arith.constant 0 : i32
        %broadcast_in_dim3A_269 = vector.broadcast %broadcast_in_dim3A_268 : i32 to vector<16xi32>
        %get3A_270 = arith.index_cast %add3A_265 : i32 to index
        %get3A_271 = arith.constant 0 : index
        %get3A_272 = tpu.vector_load %arg7[%get3A_270, %get3A_271] {strides = array<i32>} : memref<128x128xf32, #tpu.memory_space<vmem>>, vector<1x16xf32>,
        %get3A_273 = vector.shape_cast %get3A_272 : vector<1x16xf32> to vector<16xf32>
        %get3A_274 = arith.index_cast %add3A_265 : i32 to index
        %get3A_275 = arith.constant 0 : index
        %get3A_276 = tpu.vector_load %arg8[%get3A_274, %get3A_275] {strides = array<i32>} : memref<128x128xf32, #tpu.memory_space<vmem>>, vector<1x16xf32>,
        %get3A_277 = vector.shape_cast %get3A_276 : vector<1x16xf32> to vector<16xf32>
        %mul3A_278 = arith.mulf %get3A_273, %get3A_277 : vector<16xf32>
        %gt3A_279 = arith.cmpf ogt, %mul3A_278, %broadcast_in_dim3A_267 : vector<16xf32>
        %select_n3A_280 = arith.select %gt3A_279, %mul3A_278, %broadcast_in_dim3A_267 : vector<16xi1>, vector<16xf32>
        %jit3A_281 = arith.constant 0 : i32
        %broadcast_in_dim3A_282 = vector.broadcast %jit3A_281 : i32 to vector<16xi32>
        %select_n3A_283 = arith.select %gt3A_279, %broadcast_in_dim3A_282, %broadcast_in_dim3A_269 : vector<16xi1>, vector<16xi32>
        %get3A_284 = arith.index_cast %add3A_265 : i32 to index
        %get3A_285 = arith.constant 16 : index
        %get3A_286 = tpu.vector_load %arg7[%get3A_284, %get3A_285] {strides = array<i32>} : memref<128x128xf32, #tpu.memory_space<vmem>>, vector<1x16xf32>,
        %get3A_287 = vector.shape_cast %get3A_286 : vector<1x16xf32> to vector<16xf32>
        %get3A_288 = arith.index_cast %add3A_265 : i32 to index
        %get3A_289 = arith.constant 16 : index
        %get3A_290 = tpu.vector_load %arg8[%get3A_288, %get3A_289] {strides = array<i32>} : memref<128x128xf32, #tpu.memory_space<vmem>>, vector<1x16xf32>,
        %get3A_291 = vector.shape_cast %get3A_290 : vector<1x16xf32> to vector<16xf32>
        %mul3A_292 = arith.mulf %get3A_287, %get3A_291 : vector<16xf32>
        %gt3A_293 = arith.cmpf ogt, %mul3A_292, %select_n3A_280 : vector<16xf32>
        %select_n3A_294 = arith.select %gt3A_293, %mul3A_292, %select_n3A_280 : vector<16xi1>, vector<16xf32>
        %jit3A_295 = arith.constant 1 : i32
        %broadcast_in_dim3A_296 = vector.broadcast %jit3A_295 : i32 to vector<16xi32>
        %select_n3A_297 = arith.select %gt3A_293, %broadcast_in_dim3A_296, %select_n3A_283 : vector<16xi1>, vector<16xi32>
        %get3A_298 = arith.index_cast %add3A_265 : i32 to index
        %get3A_299 = arith.constant 32 : index
        %get3A_300 = tpu.vector_load %arg7[%get3A_298, %get3A_299] {strides = array<i32>} : memref<128x128xf32, #tpu.memory_space<vmem>>, vector<1x16xf32>,
        %get3A_301 = vector.shape_cast %get3A_300 : vector<1x16xf32> to vector<16xf32>
        %get3A_302 = arith.index_cast %add3A_265 : i32 to index
        %get3A_303 = arith.constant 32 : index
        %get3A_304 = tpu.vector_load %arg8[%get3A_302, %get3A_303] {strides = array<i32>} : memref<128x128xf32, #tpu.memory_space<vmem>>, vector<1x16xf32>,
        %get3A_305 = vector.shape_cast %get3A_304 : vector<1x16xf32> to vector<16xf32>
        %mul3A_306 = arith.mulf %get3A_301, %get3A_305 : vector<16xf32>
        %gt3A_307 = arith.cmpf ogt, %mul3A_306, %select_n3A_294 : vector<16xf32>
        %select_n3A_308 = arith.select %gt3A_307, %mul3A_306, %select_n3A_294 : vector<16xi1>, vector<16xf32>
        %jit3A_309 = arith.constant 2 : i32
        %broadcast_in_dim3A_310 = vector.broadcast %jit3A_309 : i32 to vector<16xi32>
        %select_n3A_311 = arith.select %gt3A_307, %broadcast_in_dim3A_310, %select_n3A_297 : vector<16xi1>, vector<16xi32>
        %get3A_312 = arith.index_cast %add3A_265 : i32 to index
        %get3A_313 = arith.constant 48 : index
        %get3A_314 = tpu.vector_load %arg7[%get3A_312, %get3A_313] {strides = array<i32>} : memref<128x128xf32, #tpu.memory_space<vmem>>, vector<1x16xf32>,
        %get3A_315 = vector.shape_cast %get3A_314 : vector<1x16xf32> to vector<16xf32>
        %get3A_316 = arith.index_cast %add3A_265 : i32 to index
        %get3A_317 = arith.constant 48 : index
        %get3A_318 = tpu.vector_load %arg8[%get3A_316, %get3A_317] {strides = array<i32>} : memref<128x128xf32, #tpu.memory_space<vmem>>, vector<1x16xf32>,
        %get3A_319 = vector.shape_cast %get3A_318 : vector<1x16xf32> to vector<16xf32>
        %mul3A_320 = arith.mulf %get3A_315, %get3A_319 : vector<16xf32>
        %gt3A_321 = arith.cmpf ogt, %mul3A_320, %select_n3A_308 : vector<16xf32>
        %select_n3A_322 = arith.select %gt3A_321, %mul3A_320, %select_n3A_308 : vector<16xi1>, vector<16xf32>
        %jit3A_323 = arith.constant 3 : i32
        %broadcast_in_dim3A_324 = vector.broadcast %jit3A_323 : i32 to vector<16xi32>
        %select_n3A_325 = arith.select %gt3A_321, %broadcast_in_dim3A_324, %select_n3A_311 : vector<16xi1>, vector<16xi32>
        %get3A_326 = arith.index_cast %add3A_265 : i32 to index
        %get3A_327 = arith.constant 64 : index
        %get3A_328 = tpu.vector_load %arg7[%get3A_326, %get3A_327] {strides = array<i32>} : memref<128x128xf32, #tpu.memory_space<vmem>>, vector<1x16xf32>,
        %get3A_329 = vector.shape_cast %get3A_328 : vector<1x16xf32> to vector<16xf32>
        %get3A_330 = arith.index_cast %add3A_265 : i32 to index
        %get3A_331 = arith.constant 64 : index
        %get3A_332 = tpu.vector_load %arg8[%get3A_330, %get3A_331] {strides = array<i32>} : memref<128x128xf32, #tpu.memory_space<vmem>>, vector<1x16xf32>,
        %get3A_333 = vector.shape_cast %get3A_332 : vector<1x16xf32> to vector<16xf32>
        %mul3A_334 = arith.mulf %get3A_329, %get3A_333 : vector<16xf32>
        %gt3A_335 = arith.cmpf ogt, %mul3A_334, %select_n3A_322 : vector<16xf32>
        %select_n3A_336 = arith.select %gt3A_335, %mul3A_334, %select_n3A_322 : vector<16xi1>, vector<16xf32>
        %jit3A_337 = arith.constant 4 : i32
        %broadcast_in_dim3A_338 = vector.broadcast %jit3A_337 : i32 to vector<16xi32>
        %select_n3A_339 = arith.select %gt3A_335, %broadcast_in_dim3A_338, %select_n3A_325 : vector<16xi1>, vector<16xi32>
        %get3A_340 = arith.index_cast %add3A_265 : i32 to index
        %get3A_341 = arith.constant 80 : index
        %get3A_342 = tpu.vector_load %arg7[%get3A_340, %get3A_341] {strides = array<i32>} : memref<128x128xf32, #tpu.memory_space<vmem>>, vector<1x16xf32>,
        %get3A_343 = vector.shape_cast %get3A_342 : vector<1x16xf32> to vector<16xf32>
        %get3A_344 = arith.index_cast %add3A_265 : i32 to index
        %get3A_345 = arith.constant 80 : index
        %get3A_346 = tpu.vector_load %arg8[%get3A_344, %get3A_345] {strides = array<i32>} : memref<128x128xf32, #tpu.memory_space<vmem>>, vector<1x16xf32>,
        %get3A_347 = vector.shape_cast %get3A_346 : vector<1x16xf32> to vector<16xf32>
        %mul3A_348 = arith.mulf %get3A_343, %get3A_347 : vector<16xf32>
        %gt3A_349 = arith.cmpf ogt, %mul3A_348, %select_n3A_336 : vector<16xf32>
        %select_n3A_350 = arith.select %gt3A_349, %mul3A_348, %select_n3A_336 : vector<16xi1>, vector<16xf32>
        %jit3A_351 = arith.constant 5 : i32
        %broadcast_in_dim3A_352 = vector.broadcast %jit3A_351 : i32 to vector<16xi32>
        %select_n3A_353 = arith.select %gt3A_349, %broadcast_in_dim3A_352, %select_n3A_339 : vector<16xi1>, vector<16xi32>
        %get3A_354 = arith.index_cast %add3A_265 : i32 to index
        %get3A_355 = arith.constant 96 : index
        %get3A_356 = tpu.vector_load %arg7[%get3A_354, %get3A_355] {strides = array<i32>} : memref<128x128xf32, #tpu.memory_space<vmem>>, vector<1x16xf32>,
        %get3A_357 = vector.shape_cast %get3A_356 : vector<1x16xf32> to vector<16xf32>
        %get3A_358 = arith.index_cast %add3A_265 : i32 to index
        %get3A_359 = arith.constant 96 : index
        %get3A_360 = tpu.vector_load %arg8[%get3A_358, %get3A_359] {strides = array<i32>} : memref<128x128xf32, #tpu.memory_space<vmem>>, vector<1x16xf32>,
        %get3A_361 = vector.shape_cast %get3A_360 : vector<1x16xf32> to vector<16xf32>
        %mul3A_362 = arith.mulf %get3A_357, %get3A_361 : vector<16xf32>
        %gt3A_363 = arith.cmpf ogt, %mul3A_362, %select_n3A_350 : vector<16xf32>
        %select_n3A_364 = arith.select %gt3A_363, %mul3A_362, %select_n3A_350 : vector<16xi1>, vector<16xf32>
        %jit3A_365 = arith.constant 6 : i32
        %broadcast_in_dim3A_366 = vector.broadcast %jit3A_365 : i32 to vector<16xi32>
        %select_n3A_367 = arith.select %gt3A_363, %broadcast_in_dim3A_366, %select_n3A_353 : vector<16xi1>, vector<16xi32>
        %get3A_368 = arith.index_cast %add3A_265 : i32 to index
        %get3A_369 = arith.constant 112 : index
        %get3A_370 = tpu.vector_load %arg7[%get3A_368, %get3A_369] {strides = array<i32>} : memref<128x128xf32, #tpu.memory_space<vmem>>, vector<1x16xf32>,
        %get3A_371 = vector.shape_cast %get3A_370 : vector<1x16xf32> to vector<16xf32>
        %get3A_372 = arith.index_cast %add3A_265 : i32 to index
        %get3A_373 = arith.constant 112 : index
        %get3A_374 = tpu.vector_load %arg8[%get3A_372, %get3A_373] {strides = array<i32>} : memref<128x128xf32, #tpu.memory_space<vmem>>, vector<1x16xf32>,
        %get3A_375 = vector.shape_cast %get3A_374 : vector<1x16xf32> to vector<16xf32>
        %mul3A_376 = arith.mulf %get3A_371, %get3A_375 : vector<16xf32>
        %gt3A_377 = arith.cmpf ogt, %mul3A_376, %select_n3A_364 : vector<16xf32>
        %select_n3A_378 = arith.select %gt3A_377, %mul3A_376, %select_n3A_364 : vector<16xi1>, vector<16xf32>
        %jit3A_379 = arith.constant 7 : i32
        %broadcast_in_dim3A_380 = vector.broadcast %jit3A_379 : i32 to vector<16xi32>
        %select_n3A_381 = arith.select %gt3A_377, %broadcast_in_dim3A_380, %select_n3A_367 : vector<16xi1>, vector<16xi32>
        %mul3A_382 = arith.constant 16 : i32
        %mul3A_383 = vector.broadcast %mul3A_382 : i32 to vector<16xi32>
        %mul3A_384 = arith.muli %select_n3A_381, %mul3A_383 : vector<16xi32>
        %add3A_385 = arith.addi %mul3A_384, %iota3A : vector<16xi32>
        %xor3A_386 = arith.constant 8 : i32
        %xor3A_387 = vector.broadcast %xor3A_386 : i32 to vector<16xi32>
        %xor3A_388 = arith.xori %iota3A, %xor3A_387 : vector<16xi32>
        %lt3A_389 = arith.constant 0 : i32
        %lt3A_390 = vector.broadcast %lt3A_389 : i32 to vector<16xi32>
        %lt3A_391 = arith.cmpi slt, %xor3A_388, %lt3A_390 : vector<16xi32>
        %add3A_392 = arith.constant 16 : i32
        %add3A_393 = vector.broadcast %add3A_392 : i32 to vector<16xi32>
        %add3A_394 = arith.addi %xor3A_388, %add3A_393 : vector<16xi32>
        %select_n3A_395 = arith.select %lt3A_391, %add3A_394, %xor3A_388 : vector<16xi1>, vector<16xi32>
        %broadcast_in_dim3A_396 = vector.shape_cast %select_n3A_395 : vector<16xi32> to vector<16x1xi32>
        %gather3A_397 = vector.shape_cast %broadcast_in_dim3A_396 : vector<16x1xi32> to vector<16xi32>
        %gather3A_398 = tpu.dynamic_gather %select_n3A_378[%gather3A_397] in [0] : vector<16xf32>, vector<16xi32> -> vector<16xf32>
        %lt3A_399 = arith.constant 0 : i32
        %lt3A_400 = vector.broadcast %lt3A_399 : i32 to vector<16xi32>
        %lt3A_401 = arith.cmpi slt, %xor3A_388, %lt3A_400 : vector<16xi32>
        %add3A_402 = arith.constant 16 : i32
        %add3A_403 = vector.broadcast %add3A_402 : i32 to vector<16xi32>
        %add3A_404 = arith.addi %xor3A_388, %add3A_403 : vector<16xi32>
        %select_n3A_405 = arith.select %lt3A_401, %add3A_404, %xor3A_388 : vector<16xi1>, vector<16xi32>
        %broadcast_in_dim3A_406 = vector.shape_cast %select_n3A_405 : vector<16xi32> to vector<16x1xi32>
        %gather3A_407 = vector.shape_cast %broadcast_in_dim3A_406 : vector<16x1xi32> to vector<16xi32>
        %gather3A_408 = tpu.dynamic_gather %add3A_385[%gather3A_407] in [0] : vector<16xi32>, vector<16xi32> -> vector<16xi32>
        %gt3A_409 = arith.cmpf ogt, %gather3A_398, %select_n3A_378 : vector<16xf32>
        %eq3A_410 = arith.cmpf oeq, %gather3A_398, %select_n3A_378 : vector<16xf32>
        %lt3A_411 = arith.cmpi slt, %gather3A_408, %add3A_385 : vector<16xi32>
        %and3A_412 = arith.andi %eq3A_410, %lt3A_411 : vector<16xi1>
        %or3A_413 = arith.ori %gt3A_409, %and3A_412 : vector<16xi1>
        %select_n3A_414 = arith.select %or3A_413, %gather3A_398, %select_n3A_378 : vector<16xi1>, vector<16xf32>
        %select_n3A_415 = arith.select %or3A_413, %gather3A_408, %add3A_385 : vector<16xi1>, vector<16xi32>
        %xor3A_416 = arith.constant 4 : i32
        %xor3A_417 = vector.broadcast %xor3A_416 : i32 to vector<16xi32>
        %xor3A_418 = arith.xori %iota3A, %xor3A_417 : vector<16xi32>
        %lt3A_419 = arith.constant 0 : i32
        %lt3A_420 = vector.broadcast %lt3A_419 : i32 to vector<16xi32>
        %lt3A_421 = arith.cmpi slt, %xor3A_418, %lt3A_420 : vector<16xi32>
        %add3A_422 = arith.constant 16 : i32
        %add3A_423 = vector.broadcast %add3A_422 : i32 to vector<16xi32>
        %add3A_424 = arith.addi %xor3A_418, %add3A_423 : vector<16xi32>
        %select_n3A_425 = arith.select %lt3A_421, %add3A_424, %xor3A_418 : vector<16xi1>, vector<16xi32>
        %broadcast_in_dim3A_426 = vector.shape_cast %select_n3A_425 : vector<16xi32> to vector<16x1xi32>
        %gather3A_427 = vector.shape_cast %broadcast_in_dim3A_426 : vector<16x1xi32> to vector<16xi32>
        %gather3A_428 = tpu.dynamic_gather %select_n3A_414[%gather3A_427] in [0] : vector<16xf32>, vector<16xi32> -> vector<16xf32>
        %lt3A_429 = arith.constant 0 : i32
        %lt3A_430 = vector.broadcast %lt3A_429 : i32 to vector<16xi32>
        %lt3A_431 = arith.cmpi slt, %xor3A_418, %lt3A_430 : vector<16xi32>
        %add3A_432 = arith.constant 16 : i32
        %add3A_433 = vector.broadcast %add3A_432 : i32 to vector<16xi32>
        %add3A_434 = arith.addi %xor3A_418, %add3A_433 : vector<16xi32>
        %select_n3A_435 = arith.select %lt3A_431, %add3A_434, %xor3A_418 : vector<16xi1>, vector<16xi32>
        %broadcast_in_dim3A_436 = vector.shape_cast %select_n3A_435 : vector<16xi32> to vector<16x1xi32>
        %gather3A_437 = vector.shape_cast %broadcast_in_dim3A_436 : vector<16x1xi32> to vector<16xi32>
        %gather3A_438 = tpu.dynamic_gather %select_n3A_415[%gather3A_437] in [0] : vector<16xi32>, vector<16xi32> -> vector<16xi32>
        %gt3A_439 = arith.cmpf ogt, %gather3A_428, %select_n3A_414 : vector<16xf32>
        %eq3A_440 = arith.cmpf oeq, %gather3A_428, %select_n3A_414 : vector<16xf32>
        %lt3A_441 = arith.cmpi slt, %gather3A_438, %select_n3A_415 : vector<16xi32>
        %and3A_442 = arith.andi %eq3A_440, %lt3A_441 : vector<16xi1>
        %or3A_443 = arith.ori %gt3A_439, %and3A_442 : vector<16xi1>
        %select_n3A_444 = arith.select %or3A_443, %gather3A_428, %select_n3A_414 : vector<16xi1>, vector<16xf32>
        %select_n3A_445 = arith.select %or3A_443, %gather3A_438, %select_n3A_415 : vector<16xi1>, vector<16xi32>
        %xor3A_446 = arith.constant 2 : i32
        %xor3A_447 = vector.broadcast %xor3A_446 : i32 to vector<16xi32>
        %xor3A_448 = arith.xori %iota3A, %xor3A_447 : vector<16xi32>
        %lt3A_449 = arith.constant 0 : i32
        %lt3A_450 = vector.broadcast %lt3A_449 : i32 to vector<16xi32>
        %lt3A_451 = arith.cmpi slt, %xor3A_448, %lt3A_450 : vector<16xi32>
        %add3A_452 = arith.constant 16 : i32
        %add3A_453 = vector.broadcast %add3A_452 : i32 to vector<16xi32>
        %add3A_454 = arith.addi %xor3A_448, %add3A_453 : vector<16xi32>
        %select_n3A_455 = arith.select %lt3A_451, %add3A_454, %xor3A_448 : vector<16xi1>, vector<16xi32>
        %broadcast_in_dim3A_456 = vector.shape_cast %select_n3A_455 : vector<16xi32> to vector<16x1xi32>
        %gather3A_457 = vector.shape_cast %broadcast_in_dim3A_456 : vector<16x1xi32> to vector<16xi32>
        %gather3A_458 = tpu.dynamic_gather %select_n3A_444[%gather3A_457] in [0] : vector<16xf32>, vector<16xi32> -> vector<16xf32>
        %lt3A_459 = arith.constant 0 : i32
        %lt3A_460 = vector.broadcast %lt3A_459 : i32 to vector<16xi32>
        %lt3A_461 = arith.cmpi slt, %xor3A_448, %lt3A_460 : vector<16xi32>
        %add3A_462 = arith.constant 16 : i32
        %add3A_463 = vector.broadcast %add3A_462 : i32 to vector<16xi32>
        %add3A_464 = arith.addi %xor3A_448, %add3A_463 : vector<16xi32>
        %select_n3A_465 = arith.select %lt3A_461, %add3A_464, %xor3A_448 : vector<16xi1>, vector<16xi32>
        %broadcast_in_dim3A_466 = vector.shape_cast %select_n3A_465 : vector<16xi32> to vector<16x1xi32>
        %gather3A_467 = vector.shape_cast %broadcast_in_dim3A_466 : vector<16x1xi32> to vector<16xi32>
        %gather3A_468 = tpu.dynamic_gather %select_n3A_445[%gather3A_467] in [0] : vector<16xi32>, vector<16xi32> -> vector<16xi32>
        %gt3A_469 = arith.cmpf ogt, %gather3A_458, %select_n3A_444 : vector<16xf32>
        %eq3A_470 = arith.cmpf oeq, %gather3A_458, %select_n3A_444 : vector<16xf32>
        %lt3A_471 = arith.cmpi slt, %gather3A_468, %select_n3A_445 : vector<16xi32>
        %and3A_472 = arith.andi %eq3A_470, %lt3A_471 : vector<16xi1>
        %or3A_473 = arith.ori %gt3A_469, %and3A_472 : vector<16xi1>
        %select_n3A_474 = arith.select %or3A_473, %gather3A_458, %select_n3A_444 : vector<16xi1>, vector<16xf32>
        %select_n3A_475 = arith.select %or3A_473, %gather3A_468, %select_n3A_445 : vector<16xi1>, vector<16xi32>
        %xor3A_476 = arith.constant 1 : i32
        %xor3A_477 = vector.broadcast %xor3A_476 : i32 to vector<16xi32>
        %xor3A_478 = arith.xori %iota3A, %xor3A_477 : vector<16xi32>
        %lt3A_479 = arith.constant 0 : i32
        %lt3A_480 = vector.broadcast %lt3A_479 : i32 to vector<16xi32>
        %lt3A_481 = arith.cmpi slt, %xor3A_478, %lt3A_480 : vector<16xi32>
        %add3A_482 = arith.constant 16 : i32
        %add3A_483 = vector.broadcast %add3A_482 : i32 to vector<16xi32>
        %add3A_484 = arith.addi %xor3A_478, %add3A_483 : vector<16xi32>
        %select_n3A_485 = arith.select %lt3A_481, %add3A_484, %xor3A_478 : vector<16xi1>, vector<16xi32>
        %broadcast_in_dim3A_486 = vector.shape_cast %select_n3A_485 : vector<16xi32> to vector<16x1xi32>
        %gather3A_487 = vector.shape_cast %broadcast_in_dim3A_486 : vector<16x1xi32> to vector<16xi32>
        %gather3A_488 = tpu.dynamic_gather %select_n3A_474[%gather3A_487] in [0] : vector<16xf32>, vector<16xi32> -> vector<16xf32>
        %lt3A_489 = arith.constant 0 : i32
        %lt3A_490 = vector.broadcast %lt3A_489 : i32 to vector<16xi32>
        %lt3A_491 = arith.cmpi slt, %xor3A_478, %lt3A_490 : vector<16xi32>
        %add3A_492 = arith.constant 16 : i32
        %add3A_493 = vector.broadcast %add3A_492 : i32 to vector<16xi32>
        %add3A_494 = arith.addi %xor3A_478, %add3A_493 : vector<16xi32>
        %select_n3A_495 = arith.select %lt3A_491, %add3A_494, %xor3A_478 : vector<16xi1>, vector<16xi32>
        %broadcast_in_dim3A_496 = vector.shape_cast %select_n3A_495 : vector<16xi32> to vector<16x1xi32>
        %gather3A_497 = vector.shape_cast %broadcast_in_dim3A_496 : vector<16x1xi32> to vector<16xi32>
        %gather3A_498 = tpu.dynamic_gather %select_n3A_475[%gather3A_497] in [0] : vector<16xi32>, vector<16xi32> -> vector<16xi32>
        %gt3A_499 = arith.cmpf ogt, %gather3A_488, %select_n3A_474 : vector<16xf32>
        %eq3A_500 = arith.cmpf oeq, %gather3A_488, %select_n3A_474 : vector<16xf32>
        %lt3A_501 = arith.cmpi slt, %gather3A_498, %select_n3A_475 : vector<16xi32>
        %and3A_502 = arith.andi %eq3A_500, %lt3A_501 : vector<16xi1>
        %or3A_503 = arith.ori %gt3A_499, %and3A_502 : vector<16xi1>
        %select_n3A_504 = arith.select %or3A_503, %gather3A_488, %select_n3A_474 : vector<16xi1>, vector<16xf32>
        %select_n3A_505 = arith.select %or3A_503, %gather3A_498, %select_n3A_475 : vector<16xi1>, vector<16xi32>
        %eq3A_506 = arith.constant 1 : i32
        %eq3A_507 = vector.broadcast %eq3A_506 : i32 to vector<16xi32>
        %eq3A_508 = arith.cmpi eq, %iota3A, %eq3A_507 : vector<16xi32>
        %select_n3A_509 = arith.select %eq3A_508, %select_n3A_505, %select_n3A_261 : vector<16xi1>, vector<16xi32>
        %mul3A_510 = arith.constant 16 : i32
        %mul3A_511 = arith.muli %scan3A_22, %mul3A_510 : i32
        %add3A_512 = arith.constant 2 : i32
        %add3A_513 = arith.addi %mul3A_511, %add3A_512 : i32
        %broadcast_in_dim3A_514 = arith.constant 0xFF800000 : f32
        %broadcast_in_dim3A_515 = vector.broadcast %broadcast_in_dim3A_514 : f32 to vector<16xf32>
        %broadcast_in_dim3A_516 = arith.constant 0 : i32
        %broadcast_in_dim3A_517 = vector.broadcast %broadcast_in_dim3A_516 : i32 to vector<16xi32>
        %get3A_518 = arith.index_cast %add3A_513 : i32 to index
        %get3A_519 = arith.constant 0 : index
        %get3A_520 = tpu.vector_load %arg7[%get3A_518, %get3A_519] {strides = array<i32>} : memref<128x128xf32, #tpu.memory_space<vmem>>, vector<1x16xf32>,
        %get3A_521 = vector.shape_cast %get3A_520 : vector<1x16xf32> to vector<16xf32>
        %get3A_522 = arith.index_cast %add3A_513 : i32 to index
        %get3A_523 = arith.constant 0 : index
        %get3A_524 = tpu.vector_load %arg8[%get3A_522, %get3A_523] {strides = array<i32>} : memref<128x128xf32, #tpu.memory_space<vmem>>, vector<1x16xf32>,
        %get3A_525 = vector.shape_cast %get3A_524 : vector<1x16xf32> to vector<16xf32>
        %mul3A_526 = arith.mulf %get3A_521, %get3A_525 : vector<16xf32>
        %gt3A_527 = arith.cmpf ogt, %mul3A_526, %broadcast_in_dim3A_515 : vector<16xf32>
        %select_n3A_528 = arith.select %gt3A_527, %mul3A_526, %broadcast_in_dim3A_515 : vector<16xi1>, vector<16xf32>
        %jit3A_529 = arith.constant 0 : i32
        %broadcast_in_dim3A_530 = vector.broadcast %jit3A_529 : i32 to vector<16xi32>
        %select_n3A_531 = arith.select %gt3A_527, %broadcast_in_dim3A_530, %broadcast_in_dim3A_517 : vector<16xi1>, vector<16xi32>
        %get3A_532 = arith.index_cast %add3A_513 : i32 to index
        %get3A_533 = arith.constant 16 : index
        %get3A_534 = tpu.vector_load %arg7[%get3A_532, %get3A_533] {strides = array<i32>} : memref<128x128xf32, #tpu.memory_space<vmem>>, vector<1x16xf32>,
        %get3A_535 = vector.shape_cast %get3A_534 : vector<1x16xf32> to vector<16xf32>
        %get3A_536 = arith.index_cast %add3A_513 : i32 to index
        %get3A_537 = arith.constant 16 : index
        %get3A_538 = tpu.vector_load %arg8[%get3A_536, %get3A_537] {strides = array<i32>} : memref<128x128xf32, #tpu.memory_space<vmem>>, vector<1x16xf32>,
        %get3A_539 = vector.shape_cast %get3A_538 : vector<1x16xf32> to vector<16xf32>
        %mul3A_540 = arith.mulf %get3A_535, %get3A_539 : vector<16xf32>
        %gt3A_541 = arith.cmpf ogt, %mul3A_540, %select_n3A_528 : vector<16xf32>
        %select_n3A_542 = arith.select %gt3A_541, %mul3A_540, %select_n3A_528 : vector<16xi1>, vector<16xf32>
        %jit3A_543 = arith.constant 1 : i32
        %broadcast_in_dim3A_544 = vector.broadcast %jit3A_543 : i32 to vector<16xi32>
        %select_n3A_545 = arith.select %gt3A_541, %broadcast_in_dim3A_544, %select_n3A_531 : vector<16xi1>, vector<16xi32>
        %get3A_546 = arith.index_cast %add3A_513 : i32 to index
        %get3A_547 = arith.constant 32 : index
        %get3A_548 = tpu.vector_load %arg7[%get3A_546, %get3A_547] {strides = array<i32>} : memref<128x128xf32, #tpu.memory_space<vmem>>, vector<1x16xf32>,
        %get3A_549 = vector.shape_cast %get3A_548 : vector<1x16xf32> to vector<16xf32>
        %get3A_550 = arith.index_cast %add3A_513 : i32 to index
        %get3A_551 = arith.constant 32 : index
        %get3A_552 = tpu.vector_load %arg8[%get3A_550, %get3A_551] {strides = array<i32>} : memref<128x128xf32, #tpu.memory_space<vmem>>, vector<1x16xf32>,
        %get3A_553 = vector.shape_cast %get3A_552 : vector<1x16xf32> to vector<16xf32>
        %mul3A_554 = arith.mulf %get3A_549, %get3A_553 : vector<16xf32>
        %gt3A_555 = arith.cmpf ogt, %mul3A_554, %select_n3A_542 : vector<16xf32>
        %select_n3A_556 = arith.select %gt3A_555, %mul3A_554, %select_n3A_542 : vector<16xi1>, vector<16xf32>
        %jit3A_557 = arith.constant 2 : i32
        %broadcast_in_dim3A_558 = vector.broadcast %jit3A_557 : i32 to vector<16xi32>
        %select_n3A_559 = arith.select %gt3A_555, %broadcast_in_dim3A_558, %select_n3A_545 : vector<16xi1>, vector<16xi32>
        %get3A_560 = arith.index_cast %add3A_513 : i32 to index
        %get3A_561 = arith.constant 48 : index
        %get3A_562 = tpu.vector_load %arg7[%get3A_560, %get3A_561] {strides = array<i32>} : memref<128x128xf32, #tpu.memory_space<vmem>>, vector<1x16xf32>,
        %get3A_563 = vector.shape_cast %get3A_562 : vector<1x16xf32> to vector<16xf32>
        %get3A_564 = arith.index_cast %add3A_513 : i32 to index
        %get3A_565 = arith.constant 48 : index
        %get3A_566 = tpu.vector_load %arg8[%get3A_564, %get3A_565] {strides = array<i32>} : memref<128x128xf32, #tpu.memory_space<vmem>>, vector<1x16xf32>,
        %get3A_567 = vector.shape_cast %get3A_566 : vector<1x16xf32> to vector<16xf32>
        %mul3A_568 = arith.mulf %get3A_563, %get3A_567 : vector<16xf32>
        %gt3A_569 = arith.cmpf ogt, %mul3A_568, %select_n3A_556 : vector<16xf32>
        %select_n3A_570 = arith.select %gt3A_569, %mul3A_568, %select_n3A_556 : vector<16xi1>, vector<16xf32>
        %jit3A_571 = arith.constant 3 : i32
        %broadcast_in_dim3A_572 = vector.broadcast %jit3A_571 : i32 to vector<16xi32>
        %select_n3A_573 = arith.select %gt3A_569, %broadcast_in_dim3A_572, %select_n3A_559 : vector<16xi1>, vector<16xi32>
        %get3A_574 = arith.index_cast %add3A_513 : i32 to index
        %get3A_575 = arith.constant 64 : index
        %get3A_576 = tpu.vector_load %arg7[%get3A_574, %get3A_575] {strides = array<i32>} : memref<128x128xf32, #tpu.memory_space<vmem>>, vector<1x16xf32>,
        %get3A_577 = vector.shape_cast %get3A_576 : vector<1x16xf32> to vector<16xf32>
        %get3A_578 = arith.index_cast %add3A_513 : i32 to index
        %get3A_579 = arith.constant 64 : index
        %get3A_580 = tpu.vector_load %arg8[%get3A_578, %get3A_579] {strides = array<i32>} : memref<128x128xf32, #tpu.memory_space<vmem>>, vector<1x16xf32>,
        %get3A_581 = vector.shape_cast %get3A_580 : vector<1x16xf32> to vector<16xf32>
        %mul3A_582 = arith.mulf %get3A_577, %get3A_581 : vector<16xf32>
        %gt3A_583 = arith.cmpf ogt, %mul3A_582, %select_n3A_570 : vector<16xf32>
        %select_n3A_584 = arith.select %gt3A_583, %mul3A_582, %select_n3A_570 : vector<16xi1>, vector<16xf32>
        %jit3A_585 = arith.constant 4 : i32
        %broadcast_in_dim3A_586 = vector.broadcast %jit3A_585 : i32 to vector<16xi32>
        %select_n3A_587 = arith.select %gt3A_583, %broadcast_in_dim3A_586, %select_n3A_573 : vector<16xi1>, vector<16xi32>
        %get3A_588 = arith.index_cast %add3A_513 : i32 to index
        %get3A_589 = arith.constant 80 : index
        %get3A_590 = tpu.vector_load %arg7[%get3A_588, %get3A_589] {strides = array<i32>} : memref<128x128xf32, #tpu.memory_space<vmem>>, vector<1x16xf32>,
        %get3A_591 = vector.shape_cast %get3A_590 : vector<1x16xf32> to vector<16xf32>
        %get3A_592 = arith.index_cast %add3A_513 : i32 to index
        %get3A_593 = arith.constant 80 : index
        %get3A_594 = tpu.vector_load %arg8[%get3A_592, %get3A_593] {strides = array<i32>} : memref<128x128xf32, #tpu.memory_space<vmem>>, vector<1x16xf32>,
        %get3A_595 = vector.shape_cast %get3A_594 : vector<1x16xf32> to vector<16xf32>
        %mul3A_596 = arith.mulf %get3A_591, %get3A_595 : vector<16xf32>
        %gt3A_597 = arith.cmpf ogt, %mul3A_596, %select_n3A_584 : vector<16xf32>
        %select_n3A_598 = arith.select %gt3A_597, %mul3A_596, %select_n3A_584 : vector<16xi1>, vector<16xf32>
        %jit3A_599 = arith.constant 5 : i32
        %broadcast_in_dim3A_600 = vector.broadcast %jit3A_599 : i32 to vector<16xi32>
        %select_n3A_601 = arith.select %gt3A_597, %broadcast_in_dim3A_600, %select_n3A_587 : vector<16xi1>, vector<16xi32>
        %get3A_602 = arith.index_cast %add3A_513 : i32 to index
        %get3A_603 = arith.constant 96 : index
        %get3A_604 = tpu.vector_load %arg7[%get3A_602, %get3A_603] {strides = array<i32>} : memref<128x128xf32, #tpu.memory_space<vmem>>, vector<1x16xf32>,
        %get3A_605 = vector.shape_cast %get3A_604 : vector<1x16xf32> to vector<16xf32>
        %get3A_606 = arith.index_cast %add3A_513 : i32 to index
        %get3A_607 = arith.constant 96 : index
        %get3A_608 = tpu.vector_load %arg8[%get3A_606, %get3A_607] {strides = array<i32>} : memref<128x128xf32, #tpu.memory_space<vmem>>, vector<1x16xf32>,
        %get3A_609 = vector.shape_cast %get3A_608 : vector<1x16xf32> to vector<16xf32>
        %mul3A_610 = arith.mulf %get3A_605, %get3A_609 : vector<16xf32>
        %gt3A_611 = arith.cmpf ogt, %mul3A_610, %select_n3A_598 : vector<16xf32>
        %select_n3A_612 = arith.select %gt3A_611, %mul3A_610, %select_n3A_598 : vector<16xi1>, vector<16xf32>
        %jit3A_613 = arith.constant 6 : i32
        %broadcast_in_dim3A_614 = vector.broadcast %jit3A_613 : i32 to vector<16xi32>
        %select_n3A_615 = arith.select %gt3A_611, %broadcast_in_dim3A_614, %select_n3A_601 : vector<16xi1>, vector<16xi32>
        %get3A_616 = arith.index_cast %add3A_513 : i32 to index
        %get3A_617 = arith.constant 112 : index
        %get3A_618 = tpu.vector_load %arg7[%get3A_616, %get3A_617] {strides = array<i32>} : memref<128x128xf32, #tpu.memory_space<vmem>>, vector<1x16xf32>,
        %get3A_619 = vector.shape_cast %get3A_618 : vector<1x16xf32> to vector<16xf32>
        %get3A_620 = arith.index_cast %add3A_513 : i32 to index
        %get3A_621 = arith.constant 112 : index
        %get3A_622 = tpu.vector_load %arg8[%get3A_620, %get3A_621] {strides = array<i32>} : memref<128x128xf32, #tpu.memory_space<vmem>>, vector<1x16xf32>,
        %get3A_623 = vector.shape_cast %get3A_622 : vector<1x16xf32> to vector<16xf32>
        %mul3A_624 = arith.mulf %get3A_619, %get3A_623 : vector<16xf32>
        %gt3A_625 = arith.cmpf ogt, %mul3A_624, %select_n3A_612 : vector<16xf32>
        %select_n3A_626 = arith.select %gt3A_625, %mul3A_624, %select_n3A_612 : vector<16xi1>, vector<16xf32>
        %jit3A_627 = arith.constant 7 : i32
        %broadcast_in_dim3A_628 = vector.broadcast %jit3A_627 : i32 to vector<16xi32>
        %select_n3A_629 = arith.select %gt3A_625, %broadcast_in_dim3A_628, %select_n3A_615 : vector<16xi1>, vector<16xi32>
        %mul3A_630 = arith.constant 16 : i32
        %mul3A_631 = vector.broadcast %mul3A_630 : i32 to vector<16xi32>
        %mul3A_632 = arith.muli %select_n3A_629, %mul3A_631 : vector<16xi32>
        %add3A_633 = arith.addi %mul3A_632, %iota3A : vector<16xi32>
        %xor3A_634 = arith.constant 8 : i32
        %xor3A_635 = vector.broadcast %xor3A_634 : i32 to vector<16xi32>
        %xor3A_636 = arith.xori %iota3A, %xor3A_635 : vector<16xi32>
        %lt3A_637 = arith.constant 0 : i32
        %lt3A_638 = vector.broadcast %lt3A_637 : i32 to vector<16xi32>
        %lt3A_639 = arith.cmpi slt, %xor3A_636, %lt3A_638 : vector<16xi32>
        %add3A_640 = arith.constant 16 : i32
        %add3A_641 = vector.broadcast %add3A_640 : i32 to vector<16xi32>
        %add3A_642 = arith.addi %xor3A_636, %add3A_641 : vector<16xi32>
        %select_n3A_643 = arith.select %lt3A_639, %add3A_642, %xor3A_636 : vector<16xi1>, vector<16xi32>
        %broadcast_in_dim3A_644 = vector.shape_cast %select_n3A_643 : vector<16xi32> to vector<16x1xi32>
        %gather3A_645 = vector.shape_cast %broadcast_in_dim3A_644 : vector<16x1xi32> to vector<16xi32>
        %gather3A_646 = tpu.dynamic_gather %select_n3A_626[%gather3A_645] in [0] : vector<16xf32>, vector<16xi32> -> vector<16xf32>
        %lt3A_647 = arith.constant 0 : i32
        %lt3A_648 = vector.broadcast %lt3A_647 : i32 to vector<16xi32>
        %lt3A_649 = arith.cmpi slt, %xor3A_636, %lt3A_648 : vector<16xi32>
        %add3A_650 = arith.constant 16 : i32
        %add3A_651 = vector.broadcast %add3A_650 : i32 to vector<16xi32>
        %add3A_652 = arith.addi %xor3A_636, %add3A_651 : vector<16xi32>
        %select_n3A_653 = arith.select %lt3A_649, %add3A_652, %xor3A_636 : vector<16xi1>, vector<16xi32>
        %broadcast_in_dim3A_654 = vector.shape_cast %select_n3A_653 : vector<16xi32> to vector<16x1xi32>
        %gather3A_655 = vector.shape_cast %broadcast_in_dim3A_654 : vector<16x1xi32> to vector<16xi32>
        %gather3A_656 = tpu.dynamic_gather %add3A_633[%gather3A_655] in [0] : vector<16xi32>, vector<16xi32> -> vector<16xi32>
        %gt3A_657 = arith.cmpf ogt, %gather3A_646, %select_n3A_626 : vector<16xf32>
        %eq3A_658 = arith.cmpf oeq, %gather3A_646, %select_n3A_626 : vector<16xf32>
        %lt3A_659 = arith.cmpi slt, %gather3A_656, %add3A_633 : vector<16xi32>
        %and3A_660 = arith.andi %eq3A_658, %lt3A_659 : vector<16xi1>
        %or3A_661 = arith.ori %gt3A_657, %and3A_660 : vector<16xi1>
        %select_n3A_662 = arith.select %or3A_661, %gather3A_646, %select_n3A_626 : vector<16xi1>, vector<16xf32>
        %select_n3A_663 = arith.select %or3A_661, %gather3A_656, %add3A_633 : vector<16xi1>, vector<16xi32>
        %xor3A_664 = arith.constant 4 : i32
        %xor3A_665 = vector.broadcast %xor3A_664 : i32 to vector<16xi32>
        %xor3A_666 = arith.xori %iota3A, %xor3A_665 : vector<16xi32>
        %lt3A_667 = arith.constant 0 : i32
        %lt3A_668 = vector.broadcast %lt3A_667 : i32 to vector<16xi32>
        %lt3A_669 = arith.cmpi slt, %xor3A_666, %lt3A_668 : vector<16xi32>
        %add3A_670 = arith.constant 16 : i32
        %add3A_671 = vector.broadcast %add3A_670 : i32 to vector<16xi32>
        %add3A_672 = arith.addi %xor3A_666, %add3A_671 : vector<16xi32>
        %select_n3A_673 = arith.select %lt3A_669, %add3A_672, %xor3A_666 : vector<16xi1>, vector<16xi32>
        %broadcast_in_dim3A_674 = vector.shape_cast %select_n3A_673 : vector<16xi32> to vector<16x1xi32>
        %gather3A_675 = vector.shape_cast %broadcast_in_dim3A_674 : vector<16x1xi32> to vector<16xi32>
        %gather3A_676 = tpu.dynamic_gather %select_n3A_662[%gather3A_675] in [0] : vector<16xf32>, vector<16xi32> -> vector<16xf32>
        %lt3A_677 = arith.constant 0 : i32
        %lt3A_678 = vector.broadcast %lt3A_677 : i32 to vector<16xi32>
        %lt3A_679 = arith.cmpi slt, %xor3A_666, %lt3A_678 : vector<16xi32>
        %add3A_680 = arith.constant 16 : i32
        %add3A_681 = vector.broadcast %add3A_680 : i32 to vector<16xi32>
        %add3A_682 = arith.addi %xor3A_666, %add3A_681 : vector<16xi32>
        %select_n3A_683 = arith.select %lt3A_679, %add3A_682, %xor3A_666 : vector<16xi1>, vector<16xi32>
        %broadcast_in_dim3A_684 = vector.shape_cast %select_n3A_683 : vector<16xi32> to vector<16x1xi32>
        %gather3A_685 = vector.shape_cast %broadcast_in_dim3A_684 : vector<16x1xi32> to vector<16xi32>
        %gather3A_686 = tpu.dynamic_gather %select_n3A_663[%gather3A_685] in [0] : vector<16xi32>, vector<16xi32> -> vector<16xi32>
        %gt3A_687 = arith.cmpf ogt, %gather3A_676, %select_n3A_662 : vector<16xf32>
        %eq3A_688 = arith.cmpf oeq, %gather3A_676, %select_n3A_662 : vector<16xf32>
        %lt3A_689 = arith.cmpi slt, %gather3A_686, %select_n3A_663 : vector<16xi32>
        %and3A_690 = arith.andi %eq3A_688, %lt3A_689 : vector<16xi1>
        %or3A_691 = arith.ori %gt3A_687, %and3A_690 : vector<16xi1>
        %select_n3A_692 = arith.select %or3A_691, %gather3A_676, %select_n3A_662 : vector<16xi1>, vector<16xf32>
        %select_n3A_693 = arith.select %or3A_691, %gather3A_686, %select_n3A_663 : vector<16xi1>, vector<16xi32>
        %xor3A_694 = arith.constant 2 : i32
        %xor3A_695 = vector.broadcast %xor3A_694 : i32 to vector<16xi32>
        %xor3A_696 = arith.xori %iota3A, %xor3A_695 : vector<16xi32>
        %lt3A_697 = arith.constant 0 : i32
        %lt3A_698 = vector.broadcast %lt3A_697 : i32 to vector<16xi32>
        %lt3A_699 = arith.cmpi slt, %xor3A_696, %lt3A_698 : vector<16xi32>
        %add3A_700 = arith.constant 16 : i32
        %add3A_701 = vector.broadcast %add3A_700 : i32 to vector<16xi32>
        %add3A_702 = arith.addi %xor3A_696, %add3A_701 : vector<16xi32>
        %select_n3A_703 = arith.select %lt3A_699, %add3A_702, %xor3A_696 : vector<16xi1>, vector<16xi32>
        %broadcast_in_dim3A_704 = vector.shape_cast %select_n3A_703 : vector<16xi32> to vector<16x1xi32>
        %gather3A_705 = vector.shape_cast %broadcast_in_dim3A_704 : vector<16x1xi32> to vector<16xi32>
        %gather3A_706 = tpu.dynamic_gather %select_n3A_692[%gather3A_705] in [0] : vector<16xf32>, vector<16xi32> -> vector<16xf32>
        %lt3A_707 = arith.constant 0 : i32
        %lt3A_708 = vector.broadcast %lt3A_707 : i32 to vector<16xi32>
        %lt3A_709 = arith.cmpi slt, %xor3A_696, %lt3A_708 : vector<16xi32>
        %add3A_710 = arith.constant 16 : i32
        %add3A_711 = vector.broadcast %add3A_710 : i32 to vector<16xi32>
        %add3A_712 = arith.addi %xor3A_696, %add3A_711 : vector<16xi32>
        %select_n3A_713 = arith.select %lt3A_709, %add3A_712, %xor3A_696 : vector<16xi1>, vector<16xi32>
        %broadcast_in_dim3A_714 = vector.shape_cast %select_n3A_713 : vector<16xi32> to vector<16x1xi32>
        %gather3A_715 = vector.shape_cast %broadcast_in_dim3A_714 : vector<16x1xi32> to vector<16xi32>
        %gather3A_716 = tpu.dynamic_gather %select_n3A_693[%gather3A_715] in [0] : vector<16xi32>, vector<16xi32> -> vector<16xi32>
        %gt3A_717 = arith.cmpf ogt, %gather3A_706, %select_n3A_692 : vector<16xf32>
        %eq3A_718 = arith.cmpf oeq, %gather3A_706, %select_n3A_692 : vector<16xf32>
        %lt3A_719 = arith.cmpi slt, %gather3A_716, %select_n3A_693 : vector<16xi32>
        %and3A_720 = arith.andi %eq3A_718, %lt3A_719 : vector<16xi1>
        %or3A_721 = arith.ori %gt3A_717, %and3A_720 : vector<16xi1>
        %select_n3A_722 = arith.select %or3A_721, %gather3A_706, %select_n3A_692 : vector<16xi1>, vector<16xf32>
        %select_n3A_723 = arith.select %or3A_721, %gather3A_716, %select_n3A_693 : vector<16xi1>, vector<16xi32>
        %xor3A_724 = arith.constant 1 : i32
        %xor3A_725 = vector.broadcast %xor3A_724 : i32 to vector<16xi32>
        %xor3A_726 = arith.xori %iota3A, %xor3A_725 : vector<16xi32>
        %lt3A_727 = arith.constant 0 : i32
        %lt3A_728 = vector.broadcast %lt3A_727 : i32 to vector<16xi32>
        %lt3A_729 = arith.cmpi slt, %xor3A_726, %lt3A_728 : vector<16xi32>
        %add3A_730 = arith.constant 16 : i32
        %add3A_731 = vector.broadcast %add3A_730 : i32 to vector<16xi32>
        %add3A_732 = arith.addi %xor3A_726, %add3A_731 : vector<16xi32>
        %select_n3A_733 = arith.select %lt3A_729, %add3A_732, %xor3A_726 : vector<16xi1>, vector<16xi32>
        %broadcast_in_dim3A_734 = vector.shape_cast %select_n3A_733 : vector<16xi32> to vector<16x1xi32>
        %gather3A_735 = vector.shape_cast %broadcast_in_dim3A_734 : vector<16x1xi32> to vector<16xi32>
        %gather3A_736 = tpu.dynamic_gather %select_n3A_722[%gather3A_735] in [0] : vector<16xf32>, vector<16xi32> -> vector<16xf32>
        %lt3A_737 = arith.constant 0 : i32
        %lt3A_738 = vector.broadcast %lt3A_737 : i32 to vector<16xi32>
        %lt3A_739 = arith.cmpi slt, %xor3A_726, %lt3A_738 : vector<16xi32>
        %add3A_740 = arith.constant 16 : i32
        %add3A_741 = vector.broadcast %add3A_740 : i32 to vector<16xi32>
        %add3A_742 = arith.addi %xor3A_726, %add3A_741 : vector<16xi32>
        %select_n3A_743 = arith.select %lt3A_739, %add3A_742, %xor3A_726 : vector<16xi1>, vector<16xi32>
        %broadcast_in_dim3A_744 = vector.shape_cast %select_n3A_743 : vector<16xi32> to vector<16x1xi32>
        %gather3A_745 = vector.shape_cast %broadcast_in_dim3A_744 : vector<16x1xi32> to vector<16xi32>
        %gather3A_746 = tpu.dynamic_gather %select_n3A_723[%gather3A_745] in [0] : vector<16xi32>, vector<16xi32> -> vector<16xi32>
        %gt3A_747 = arith.cmpf ogt, %gather3A_736, %select_n3A_722 : vector<16xf32>
        %eq3A_748 = arith.cmpf oeq, %gather3A_736, %select_n3A_722 : vector<16xf32>
        %lt3A_749 = arith.cmpi slt, %gather3A_746, %select_n3A_723 : vector<16xi32>
        %and3A_750 = arith.andi %eq3A_748, %lt3A_749 : vector<16xi1>
        %or3A_751 = arith.ori %gt3A_747, %and3A_750 : vector<16xi1>
        %select_n3A_752 = arith.select %or3A_751, %gather3A_736, %select_n3A_722 : vector<16xi1>, vector<16xf32>
        %select_n3A_753 = arith.select %or3A_751, %gather3A_746, %select_n3A_723 : vector<16xi1>, vector<16xi32>
        %eq3A_754 = arith.constant 2 : i32
        %eq3A_755 = vector.broadcast %eq3A_754 : i32 to vector<16xi32>
        %eq3A_756 = arith.cmpi eq, %iota3A, %eq3A_755 : vector<16xi32>
        %select_n3A_757 = arith.select %eq3A_756, %select_n3A_753, %select_n3A_509 : vector<16xi1>, vector<16xi32>
        %mul3A_758 = arith.constant 16 : i32
        %mul3A_759 = arith.muli %scan3A_22, %mul3A_758 : i32
        %add3A_760 = arith.constant 3 : i32
        %add3A_761 = arith.addi %mul3A_759, %add3A_760 : i32
        %broadcast_in_dim3A_762 = arith.constant 0xFF800000 : f32
        %broadcast_in_dim3A_763 = vector.broadcast %broadcast_in_dim3A_762 : f32 to vector<16xf32>
        %broadcast_in_dim3A_764 = arith.constant 0 : i32
        %broadcast_in_dim3A_765 = vector.broadcast %broadcast_in_dim3A_764 : i32 to vector<16xi32>
        %get3A_766 = arith.index_cast %add3A_761 : i32 to index
        %get3A_767 = arith.constant 0 : index
        %get3A_768 = tpu.vector_load %arg7[%get3A_766, %get3A_767] {strides = array<i32>} : memref<128x128xf32, #tpu.memory_space<vmem>>, vector<1x16xf32>,
        %get3A_769 = vector.shape_cast %get3A_768 : vector<1x16xf32> to vector<16xf32>
        %get3A_770 = arith.index_cast %add3A_761 : i32 to index
        %get3A_771 = arith.constant 0 : index
        %get3A_772 = tpu.vector_load %arg8[%get3A_770, %get3A_771] {strides = array<i32>} : memref<128x128xf32, #tpu.memory_space<vmem>>, vector<1x16xf32>,
        %get3A_773 = vector.shape_cast %get3A_772 : vector<1x16xf32> to vector<16xf32>
        %mul3A_774 = arith.mulf %get3A_769, %get3A_773 : vector<16xf32>
        %gt3A_775 = arith.cmpf ogt, %mul3A_774, %broadcast_in_dim3A_763 : vector<16xf32>
        %select_n3A_776 = arith.select %gt3A_775, %mul3A_774, %broadcast_in_dim3A_763 : vector<16xi1>, vector<16xf32>
        %jit3A_777 = arith.constant 0 : i32
        %broadcast_in_dim3A_778 = vector.broadcast %jit3A_777 : i32 to vector<16xi32>
        %select_n3A_779 = arith.select %gt3A_775, %broadcast_in_dim3A_778, %broadcast_in_dim3A_765 : vector<16xi1>, vector<16xi32>
        %get3A_780 = arith.index_cast %add3A_761 : i32 to index
        %get3A_781 = arith.constant 16 : index
        %get3A_782 = tpu.vector_load %arg7[%get3A_780, %get3A_781] {strides = array<i32>} : memref<128x128xf32, #tpu.memory_space<vmem>>, vector<1x16xf32>,
        %get3A_783 = vector.shape_cast %get3A_782 : vector<1x16xf32> to vector<16xf32>
        %get3A_784 = arith.index_cast %add3A_761 : i32 to index
        %get3A_785 = arith.constant 16 : index
        %get3A_786 = tpu.vector_load %arg8[%get3A_784, %get3A_785] {strides = array<i32>} : memref<128x128xf32, #tpu.memory_space<vmem>>, vector<1x16xf32>,
        %get3A_787 = vector.shape_cast %get3A_786 : vector<1x16xf32> to vector<16xf32>
        %mul3A_788 = arith.mulf %get3A_783, %get3A_787 : vector<16xf32>
        %gt3A_789 = arith.cmpf ogt, %mul3A_788, %select_n3A_776 : vector<16xf32>
        %select_n3A_790 = arith.select %gt3A_789, %mul3A_788, %select_n3A_776 : vector<16xi1>, vector<16xf32>
        %jit3A_791 = arith.constant 1 : i32
        %broadcast_in_dim3A_792 = vector.broadcast %jit3A_791 : i32 to vector<16xi32>
        %select_n3A_793 = arith.select %gt3A_789, %broadcast_in_dim3A_792, %select_n3A_779 : vector<16xi1>, vector<16xi32>
        %get3A_794 = arith.index_cast %add3A_761 : i32 to index
        %get3A_795 = arith.constant 32 : index
        %get3A_796 = tpu.vector_load %arg7[%get3A_794, %get3A_795] {strides = array<i32>} : memref<128x128xf32, #tpu.memory_space<vmem>>, vector<1x16xf32>,
        %get3A_797 = vector.shape_cast %get3A_796 : vector<1x16xf32> to vector<16xf32>
        %get3A_798 = arith.index_cast %add3A_761 : i32 to index
        %get3A_799 = arith.constant 32 : index
        %get3A_800 = tpu.vector_load %arg8[%get3A_798, %get3A_799] {strides = array<i32>} : memref<128x128xf32, #tpu.memory_space<vmem>>, vector<1x16xf32>,
        %get3A_801 = vector.shape_cast %get3A_800 : vector<1x16xf32> to vector<16xf32>
        %mul3A_802 = arith.mulf %get3A_797, %get3A_801 : vector<16xf32>
        %gt3A_803 = arith.cmpf ogt, %mul3A_802, %select_n3A_790 : vector<16xf32>
        %select_n3A_804 = arith.select %gt3A_803, %mul3A_802, %select_n3A_790 : vector<16xi1>, vector<16xf32>
        %jit3A_805 = arith.constant 2 : i32
        %broadcast_in_dim3A_806 = vector.broadcast %jit3A_805 : i32 to vector<16xi32>
        %select_n3A_807 = arith.select %gt3A_803, %broadcast_in_dim3A_806, %select_n3A_793 : vector<16xi1>, vector<16xi32>
        %get3A_808 = arith.index_cast %add3A_761 : i32 to index
        %get3A_809 = arith.constant 48 : index
        %get3A_810 = tpu.vector_load %arg7[%get3A_808, %get3A_809] {strides = array<i32>} : memref<128x128xf32, #tpu.memory_space<vmem>>, vector<1x16xf32>,
        %get3A_811 = vector.shape_cast %get3A_810 : vector<1x16xf32> to vector<16xf32>
        %get3A_812 = arith.index_cast %add3A_761 : i32 to index
        %get3A_813 = arith.constant 48 : index
        %get3A_814 = tpu.vector_load %arg8[%get3A_812, %get3A_813] {strides = array<i32>} : memref<128x128xf32, #tpu.memory_space<vmem>>, vector<1x16xf32>,
        %get3A_815 = vector.shape_cast %get3A_814 : vector<1x16xf32> to vector<16xf32>
        %mul3A_816 = arith.mulf %get3A_811, %get3A_815 : vector<16xf32>
        %gt3A_817 = arith.cmpf ogt, %mul3A_816, %select_n3A_804 : vector<16xf32>
        %select_n3A_818 = arith.select %gt3A_817, %mul3A_816, %select_n3A_804 : vector<16xi1>, vector<16xf32>
        %jit3A_819 = arith.constant 3 : i32
        %broadcast_in_dim3A_820 = vector.broadcast %jit3A_819 : i32 to vector<16xi32>
        %select_n3A_821 = arith.select %gt3A_817, %broadcast_in_dim3A_820, %select_n3A_807 : vector<16xi1>, vector<16xi32>
        %get3A_822 = arith.index_cast %add3A_761 : i32 to index
        %get3A_823 = arith.constant 64 : index
        %get3A_824 = tpu.vector_load %arg7[%get3A_822, %get3A_823] {strides = array<i32>} : memref<128x128xf32, #tpu.memory_space<vmem>>, vector<1x16xf32>,
        %get3A_825 = vector.shape_cast %get3A_824 : vector<1x16xf32> to vector<16xf32>
        %get3A_826 = arith.index_cast %add3A_761 : i32 to index
        %get3A_827 = arith.constant 64 : index
        %get3A_828 = tpu.vector_load %arg8[%get3A_826, %get3A_827] {strides = array<i32>} : memref<128x128xf32, #tpu.memory_space<vmem>>, vector<1x16xf32>,
        %get3A_829 = vector.shape_cast %get3A_828 : vector<1x16xf32> to vector<16xf32>
        %mul3A_830 = arith.mulf %get3A_825, %get3A_829 : vector<16xf32>
        %gt3A_831 = arith.cmpf ogt, %mul3A_830, %select_n3A_818 : vector<16xf32>
        %select_n3A_832 = arith.select %gt3A_831, %mul3A_830, %select_n3A_818 : vector<16xi1>, vector<16xf32>
        %jit3A_833 = arith.constant 4 : i32
        %broadcast_in_dim3A_834 = vector.broadcast %jit3A_833 : i32 to vector<16xi32>
        %select_n3A_835 = arith.select %gt3A_831, %broadcast_in_dim3A_834, %select_n3A_821 : vector<16xi1>, vector<16xi32>
        %get3A_836 = arith.index_cast %add3A_761 : i32 to index
        %get3A_837 = arith.constant 80 : index
        %get3A_838 = tpu.vector_load %arg7[%get3A_836, %get3A_837] {strides = array<i32>} : memref<128x128xf32, #tpu.memory_space<vmem>>, vector<1x16xf32>,
        %get3A_839 = vector.shape_cast %get3A_838 : vector<1x16xf32> to vector<16xf32>
        %get3A_840 = arith.index_cast %add3A_761 : i32 to index
        %get3A_841 = arith.constant 80 : index
        %get3A_842 = tpu.vector_load %arg8[%get3A_840, %get3A_841] {strides = array<i32>} : memref<128x128xf32, #tpu.memory_space<vmem>>, vector<1x16xf32>,
        %get3A_843 = vector.shape_cast %get3A_842 : vector<1x16xf32> to vector<16xf32>
        %mul3A_844 = arith.mulf %get3A_839, %get3A_843 : vector<16xf32>
        %gt3A_845 = arith.cmpf ogt, %mul3A_844, %select_n3A_832 : vector<16xf32>
        %select_n3A_846 = arith.select %gt3A_845, %mul3A_844, %select_n3A_832 : vector<16xi1>, vector<16xf32>
        %jit3A_847 = arith.constant 5 : i32
        %broadcast_in_dim3A_848 = vector.broadcast %jit3A_847 : i32 to vector<16xi32>
        %select_n3A_849 = arith.select %gt3A_845, %broadcast_in_dim3A_848, %select_n3A_835 : vector<16xi1>, vector<16xi32>
        %get3A_850 = arith.index_cast %add3A_761 : i32 to index
        %get3A_851 = arith.constant 96 : index
        %get3A_852 = tpu.vector_load %arg7[%get3A_850, %get3A_851] {strides = array<i32>} : memref<128x128xf32, #tpu.memory_space<vmem>>, vector<1x16xf32>,
        %get3A_853 = vector.shape_cast %get3A_852 : vector<1x16xf32> to vector<16xf32>
        %get3A_854 = arith.index_cast %add3A_761 : i32 to index
        %get3A_855 = arith.constant 96 : index
        %get3A_856 = tpu.vector_load %arg8[%get3A_854, %get3A_855] {strides = array<i32>} : memref<128x128xf32, #tpu.memory_space<vmem>>, vector<1x16xf32>,
        %get3A_857 = vector.shape_cast %get3A_856 : vector<1x16xf32> to vector<16xf32>
        %mul3A_858 = arith.mulf %get3A_853, %get3A_857 : vector<16xf32>
        %gt3A_859 = arith.cmpf ogt, %mul3A_858, %select_n3A_846 : vector<16xf32>
        %select_n3A_860 = arith.select %gt3A_859, %mul3A_858, %select_n3A_846 : vector<16xi1>, vector<16xf32>
        %jit3A_861 = arith.constant 6 : i32
        %broadcast_in_dim3A_862 = vector.broadcast %jit3A_861 : i32 to vector<16xi32>
        %select_n3A_863 = arith.select %gt3A_859, %broadcast_in_dim3A_862, %select_n3A_849 : vector<16xi1>, vector<16xi32>
        %get3A_864 = arith.index_cast %add3A_761 : i32 to index
        %get3A_865 = arith.constant 112 : index
        %get3A_866 = tpu.vector_load %arg7[%get3A_864, %get3A_865] {strides = array<i32>} : memref<128x128xf32, #tpu.memory_space<vmem>>, vector<1x16xf32>,
        %get3A_867 = vector.shape_cast %get3A_866 : vector<1x16xf32> to vector<16xf32>
        %get3A_868 = arith.index_cast %add3A_761 : i32 to index
        %get3A_869 = arith.constant 112 : index
        %get3A_870 = tpu.vector_load %arg8[%get3A_868, %get3A_869] {strides = array<i32>} : memref<128x128xf32, #tpu.memory_space<vmem>>, vector<1x16xf32>,
        %get3A_871 = vector.shape_cast %get3A_870 : vector<1x16xf32> to vector<16xf32>
        %mul3A_872 = arith.mulf %get3A_867, %get3A_871 : vector<16xf32>
        %gt3A_873 = arith.cmpf ogt, %mul3A_872, %select_n3A_860 : vector<16xf32>
        %select_n3A_874 = arith.select %gt3A_873, %mul3A_872, %select_n3A_860 : vector<16xi1>, vector<16xf32>
        %jit3A_875 = arith.constant 7 : i32
        %broadcast_in_dim3A_876 = vector.broadcast %jit3A_875 : i32 to vector<16xi32>
        %select_n3A_877 = arith.select %gt3A_873, %broadcast_in_dim3A_876, %select_n3A_863 : vector<16xi1>, vector<16xi32>
        %mul3A_878 = arith.constant 16 : i32
        %mul3A_879 = vector.broadcast %mul3A_878 : i32 to vector<16xi32>
        %mul3A_880 = arith.muli %select_n3A_877, %mul3A_879 : vector<16xi32>
        %add3A_881 = arith.addi %mul3A_880, %iota3A : vector<16xi32>
        %xor3A_882 = arith.constant 8 : i32
        %xor3A_883 = vector.broadcast %xor3A_882 : i32 to vector<16xi32>
        %xor3A_884 = arith.xori %iota3A, %xor3A_883 : vector<16xi32>
        %lt3A_885 = arith.constant 0 : i32
        %lt3A_886 = vector.broadcast %lt3A_885 : i32 to vector<16xi32>
        %lt3A_887 = arith.cmpi slt, %xor3A_884, %lt3A_886 : vector<16xi32>
        %add3A_888 = arith.constant 16 : i32
        %add3A_889 = vector.broadcast %add3A_888 : i32 to vector<16xi32>
        %add3A_890 = arith.addi %xor3A_884, %add3A_889 : vector<16xi32>
        %select_n3A_891 = arith.select %lt3A_887, %add3A_890, %xor3A_884 : vector<16xi1>, vector<16xi32>
        %broadcast_in_dim3A_892 = vector.shape_cast %select_n3A_891 : vector<16xi32> to vector<16x1xi32>
        %gather3A_893 = vector.shape_cast %broadcast_in_dim3A_892 : vector<16x1xi32> to vector<16xi32>
        %gather3A_894 = tpu.dynamic_gather %select_n3A_874[%gather3A_893] in [0] : vector<16xf32>, vector<16xi32> -> vector<16xf32>
        %lt3A_895 = arith.constant 0 : i32
        %lt3A_896 = vector.broadcast %lt3A_895 : i32 to vector<16xi32>
        %lt3A_897 = arith.cmpi slt, %xor3A_884, %lt3A_896 : vector<16xi32>
        %add3A_898 = arith.constant 16 : i32
        %add3A_899 = vector.broadcast %add3A_898 : i32 to vector<16xi32>
        %add3A_900 = arith.addi %xor3A_884, %add3A_899 : vector<16xi32>
        %select_n3A_901 = arith.select %lt3A_897, %add3A_900, %xor3A_884 : vector<16xi1>, vector<16xi32>
        %broadcast_in_dim3A_902 = vector.shape_cast %select_n3A_901 : vector<16xi32> to vector<16x1xi32>
        %gather3A_903 = vector.shape_cast %broadcast_in_dim3A_902 : vector<16x1xi32> to vector<16xi32>
        %gather3A_904 = tpu.dynamic_gather %add3A_881[%gather3A_903] in [0] : vector<16xi32>, vector<16xi32> -> vector<16xi32>
        %gt3A_905 = arith.cmpf ogt, %gather3A_894, %select_n3A_874 : vector<16xf32>
        %eq3A_906 = arith.cmpf oeq, %gather3A_894, %select_n3A_874 : vector<16xf32>
        %lt3A_907 = arith.cmpi slt, %gather3A_904, %add3A_881 : vector<16xi32>
        %and3A_908 = arith.andi %eq3A_906, %lt3A_907 : vector<16xi1>
        %or3A_909 = arith.ori %gt3A_905, %and3A_908 : vector<16xi1>
        %select_n3A_910 = arith.select %or3A_909, %gather3A_894, %select_n3A_874 : vector<16xi1>, vector<16xf32>
        %select_n3A_911 = arith.select %or3A_909, %gather3A_904, %add3A_881 : vector<16xi1>, vector<16xi32>
        %xor3A_912 = arith.constant 4 : i32
        %xor3A_913 = vector.broadcast %xor3A_912 : i32 to vector<16xi32>
        %xor3A_914 = arith.xori %iota3A, %xor3A_913 : vector<16xi32>
        %lt3A_915 = arith.constant 0 : i32
        %lt3A_916 = vector.broadcast %lt3A_915 : i32 to vector<16xi32>
        %lt3A_917 = arith.cmpi slt, %xor3A_914, %lt3A_916 : vector<16xi32>
        %add3A_918 = arith.constant 16 : i32
        %add3A_919 = vector.broadcast %add3A_918 : i32 to vector<16xi32>
        %add3A_920 = arith.addi %xor3A_914, %add3A_919 : vector<16xi32>
        %select_n3A_921 = arith.select %lt3A_917, %add3A_920, %xor3A_914 : vector<16xi1>, vector<16xi32>
        %broadcast_in_dim3A_922 = vector.shape_cast %select_n3A_921 : vector<16xi32> to vector<16x1xi32>
        %gather3A_923 = vector.shape_cast %broadcast_in_dim3A_922 : vector<16x1xi32> to vector<16xi32>
        %gather3A_924 = tpu.dynamic_gather %select_n3A_910[%gather3A_923] in [0] : vector<16xf32>, vector<16xi32> -> vector<16xf32>
        %lt3A_925 = arith.constant 0 : i32
        %lt3A_926 = vector.broadcast %lt3A_925 : i32 to vector<16xi32>
        %lt3A_927 = arith.cmpi slt, %xor3A_914, %lt3A_926 : vector<16xi32>
        %add3A_928 = arith.constant 16 : i32
        %add3A_929 = vector.broadcast %add3A_928 : i32 to vector<16xi32>
        %add3A_930 = arith.addi %xor3A_914, %add3A_929 : vector<16xi32>
        %select_n3A_931 = arith.select %lt3A_927, %add3A_930, %xor3A_914 : vector<16xi1>, vector<16xi32>
        %broadcast_in_dim3A_932 = vector.shape_cast %select_n3A_931 : vector<16xi32> to vector<16x1xi32>
        %gather3A_933 = vector.shape_cast %broadcast_in_dim3A_932 : vector<16x1xi32> to vector<16xi32>
        %gather3A_934 = tpu.dynamic_gather %select_n3A_911[%gather3A_933] in [0] : vector<16xi32>, vector<16xi32> -> vector<16xi32>
        %gt3A_935 = arith.cmpf ogt, %gather3A_924, %select_n3A_910 : vector<16xf32>
        %eq3A_936 = arith.cmpf oeq, %gather3A_924, %select_n3A_910 : vector<16xf32>
        %lt3A_937 = arith.cmpi slt, %gather3A_934, %select_n3A_911 : vector<16xi32>
        %and3A_938 = arith.andi %eq3A_936, %lt3A_937 : vector<16xi1>
        %or3A_939 = arith.ori %gt3A_935, %and3A_938 : vector<16xi1>
        %select_n3A_940 = arith.select %or3A_939, %gather3A_924, %select_n3A_910 : vector<16xi1>, vector<16xf32>
        %select_n3A_941 = arith.select %or3A_939, %gather3A_934, %select_n3A_911 : vector<16xi1>, vector<16xi32>
        %xor3A_942 = arith.constant 2 : i32
        %xor3A_943 = vector.broadcast %xor3A_942 : i32 to vector<16xi32>
        %xor3A_944 = arith.xori %iota3A, %xor3A_943 : vector<16xi32>
        %lt3A_945 = arith.constant 0 : i32
        %lt3A_946 = vector.broadcast %lt3A_945 : i32 to vector<16xi32>
        %lt3A_947 = arith.cmpi slt, %xor3A_944, %lt3A_946 : vector<16xi32>
        %add3A_948 = arith.constant 16 : i32
        %add3A_949 = vector.broadcast %add3A_948 : i32 to vector<16xi32>
        %add3A_950 = arith.addi %xor3A_944, %add3A_949 : vector<16xi32>
        %select_n3A_951 = arith.select %lt3A_947, %add3A_950, %xor3A_944 : vector<16xi1>, vector<16xi32>
        %broadcast_in_dim3A_952 = vector.shape_cast %select_n3A_951 : vector<16xi32> to vector<16x1xi32>
        %gather3A_953 = vector.shape_cast %broadcast_in_dim3A_952 : vector<16x1xi32> to vector<16xi32>
        %gather3A_954 = tpu.dynamic_gather %select_n3A_940[%gather3A_953] in [0] : vector<16xf32>, vector<16xi32> -> vector<16xf32>
        %lt3A_955 = arith.constant 0 : i32
        %lt3A_956 = vector.broadcast %lt3A_955 : i32 to vector<16xi32>
        %lt3A_957 = arith.cmpi slt, %xor3A_944, %lt3A_956 : vector<16xi32>
        %add3A_958 = arith.constant 16 : i32
        %add3A_959 = vector.broadcast %add3A_958 : i32 to vector<16xi32>
        %add3A_960 = arith.addi %xor3A_944, %add3A_959 : vector<16xi32>
        %select_n3A_961 = arith.select %lt3A_957, %add3A_960, %xor3A_944 : vector<16xi1>, vector<16xi32>
        %broadcast_in_dim3A_962 = vector.shape_cast %select_n3A_961 : vector<16xi32> to vector<16x1xi32>
        %gather3A_963 = vector.shape_cast %broadcast_in_dim3A_962 : vector<16x1xi32> to vector<16xi32>
        %gather3A_964 = tpu.dynamic_gather %select_n3A_941[%gather3A_963] in [0] : vector<16xi32>, vector<16xi32> -> vector<16xi32>
        %gt3A_965 = arith.cmpf ogt, %gather3A_954, %select_n3A_940 : vector<16xf32>
        %eq3A_966 = arith.cmpf oeq, %gather3A_954, %select_n3A_940 : vector<16xf32>
        %lt3A_967 = arith.cmpi slt, %gather3A_964, %select_n3A_941 : vector<16xi32>
        %and3A_968 = arith.andi %eq3A_966, %lt3A_967 : vector<16xi1>
        %or3A_969 = arith.ori %gt3A_965, %and3A_968 : vector<16xi1>
        %select_n3A_970 = arith.select %or3A_969, %gather3A_954, %select_n3A_940 : vector<16xi1>, vector<16xf32>
        %select_n3A_971 = arith.select %or3A_969, %gather3A_964, %select_n3A_941 : vector<16xi1>, vector<16xi32>
        %xor3A_972 = arith.constant 1 : i32
        %xor3A_973 = vector.broadcast %xor3A_972 : i32 to vector<16xi32>
        %xor3A_974 = arith.xori %iota3A, %xor3A_973 : vector<16xi32>
        %lt3A_975 = arith.constant 0 : i32
        %lt3A_976 = vector.broadcast %lt3A_975 : i32 to vector<16xi32>
        %lt3A_977 = arith.cmpi slt, %xor3A_974, %lt3A_976 : vector<16xi32>
        %add3A_978 = arith.constant 16 : i32
        %add3A_979 = vector.broadcast %add3A_978 : i32 to vector<16xi32>
        %add3A_980 = arith.addi %xor3A_974, %add3A_979 : vector<16xi32>
        %select_n3A_981 = arith.select %lt3A_977, %add3A_980, %xor3A_974 : vector<16xi1>, vector<16xi32>
        %broadcast_in_dim3A_982 = vector.shape_cast %select_n3A_981 : vector<16xi32> to vector<16x1xi32>
        %gather3A_983 = vector.shape_cast %broadcast_in_dim3A_982 : vector<16x1xi32> to vector<16xi32>
        %gather3A_984 = tpu.dynamic_gather %select_n3A_970[%gather3A_983] in [0] : vector<16xf32>, vector<16xi32> -> vector<16xf32>
        %lt3A_985 = arith.constant 0 : i32
        %lt3A_986 = vector.broadcast %lt3A_985 : i32 to vector<16xi32>
        %lt3A_987 = arith.cmpi slt, %xor3A_974, %lt3A_986 : vector<16xi32>
        %add3A_988 = arith.constant 16 : i32
        %add3A_989 = vector.broadcast %add3A_988 : i32 to vector<16xi32>
        %add3A_990 = arith.addi %xor3A_974, %add3A_989 : vector<16xi32>
        %select_n3A_991 = arith.select %lt3A_987, %add3A_990, %xor3A_974 : vector<16xi1>, vector<16xi32>
        %broadcast_in_dim3A_992 = vector.shape_cast %select_n3A_991 : vector<16xi32> to vector<16x1xi32>
        %gather3A_993 = vector.shape_cast %broadcast_in_dim3A_992 : vector<16x1xi32> to vector<16xi32>
        %gather3A_994 = tpu.dynamic_gather %select_n3A_971[%gather3A_993] in [0] : vector<16xi32>, vector<16xi32> -> vector<16xi32>
        %gt3A_995 = arith.cmpf ogt, %gather3A_984, %select_n3A_970 : vector<16xf32>
        %eq3A_996 = arith.cmpf oeq, %gather3A_984, %select_n3A_970 : vector<16xf32>
        %lt3A_997 = arith.cmpi slt, %gather3A_994, %select_n3A_971 : vector<16xi32>
        %and3A_998 = arith.andi %eq3A_996, %lt3A_997 : vector<16xi1>
        %or3A_999 = arith.ori %gt3A_995, %and3A_998 : vector<16xi1>
        %select_n3A_1000 = arith.select %or3A_999, %gather3A_984, %select_n3A_970 : vector<16xi1>, vector<16xf32>
        %select_n3A_1001 = arith.select %or3A_999, %gather3A_994, %select_n3A_971 : vector<16xi1>, vector<16xi32>
        %eq3A_1002 = arith.constant 3 : i32
        %eq3A_1003 = vector.broadcast %eq3A_1002 : i32 to vector<16xi32>
        %eq3A_1004 = arith.cmpi eq, %iota3A, %eq3A_1003 : vector<16xi32>
        %select_n3A_1005 = arith.select %eq3A_1004, %select_n3A_1001, %select_n3A_757 : vector<16xi1>, vector<16xi32>
        %mul3A_1006 = arith.constant 16 : i32
        %mul3A_1007 = arith.muli %scan3A_22, %mul3A_1006 : i32
        %add3A_1008 = arith.constant 4 : i32
        %add3A_1009 = arith.addi %mul3A_1007, %add3A_1008 : i32
        %broadcast_in_dim3A_1010 = arith.constant 0xFF800000 : f32
        %broadcast_in_dim3A_1011 = vector.broadcast %broadcast_in_dim3A_1010 : f32 to vector<16xf32>
        %broadcast_in_dim3A_1012 = arith.constant 0 : i32
        %broadcast_in_dim3A_1013 = vector.broadcast %broadcast_in_dim3A_1012 : i32 to vector<16xi32>
        %get3A_1014 = arith.index_cast %add3A_1009 : i32 to index
        %get3A_1015 = arith.constant 0 : index
        %get3A_1016 = tpu.vector_load %arg7[%get3A_1014, %get3A_1015] {strides = array<i32>} : memref<128x128xf32, #tpu.memory_space<vmem>>, vector<1x16xf32>,
        %get3A_1017 = vector.shape_cast %get3A_1016 : vector<1x16xf32> to vector<16xf32>
        %get3A_1018 = arith.index_cast %add3A_1009 : i32 to index
        %get3A_1019 = arith.constant 0 : index
        %get3A_1020 = tpu.vector_load %arg8[%get3A_1018, %get3A_1019] {strides = array<i32>} : memref<128x128xf32, #tpu.memory_space<vmem>>, vector<1x16xf32>,
        %get3A_1021 = vector.shape_cast %get3A_1020 : vector<1x16xf32> to vector<16xf32>
        %mul3A_1022 = arith.mulf %get3A_1017, %get3A_1021 : vector<16xf32>
        %gt3A_1023 = arith.cmpf ogt, %mul3A_1022, %broadcast_in_dim3A_1011 : vector<16xf32>
        %select_n3A_1024 = arith.select %gt3A_1023, %mul3A_1022, %broadcast_in_dim3A_1011 : vector<16xi1>, vector<16xf32>
        %jit3A_1025 = arith.constant 0 : i32
        %broadcast_in_dim3A_1026 = vector.broadcast %jit3A_1025 : i32 to vector<16xi32>
        %select_n3A_1027 = arith.select %gt3A_1023, %broadcast_in_dim3A_1026, %broadcast_in_dim3A_1013 : vector<16xi1>, vector<16xi32>
        %get3A_1028 = arith.index_cast %add3A_1009 : i32 to index
        %get3A_1029 = arith.constant 16 : index
        %get3A_1030 = tpu.vector_load %arg7[%get3A_1028, %get3A_1029] {strides = array<i32>} : memref<128x128xf32, #tpu.memory_space<vmem>>, vector<1x16xf32>,
        %get3A_1031 = vector.shape_cast %get3A_1030 : vector<1x16xf32> to vector<16xf32>
        %get3A_1032 = arith.index_cast %add3A_1009 : i32 to index
        %get3A_1033 = arith.constant 16 : index
        %get3A_1034 = tpu.vector_load %arg8[%get3A_1032, %get3A_1033] {strides = array<i32>} : memref<128x128xf32, #tpu.memory_space<vmem>>, vector<1x16xf32>,
        %get3A_1035 = vector.shape_cast %get3A_1034 : vector<1x16xf32> to vector<16xf32>
        %mul3A_1036 = arith.mulf %get3A_1031, %get3A_1035 : vector<16xf32>
        %gt3A_1037 = arith.cmpf ogt, %mul3A_1036, %select_n3A_1024 : vector<16xf32>
        %select_n3A_1038 = arith.select %gt3A_1037, %mul3A_1036, %select_n3A_1024 : vector<16xi1>, vector<16xf32>
        %jit3A_1039 = arith.constant 1 : i32
        %broadcast_in_dim3A_1040 = vector.broadcast %jit3A_1039 : i32 to vector<16xi32>
        %select_n3A_1041 = arith.select %gt3A_1037, %broadcast_in_dim3A_1040, %select_n3A_1027 : vector<16xi1>, vector<16xi32>
        %get3A_1042 = arith.index_cast %add3A_1009 : i32 to index
        %get3A_1043 = arith.constant 32 : index
        %get3A_1044 = tpu.vector_load %arg7[%get3A_1042, %get3A_1043] {strides = array<i32>} : memref<128x128xf32, #tpu.memory_space<vmem>>, vector<1x16xf32>,
        %get3A_1045 = vector.shape_cast %get3A_1044 : vector<1x16xf32> to vector<16xf32>
        %get3A_1046 = arith.index_cast %add3A_1009 : i32 to index
        %get3A_1047 = arith.constant 32 : index
        %get3A_1048 = tpu.vector_load %arg8[%get3A_1046, %get3A_1047] {strides = array<i32>} : memref<128x128xf32, #tpu.memory_space<vmem>>, vector<1x16xf32>,
        %get3A_1049 = vector.shape_cast %get3A_1048 : vector<1x16xf32> to vector<16xf32>
        %mul3A_1050 = arith.mulf %get3A_1045, %get3A_1049 : vector<16xf32>
        %gt3A_1051 = arith.cmpf ogt, %mul3A_1050, %select_n3A_1038 : vector<16xf32>
        %select_n3A_1052 = arith.select %gt3A_1051, %mul3A_1050, %select_n3A_1038 : vector<16xi1>, vector<16xf32>
        %jit3A_1053 = arith.constant 2 : i32
        %broadcast_in_dim3A_1054 = vector.broadcast %jit3A_1053 : i32 to vector<16xi32>
        %select_n3A_1055 = arith.select %gt3A_1051, %broadcast_in_dim3A_1054, %select_n3A_1041 : vector<16xi1>, vector<16xi32>
        %get3A_1056 = arith.index_cast %add3A_1009 : i32 to index
        %get3A_1057 = arith.constant 48 : index
        %get3A_1058 = tpu.vector_load %arg7[%get3A_1056, %get3A_1057] {strides = array<i32>} : memref<128x128xf32, #tpu.memory_space<vmem>>, vector<1x16xf32>,
        %get3A_1059 = vector.shape_cast %get3A_1058 : vector<1x16xf32> to vector<16xf32>
        %get3A_1060 = arith.index_cast %add3A_1009 : i32 to index
        %get3A_1061 = arith.constant 48 : index
        %get3A_1062 = tpu.vector_load %arg8[%get3A_1060, %get3A_1061] {strides = array<i32>} : memref<128x128xf32, #tpu.memory_space<vmem>>, vector<1x16xf32>,
        %get3A_1063 = vector.shape_cast %get3A_1062 : vector<1x16xf32> to vector<16xf32>
        %mul3A_1064 = arith.mulf %get3A_1059, %get3A_1063 : vector<16xf32>
        %gt3A_1065 = arith.cmpf ogt, %mul3A_1064, %select_n3A_1052 : vector<16xf32>
        %select_n3A_1066 = arith.select %gt3A_1065, %mul3A_1064, %select_n3A_1052 : vector<16xi1>, vector<16xf32>
        %jit3A_1067 = arith.constant 3 : i32
        %broadcast_in_dim3A_1068 = vector.broadcast %jit3A_1067 : i32 to vector<16xi32>
        %select_n3A_1069 = arith.select %gt3A_1065, %broadcast_in_dim3A_1068, %select_n3A_1055 : vector<16xi1>, vector<16xi32>
        %get3A_1070 = arith.index_cast %add3A_1009 : i32 to index
        %get3A_1071 = arith.constant 64 : index
        %get3A_1072 = tpu.vector_load %arg7[%get3A_1070, %get3A_1071] {strides = array<i32>} : memref<128x128xf32, #tpu.memory_space<vmem>>, vector<1x16xf32>,
        %get3A_1073 = vector.shape_cast %get3A_1072 : vector<1x16xf32> to vector<16xf32>
        %get3A_1074 = arith.index_cast %add3A_1009 : i32 to index
        %get3A_1075 = arith.constant 64 : index
        %get3A_1076 = tpu.vector_load %arg8[%get3A_1074, %get3A_1075] {strides = array<i32>} : memref<128x128xf32, #tpu.memory_space<vmem>>, vector<1x16xf32>,
        %get3A_1077 = vector.shape_cast %get3A_1076 : vector<1x16xf32> to vector<16xf32>
        %mul3A_1078 = arith.mulf %get3A_1073, %get3A_1077 : vector<16xf32>
        %gt3A_1079 = arith.cmpf ogt, %mul3A_1078, %select_n3A_1066 : vector<16xf32>
        %select_n3A_1080 = arith.select %gt3A_1079, %mul3A_1078, %select_n3A_1066 : vector<16xi1>, vector<16xf32>
        %jit3A_1081 = arith.constant 4 : i32
        %broadcast_in_dim3A_1082 = vector.broadcast %jit3A_1081 : i32 to vector<16xi32>
        %select_n3A_1083 = arith.select %gt3A_1079, %broadcast_in_dim3A_1082, %select_n3A_1069 : vector<16xi1>, vector<16xi32>
        %get3A_1084 = arith.index_cast %add3A_1009 : i32 to index
        %get3A_1085 = arith.constant 80 : index
        %get3A_1086 = tpu.vector_load %arg7[%get3A_1084, %get3A_1085] {strides = array<i32>} : memref<128x128xf32, #tpu.memory_space<vmem>>, vector<1x16xf32>,
        %get3A_1087 = vector.shape_cast %get3A_1086 : vector<1x16xf32> to vector<16xf32>
        %get3A_1088 = arith.index_cast %add3A_1009 : i32 to index
        %get3A_1089 = arith.constant 80 : index
        %get3A_1090 = tpu.vector_load %arg8[%get3A_1088, %get3A_1089] {strides = array<i32>} : memref<128x128xf32, #tpu.memory_space<vmem>>, vector<1x16xf32>,
        %get3A_1091 = vector.shape_cast %get3A_1090 : vector<1x16xf32> to vector<16xf32>
        %mul3A_1092 = arith.mulf %get3A_1087, %get3A_1091 : vector<16xf32>
        %gt3A_1093 = arith.cmpf ogt, %mul3A_1092, %select_n3A_1080 : vector<16xf32>
        %select_n3A_1094 = arith.select %gt3A_1093, %mul3A_1092, %select_n3A_1080 : vector<16xi1>, vector<16xf32>
        %jit3A_1095 = arith.constant 5 : i32
        %broadcast_in_dim3A_1096 = vector.broadcast %jit3A_1095 : i32 to vector<16xi32>
        %select_n3A_1097 = arith.select %gt3A_1093, %broadcast_in_dim3A_1096, %select_n3A_1083 : vector<16xi1>, vector<16xi32>
        %get3A_1098 = arith.index_cast %add3A_1009 : i32 to index
        %get3A_1099 = arith.constant 96 : index
        %get3A_1100 = tpu.vector_load %arg7[%get3A_1098, %get3A_1099] {strides = array<i32>} : memref<128x128xf32, #tpu.memory_space<vmem>>, vector<1x16xf32>,
        %get3A_1101 = vector.shape_cast %get3A_1100 : vector<1x16xf32> to vector<16xf32>
        %get3A_1102 = arith.index_cast %add3A_1009 : i32 to index
        %get3A_1103 = arith.constant 96 : index
        %get3A_1104 = tpu.vector_load %arg8[%get3A_1102, %get3A_1103] {strides = array<i32>} : memref<128x128xf32, #tpu.memory_space<vmem>>, vector<1x16xf32>,
        %get3A_1105 = vector.shape_cast %get3A_1104 : vector<1x16xf32> to vector<16xf32>
        %mul3A_1106 = arith.mulf %get3A_1101, %get3A_1105 : vector<16xf32>
        %gt3A_1107 = arith.cmpf ogt, %mul3A_1106, %select_n3A_1094 : vector<16xf32>
        %select_n3A_1108 = arith.select %gt3A_1107, %mul3A_1106, %select_n3A_1094 : vector<16xi1>, vector<16xf32>
        %jit3A_1109 = arith.constant 6 : i32
        %broadcast_in_dim3A_1110 = vector.broadcast %jit3A_1109 : i32 to vector<16xi32>
        %select_n3A_1111 = arith.select %gt3A_1107, %broadcast_in_dim3A_1110, %select_n3A_1097 : vector<16xi1>, vector<16xi32>
        %get3A_1112 = arith.index_cast %add3A_1009 : i32 to index
        %get3A_1113 = arith.constant 112 : index
        %get3A_1114 = tpu.vector_load %arg7[%get3A_1112, %get3A_1113] {strides = array<i32>} : memref<128x128xf32, #tpu.memory_space<vmem>>, vector<1x16xf32>,
        %get3A_1115 = vector.shape_cast %get3A_1114 : vector<1x16xf32> to vector<16xf32>
        %get3A_1116 = arith.index_cast %add3A_1009 : i32 to index
        %get3A_1117 = arith.constant 112 : index
        %get3A_1118 = tpu.vector_load %arg8[%get3A_1116, %get3A_1117] {strides = array<i32>} : memref<128x128xf32, #tpu.memory_space<vmem>>, vector<1x16xf32>,
        %get3A_1119 = vector.shape_cast %get3A_1118 : vector<1x16xf32> to vector<16xf32>
        %mul3A_1120 = arith.mulf %get3A_1115, %get3A_1119 : vector<16xf32>
        %gt3A_1121 = arith.cmpf ogt, %mul3A_1120, %select_n3A_1108 : vector<16xf32>
        %select_n3A_1122 = arith.select %gt3A_1121, %mul3A_1120, %select_n3A_1108 : vector<16xi1>, vector<16xf32>
        %jit3A_1123 = arith.constant 7 : i32
        %broadcast_in_dim3A_1124 = vector.broadcast %jit3A_1123 : i32 to vector<16xi32>
        %select_n3A_1125 = arith.select %gt3A_1121, %broadcast_in_dim3A_1124, %select_n3A_1111 : vector<16xi1>, vector<16xi32>
        %mul3A_1126 = arith.constant 16 : i32
        %mul3A_1127 = vector.broadcast %mul3A_1126 : i32 to vector<16xi32>
        %mul3A_1128 = arith.muli %select_n3A_1125, %mul3A_1127 : vector<16xi32>
        %add3A_1129 = arith.addi %mul3A_1128, %iota3A : vector<16xi32>
        %xor3A_1130 = arith.constant 8 : i32
        %xor3A_1131 = vector.broadcast %xor3A_1130 : i32 to vector<16xi32>
        %xor3A_1132 = arith.xori %iota3A, %xor3A_1131 : vector<16xi32>
        %lt3A_1133 = arith.constant 0 : i32
        %lt3A_1134 = vector.broadcast %lt3A_1133 : i32 to vector<16xi32>
        %lt3A_1135 = arith.cmpi slt, %xor3A_1132, %lt3A_1134 : vector<16xi32>
        %add3A_1136 = arith.constant 16 : i32
        %add3A_1137 = vector.broadcast %add3A_1136 : i32 to vector<16xi32>
        %add3A_1138 = arith.addi %xor3A_1132, %add3A_1137 : vector<16xi32>
        %select_n3A_1139 = arith.select %lt3A_1135, %add3A_1138, %xor3A_1132 : vector<16xi1>, vector<16xi32>
        %broadcast_in_dim3A_1140 = vector.shape_cast %select_n3A_1139 : vector<16xi32> to vector<16x1xi32>
        %gather3A_1141 = vector.shape_cast %broadcast_in_dim3A_1140 : vector<16x1xi32> to vector<16xi32>
        %gather3A_1142 = tpu.dynamic_gather %select_n3A_1122[%gather3A_1141] in [0] : vector<16xf32>, vector<16xi32> -> vector<16xf32>
        %lt3A_1143 = arith.constant 0 : i32
        %lt3A_1144 = vector.broadcast %lt3A_1143 : i32 to vector<16xi32>
        %lt3A_1145 = arith.cmpi slt, %xor3A_1132, %lt3A_1144 : vector<16xi32>
        %add3A_1146 = arith.constant 16 : i32
        %add3A_1147 = vector.broadcast %add3A_1146 : i32 to vector<16xi32>
        %add3A_1148 = arith.addi %xor3A_1132, %add3A_1147 : vector<16xi32>
        %select_n3A_1149 = arith.select %lt3A_1145, %add3A_1148, %xor3A_1132 : vector<16xi1>, vector<16xi32>
        %broadcast_in_dim3A_1150 = vector.shape_cast %select_n3A_1149 : vector<16xi32> to vector<16x1xi32>
        %gather3A_1151 = vector.shape_cast %broadcast_in_dim3A_1150 : vector<16x1xi32> to vector<16xi32>
        %gather3A_1152 = tpu.dynamic_gather %add3A_1129[%gather3A_1151] in [0] : vector<16xi32>, vector<16xi32> -> vector<16xi32>
        %gt3A_1153 = arith.cmpf ogt, %gather3A_1142, %select_n3A_1122 : vector<16xf32>
        %eq3A_1154 = arith.cmpf oeq, %gather3A_1142, %select_n3A_1122 : vector<16xf32>
        %lt3A_1155 = arith.cmpi slt, %gather3A_1152, %add3A_1129 : vector<16xi32>
        %and3A_1156 = arith.andi %eq3A_1154, %lt3A_1155 : vector<16xi1>
        %or3A_1157 = arith.ori %gt3A_1153, %and3A_1156 : vector<16xi1>
        %select_n3A_1158 = arith.select %or3A_1157, %gather3A_1142, %select_n3A_1122 : vector<16xi1>, vector<16xf32>
        %select_n3A_1159 = arith.select %or3A_1157, %gather3A_1152, %add3A_1129 : vector<16xi1>, vector<16xi32>
        %xor3A_1160 = arith.constant 4 : i32
        %xor3A_1161 = vector.broadcast %xor3A_1160 : i32 to vector<16xi32>
        %xor3A_1162 = arith.xori %iota3A, %xor3A_1161 : vector<16xi32>
        %lt3A_1163 = arith.constant 0 : i32
        %lt3A_1164 = vector.broadcast %lt3A_1163 : i32 to vector<16xi32>
        %lt3A_1165 = arith.cmpi slt, %xor3A_1162, %lt3A_1164 : vector<16xi32>
        %add3A_1166 = arith.constant 16 : i32
        %add3A_1167 = vector.broadcast %add3A_1166 : i32 to vector<16xi32>
        %add3A_1168 = arith.addi %xor3A_1162, %add3A_1167 : vector<16xi32>
        %select_n3A_1169 = arith.select %lt3A_1165, %add3A_1168, %xor3A_1162 : vector<16xi1>, vector<16xi32>
        %broadcast_in_dim3A_1170 = vector.shape_cast %select_n3A_1169 : vector<16xi32> to vector<16x1xi32>
        %gather3A_1171 = vector.shape_cast %broadcast_in_dim3A_1170 : vector<16x1xi32> to vector<16xi32>
        %gather3A_1172 = tpu.dynamic_gather %select_n3A_1158[%gather3A_1171] in [0] : vector<16xf32>, vector<16xi32> -> vector<16xf32>
        %lt3A_1173 = arith.constant 0 : i32
        %lt3A_1174 = vector.broadcast %lt3A_1173 : i32 to vector<16xi32>
        %lt3A_1175 = arith.cmpi slt, %xor3A_1162, %lt3A_1174 : vector<16xi32>
        %add3A_1176 = arith.constant 16 : i32
        %add3A_1177 = vector.broadcast %add3A_1176 : i32 to vector<16xi32>
        %add3A_1178 = arith.addi %xor3A_1162, %add3A_1177 : vector<16xi32>
        %select_n3A_1179 = arith.select %lt3A_1175, %add3A_1178, %xor3A_1162 : vector<16xi1>, vector<16xi32>
        %broadcast_in_dim3A_1180 = vector.shape_cast %select_n3A_1179 : vector<16xi32> to vector<16x1xi32>
        %gather3A_1181 = vector.shape_cast %broadcast_in_dim3A_1180 : vector<16x1xi32> to vector<16xi32>
        %gather3A_1182 = tpu.dynamic_gather %select_n3A_1159[%gather3A_1181] in [0] : vector<16xi32>, vector<16xi32> -> vector<16xi32>
        %gt3A_1183 = arith.cmpf ogt, %gather3A_1172, %select_n3A_1158 : vector<16xf32>
        %eq3A_1184 = arith.cmpf oeq, %gather3A_1172, %select_n3A_1158 : vector<16xf32>
        %lt3A_1185 = arith.cmpi slt, %gather3A_1182, %select_n3A_1159 : vector<16xi32>
        %and3A_1186 = arith.andi %eq3A_1184, %lt3A_1185 : vector<16xi1>
        %or3A_1187 = arith.ori %gt3A_1183, %and3A_1186 : vector<16xi1>
        %select_n3A_1188 = arith.select %or3A_1187, %gather3A_1172, %select_n3A_1158 : vector<16xi1>, vector<16xf32>
        %select_n3A_1189 = arith.select %or3A_1187, %gather3A_1182, %select_n3A_1159 : vector<16xi1>, vector<16xi32>
        %xor3A_1190 = arith.constant 2 : i32
        %xor3A_1191 = vector.broadcast %xor3A_1190 : i32 to vector<16xi32>
        %xor3A_1192 = arith.xori %iota3A, %xor3A_1191 : vector<16xi32>
        %lt3A_1193 = arith.constant 0 : i32
        %lt3A_1194 = vector.broadcast %lt3A_1193 : i32 to vector<16xi32>
        %lt3A_1195 = arith.cmpi slt, %xor3A_1192, %lt3A_1194 : vector<16xi32>
        %add3A_1196 = arith.constant 16 : i32
        %add3A_1197 = vector.broadcast %add3A_1196 : i32 to vector<16xi32>
        %add3A_1198 = arith.addi %xor3A_1192, %add3A_1197 : vector<16xi32>
        %select_n3A_1199 = arith.select %lt3A_1195, %add3A_1198, %xor3A_1192 : vector<16xi1>, vector<16xi32>
        %broadcast_in_dim3A_1200 = vector.shape_cast %select_n3A_1199 : vector<16xi32> to vector<16x1xi32>
        %gather3A_1201 = vector.shape_cast %broadcast_in_dim3A_1200 : vector<16x1xi32> to vector<16xi32>
        %gather3A_1202 = tpu.dynamic_gather %select_n3A_1188[%gather3A_1201] in [0] : vector<16xf32>, vector<16xi32> -> vector<16xf32>
        %lt3A_1203 = arith.constant 0 : i32
        %lt3A_1204 = vector.broadcast %lt3A_1203 : i32 to vector<16xi32>
        %lt3A_1205 = arith.cmpi slt, %xor3A_1192, %lt3A_1204 : vector<16xi32>
        %add3A_1206 = arith.constant 16 : i32
        %add3A_1207 = vector.broadcast %add3A_1206 : i32 to vector<16xi32>
        %add3A_1208 = arith.addi %xor3A_1192, %add3A_1207 : vector<16xi32>
        %select_n3A_1209 = arith.select %lt3A_1205, %add3A_1208, %xor3A_1192 : vector<16xi1>, vector<16xi32>
        %broadcast_in_dim3A_1210 = vector.shape_cast %select_n3A_1209 : vector<16xi32> to vector<16x1xi32>
        %gather3A_1211 = vector.shape_cast %broadcast_in_dim3A_1210 : vector<16x1xi32> to vector<16xi32>
        %gather3A_1212 = tpu.dynamic_gather %select_n3A_1189[%gather3A_1211] in [0] : vector<16xi32>, vector<16xi32> -> vector<16xi32>
        %gt3A_1213 = arith.cmpf ogt, %gather3A_1202, %select_n3A_1188 : vector<16xf32>
        %eq3A_1214 = arith.cmpf oeq, %gather3A_1202, %select_n3A_1188 : vector<16xf32>
        %lt3A_1215 = arith.cmpi slt, %gather3A_1212, %select_n3A_1189 : vector<16xi32>
        %and3A_1216 = arith.andi %eq3A_1214, %lt3A_1215 : vector<16xi1>
        %or3A_1217 = arith.ori %gt3A_1213, %and3A_1216 : vector<16xi1>
        %select_n3A_1218 = arith.select %or3A_1217, %gather3A_1202, %select_n3A_1188 : vector<16xi1>, vector<16xf32>
        %select_n3A_1219 = arith.select %or3A_1217, %gather3A_1212, %select_n3A_1189 : vector<16xi1>, vector<16xi32>
        %xor3A_1220 = arith.constant 1 : i32
        %xor3A_1221 = vector.broadcast %xor3A_1220 : i32 to vector<16xi32>
        %xor3A_1222 = arith.xori %iota3A, %xor3A_1221 : vector<16xi32>
        %lt3A_1223 = arith.constant 0 : i32
        %lt3A_1224 = vector.broadcast %lt3A_1223 : i32 to vector<16xi32>
        %lt3A_1225 = arith.cmpi slt, %xor3A_1222, %lt3A_1224 : vector<16xi32>
        %add3A_1226 = arith.constant 16 : i32
        %add3A_1227 = vector.broadcast %add3A_1226 : i32 to vector<16xi32>
        %add3A_1228 = arith.addi %xor3A_1222, %add3A_1227 : vector<16xi32>
        %select_n3A_1229 = arith.select %lt3A_1225, %add3A_1228, %xor3A_1222 : vector<16xi1>, vector<16xi32>
        %broadcast_in_dim3A_1230 = vector.shape_cast %select_n3A_1229 : vector<16xi32> to vector<16x1xi32>
        %gather3A_1231 = vector.shape_cast %broadcast_in_dim3A_1230 : vector<16x1xi32> to vector<16xi32>
        %gather3A_1232 = tpu.dynamic_gather %select_n3A_1218[%gather3A_1231] in [0] : vector<16xf32>, vector<16xi32> -> vector<16xf32>
        %lt3A_1233 = arith.constant 0 : i32
        %lt3A_1234 = vector.broadcast %lt3A_1233 : i32 to vector<16xi32>
        %lt3A_1235 = arith.cmpi slt, %xor3A_1222, %lt3A_1234 : vector<16xi32>
        %add3A_1236 = arith.constant 16 : i32
        %add3A_1237 = vector.broadcast %add3A_1236 : i32 to vector<16xi32>
        %add3A_1238 = arith.addi %xor3A_1222, %add3A_1237 : vector<16xi32>
        %select_n3A_1239 = arith.select %lt3A_1235, %add3A_1238, %xor3A_1222 : vector<16xi1>, vector<16xi32>
        %broadcast_in_dim3A_1240 = vector.shape_cast %select_n3A_1239 : vector<16xi32> to vector<16x1xi32>
        %gather3A_1241 = vector.shape_cast %broadcast_in_dim3A_1240 : vector<16x1xi32> to vector<16xi32>
        %gather3A_1242 = tpu.dynamic_gather %select_n3A_1219[%gather3A_1241] in [0] : vector<16xi32>, vector<16xi32> -> vector<16xi32>
        %gt3A_1243 = arith.cmpf ogt, %gather3A_1232, %select_n3A_1218 : vector<16xf32>
        %eq3A_1244 = arith.cmpf oeq, %gather3A_1232, %select_n3A_1218 : vector<16xf32>
        %lt3A_1245 = arith.cmpi slt, %gather3A_1242, %select_n3A_1219 : vector<16xi32>
        %and3A_1246 = arith.andi %eq3A_1244, %lt3A_1245 : vector<16xi1>
        %or3A_1247 = arith.ori %gt3A_1243, %and3A_1246 : vector<16xi1>
        %select_n3A_1248 = arith.select %or3A_1247, %gather3A_1232, %select_n3A_1218 : vector<16xi1>, vector<16xf32>
        %select_n3A_1249 = arith.select %or3A_1247, %gather3A_1242, %select_n3A_1219 : vector<16xi1>, vector<16xi32>
        %eq3A_1250 = arith.constant 4 : i32
        %eq3A_1251 = vector.broadcast %eq3A_1250 : i32 to vector<16xi32>
        %eq3A_1252 = arith.cmpi eq, %iota3A, %eq3A_1251 : vector<16xi32>
        %select_n3A_1253 = arith.select %eq3A_1252, %select_n3A_1249, %select_n3A_1005 : vector<16xi1>, vector<16xi32>
        %mul3A_1254 = arith.constant 16 : i32
        %mul3A_1255 = arith.muli %scan3A_22, %mul3A_1254 : i32
        %add3A_1256 = arith.constant 5 : i32
        %add3A_1257 = arith.addi %mul3A_1255, %add3A_1256 : i32
        %broadcast_in_dim3A_1258 = arith.constant 0xFF800000 : f32
        %broadcast_in_dim3A_1259 = vector.broadcast %broadcast_in_dim3A_1258 : f32 to vector<16xf32>
        %broadcast_in_dim3A_1260 = arith.constant 0 : i32
        %broadcast_in_dim3A_1261 = vector.broadcast %broadcast_in_dim3A_1260 : i32 to vector<16xi32>
        %get3A_1262 = arith.index_cast %add3A_1257 : i32 to index
        %get3A_1263 = arith.constant 0 : index
        %get3A_1264 = tpu.vector_load %arg7[%get3A_1262, %get3A_1263] {strides = array<i32>} : memref<128x128xf32, #tpu.memory_space<vmem>>, vector<1x16xf32>,
        %get3A_1265 = vector.shape_cast %get3A_1264 : vector<1x16xf32> to vector<16xf32>
        %get3A_1266 = arith.index_cast %add3A_1257 : i32 to index
        %get3A_1267 = arith.constant 0 : index
        %get3A_1268 = tpu.vector_load %arg8[%get3A_1266, %get3A_1267] {strides = array<i32>} : memref<128x128xf32, #tpu.memory_space<vmem>>, vector<1x16xf32>,
        %get3A_1269 = vector.shape_cast %get3A_1268 : vector<1x16xf32> to vector<16xf32>
        %mul3A_1270 = arith.mulf %get3A_1265, %get3A_1269 : vector<16xf32>
        %gt3A_1271 = arith.cmpf ogt, %mul3A_1270, %broadcast_in_dim3A_1259 : vector<16xf32>
        %select_n3A_1272 = arith.select %gt3A_1271, %mul3A_1270, %broadcast_in_dim3A_1259 : vector<16xi1>, vector<16xf32>
        %jit3A_1273 = arith.constant 0 : i32
        %broadcast_in_dim3A_1274 = vector.broadcast %jit3A_1273 : i32 to vector<16xi32>
        %select_n3A_1275 = arith.select %gt3A_1271, %broadcast_in_dim3A_1274, %broadcast_in_dim3A_1261 : vector<16xi1>, vector<16xi32>
        %get3A_1276 = arith.index_cast %add3A_1257 : i32 to index
        %get3A_1277 = arith.constant 16 : index
        %get3A_1278 = tpu.vector_load %arg7[%get3A_1276, %get3A_1277] {strides = array<i32>} : memref<128x128xf32, #tpu.memory_space<vmem>>, vector<1x16xf32>,
        %get3A_1279 = vector.shape_cast %get3A_1278 : vector<1x16xf32> to vector<16xf32>
        %get3A_1280 = arith.index_cast %add3A_1257 : i32 to index
        %get3A_1281 = arith.constant 16 : index
        %get3A_1282 = tpu.vector_load %arg8[%get3A_1280, %get3A_1281] {strides = array<i32>} : memref<128x128xf32, #tpu.memory_space<vmem>>, vector<1x16xf32>,
        %get3A_1283 = vector.shape_cast %get3A_1282 : vector<1x16xf32> to vector<16xf32>
        %mul3A_1284 = arith.mulf %get3A_1279, %get3A_1283 : vector<16xf32>
        %gt3A_1285 = arith.cmpf ogt, %mul3A_1284, %select_n3A_1272 : vector<16xf32>
        %select_n3A_1286 = arith.select %gt3A_1285, %mul3A_1284, %select_n3A_1272 : vector<16xi1>, vector<16xf32>
        %jit3A_1287 = arith.constant 1 : i32
        %broadcast_in_dim3A_1288 = vector.broadcast %jit3A_1287 : i32 to vector<16xi32>
        %select_n3A_1289 = arith.select %gt3A_1285, %broadcast_in_dim3A_1288, %select_n3A_1275 : vector<16xi1>, vector<16xi32>
        %get3A_1290 = arith.index_cast %add3A_1257 : i32 to index
        %get3A_1291 = arith.constant 32 : index
        %get3A_1292 = tpu.vector_load %arg7[%get3A_1290, %get3A_1291] {strides = array<i32>} : memref<128x128xf32, #tpu.memory_space<vmem>>, vector<1x16xf32>,
        %get3A_1293 = vector.shape_cast %get3A_1292 : vector<1x16xf32> to vector<16xf32>
        %get3A_1294 = arith.index_cast %add3A_1257 : i32 to index
        %get3A_1295 = arith.constant 32 : index
        %get3A_1296 = tpu.vector_load %arg8[%get3A_1294, %get3A_1295] {strides = array<i32>} : memref<128x128xf32, #tpu.memory_space<vmem>>, vector<1x16xf32>,
        %get3A_1297 = vector.shape_cast %get3A_1296 : vector<1x16xf32> to vector<16xf32>
        %mul3A_1298 = arith.mulf %get3A_1293, %get3A_1297 : vector<16xf32>
        %gt3A_1299 = arith.cmpf ogt, %mul3A_1298, %select_n3A_1286 : vector<16xf32>
        %select_n3A_1300 = arith.select %gt3A_1299, %mul3A_1298, %select_n3A_1286 : vector<16xi1>, vector<16xf32>
        %jit3A_1301 = arith.constant 2 : i32
        %broadcast_in_dim3A_1302 = vector.broadcast %jit3A_1301 : i32 to vector<16xi32>
        %select_n3A_1303 = arith.select %gt3A_1299, %broadcast_in_dim3A_1302, %select_n3A_1289 : vector<16xi1>, vector<16xi32>
        %get3A_1304 = arith.index_cast %add3A_1257 : i32 to index
        %get3A_1305 = arith.constant 48 : index
        %get3A_1306 = tpu.vector_load %arg7[%get3A_1304, %get3A_1305] {strides = array<i32>} : memref<128x128xf32, #tpu.memory_space<vmem>>, vector<1x16xf32>,
        %get3A_1307 = vector.shape_cast %get3A_1306 : vector<1x16xf32> to vector<16xf32>
        %get3A_1308 = arith.index_cast %add3A_1257 : i32 to index
        %get3A_1309 = arith.constant 48 : index
        %get3A_1310 = tpu.vector_load %arg8[%get3A_1308, %get3A_1309] {strides = array<i32>} : memref<128x128xf32, #tpu.memory_space<vmem>>, vector<1x16xf32>,
        %get3A_1311 = vector.shape_cast %get3A_1310 : vector<1x16xf32> to vector<16xf32>
        %mul3A_1312 = arith.mulf %get3A_1307, %get3A_1311 : vector<16xf32>
        %gt3A_1313 = arith.cmpf ogt, %mul3A_1312, %select_n3A_1300 : vector<16xf32>
        %select_n3A_1314 = arith.select %gt3A_1313, %mul3A_1312, %select_n3A_1300 : vector<16xi1>, vector<16xf32>
        %jit3A_1315 = arith.constant 3 : i32
        %broadcast_in_dim3A_1316 = vector.broadcast %jit3A_1315 : i32 to vector<16xi32>
        %select_n3A_1317 = arith.select %gt3A_1313, %broadcast_in_dim3A_1316, %select_n3A_1303 : vector<16xi1>, vector<16xi32>
        %get3A_1318 = arith.index_cast %add3A_1257 : i32 to index
        %get3A_1319 = arith.constant 64 : index
        %get3A_1320 = tpu.vector_load %arg7[%get3A_1318, %get3A_1319] {strides = array<i32>} : memref<128x128xf32, #tpu.memory_space<vmem>>, vector<1x16xf32>,
        %get3A_1321 = vector.shape_cast %get3A_1320 : vector<1x16xf32> to vector<16xf32>
        %get3A_1322 = arith.index_cast %add3A_1257 : i32 to index
        %get3A_1323 = arith.constant 64 : index
        %get3A_1324 = tpu.vector_load %arg8[%get3A_1322, %get3A_1323] {strides = array<i32>} : memref<128x128xf32, #tpu.memory_space<vmem>>, vector<1x16xf32>,
        %get3A_1325 = vector.shape_cast %get3A_1324 : vector<1x16xf32> to vector<16xf32>
        %mul3A_1326 = arith.mulf %get3A_1321, %get3A_1325 : vector<16xf32>
        %gt3A_1327 = arith.cmpf ogt, %mul3A_1326, %select_n3A_1314 : vector<16xf32>
        %select_n3A_1328 = arith.select %gt3A_1327, %mul3A_1326, %select_n3A_1314 : vector<16xi1>, vector<16xf32>
        %jit3A_1329 = arith.constant 4 : i32
        %broadcast_in_dim3A_1330 = vector.broadcast %jit3A_1329 : i32 to vector<16xi32>
        %select_n3A_1331 = arith.select %gt3A_1327, %broadcast_in_dim3A_1330, %select_n3A_1317 : vector<16xi1>, vector<16xi32>
        %get3A_1332 = arith.index_cast %add3A_1257 : i32 to index
        %get3A_1333 = arith.constant 80 : index
        %get3A_1334 = tpu.vector_load %arg7[%get3A_1332, %get3A_1333] {strides = array<i32>} : memref<128x128xf32, #tpu.memory_space<vmem>>, vector<1x16xf32>,
        %get3A_1335 = vector.shape_cast %get3A_1334 : vector<1x16xf32> to vector<16xf32>
        %get3A_1336 = arith.index_cast %add3A_1257 : i32 to index
        %get3A_1337 = arith.constant 80 : index
        %get3A_1338 = tpu.vector_load %arg8[%get3A_1336, %get3A_1337] {strides = array<i32>} : memref<128x128xf32, #tpu.memory_space<vmem>>, vector<1x16xf32>,
        %get3A_1339 = vector.shape_cast %get3A_1338 : vector<1x16xf32> to vector<16xf32>
        %mul3A_1340 = arith.mulf %get3A_1335, %get3A_1339 : vector<16xf32>
        %gt3A_1341 = arith.cmpf ogt, %mul3A_1340, %select_n3A_1328 : vector<16xf32>
        %select_n3A_1342 = arith.select %gt3A_1341, %mul3A_1340, %select_n3A_1328 : vector<16xi1>, vector<16xf32>
        %jit3A_1343 = arith.constant 5 : i32
        %broadcast_in_dim3A_1344 = vector.broadcast %jit3A_1343 : i32 to vector<16xi32>
        %select_n3A_1345 = arith.select %gt3A_1341, %broadcast_in_dim3A_1344, %select_n3A_1331 : vector<16xi1>, vector<16xi32>
        %get3A_1346 = arith.index_cast %add3A_1257 : i32 to index
        %get3A_1347 = arith.constant 96 : index
        %get3A_1348 = tpu.vector_load %arg7[%get3A_1346, %get3A_1347] {strides = array<i32>} : memref<128x128xf32, #tpu.memory_space<vmem>>, vector<1x16xf32>,
        %get3A_1349 = vector.shape_cast %get3A_1348 : vector<1x16xf32> to vector<16xf32>
        %get3A_1350 = arith.index_cast %add3A_1257 : i32 to index
        %get3A_1351 = arith.constant 96 : index
        %get3A_1352 = tpu.vector_load %arg8[%get3A_1350, %get3A_1351] {strides = array<i32>} : memref<128x128xf32, #tpu.memory_space<vmem>>, vector<1x16xf32>,
        %get3A_1353 = vector.shape_cast %get3A_1352 : vector<1x16xf32> to vector<16xf32>
        %mul3A_1354 = arith.mulf %get3A_1349, %get3A_1353 : vector<16xf32>
        %gt3A_1355 = arith.cmpf ogt, %mul3A_1354, %select_n3A_1342 : vector<16xf32>
        %select_n3A_1356 = arith.select %gt3A_1355, %mul3A_1354, %select_n3A_1342 : vector<16xi1>, vector<16xf32>
        %jit3A_1357 = arith.constant 6 : i32
        %broadcast_in_dim3A_1358 = vector.broadcast %jit3A_1357 : i32 to vector<16xi32>
        %select_n3A_1359 = arith.select %gt3A_1355, %broadcast_in_dim3A_1358, %select_n3A_1345 : vector<16xi1>, vector<16xi32>
        %get3A_1360 = arith.index_cast %add3A_1257 : i32 to index
        %get3A_1361 = arith.constant 112 : index
        %get3A_1362 = tpu.vector_load %arg7[%get3A_1360, %get3A_1361] {strides = array<i32>} : memref<128x128xf32, #tpu.memory_space<vmem>>, vector<1x16xf32>,
        %get3A_1363 = vector.shape_cast %get3A_1362 : vector<1x16xf32> to vector<16xf32>
        %get3A_1364 = arith.index_cast %add3A_1257 : i32 to index
        %get3A_1365 = arith.constant 112 : index
        %get3A_1366 = tpu.vector_load %arg8[%get3A_1364, %get3A_1365] {strides = array<i32>} : memref<128x128xf32, #tpu.memory_space<vmem>>, vector<1x16xf32>,
        %get3A_1367 = vector.shape_cast %get3A_1366 : vector<1x16xf32> to vector<16xf32>
        %mul3A_1368 = arith.mulf %get3A_1363, %get3A_1367 : vector<16xf32>
        %gt3A_1369 = arith.cmpf ogt, %mul3A_1368, %select_n3A_1356 : vector<16xf32>
        %select_n3A_1370 = arith.select %gt3A_1369, %mul3A_1368, %select_n3A_1356 : vector<16xi1>, vector<16xf32>
        %jit3A_1371 = arith.constant 7 : i32
        %broadcast_in_dim3A_1372 = vector.broadcast %jit3A_1371 : i32 to vector<16xi32>
        %select_n3A_1373 = arith.select %gt3A_1369, %broadcast_in_dim3A_1372, %select_n3A_1359 : vector<16xi1>, vector<16xi32>
        %mul3A_1374 = arith.constant 16 : i32
        %mul3A_1375 = vector.broadcast %mul3A_1374 : i32 to vector<16xi32>
        %mul3A_1376 = arith.muli %select_n3A_1373, %mul3A_1375 : vector<16xi32>
        %add3A_1377 = arith.addi %mul3A_1376, %iota3A : vector<16xi32>
        %xor3A_1378 = arith.constant 8 : i32
        %xor3A_1379 = vector.broadcast %xor3A_1378 : i32 to vector<16xi32>
        %xor3A_1380 = arith.xori %iota3A, %xor3A_1379 : vector<16xi32>
        %lt3A_1381 = arith.constant 0 : i32
        %lt3A_1382 = vector.broadcast %lt3A_1381 : i32 to vector<16xi32>
        %lt3A_1383 = arith.cmpi slt, %xor3A_1380, %lt3A_1382 : vector<16xi32>
        %add3A_1384 = arith.constant 16 : i32
        %add3A_1385 = vector.broadcast %add3A_1384 : i32 to vector<16xi32>
        %add3A_1386 = arith.addi %xor3A_1380, %add3A_1385 : vector<16xi32>
        %select_n3A_1387 = arith.select %lt3A_1383, %add3A_1386, %xor3A_1380 : vector<16xi1>, vector<16xi32>
        %broadcast_in_dim3A_1388 = vector.shape_cast %select_n3A_1387 : vector<16xi32> to vector<16x1xi32>
        %gather3A_1389 = vector.shape_cast %broadcast_in_dim3A_1388 : vector<16x1xi32> to vector<16xi32>
        %gather3A_1390 = tpu.dynamic_gather %select_n3A_1370[%gather3A_1389] in [0] : vector<16xf32>, vector<16xi32> -> vector<16xf32>
        %lt3A_1391 = arith.constant 0 : i32
        %lt3A_1392 = vector.broadcast %lt3A_1391 : i32 to vector<16xi32>
        %lt3A_1393 = arith.cmpi slt, %xor3A_1380, %lt3A_1392 : vector<16xi32>
        %add3A_1394 = arith.constant 16 : i32
        %add3A_1395 = vector.broadcast %add3A_1394 : i32 to vector<16xi32>
        %add3A_1396 = arith.addi %xor3A_1380, %add3A_1395 : vector<16xi32>
        %select_n3A_1397 = arith.select %lt3A_1393, %add3A_1396, %xor3A_1380 : vector<16xi1>, vector<16xi32>
        %broadcast_in_dim3A_1398 = vector.shape_cast %select_n3A_1397 : vector<16xi32> to vector<16x1xi32>
        %gather3A_1399 = vector.shape_cast %broadcast_in_dim3A_1398 : vector<16x1xi32> to vector<16xi32>
        %gather3A_1400 = tpu.dynamic_gather %add3A_1377[%gather3A_1399] in [0] : vector<16xi32>, vector<16xi32> -> vector<16xi32>
        %gt3A_1401 = arith.cmpf ogt, %gather3A_1390, %select_n3A_1370 : vector<16xf32>
        %eq3A_1402 = arith.cmpf oeq, %gather3A_1390, %select_n3A_1370 : vector<16xf32>
        %lt3A_1403 = arith.cmpi slt, %gather3A_1400, %add3A_1377 : vector<16xi32>
        %and3A_1404 = arith.andi %eq3A_1402, %lt3A_1403 : vector<16xi1>
        %or3A_1405 = arith.ori %gt3A_1401, %and3A_1404 : vector<16xi1>
        %select_n3A_1406 = arith.select %or3A_1405, %gather3A_1390, %select_n3A_1370 : vector<16xi1>, vector<16xf32>
        %select_n3A_1407 = arith.select %or3A_1405, %gather3A_1400, %add3A_1377 : vector<16xi1>, vector<16xi32>
        %xor3A_1408 = arith.constant 4 : i32
        %xor3A_1409 = vector.broadcast %xor3A_1408 : i32 to vector<16xi32>
        %xor3A_1410 = arith.xori %iota3A, %xor3A_1409 : vector<16xi32>
        %lt3A_1411 = arith.constant 0 : i32
        %lt3A_1412 = vector.broadcast %lt3A_1411 : i32 to vector<16xi32>
        %lt3A_1413 = arith.cmpi slt, %xor3A_1410, %lt3A_1412 : vector<16xi32>
        %add3A_1414 = arith.constant 16 : i32
        %add3A_1415 = vector.broadcast %add3A_1414 : i32 to vector<16xi32>
        %add3A_1416 = arith.addi %xor3A_1410, %add3A_1415 : vector<16xi32>
        %select_n3A_1417 = arith.select %lt3A_1413, %add3A_1416, %xor3A_1410 : vector<16xi1>, vector<16xi32>
        %broadcast_in_dim3A_1418 = vector.shape_cast %select_n3A_1417 : vector<16xi32> to vector<16x1xi32>
        %gather3A_1419 = vector.shape_cast %broadcast_in_dim3A_1418 : vector<16x1xi32> to vector<16xi32>
        %gather3A_1420 = tpu.dynamic_gather %select_n3A_1406[%gather3A_1419] in [0] : vector<16xf32>, vector<16xi32> -> vector<16xf32>
        %lt3A_1421 = arith.constant 0 : i32
        %lt3A_1422 = vector.broadcast %lt3A_1421 : i32 to vector<16xi32>
        %lt3A_1423 = arith.cmpi slt, %xor3A_1410, %lt3A_1422 : vector<16xi32>
        %add3A_1424 = arith.constant 16 : i32
        %add3A_1425 = vector.broadcast %add3A_1424 : i32 to vector<16xi32>
        %add3A_1426 = arith.addi %xor3A_1410, %add3A_1425 : vector<16xi32>
        %select_n3A_1427 = arith.select %lt3A_1423, %add3A_1426, %xor3A_1410 : vector<16xi1>, vector<16xi32>
        %broadcast_in_dim3A_1428 = vector.shape_cast %select_n3A_1427 : vector<16xi32> to vector<16x1xi32>
        %gather3A_1429 = vector.shape_cast %broadcast_in_dim3A_1428 : vector<16x1xi32> to vector<16xi32>
        %gather3A_1430 = tpu.dynamic_gather %select_n3A_1407[%gather3A_1429] in [0] : vector<16xi32>, vector<16xi32> -> vector<16xi32>
        %gt3A_1431 = arith.cmpf ogt, %gather3A_1420, %select_n3A_1406 : vector<16xf32>
        %eq3A_1432 = arith.cmpf oeq, %gather3A_1420, %select_n3A_1406 : vector<16xf32>
        %lt3A_1433 = arith.cmpi slt, %gather3A_1430, %select_n3A_1407 : vector<16xi32>
        %and3A_1434 = arith.andi %eq3A_1432, %lt3A_1433 : vector<16xi1>
        %or3A_1435 = arith.ori %gt3A_1431, %and3A_1434 : vector<16xi1>
        %select_n3A_1436 = arith.select %or3A_1435, %gather3A_1420, %select_n3A_1406 : vector<16xi1>, vector<16xf32>
        %select_n3A_1437 = arith.select %or3A_1435, %gather3A_1430, %select_n3A_1407 : vector<16xi1>, vector<16xi32>
        %xor3A_1438 = arith.constant 2 : i32
        %xor3A_1439 = vector.broadcast %xor3A_1438 : i32 to vector<16xi32>
        %xor3A_1440 = arith.xori %iota3A, %xor3A_1439 : vector<16xi32>
        %lt3A_1441 = arith.constant 0 : i32
        %lt3A_1442 = vector.broadcast %lt3A_1441 : i32 to vector<16xi32>
        %lt3A_1443 = arith.cmpi slt, %xor3A_1440, %lt3A_1442 : vector<16xi32>
        %add3A_1444 = arith.constant 16 : i32
        %add3A_1445 = vector.broadcast %add3A_1444 : i32 to vector<16xi32>
        %add3A_1446 = arith.addi %xor3A_1440, %add3A_1445 : vector<16xi32>
        %select_n3A_1447 = arith.select %lt3A_1443, %add3A_1446, %xor3A_1440 : vector<16xi1>, vector<16xi32>
        %broadcast_in_dim3A_1448 = vector.shape_cast %select_n3A_1447 : vector<16xi32> to vector<16x1xi32>
        %gather3A_1449 = vector.shape_cast %broadcast_in_dim3A_1448 : vector<16x1xi32> to vector<16xi32>
        %gather3A_1450 = tpu.dynamic_gather %select_n3A_1436[%gather3A_1449] in [0] : vector<16xf32>, vector<16xi32> -> vector<16xf32>
        %lt3A_1451 = arith.constant 0 : i32
        %lt3A_1452 = vector.broadcast %lt3A_1451 : i32 to vector<16xi32>
        %lt3A_1453 = arith.cmpi slt, %xor3A_1440, %lt3A_1452 : vector<16xi32>
        %add3A_1454 = arith.constant 16 : i32
        %add3A_1455 = vector.broadcast %add3A_1454 : i32 to vector<16xi32>
        %add3A_1456 = arith.addi %xor3A_1440, %add3A_1455 : vector<16xi32>
        %select_n3A_1457 = arith.select %lt3A_1453, %add3A_1456, %xor3A_1440 : vector<16xi1>, vector<16xi32>
        %broadcast_in_dim3A_1458 = vector.shape_cast %select_n3A_1457 : vector<16xi32> to vector<16x1xi32>
        %gather3A_1459 = vector.shape_cast %broadcast_in_dim3A_1458 : vector<16x1xi32> to vector<16xi32>
        %gather3A_1460 = tpu.dynamic_gather %select_n3A_1437[%gather3A_1459] in [0] : vector<16xi32>, vector<16xi32> -> vector<16xi32>
        %gt3A_1461 = arith.cmpf ogt, %gather3A_1450, %select_n3A_1436 : vector<16xf32>
        %eq3A_1462 = arith.cmpf oeq, %gather3A_1450, %select_n3A_1436 : vector<16xf32>
        %lt3A_1463 = arith.cmpi slt, %gather3A_1460, %select_n3A_1437 : vector<16xi32>
        %and3A_1464 = arith.andi %eq3A_1462, %lt3A_1463 : vector<16xi1>
        %or3A_1465 = arith.ori %gt3A_1461, %and3A_1464 : vector<16xi1>
        %select_n3A_1466 = arith.select %or3A_1465, %gather3A_1450, %select_n3A_1436 : vector<16xi1>, vector<16xf32>
        %select_n3A_1467 = arith.select %or3A_1465, %gather3A_1460, %select_n3A_1437 : vector<16xi1>, vector<16xi32>
        %xor3A_1468 = arith.constant 1 : i32
        %xor3A_1469 = vector.broadcast %xor3A_1468 : i32 to vector<16xi32>
        %xor3A_1470 = arith.xori %iota3A, %xor3A_1469 : vector<16xi32>
        %lt3A_1471 = arith.constant 0 : i32
        %lt3A_1472 = vector.broadcast %lt3A_1471 : i32 to vector<16xi32>
        %lt3A_1473 = arith.cmpi slt, %xor3A_1470, %lt3A_1472 : vector<16xi32>
        %add3A_1474 = arith.constant 16 : i32
        %add3A_1475 = vector.broadcast %add3A_1474 : i32 to vector<16xi32>
        %add3A_1476 = arith.addi %xor3A_1470, %add3A_1475 : vector<16xi32>
        %select_n3A_1477 = arith.select %lt3A_1473, %add3A_1476, %xor3A_1470 : vector<16xi1>, vector<16xi32>
        %broadcast_in_dim3A_1478 = vector.shape_cast %select_n3A_1477 : vector<16xi32> to vector<16x1xi32>
        %gather3A_1479 = vector.shape_cast %broadcast_in_dim3A_1478 : vector<16x1xi32> to vector<16xi32>
        %gather3A_1480 = tpu.dynamic_gather %select_n3A_1466[%gather3A_1479] in [0] : vector<16xf32>, vector<16xi32> -> vector<16xf32>
        %lt3A_1481 = arith.constant 0 : i32
        %lt3A_1482 = vector.broadcast %lt3A_1481 : i32 to vector<16xi32>
        %lt3A_1483 = arith.cmpi slt, %xor3A_1470, %lt3A_1482 : vector<16xi32>
        %add3A_1484 = arith.constant 16 : i32
        %add3A_1485 = vector.broadcast %add3A_1484 : i32 to vector<16xi32>
        %add3A_1486 = arith.addi %xor3A_1470, %add3A_1485 : vector<16xi32>
        %select_n3A_1487 = arith.select %lt3A_1483, %add3A_1486, %xor3A_1470 : vector<16xi1>, vector<16xi32>
        %broadcast_in_dim3A_1488 = vector.shape_cast %select_n3A_1487 : vector<16xi32> to vector<16x1xi32>
        %gather3A_1489 = vector.shape_cast %broadcast_in_dim3A_1488 : vector<16x1xi32> to vector<16xi32>
        %gather3A_1490 = tpu.dynamic_gather %select_n3A_1467[%gather3A_1489] in [0] : vector<16xi32>, vector<16xi32> -> vector<16xi32>
        %gt3A_1491 = arith.cmpf ogt, %gather3A_1480, %select_n3A_1466 : vector<16xf32>
        %eq3A_1492 = arith.cmpf oeq, %gather3A_1480, %select_n3A_1466 : vector<16xf32>
        %lt3A_1493 = arith.cmpi slt, %gather3A_1490, %select_n3A_1467 : vector<16xi32>
        %and3A_1494 = arith.andi %eq3A_1492, %lt3A_1493 : vector<16xi1>
        %or3A_1495 = arith.ori %gt3A_1491, %and3A_1494 : vector<16xi1>
        %select_n3A_1496 = arith.select %or3A_1495, %gather3A_1480, %select_n3A_1466 : vector<16xi1>, vector<16xf32>
        %select_n3A_1497 = arith.select %or3A_1495, %gather3A_1490, %select_n3A_1467 : vector<16xi1>, vector<16xi32>
        %eq3A_1498 = arith.constant 5 : i32
        %eq3A_1499 = vector.broadcast %eq3A_1498 : i32 to vector<16xi32>
        %eq3A_1500 = arith.cmpi eq, %iota3A, %eq3A_1499 : vector<16xi32>
        %select_n3A_1501 = arith.select %eq3A_1500, %select_n3A_1497, %select_n3A_1253 : vector<16xi1>, vector<16xi32>
        %mul3A_1502 = arith.constant 16 : i32
        %mul3A_1503 = arith.muli %scan3A_22, %mul3A_1502 : i32
        %add3A_1504 = arith.constant 6 : i32
        %add3A_1505 = arith.addi %mul3A_1503, %add3A_1504 : i32
        %broadcast_in_dim3A_1506 = arith.constant 0xFF800000 : f32
        %broadcast_in_dim3A_1507 = vector.broadcast %broadcast_in_dim3A_1506 : f32 to vector<16xf32>
        %broadcast_in_dim3A_1508 = arith.constant 0 : i32
        %broadcast_in_dim3A_1509 = vector.broadcast %broadcast_in_dim3A_1508 : i32 to vector<16xi32>
        %get3A_1510 = arith.index_cast %add3A_1505 : i32 to index
        %get3A_1511 = arith.constant 0 : index
        %get3A_1512 = tpu.vector_load %arg7[%get3A_1510, %get3A_1511] {strides = array<i32>} : memref<128x128xf32, #tpu.memory_space<vmem>>, vector<1x16xf32>,
        %get3A_1513 = vector.shape_cast %get3A_1512 : vector<1x16xf32> to vector<16xf32>
        %get3A_1514 = arith.index_cast %add3A_1505 : i32 to index
        %get3A_1515 = arith.constant 0 : index
        %get3A_1516 = tpu.vector_load %arg8[%get3A_1514, %get3A_1515] {strides = array<i32>} : memref<128x128xf32, #tpu.memory_space<vmem>>, vector<1x16xf32>,
        %get3A_1517 = vector.shape_cast %get3A_1516 : vector<1x16xf32> to vector<16xf32>
        %mul3A_1518 = arith.mulf %get3A_1513, %get3A_1517 : vector<16xf32>
        %gt3A_1519 = arith.cmpf ogt, %mul3A_1518, %broadcast_in_dim3A_1507 : vector<16xf32>
        %select_n3A_1520 = arith.select %gt3A_1519, %mul3A_1518, %broadcast_in_dim3A_1507 : vector<16xi1>, vector<16xf32>
        %jit3A_1521 = arith.constant 0 : i32
        %broadcast_in_dim3A_1522 = vector.broadcast %jit3A_1521 : i32 to vector<16xi32>
        %select_n3A_1523 = arith.select %gt3A_1519, %broadcast_in_dim3A_1522, %broadcast_in_dim3A_1509 : vector<16xi1>, vector<16xi32>
        %get3A_1524 = arith.index_cast %add3A_1505 : i32 to index
        %get3A_1525 = arith.constant 16 : index
        %get3A_1526 = tpu.vector_load %arg7[%get3A_1524, %get3A_1525] {strides = array<i32>} : memref<128x128xf32, #tpu.memory_space<vmem>>, vector<1x16xf32>,
        %get3A_1527 = vector.shape_cast %get3A_1526 : vector<1x16xf32> to vector<16xf32>
        %get3A_1528 = arith.index_cast %add3A_1505 : i32 to index
        %get3A_1529 = arith.constant 16 : index
        %get3A_1530 = tpu.vector_load %arg8[%get3A_1528, %get3A_1529] {strides = array<i32>} : memref<128x128xf32, #tpu.memory_space<vmem>>, vector<1x16xf32>,
        %get3A_1531 = vector.shape_cast %get3A_1530 : vector<1x16xf32> to vector<16xf32>
        %mul3A_1532 = arith.mulf %get3A_1527, %get3A_1531 : vector<16xf32>
        %gt3A_1533 = arith.cmpf ogt, %mul3A_1532, %select_n3A_1520 : vector<16xf32>
        %select_n3A_1534 = arith.select %gt3A_1533, %mul3A_1532, %select_n3A_1520 : vector<16xi1>, vector<16xf32>
        %jit3A_1535 = arith.constant 1 : i32
        %broadcast_in_dim3A_1536 = vector.broadcast %jit3A_1535 : i32 to vector<16xi32>
        %select_n3A_1537 = arith.select %gt3A_1533, %broadcast_in_dim3A_1536, %select_n3A_1523 : vector<16xi1>, vector<16xi32>
        %get3A_1538 = arith.index_cast %add3A_1505 : i32 to index
        %get3A_1539 = arith.constant 32 : index
        %get3A_1540 = tpu.vector_load %arg7[%get3A_1538, %get3A_1539] {strides = array<i32>} : memref<128x128xf32, #tpu.memory_space<vmem>>, vector<1x16xf32>,
        %get3A_1541 = vector.shape_cast %get3A_1540 : vector<1x16xf32> to vector<16xf32>
        %get3A_1542 = arith.index_cast %add3A_1505 : i32 to index
        %get3A_1543 = arith.constant 32 : index
        %get3A_1544 = tpu.vector_load %arg8[%get3A_1542, %get3A_1543] {strides = array<i32>} : memref<128x128xf32, #tpu.memory_space<vmem>>, vector<1x16xf32>,
        %get3A_1545 = vector.shape_cast %get3A_1544 : vector<1x16xf32> to vector<16xf32>
        %mul3A_1546 = arith.mulf %get3A_1541, %get3A_1545 : vector<16xf32>
        %gt3A_1547 = arith.cmpf ogt, %mul3A_1546, %select_n3A_1534 : vector<16xf32>
        %select_n3A_1548 = arith.select %gt3A_1547, %mul3A_1546, %select_n3A_1534 : vector<16xi1>, vector<16xf32>
        %jit3A_1549 = arith.constant 2 : i32
        %broadcast_in_dim3A_1550 = vector.broadcast %jit3A_1549 : i32 to vector<16xi32>
        %select_n3A_1551 = arith.select %gt3A_1547, %broadcast_in_dim3A_1550, %select_n3A_1537 : vector<16xi1>, vector<16xi32>
        %get3A_1552 = arith.index_cast %add3A_1505 : i32 to index
        %get3A_1553 = arith.constant 48 : index
        %get3A_1554 = tpu.vector_load %arg7[%get3A_1552, %get3A_1553] {strides = array<i32>} : memref<128x128xf32, #tpu.memory_space<vmem>>, vector<1x16xf32>,
        %get3A_1555 = vector.shape_cast %get3A_1554 : vector<1x16xf32> to vector<16xf32>
        %get3A_1556 = arith.index_cast %add3A_1505 : i32 to index
        %get3A_1557 = arith.constant 48 : index
        %get3A_1558 = tpu.vector_load %arg8[%get3A_1556, %get3A_1557] {strides = array<i32>} : memref<128x128xf32, #tpu.memory_space<vmem>>, vector<1x16xf32>,
        %get3A_1559 = vector.shape_cast %get3A_1558 : vector<1x16xf32> to vector<16xf32>
        %mul3A_1560 = arith.mulf %get3A_1555, %get3A_1559 : vector<16xf32>
        %gt3A_1561 = arith.cmpf ogt, %mul3A_1560, %select_n3A_1548 : vector<16xf32>
        %select_n3A_1562 = arith.select %gt3A_1561, %mul3A_1560, %select_n3A_1548 : vector<16xi1>, vector<16xf32>
        %jit3A_1563 = arith.constant 3 : i32
        %broadcast_in_dim3A_1564 = vector.broadcast %jit3A_1563 : i32 to vector<16xi32>
        %select_n3A_1565 = arith.select %gt3A_1561, %broadcast_in_dim3A_1564, %select_n3A_1551 : vector<16xi1>, vector<16xi32>
        %get3A_1566 = arith.index_cast %add3A_1505 : i32 to index
        %get3A_1567 = arith.constant 64 : index
        %get3A_1568 = tpu.vector_load %arg7[%get3A_1566, %get3A_1567] {strides = array<i32>} : memref<128x128xf32, #tpu.memory_space<vmem>>, vector<1x16xf32>,
        %get3A_1569 = vector.shape_cast %get3A_1568 : vector<1x16xf32> to vector<16xf32>
        %get3A_1570 = arith.index_cast %add3A_1505 : i32 to index
        %get3A_1571 = arith.constant 64 : index
        %get3A_1572 = tpu.vector_load %arg8[%get3A_1570, %get3A_1571] {strides = array<i32>} : memref<128x128xf32, #tpu.memory_space<vmem>>, vector<1x16xf32>,
        %get3A_1573 = vector.shape_cast %get3A_1572 : vector<1x16xf32> to vector<16xf32>
        %mul3A_1574 = arith.mulf %get3A_1569, %get3A_1573 : vector<16xf32>
        %gt3A_1575 = arith.cmpf ogt, %mul3A_1574, %select_n3A_1562 : vector<16xf32>
        %select_n3A_1576 = arith.select %gt3A_1575, %mul3A_1574, %select_n3A_1562 : vector<16xi1>, vector<16xf32>
        %jit3A_1577 = arith.constant 4 : i32
        %broadcast_in_dim3A_1578 = vector.broadcast %jit3A_1577 : i32 to vector<16xi32>
        %select_n3A_1579 = arith.select %gt3A_1575, %broadcast_in_dim3A_1578, %select_n3A_1565 : vector<16xi1>, vector<16xi32>
        %get3A_1580 = arith.index_cast %add3A_1505 : i32 to index
        %get3A_1581 = arith.constant 80 : index
        %get3A_1582 = tpu.vector_load %arg7[%get3A_1580, %get3A_1581] {strides = array<i32>} : memref<128x128xf32, #tpu.memory_space<vmem>>, vector<1x16xf32>,
        %get3A_1583 = vector.shape_cast %get3A_1582 : vector<1x16xf32> to vector<16xf32>
        %get3A_1584 = arith.index_cast %add3A_1505 : i32 to index
        %get3A_1585 = arith.constant 80 : index
        %get3A_1586 = tpu.vector_load %arg8[%get3A_1584, %get3A_1585] {strides = array<i32>} : memref<128x128xf32, #tpu.memory_space<vmem>>, vector<1x16xf32>,
        %get3A_1587 = vector.shape_cast %get3A_1586 : vector<1x16xf32> to vector<16xf32>
        %mul3A_1588 = arith.mulf %get3A_1583, %get3A_1587 : vector<16xf32>
        %gt3A_1589 = arith.cmpf ogt, %mul3A_1588, %select_n3A_1576 : vector<16xf32>
        %select_n3A_1590 = arith.select %gt3A_1589, %mul3A_1588, %select_n3A_1576 : vector<16xi1>, vector<16xf32>
        %jit3A_1591 = arith.constant 5 : i32
        %broadcast_in_dim3A_1592 = vector.broadcast %jit3A_1591 : i32 to vector<16xi32>
        %select_n3A_1593 = arith.select %gt3A_1589, %broadcast_in_dim3A_1592, %select_n3A_1579 : vector<16xi1>, vector<16xi32>
        %get3A_1594 = arith.index_cast %add3A_1505 : i32 to index
        %get3A_1595 = arith.constant 96 : index
        %get3A_1596 = tpu.vector_load %arg7[%get3A_1594, %get3A_1595] {strides = array<i32>} : memref<128x128xf32, #tpu.memory_space<vmem>>, vector<1x16xf32>,
        %get3A_1597 = vector.shape_cast %get3A_1596 : vector<1x16xf32> to vector<16xf32>
        %get3A_1598 = arith.index_cast %add3A_1505 : i32 to index
        %get3A_1599 = arith.constant 96 : index
        %get3A_1600 = tpu.vector_load %arg8[%get3A_1598, %get3A_1599] {strides = array<i32>} : memref<128x128xf32, #tpu.memory_space<vmem>>, vector<1x16xf32>,
        %get3A_1601 = vector.shape_cast %get3A_1600 : vector<1x16xf32> to vector<16xf32>
        %mul3A_1602 = arith.mulf %get3A_1597, %get3A_1601 : vector<16xf32>
        %gt3A_1603 = arith.cmpf ogt, %mul3A_1602, %select_n3A_1590 : vector<16xf32>
        %select_n3A_1604 = arith.select %gt3A_1603, %mul3A_1602, %select_n3A_1590 : vector<16xi1>, vector<16xf32>
        %jit3A_1605 = arith.constant 6 : i32
        %broadcast_in_dim3A_1606 = vector.broadcast %jit3A_1605 : i32 to vector<16xi32>
        %select_n3A_1607 = arith.select %gt3A_1603, %broadcast_in_dim3A_1606, %select_n3A_1593 : vector<16xi1>, vector<16xi32>
        %get3A_1608 = arith.index_cast %add3A_1505 : i32 to index
        %get3A_1609 = arith.constant 112 : index
        %get3A_1610 = tpu.vector_load %arg7[%get3A_1608, %get3A_1609] {strides = array<i32>} : memref<128x128xf32, #tpu.memory_space<vmem>>, vector<1x16xf32>,
        %get3A_1611 = vector.shape_cast %get3A_1610 : vector<1x16xf32> to vector<16xf32>
        %get3A_1612 = arith.index_cast %add3A_1505 : i32 to index
        %get3A_1613 = arith.constant 112 : index
        %get3A_1614 = tpu.vector_load %arg8[%get3A_1612, %get3A_1613] {strides = array<i32>} : memref<128x128xf32, #tpu.memory_space<vmem>>, vector<1x16xf32>,
        %get3A_1615 = vector.shape_cast %get3A_1614 : vector<1x16xf32> to vector<16xf32>
        %mul3A_1616 = arith.mulf %get3A_1611, %get3A_1615 : vector<16xf32>
        %gt3A_1617 = arith.cmpf ogt, %mul3A_1616, %select_n3A_1604 : vector<16xf32>
        %select_n3A_1618 = arith.select %gt3A_1617, %mul3A_1616, %select_n3A_1604 : vector<16xi1>, vector<16xf32>
        %jit3A_1619 = arith.constant 7 : i32
        %broadcast_in_dim3A_1620 = vector.broadcast %jit3A_1619 : i32 to vector<16xi32>
        %select_n3A_1621 = arith.select %gt3A_1617, %broadcast_in_dim3A_1620, %select_n3A_1607 : vector<16xi1>, vector<16xi32>
        %mul3A_1622 = arith.constant 16 : i32
        %mul3A_1623 = vector.broadcast %mul3A_1622 : i32 to vector<16xi32>
        %mul3A_1624 = arith.muli %select_n3A_1621, %mul3A_1623 : vector<16xi32>
        %add3A_1625 = arith.addi %mul3A_1624, %iota3A : vector<16xi32>
        %xor3A_1626 = arith.constant 8 : i32
        %xor3A_1627 = vector.broadcast %xor3A_1626 : i32 to vector<16xi32>
        %xor3A_1628 = arith.xori %iota3A, %xor3A_1627 : vector<16xi32>
        %lt3A_1629 = arith.constant 0 : i32
        %lt3A_1630 = vector.broadcast %lt3A_1629 : i32 to vector<16xi32>
        %lt3A_1631 = arith.cmpi slt, %xor3A_1628, %lt3A_1630 : vector<16xi32>
        %add3A_1632 = arith.constant 16 : i32
        %add3A_1633 = vector.broadcast %add3A_1632 : i32 to vector<16xi32>
        %add3A_1634 = arith.addi %xor3A_1628, %add3A_1633 : vector<16xi32>
        %select_n3A_1635 = arith.select %lt3A_1631, %add3A_1634, %xor3A_1628 : vector<16xi1>, vector<16xi32>
        %broadcast_in_dim3A_1636 = vector.shape_cast %select_n3A_1635 : vector<16xi32> to vector<16x1xi32>
        %gather3A_1637 = vector.shape_cast %broadcast_in_dim3A_1636 : vector<16x1xi32> to vector<16xi32>
        %gather3A_1638 = tpu.dynamic_gather %select_n3A_1618[%gather3A_1637] in [0] : vector<16xf32>, vector<16xi32> -> vector<16xf32>
        %lt3A_1639 = arith.constant 0 : i32
        %lt3A_1640 = vector.broadcast %lt3A_1639 : i32 to vector<16xi32>
        %lt3A_1641 = arith.cmpi slt, %xor3A_1628, %lt3A_1640 : vector<16xi32>
        %add3A_1642 = arith.constant 16 : i32
        %add3A_1643 = vector.broadcast %add3A_1642 : i32 to vector<16xi32>
        %add3A_1644 = arith.addi %xor3A_1628, %add3A_1643 : vector<16xi32>
        %select_n3A_1645 = arith.select %lt3A_1641, %add3A_1644, %xor3A_1628 : vector<16xi1>, vector<16xi32>
        %broadcast_in_dim3A_1646 = vector.shape_cast %select_n3A_1645 : vector<16xi32> to vector<16x1xi32>
        %gather3A_1647 = vector.shape_cast %broadcast_in_dim3A_1646 : vector<16x1xi32> to vector<16xi32>
        %gather3A_1648 = tpu.dynamic_gather %add3A_1625[%gather3A_1647] in [0] : vector<16xi32>, vector<16xi32> -> vector<16xi32>
        %gt3A_1649 = arith.cmpf ogt, %gather3A_1638, %select_n3A_1618 : vector<16xf32>
        %eq3A_1650 = arith.cmpf oeq, %gather3A_1638, %select_n3A_1618 : vector<16xf32>
        %lt3A_1651 = arith.cmpi slt, %gather3A_1648, %add3A_1625 : vector<16xi32>
        %and3A_1652 = arith.andi %eq3A_1650, %lt3A_1651 : vector<16xi1>
        %or3A_1653 = arith.ori %gt3A_1649, %and3A_1652 : vector<16xi1>
        %select_n3A_1654 = arith.select %or3A_1653, %gather3A_1638, %select_n3A_1618 : vector<16xi1>, vector<16xf32>
        %select_n3A_1655 = arith.select %or3A_1653, %gather3A_1648, %add3A_1625 : vector<16xi1>, vector<16xi32>
        %xor3A_1656 = arith.constant 4 : i32
        %xor3A_1657 = vector.broadcast %xor3A_1656 : i32 to vector<16xi32>
        %xor3A_1658 = arith.xori %iota3A, %xor3A_1657 : vector<16xi32>
        %lt3A_1659 = arith.constant 0 : i32
        %lt3A_1660 = vector.broadcast %lt3A_1659 : i32 to vector<16xi32>
        %lt3A_1661 = arith.cmpi slt, %xor3A_1658, %lt3A_1660 : vector<16xi32>
        %add3A_1662 = arith.constant 16 : i32
        %add3A_1663 = vector.broadcast %add3A_1662 : i32 to vector<16xi32>
        %add3A_1664 = arith.addi %xor3A_1658, %add3A_1663 : vector<16xi32>
        %select_n3A_1665 = arith.select %lt3A_1661, %add3A_1664, %xor3A_1658 : vector<16xi1>, vector<16xi32>
        %broadcast_in_dim3A_1666 = vector.shape_cast %select_n3A_1665 : vector<16xi32> to vector<16x1xi32>
        %gather3A_1667 = vector.shape_cast %broadcast_in_dim3A_1666 : vector<16x1xi32> to vector<16xi32>
        %gather3A_1668 = tpu.dynamic_gather %select_n3A_1654[%gather3A_1667] in [0] : vector<16xf32>, vector<16xi32> -> vector<16xf32>
        %lt3A_1669 = arith.constant 0 : i32
        %lt3A_1670 = vector.broadcast %lt3A_1669 : i32 to vector<16xi32>
        %lt3A_1671 = arith.cmpi slt, %xor3A_1658, %lt3A_1670 : vector<16xi32>
        %add3A_1672 = arith.constant 16 : i32
        %add3A_1673 = vector.broadcast %add3A_1672 : i32 to vector<16xi32>
        %add3A_1674 = arith.addi %xor3A_1658, %add3A_1673 : vector<16xi32>
        %select_n3A_1675 = arith.select %lt3A_1671, %add3A_1674, %xor3A_1658 : vector<16xi1>, vector<16xi32>
        %broadcast_in_dim3A_1676 = vector.shape_cast %select_n3A_1675 : vector<16xi32> to vector<16x1xi32>
        %gather3A_1677 = vector.shape_cast %broadcast_in_dim3A_1676 : vector<16x1xi32> to vector<16xi32>
        %gather3A_1678 = tpu.dynamic_gather %select_n3A_1655[%gather3A_1677] in [0] : vector<16xi32>, vector<16xi32> -> vector<16xi32>
        %gt3A_1679 = arith.cmpf ogt, %gather3A_1668, %select_n3A_1654 : vector<16xf32>
        %eq3A_1680 = arith.cmpf oeq, %gather3A_1668, %select_n3A_1654 : vector<16xf32>
        %lt3A_1681 = arith.cmpi slt, %gather3A_1678, %select_n3A_1655 : vector<16xi32>
        %and3A_1682 = arith.andi %eq3A_1680, %lt3A_1681 : vector<16xi1>
        %or3A_1683 = arith.ori %gt3A_1679, %and3A_1682 : vector<16xi1>
        %select_n3A_1684 = arith.select %or3A_1683, %gather3A_1668, %select_n3A_1654 : vector<16xi1>, vector<16xf32>
        %select_n3A_1685 = arith.select %or3A_1683, %gather3A_1678, %select_n3A_1655 : vector<16xi1>, vector<16xi32>
        %xor3A_1686 = arith.constant 2 : i32
        %xor3A_1687 = vector.broadcast %xor3A_1686 : i32 to vector<16xi32>
        %xor3A_1688 = arith.xori %iota3A, %xor3A_1687 : vector<16xi32>
        %lt3A_1689 = arith.constant 0 : i32
        %lt3A_1690 = vector.broadcast %lt3A_1689 : i32 to vector<16xi32>
        %lt3A_1691 = arith.cmpi slt, %xor3A_1688, %lt3A_1690 : vector<16xi32>
        %add3A_1692 = arith.constant 16 : i32
        %add3A_1693 = vector.broadcast %add3A_1692 : i32 to vector<16xi32>
        %add3A_1694 = arith.addi %xor3A_1688, %add3A_1693 : vector<16xi32>
        %select_n3A_1695 = arith.select %lt3A_1691, %add3A_1694, %xor3A_1688 : vector<16xi1>, vector<16xi32>
        %broadcast_in_dim3A_1696 = vector.shape_cast %select_n3A_1695 : vector<16xi32> to vector<16x1xi32>
        %gather3A_1697 = vector.shape_cast %broadcast_in_dim3A_1696 : vector<16x1xi32> to vector<16xi32>
        %gather3A_1698 = tpu.dynamic_gather %select_n3A_1684[%gather3A_1697] in [0] : vector<16xf32>, vector<16xi32> -> vector<16xf32>
        %lt3A_1699 = arith.constant 0 : i32
        %lt3A_1700 = vector.broadcast %lt3A_1699 : i32 to vector<16xi32>
        %lt3A_1701 = arith.cmpi slt, %xor3A_1688, %lt3A_1700 : vector<16xi32>
        %add3A_1702 = arith.constant 16 : i32
        %add3A_1703 = vector.broadcast %add3A_1702 : i32 to vector<16xi32>
        %add3A_1704 = arith.addi %xor3A_1688, %add3A_1703 : vector<16xi32>
        %select_n3A_1705 = arith.select %lt3A_1701, %add3A_1704, %xor3A_1688 : vector<16xi1>, vector<16xi32>
        %broadcast_in_dim3A_1706 = vector.shape_cast %select_n3A_1705 : vector<16xi32> to vector<16x1xi32>
        %gather3A_1707 = vector.shape_cast %broadcast_in_dim3A_1706 : vector<16x1xi32> to vector<16xi32>
        %gather3A_1708 = tpu.dynamic_gather %select_n3A_1685[%gather3A_1707] in [0] : vector<16xi32>, vector<16xi32> -> vector<16xi32>
        %gt3A_1709 = arith.cmpf ogt, %gather3A_1698, %select_n3A_1684 : vector<16xf32>
        %eq3A_1710 = arith.cmpf oeq, %gather3A_1698, %select_n3A_1684 : vector<16xf32>
        %lt3A_1711 = arith.cmpi slt, %gather3A_1708, %select_n3A_1685 : vector<16xi32>
        %and3A_1712 = arith.andi %eq3A_1710, %lt3A_1711 : vector<16xi1>
        %or3A_1713 = arith.ori %gt3A_1709, %and3A_1712 : vector<16xi1>
        %select_n3A_1714 = arith.select %or3A_1713, %gather3A_1698, %select_n3A_1684 : vector<16xi1>, vector<16xf32>
        %select_n3A_1715 = arith.select %or3A_1713, %gather3A_1708, %select_n3A_1685 : vector<16xi1>, vector<16xi32>
        %xor3A_1716 = arith.constant 1 : i32
        %xor3A_1717 = vector.broadcast %xor3A_1716 : i32 to vector<16xi32>
        %xor3A_1718 = arith.xori %iota3A, %xor3A_1717 : vector<16xi32>
        %lt3A_1719 = arith.constant 0 : i32
        %lt3A_1720 = vector.broadcast %lt3A_1719 : i32 to vector<16xi32>
        %lt3A_1721 = arith.cmpi slt, %xor3A_1718, %lt3A_1720 : vector<16xi32>
        %add3A_1722 = arith.constant 16 : i32
        %add3A_1723 = vector.broadcast %add3A_1722 : i32 to vector<16xi32>
        %add3A_1724 = arith.addi %xor3A_1718, %add3A_1723 : vector<16xi32>
        %select_n3A_1725 = arith.select %lt3A_1721, %add3A_1724, %xor3A_1718 : vector<16xi1>, vector<16xi32>
        %broadcast_in_dim3A_1726 = vector.shape_cast %select_n3A_1725 : vector<16xi32> to vector<16x1xi32>
        %gather3A_1727 = vector.shape_cast %broadcast_in_dim3A_1726 : vector<16x1xi32> to vector<16xi32>
        %gather3A_1728 = tpu.dynamic_gather %select_n3A_1714[%gather3A_1727] in [0] : vector<16xf32>, vector<16xi32> -> vector<16xf32>
        %lt3A_1729 = arith.constant 0 : i32
        %lt3A_1730 = vector.broadcast %lt3A_1729 : i32 to vector<16xi32>
        %lt3A_1731 = arith.cmpi slt, %xor3A_1718, %lt3A_1730 : vector<16xi32>
        %add3A_1732 = arith.constant 16 : i32
        %add3A_1733 = vector.broadcast %add3A_1732 : i32 to vector<16xi32>
        %add3A_1734 = arith.addi %xor3A_1718, %add3A_1733 : vector<16xi32>
        %select_n3A_1735 = arith.select %lt3A_1731, %add3A_1734, %xor3A_1718 : vector<16xi1>, vector<16xi32>
        %broadcast_in_dim3A_1736 = vector.shape_cast %select_n3A_1735 : vector<16xi32> to vector<16x1xi32>
        %gather3A_1737 = vector.shape_cast %broadcast_in_dim3A_1736 : vector<16x1xi32> to vector<16xi32>
        %gather3A_1738 = tpu.dynamic_gather %select_n3A_1715[%gather3A_1737] in [0] : vector<16xi32>, vector<16xi32> -> vector<16xi32>
        %gt3A_1739 = arith.cmpf ogt, %gather3A_1728, %select_n3A_1714 : vector<16xf32>
        %eq3A_1740 = arith.cmpf oeq, %gather3A_1728, %select_n3A_1714 : vector<16xf32>
        %lt3A_1741 = arith.cmpi slt, %gather3A_1738, %select_n3A_1715 : vector<16xi32>
        %and3A_1742 = arith.andi %eq3A_1740, %lt3A_1741 : vector<16xi1>
        %or3A_1743 = arith.ori %gt3A_1739, %and3A_1742 : vector<16xi1>
        %select_n3A_1744 = arith.select %or3A_1743, %gather3A_1728, %select_n3A_1714 : vector<16xi1>, vector<16xf32>
        %select_n3A_1745 = arith.select %or3A_1743, %gather3A_1738, %select_n3A_1715 : vector<16xi1>, vector<16xi32>
        %eq3A_1746 = arith.constant 6 : i32
        %eq3A_1747 = vector.broadcast %eq3A_1746 : i32 to vector<16xi32>
        %eq3A_1748 = arith.cmpi eq, %iota3A, %eq3A_1747 : vector<16xi32>
        %select_n3A_1749 = arith.select %eq3A_1748, %select_n3A_1745, %select_n3A_1501 : vector<16xi1>, vector<16xi32>
        %mul3A_1750 = arith.constant 16 : i32
        %mul3A_1751 = arith.muli %scan3A_22, %mul3A_1750 : i32
        %add3A_1752 = arith.constant 7 : i32
        %add3A_1753 = arith.addi %mul3A_1751, %add3A_1752 : i32
        %broadcast_in_dim3A_1754 = arith.constant 0xFF800000 : f32
        %broadcast_in_dim3A_1755 = vector.broadcast %broadcast_in_dim3A_1754 : f32 to vector<16xf32>
        %broadcast_in_dim3A_1756 = arith.constant 0 : i32
        %broadcast_in_dim3A_1757 = vector.broadcast %broadcast_in_dim3A_1756 : i32 to vector<16xi32>
        %get3A_1758 = arith.index_cast %add3A_1753 : i32 to index
        %get3A_1759 = arith.constant 0 : index
        %get3A_1760 = tpu.vector_load %arg7[%get3A_1758, %get3A_1759] {strides = array<i32>} : memref<128x128xf32, #tpu.memory_space<vmem>>, vector<1x16xf32>,
        %get3A_1761 = vector.shape_cast %get3A_1760 : vector<1x16xf32> to vector<16xf32>
        %get3A_1762 = arith.index_cast %add3A_1753 : i32 to index
        %get3A_1763 = arith.constant 0 : index
        %get3A_1764 = tpu.vector_load %arg8[%get3A_1762, %get3A_1763] {strides = array<i32>} : memref<128x128xf32, #tpu.memory_space<vmem>>, vector<1x16xf32>,
        %get3A_1765 = vector.shape_cast %get3A_1764 : vector<1x16xf32> to vector<16xf32>
        %mul3A_1766 = arith.mulf %get3A_1761, %get3A_1765 : vector<16xf32>
        %gt3A_1767 = arith.cmpf ogt, %mul3A_1766, %broadcast_in_dim3A_1755 : vector<16xf32>
        %select_n3A_1768 = arith.select %gt3A_1767, %mul3A_1766, %broadcast_in_dim3A_1755 : vector<16xi1>, vector<16xf32>
        %jit3A_1769 = arith.constant 0 : i32
        %broadcast_in_dim3A_1770 = vector.broadcast %jit3A_1769 : i32 to vector<16xi32>
        %select_n3A_1771 = arith.select %gt3A_1767, %broadcast_in_dim3A_1770, %broadcast_in_dim3A_1757 : vector<16xi1>, vector<16xi32>
        %get3A_1772 = arith.index_cast %add3A_1753 : i32 to index
        %get3A_1773 = arith.constant 16 : index
        %get3A_1774 = tpu.vector_load %arg7[%get3A_1772, %get3A_1773] {strides = array<i32>} : memref<128x128xf32, #tpu.memory_space<vmem>>, vector<1x16xf32>,
        %get3A_1775 = vector.shape_cast %get3A_1774 : vector<1x16xf32> to vector<16xf32>
        %get3A_1776 = arith.index_cast %add3A_1753 : i32 to index
        %get3A_1777 = arith.constant 16 : index
        %get3A_1778 = tpu.vector_load %arg8[%get3A_1776, %get3A_1777] {strides = array<i32>} : memref<128x128xf32, #tpu.memory_space<vmem>>, vector<1x16xf32>,
        %get3A_1779 = vector.shape_cast %get3A_1778 : vector<1x16xf32> to vector<16xf32>
        %mul3A_1780 = arith.mulf %get3A_1775, %get3A_1779 : vector<16xf32>
        %gt3A_1781 = arith.cmpf ogt, %mul3A_1780, %select_n3A_1768 : vector<16xf32>
        %select_n3A_1782 = arith.select %gt3A_1781, %mul3A_1780, %select_n3A_1768 : vector<16xi1>, vector<16xf32>
        %jit3A_1783 = arith.constant 1 : i32
        %broadcast_in_dim3A_1784 = vector.broadcast %jit3A_1783 : i32 to vector<16xi32>
        %select_n3A_1785 = arith.select %gt3A_1781, %broadcast_in_dim3A_1784, %select_n3A_1771 : vector<16xi1>, vector<16xi32>
        %get3A_1786 = arith.index_cast %add3A_1753 : i32 to index
        %get3A_1787 = arith.constant 32 : index
        %get3A_1788 = tpu.vector_load %arg7[%get3A_1786, %get3A_1787] {strides = array<i32>} : memref<128x128xf32, #tpu.memory_space<vmem>>, vector<1x16xf32>,
        %get3A_1789 = vector.shape_cast %get3A_1788 : vector<1x16xf32> to vector<16xf32>
        %get3A_1790 = arith.index_cast %add3A_1753 : i32 to index
        %get3A_1791 = arith.constant 32 : index
        %get3A_1792 = tpu.vector_load %arg8[%get3A_1790, %get3A_1791] {strides = array<i32>} : memref<128x128xf32, #tpu.memory_space<vmem>>, vector<1x16xf32>,
        %get3A_1793 = vector.shape_cast %get3A_1792 : vector<1x16xf32> to vector<16xf32>
        %mul3A_1794 = arith.mulf %get3A_1789, %get3A_1793 : vector<16xf32>
        %gt3A_1795 = arith.cmpf ogt, %mul3A_1794, %select_n3A_1782 : vector<16xf32>
        %select_n3A_1796 = arith.select %gt3A_1795, %mul3A_1794, %select_n3A_1782 : vector<16xi1>, vector<16xf32>
        %jit3A_1797 = arith.constant 2 : i32
        %broadcast_in_dim3A_1798 = vector.broadcast %jit3A_1797 : i32 to vector<16xi32>
        %select_n3A_1799 = arith.select %gt3A_1795, %broadcast_in_dim3A_1798, %select_n3A_1785 : vector<16xi1>, vector<16xi32>
        %get3A_1800 = arith.index_cast %add3A_1753 : i32 to index
        %get3A_1801 = arith.constant 48 : index
        %get3A_1802 = tpu.vector_load %arg7[%get3A_1800, %get3A_1801] {strides = array<i32>} : memref<128x128xf32, #tpu.memory_space<vmem>>, vector<1x16xf32>,
        %get3A_1803 = vector.shape_cast %get3A_1802 : vector<1x16xf32> to vector<16xf32>
        %get3A_1804 = arith.index_cast %add3A_1753 : i32 to index
        %get3A_1805 = arith.constant 48 : index
        %get3A_1806 = tpu.vector_load %arg8[%get3A_1804, %get3A_1805] {strides = array<i32>} : memref<128x128xf32, #tpu.memory_space<vmem>>, vector<1x16xf32>,
        %get3A_1807 = vector.shape_cast %get3A_1806 : vector<1x16xf32> to vector<16xf32>
        %mul3A_1808 = arith.mulf %get3A_1803, %get3A_1807 : vector<16xf32>
        %gt3A_1809 = arith.cmpf ogt, %mul3A_1808, %select_n3A_1796 : vector<16xf32>
        %select_n3A_1810 = arith.select %gt3A_1809, %mul3A_1808, %select_n3A_1796 : vector<16xi1>, vector<16xf32>
        %jit3A_1811 = arith.constant 3 : i32
        %broadcast_in_dim3A_1812 = vector.broadcast %jit3A_1811 : i32 to vector<16xi32>
        %select_n3A_1813 = arith.select %gt3A_1809, %broadcast_in_dim3A_1812, %select_n3A_1799 : vector<16xi1>, vector<16xi32>
        %get3A_1814 = arith.index_cast %add3A_1753 : i32 to index
        %get3A_1815 = arith.constant 64 : index
        %get3A_1816 = tpu.vector_load %arg7[%get3A_1814, %get3A_1815] {strides = array<i32>} : memref<128x128xf32, #tpu.memory_space<vmem>>, vector<1x16xf32>,
        %get3A_1817 = vector.shape_cast %get3A_1816 : vector<1x16xf32> to vector<16xf32>
        %get3A_1818 = arith.index_cast %add3A_1753 : i32 to index
        %get3A_1819 = arith.constant 64 : index
        %get3A_1820 = tpu.vector_load %arg8[%get3A_1818, %get3A_1819] {strides = array<i32>} : memref<128x128xf32, #tpu.memory_space<vmem>>, vector<1x16xf32>,
        %get3A_1821 = vector.shape_cast %get3A_1820 : vector<1x16xf32> to vector<16xf32>
        %mul3A_1822 = arith.mulf %get3A_1817, %get3A_1821 : vector<16xf32>
        %gt3A_1823 = arith.cmpf ogt, %mul3A_1822, %select_n3A_1810 : vector<16xf32>
        %select_n3A_1824 = arith.select %gt3A_1823, %mul3A_1822, %select_n3A_1810 : vector<16xi1>, vector<16xf32>
        %jit3A_1825 = arith.constant 4 : i32
        %broadcast_in_dim3A_1826 = vector.broadcast %jit3A_1825 : i32 to vector<16xi32>
        %select_n3A_1827 = arith.select %gt3A_1823, %broadcast_in_dim3A_1826, %select_n3A_1813 : vector<16xi1>, vector<16xi32>
        %get3A_1828 = arith.index_cast %add3A_1753 : i32 to index
        %get3A_1829 = arith.constant 80 : index
        %get3A_1830 = tpu.vector_load %arg7[%get3A_1828, %get3A_1829] {strides = array<i32>} : memref<128x128xf32, #tpu.memory_space<vmem>>, vector<1x16xf32>,
        %get3A_1831 = vector.shape_cast %get3A_1830 : vector<1x16xf32> to vector<16xf32>
        %get3A_1832 = arith.index_cast %add3A_1753 : i32 to index
        %get3A_1833 = arith.constant 80 : index
        %get3A_1834 = tpu.vector_load %arg8[%get3A_1832, %get3A_1833] {strides = array<i32>} : memref<128x128xf32, #tpu.memory_space<vmem>>, vector<1x16xf32>,
        %get3A_1835 = vector.shape_cast %get3A_1834 : vector<1x16xf32> to vector<16xf32>
        %mul3A_1836 = arith.mulf %get3A_1831, %get3A_1835 : vector<16xf32>
        %gt3A_1837 = arith.cmpf ogt, %mul3A_1836, %select_n3A_1824 : vector<16xf32>
        %select_n3A_1838 = arith.select %gt3A_1837, %mul3A_1836, %select_n3A_1824 : vector<16xi1>, vector<16xf32>
        %jit3A_1839 = arith.constant 5 : i32
        %broadcast_in_dim3A_1840 = vector.broadcast %jit3A_1839 : i32 to vector<16xi32>
        %select_n3A_1841 = arith.select %gt3A_1837, %broadcast_in_dim3A_1840, %select_n3A_1827 : vector<16xi1>, vector<16xi32>
        %get3A_1842 = arith.index_cast %add3A_1753 : i32 to index
        %get3A_1843 = arith.constant 96 : index
        %get3A_1844 = tpu.vector_load %arg7[%get3A_1842, %get3A_1843] {strides = array<i32>} : memref<128x128xf32, #tpu.memory_space<vmem>>, vector<1x16xf32>,
        %get3A_1845 = vector.shape_cast %get3A_1844 : vector<1x16xf32> to vector<16xf32>
        %get3A_1846 = arith.index_cast %add3A_1753 : i32 to index
        %get3A_1847 = arith.constant 96 : index
        %get3A_1848 = tpu.vector_load %arg8[%get3A_1846, %get3A_1847] {strides = array<i32>} : memref<128x128xf32, #tpu.memory_space<vmem>>, vector<1x16xf32>,
        %get3A_1849 = vector.shape_cast %get3A_1848 : vector<1x16xf32> to vector<16xf32>
        %mul3A_1850 = arith.mulf %get3A_1845, %get3A_1849 : vector<16xf32>
        %gt3A_1851 = arith.cmpf ogt, %mul3A_1850, %select_n3A_1838 : vector<16xf32>
        %select_n3A_1852 = arith.select %gt3A_1851, %mul3A_1850, %select_n3A_1838 : vector<16xi1>, vector<16xf32>
        %jit3A_1853 = arith.constant 6 : i32
        %broadcast_in_dim3A_1854 = vector.broadcast %jit3A_1853 : i32 to vector<16xi32>
        %select_n3A_1855 = arith.select %gt3A_1851, %broadcast_in_dim3A_1854, %select_n3A_1841 : vector<16xi1>, vector<16xi32>
        %get3A_1856 = arith.index_cast %add3A_1753 : i32 to index
        %get3A_1857 = arith.constant 112 : index
        %get3A_1858 = tpu.vector_load %arg7[%get3A_1856, %get3A_1857] {strides = array<i32>} : memref<128x128xf32, #tpu.memory_space<vmem>>, vector<1x16xf32>,
        %get3A_1859 = vector.shape_cast %get3A_1858 : vector<1x16xf32> to vector<16xf32>
        %get3A_1860 = arith.index_cast %add3A_1753 : i32 to index
        %get3A_1861 = arith.constant 112 : index
        %get3A_1862 = tpu.vector_load %arg8[%get3A_1860, %get3A_1861] {strides = array<i32>} : memref<128x128xf32, #tpu.memory_space<vmem>>, vector<1x16xf32>,
        %get3A_1863 = vector.shape_cast %get3A_1862 : vector<1x16xf32> to vector<16xf32>
        %mul3A_1864 = arith.mulf %get3A_1859, %get3A_1863 : vector<16xf32>
        %gt3A_1865 = arith.cmpf ogt, %mul3A_1864, %select_n3A_1852 : vector<16xf32>
        %select_n3A_1866 = arith.select %gt3A_1865, %mul3A_1864, %select_n3A_1852 : vector<16xi1>, vector<16xf32>
        %jit3A_1867 = arith.constant 7 : i32
        %broadcast_in_dim3A_1868 = vector.broadcast %jit3A_1867 : i32 to vector<16xi32>
        %select_n3A_1869 = arith.select %gt3A_1865, %broadcast_in_dim3A_1868, %select_n3A_1855 : vector<16xi1>, vector<16xi32>
        %mul3A_1870 = arith.constant 16 : i32
        %mul3A_1871 = vector.broadcast %mul3A_1870 : i32 to vector<16xi32>
        %mul3A_1872 = arith.muli %select_n3A_1869, %mul3A_1871 : vector<16xi32>
        %add3A_1873 = arith.addi %mul3A_1872, %iota3A : vector<16xi32>
        %xor3A_1874 = arith.constant 8 : i32
        %xor3A_1875 = vector.broadcast %xor3A_1874 : i32 to vector<16xi32>
        %xor3A_1876 = arith.xori %iota3A, %xor3A_1875 : vector<16xi32>
        %lt3A_1877 = arith.constant 0 : i32
        %lt3A_1878 = vector.broadcast %lt3A_1877 : i32 to vector<16xi32>
        %lt3A_1879 = arith.cmpi slt, %xor3A_1876, %lt3A_1878 : vector<16xi32>
        %add3A_1880 = arith.constant 16 : i32
        %add3A_1881 = vector.broadcast %add3A_1880 : i32 to vector<16xi32>
        %add3A_1882 = arith.addi %xor3A_1876, %add3A_1881 : vector<16xi32>
        %select_n3A_1883 = arith.select %lt3A_1879, %add3A_1882, %xor3A_1876 : vector<16xi1>, vector<16xi32>
        %broadcast_in_dim3A_1884 = vector.shape_cast %select_n3A_1883 : vector<16xi32> to vector<16x1xi32>
        %gather3A_1885 = vector.shape_cast %broadcast_in_dim3A_1884 : vector<16x1xi32> to vector<16xi32>
        %gather3A_1886 = tpu.dynamic_gather %select_n3A_1866[%gather3A_1885] in [0] : vector<16xf32>, vector<16xi32> -> vector<16xf32>
        %lt3A_1887 = arith.constant 0 : i32
        %lt3A_1888 = vector.broadcast %lt3A_1887 : i32 to vector<16xi32>
        %lt3A_1889 = arith.cmpi slt, %xor3A_1876, %lt3A_1888 : vector<16xi32>
        %add3A_1890 = arith.constant 16 : i32
        %add3A_1891 = vector.broadcast %add3A_1890 : i32 to vector<16xi32>
        %add3A_1892 = arith.addi %xor3A_1876, %add3A_1891 : vector<16xi32>
        %select_n3A_1893 = arith.select %lt3A_1889, %add3A_1892, %xor3A_1876 : vector<16xi1>, vector<16xi32>
        %broadcast_in_dim3A_1894 = vector.shape_cast %select_n3A_1893 : vector<16xi32> to vector<16x1xi32>
        %gather3A_1895 = vector.shape_cast %broadcast_in_dim3A_1894 : vector<16x1xi32> to vector<16xi32>
        %gather3A_1896 = tpu.dynamic_gather %add3A_1873[%gather3A_1895] in [0] : vector<16xi32>, vector<16xi32> -> vector<16xi32>
        %gt3A_1897 = arith.cmpf ogt, %gather3A_1886, %select_n3A_1866 : vector<16xf32>
        %eq3A_1898 = arith.cmpf oeq, %gather3A_1886, %select_n3A_1866 : vector<16xf32>
        %lt3A_1899 = arith.cmpi slt, %gather3A_1896, %add3A_1873 : vector<16xi32>
        %and3A_1900 = arith.andi %eq3A_1898, %lt3A_1899 : vector<16xi1>
        %or3A_1901 = arith.ori %gt3A_1897, %and3A_1900 : vector<16xi1>
        %select_n3A_1902 = arith.select %or3A_1901, %gather3A_1886, %select_n3A_1866 : vector<16xi1>, vector<16xf32>
        %select_n3A_1903 = arith.select %or3A_1901, %gather3A_1896, %add3A_1873 : vector<16xi1>, vector<16xi32>
        %xor3A_1904 = arith.constant 4 : i32
        %xor3A_1905 = vector.broadcast %xor3A_1904 : i32 to vector<16xi32>
        %xor3A_1906 = arith.xori %iota3A, %xor3A_1905 : vector<16xi32>
        %lt3A_1907 = arith.constant 0 : i32
        %lt3A_1908 = vector.broadcast %lt3A_1907 : i32 to vector<16xi32>
        %lt3A_1909 = arith.cmpi slt, %xor3A_1906, %lt3A_1908 : vector<16xi32>
        %add3A_1910 = arith.constant 16 : i32
        %add3A_1911 = vector.broadcast %add3A_1910 : i32 to vector<16xi32>
        %add3A_1912 = arith.addi %xor3A_1906, %add3A_1911 : vector<16xi32>
        %select_n3A_1913 = arith.select %lt3A_1909, %add3A_1912, %xor3A_1906 : vector<16xi1>, vector<16xi32>
        %broadcast_in_dim3A_1914 = vector.shape_cast %select_n3A_1913 : vector<16xi32> to vector<16x1xi32>
        %gather3A_1915 = vector.shape_cast %broadcast_in_dim3A_1914 : vector<16x1xi32> to vector<16xi32>
        %gather3A_1916 = tpu.dynamic_gather %select_n3A_1902[%gather3A_1915] in [0] : vector<16xf32>, vector<16xi32> -> vector<16xf32>
        %lt3A_1917 = arith.constant 0 : i32
        %lt3A_1918 = vector.broadcast %lt3A_1917 : i32 to vector<16xi32>
        %lt3A_1919 = arith.cmpi slt, %xor3A_1906, %lt3A_1918 : vector<16xi32>
        %add3A_1920 = arith.constant 16 : i32
        %add3A_1921 = vector.broadcast %add3A_1920 : i32 to vector<16xi32>
        %add3A_1922 = arith.addi %xor3A_1906, %add3A_1921 : vector<16xi32>
        %select_n3A_1923 = arith.select %lt3A_1919, %add3A_1922, %xor3A_1906 : vector<16xi1>, vector<16xi32>
        %broadcast_in_dim3A_1924 = vector.shape_cast %select_n3A_1923 : vector<16xi32> to vector<16x1xi32>
        %gather3A_1925 = vector.shape_cast %broadcast_in_dim3A_1924 : vector<16x1xi32> to vector<16xi32>
        %gather3A_1926 = tpu.dynamic_gather %select_n3A_1903[%gather3A_1925] in [0] : vector<16xi32>, vector<16xi32> -> vector<16xi32>
        %gt3A_1927 = arith.cmpf ogt, %gather3A_1916, %select_n3A_1902 : vector<16xf32>
        %eq3A_1928 = arith.cmpf oeq, %gather3A_1916, %select_n3A_1902 : vector<16xf32>
        %lt3A_1929 = arith.cmpi slt, %gather3A_1926, %select_n3A_1903 : vector<16xi32>
        %and3A_1930 = arith.andi %eq3A_1928, %lt3A_1929 : vector<16xi1>
        %or3A_1931 = arith.ori %gt3A_1927, %and3A_1930 : vector<16xi1>
        %select_n3A_1932 = arith.select %or3A_1931, %gather3A_1916, %select_n3A_1902 : vector<16xi1>, vector<16xf32>
        %select_n3A_1933 = arith.select %or3A_1931, %gather3A_1926, %select_n3A_1903 : vector<16xi1>, vector<16xi32>
        %xor3A_1934 = arith.constant 2 : i32
        %xor3A_1935 = vector.broadcast %xor3A_1934 : i32 to vector<16xi32>
        %xor3A_1936 = arith.xori %iota3A, %xor3A_1935 : vector<16xi32>
        %lt3A_1937 = arith.constant 0 : i32
        %lt3A_1938 = vector.broadcast %lt3A_1937 : i32 to vector<16xi32>
        %lt3A_1939 = arith.cmpi slt, %xor3A_1936, %lt3A_1938 : vector<16xi32>
        %add3A_1940 = arith.constant 16 : i32
        %add3A_1941 = vector.broadcast %add3A_1940 : i32 to vector<16xi32>
        %add3A_1942 = arith.addi %xor3A_1936, %add3A_1941 : vector<16xi32>
        %select_n3A_1943 = arith.select %lt3A_1939, %add3A_1942, %xor3A_1936 : vector<16xi1>, vector<16xi32>
        %broadcast_in_dim3A_1944 = vector.shape_cast %select_n3A_1943 : vector<16xi32> to vector<16x1xi32>
        %gather3A_1945 = vector.shape_cast %broadcast_in_dim3A_1944 : vector<16x1xi32> to vector<16xi32>
        %gather3A_1946 = tpu.dynamic_gather %select_n3A_1932[%gather3A_1945] in [0] : vector<16xf32>, vector<16xi32> -> vector<16xf32>
        %lt3A_1947 = arith.constant 0 : i32
        %lt3A_1948 = vector.broadcast %lt3A_1947 : i32 to vector<16xi32>
        %lt3A_1949 = arith.cmpi slt, %xor3A_1936, %lt3A_1948 : vector<16xi32>
        %add3A_1950 = arith.constant 16 : i32
        %add3A_1951 = vector.broadcast %add3A_1950 : i32 to vector<16xi32>
        %add3A_1952 = arith.addi %xor3A_1936, %add3A_1951 : vector<16xi32>
        %select_n3A_1953 = arith.select %lt3A_1949, %add3A_1952, %xor3A_1936 : vector<16xi1>, vector<16xi32>
        %broadcast_in_dim3A_1954 = vector.shape_cast %select_n3A_1953 : vector<16xi32> to vector<16x1xi32>
        %gather3A_1955 = vector.shape_cast %broadcast_in_dim3A_1954 : vector<16x1xi32> to vector<16xi32>
        %gather3A_1956 = tpu.dynamic_gather %select_n3A_1933[%gather3A_1955] in [0] : vector<16xi32>, vector<16xi32> -> vector<16xi32>
        %gt3A_1957 = arith.cmpf ogt, %gather3A_1946, %select_n3A_1932 : vector<16xf32>
        %eq3A_1958 = arith.cmpf oeq, %gather3A_1946, %select_n3A_1932 : vector<16xf32>
        %lt3A_1959 = arith.cmpi slt, %gather3A_1956, %select_n3A_1933 : vector<16xi32>
        %and3A_1960 = arith.andi %eq3A_1958, %lt3A_1959 : vector<16xi1>
        %or3A_1961 = arith.ori %gt3A_1957, %and3A_1960 : vector<16xi1>
        %select_n3A_1962 = arith.select %or3A_1961, %gather3A_1946, %select_n3A_1932 : vector<16xi1>, vector<16xf32>
        %select_n3A_1963 = arith.select %or3A_1961, %gather3A_1956, %select_n3A_1933 : vector<16xi1>, vector<16xi32>
        %xor3A_1964 = arith.constant 1 : i32
        %xor3A_1965 = vector.broadcast %xor3A_1964 : i32 to vector<16xi32>
        %xor3A_1966 = arith.xori %iota3A, %xor3A_1965 : vector<16xi32>
        %lt3A_1967 = arith.constant 0 : i32
        %lt3A_1968 = vector.broadcast %lt3A_1967 : i32 to vector<16xi32>
        %lt3A_1969 = arith.cmpi slt, %xor3A_1966, %lt3A_1968 : vector<16xi32>
        %add3A_1970 = arith.constant 16 : i32
        %add3A_1971 = vector.broadcast %add3A_1970 : i32 to vector<16xi32>
        %add3A_1972 = arith.addi %xor3A_1966, %add3A_1971 : vector<16xi32>
        %select_n3A_1973 = arith.select %lt3A_1969, %add3A_1972, %xor3A_1966 : vector<16xi1>, vector<16xi32>
        %broadcast_in_dim3A_1974 = vector.shape_cast %select_n3A_1973 : vector<16xi32> to vector<16x1xi32>
        %gather3A_1975 = vector.shape_cast %broadcast_in_dim3A_1974 : vector<16x1xi32> to vector<16xi32>
        %gather3A_1976 = tpu.dynamic_gather %select_n3A_1962[%gather3A_1975] in [0] : vector<16xf32>, vector<16xi32> -> vector<16xf32>
        %lt3A_1977 = arith.constant 0 : i32
        %lt3A_1978 = vector.broadcast %lt3A_1977 : i32 to vector<16xi32>
        %lt3A_1979 = arith.cmpi slt, %xor3A_1966, %lt3A_1978 : vector<16xi32>
        %add3A_1980 = arith.constant 16 : i32
        %add3A_1981 = vector.broadcast %add3A_1980 : i32 to vector<16xi32>
        %add3A_1982 = arith.addi %xor3A_1966, %add3A_1981 : vector<16xi32>
        %select_n3A_1983 = arith.select %lt3A_1979, %add3A_1982, %xor3A_1966 : vector<16xi1>, vector<16xi32>
        %broadcast_in_dim3A_1984 = vector.shape_cast %select_n3A_1983 : vector<16xi32> to vector<16x1xi32>
        %gather3A_1985 = vector.shape_cast %broadcast_in_dim3A_1984 : vector<16x1xi32> to vector<16xi32>
        %gather3A_1986 = tpu.dynamic_gather %select_n3A_1963[%gather3A_1985] in [0] : vector<16xi32>, vector<16xi32> -> vector<16xi32>
        %gt3A_1987 = arith.cmpf ogt, %gather3A_1976, %select_n3A_1962 : vector<16xf32>
        %eq3A_1988 = arith.cmpf oeq, %gather3A_1976, %select_n3A_1962 : vector<16xf32>
        %lt3A_1989 = arith.cmpi slt, %gather3A_1986, %select_n3A_1963 : vector<16xi32>
        %and3A_1990 = arith.andi %eq3A_1988, %lt3A_1989 : vector<16xi1>
        %or3A_1991 = arith.ori %gt3A_1987, %and3A_1990 : vector<16xi1>
        %select_n3A_1992 = arith.select %or3A_1991, %gather3A_1976, %select_n3A_1962 : vector<16xi1>, vector<16xf32>
        %select_n3A_1993 = arith.select %or3A_1991, %gather3A_1986, %select_n3A_1963 : vector<16xi1>, vector<16xi32>
        %eq3A_1994 = arith.constant 7 : i32
        %eq3A_1995 = vector.broadcast %eq3A_1994 : i32 to vector<16xi32>
        %eq3A_1996 = arith.cmpi eq, %iota3A, %eq3A_1995 : vector<16xi32>
        %select_n3A_1997 = arith.select %eq3A_1996, %select_n3A_1993, %select_n3A_1749 : vector<16xi1>, vector<16xi32>
        %mul3A_1998 = arith.constant 16 : i32
        %mul3A_1999 = arith.muli %scan3A_22, %mul3A_1998 : i32
        %add3A_2000 = arith.constant 8 : i32
        %add3A_2001 = arith.addi %mul3A_1999, %add3A_2000 : i32
        %broadcast_in_dim3A_2002 = arith.constant 0xFF800000 : f32
        %broadcast_in_dim3A_2003 = vector.broadcast %broadcast_in_dim3A_2002 : f32 to vector<16xf32>
        %broadcast_in_dim3A_2004 = arith.constant 0 : i32
        %broadcast_in_dim3A_2005 = vector.broadcast %broadcast_in_dim3A_2004 : i32 to vector<16xi32>
        %get3A_2006 = arith.index_cast %add3A_2001 : i32 to index
        %get3A_2007 = arith.constant 0 : index
        %get3A_2008 = tpu.vector_load %arg7[%get3A_2006, %get3A_2007] {strides = array<i32>} : memref<128x128xf32, #tpu.memory_space<vmem>>, vector<1x16xf32>,
        %get3A_2009 = vector.shape_cast %get3A_2008 : vector<1x16xf32> to vector<16xf32>
        %get3A_2010 = arith.index_cast %add3A_2001 : i32 to index
        %get3A_2011 = arith.constant 0 : index
        %get3A_2012 = tpu.vector_load %arg8[%get3A_2010, %get3A_2011] {strides = array<i32>} : memref<128x128xf32, #tpu.memory_space<vmem>>, vector<1x16xf32>,
        %get3A_2013 = vector.shape_cast %get3A_2012 : vector<1x16xf32> to vector<16xf32>
        %mul3A_2014 = arith.mulf %get3A_2009, %get3A_2013 : vector<16xf32>
        %gt3A_2015 = arith.cmpf ogt, %mul3A_2014, %broadcast_in_dim3A_2003 : vector<16xf32>
        %select_n3A_2016 = arith.select %gt3A_2015, %mul3A_2014, %broadcast_in_dim3A_2003 : vector<16xi1>, vector<16xf32>
        %jit3A_2017 = arith.constant 0 : i32
        %broadcast_in_dim3A_2018 = vector.broadcast %jit3A_2017 : i32 to vector<16xi32>
        %select_n3A_2019 = arith.select %gt3A_2015, %broadcast_in_dim3A_2018, %broadcast_in_dim3A_2005 : vector<16xi1>, vector<16xi32>
        %get3A_2020 = arith.index_cast %add3A_2001 : i32 to index
        %get3A_2021 = arith.constant 16 : index
        %get3A_2022 = tpu.vector_load %arg7[%get3A_2020, %get3A_2021] {strides = array<i32>} : memref<128x128xf32, #tpu.memory_space<vmem>>, vector<1x16xf32>,
        %get3A_2023 = vector.shape_cast %get3A_2022 : vector<1x16xf32> to vector<16xf32>
        %get3A_2024 = arith.index_cast %add3A_2001 : i32 to index
        %get3A_2025 = arith.constant 16 : index
        %get3A_2026 = tpu.vector_load %arg8[%get3A_2024, %get3A_2025] {strides = array<i32>} : memref<128x128xf32, #tpu.memory_space<vmem>>, vector<1x16xf32>,
        %get3A_2027 = vector.shape_cast %get3A_2026 : vector<1x16xf32> to vector<16xf32>
        %mul3A_2028 = arith.mulf %get3A_2023, %get3A_2027 : vector<16xf32>
        %gt3A_2029 = arith.cmpf ogt, %mul3A_2028, %select_n3A_2016 : vector<16xf32>
        %select_n3A_2030 = arith.select %gt3A_2029, %mul3A_2028, %select_n3A_2016 : vector<16xi1>, vector<16xf32>
        %jit3A_2031 = arith.constant 1 : i32
        %broadcast_in_dim3A_2032 = vector.broadcast %jit3A_2031 : i32 to vector<16xi32>
        %select_n3A_2033 = arith.select %gt3A_2029, %broadcast_in_dim3A_2032, %select_n3A_2019 : vector<16xi1>, vector<16xi32>
        %get3A_2034 = arith.index_cast %add3A_2001 : i32 to index
        %get3A_2035 = arith.constant 32 : index
        %get3A_2036 = tpu.vector_load %arg7[%get3A_2034, %get3A_2035] {strides = array<i32>} : memref<128x128xf32, #tpu.memory_space<vmem>>, vector<1x16xf32>,
        %get3A_2037 = vector.shape_cast %get3A_2036 : vector<1x16xf32> to vector<16xf32>
        %get3A_2038 = arith.index_cast %add3A_2001 : i32 to index
        %get3A_2039 = arith.constant 32 : index
        %get3A_2040 = tpu.vector_load %arg8[%get3A_2038, %get3A_2039] {strides = array<i32>} : memref<128x128xf32, #tpu.memory_space<vmem>>, vector<1x16xf32>,
        %get3A_2041 = vector.shape_cast %get3A_2040 : vector<1x16xf32> to vector<16xf32>
        %mul3A_2042 = arith.mulf %get3A_2037, %get3A_2041 : vector<16xf32>
        %gt3A_2043 = arith.cmpf ogt, %mul3A_2042, %select_n3A_2030 : vector<16xf32>
        %select_n3A_2044 = arith.select %gt3A_2043, %mul3A_2042, %select_n3A_2030 : vector<16xi1>, vector<16xf32>
        %jit3A_2045 = arith.constant 2 : i32
        %broadcast_in_dim3A_2046 = vector.broadcast %jit3A_2045 : i32 to vector<16xi32>
        %select_n3A_2047 = arith.select %gt3A_2043, %broadcast_in_dim3A_2046, %select_n3A_2033 : vector<16xi1>, vector<16xi32>
        %get3A_2048 = arith.index_cast %add3A_2001 : i32 to index
        %get3A_2049 = arith.constant 48 : index
        %get3A_2050 = tpu.vector_load %arg7[%get3A_2048, %get3A_2049] {strides = array<i32>} : memref<128x128xf32, #tpu.memory_space<vmem>>, vector<1x16xf32>,
        %get3A_2051 = vector.shape_cast %get3A_2050 : vector<1x16xf32> to vector<16xf32>
        %get3A_2052 = arith.index_cast %add3A_2001 : i32 to index
        %get3A_2053 = arith.constant 48 : index
        %get3A_2054 = tpu.vector_load %arg8[%get3A_2052, %get3A_2053] {strides = array<i32>} : memref<128x128xf32, #tpu.memory_space<vmem>>, vector<1x16xf32>,
        %get3A_2055 = vector.shape_cast %get3A_2054 : vector<1x16xf32> to vector<16xf32>
        %mul3A_2056 = arith.mulf %get3A_2051, %get3A_2055 : vector<16xf32>
        %gt3A_2057 = arith.cmpf ogt, %mul3A_2056, %select_n3A_2044 : vector<16xf32>
        %select_n3A_2058 = arith.select %gt3A_2057, %mul3A_2056, %select_n3A_2044 : vector<16xi1>, vector<16xf32>
        %jit3A_2059 = arith.constant 3 : i32
        %broadcast_in_dim3A_2060 = vector.broadcast %jit3A_2059 : i32 to vector<16xi32>
        %select_n3A_2061 = arith.select %gt3A_2057, %broadcast_in_dim3A_2060, %select_n3A_2047 : vector<16xi1>, vector<16xi32>
        %get3A_2062 = arith.index_cast %add3A_2001 : i32 to index
        %get3A_2063 = arith.constant 64 : index
        %get3A_2064 = tpu.vector_load %arg7[%get3A_2062, %get3A_2063] {strides = array<i32>} : memref<128x128xf32, #tpu.memory_space<vmem>>, vector<1x16xf32>,
        %get3A_2065 = vector.shape_cast %get3A_2064 : vector<1x16xf32> to vector<16xf32>
        %get3A_2066 = arith.index_cast %add3A_2001 : i32 to index
        %get3A_2067 = arith.constant 64 : index
        %get3A_2068 = tpu.vector_load %arg8[%get3A_2066, %get3A_2067] {strides = array<i32>} : memref<128x128xf32, #tpu.memory_space<vmem>>, vector<1x16xf32>,
        %get3A_2069 = vector.shape_cast %get3A_2068 : vector<1x16xf32> to vector<16xf32>
        %mul3A_2070 = arith.mulf %get3A_2065, %get3A_2069 : vector<16xf32>
        %gt3A_2071 = arith.cmpf ogt, %mul3A_2070, %select_n3A_2058 : vector<16xf32>
        %select_n3A_2072 = arith.select %gt3A_2071, %mul3A_2070, %select_n3A_2058 : vector<16xi1>, vector<16xf32>
        %jit3A_2073 = arith.constant 4 : i32
        %broadcast_in_dim3A_2074 = vector.broadcast %jit3A_2073 : i32 to vector<16xi32>
        %select_n3A_2075 = arith.select %gt3A_2071, %broadcast_in_dim3A_2074, %select_n3A_2061 : vector<16xi1>, vector<16xi32>
        %get3A_2076 = arith.index_cast %add3A_2001 : i32 to index
        %get3A_2077 = arith.constant 80 : index
        %get3A_2078 = tpu.vector_load %arg7[%get3A_2076, %get3A_2077] {strides = array<i32>} : memref<128x128xf32, #tpu.memory_space<vmem>>, vector<1x16xf32>,
        %get3A_2079 = vector.shape_cast %get3A_2078 : vector<1x16xf32> to vector<16xf32>
        %get3A_2080 = arith.index_cast %add3A_2001 : i32 to index
        %get3A_2081 = arith.constant 80 : index
        %get3A_2082 = tpu.vector_load %arg8[%get3A_2080, %get3A_2081] {strides = array<i32>} : memref<128x128xf32, #tpu.memory_space<vmem>>, vector<1x16xf32>,
        %get3A_2083 = vector.shape_cast %get3A_2082 : vector<1x16xf32> to vector<16xf32>
        %mul3A_2084 = arith.mulf %get3A_2079, %get3A_2083 : vector<16xf32>
        %gt3A_2085 = arith.cmpf ogt, %mul3A_2084, %select_n3A_2072 : vector<16xf32>
        %select_n3A_2086 = arith.select %gt3A_2085, %mul3A_2084, %select_n3A_2072 : vector<16xi1>, vector<16xf32>
        %jit3A_2087 = arith.constant 5 : i32
        %broadcast_in_dim3A_2088 = vector.broadcast %jit3A_2087 : i32 to vector<16xi32>
        %select_n3A_2089 = arith.select %gt3A_2085, %broadcast_in_dim3A_2088, %select_n3A_2075 : vector<16xi1>, vector<16xi32>
        %get3A_2090 = arith.index_cast %add3A_2001 : i32 to index
        %get3A_2091 = arith.constant 96 : index
        %get3A_2092 = tpu.vector_load %arg7[%get3A_2090, %get3A_2091] {strides = array<i32>} : memref<128x128xf32, #tpu.memory_space<vmem>>, vector<1x16xf32>,
        %get3A_2093 = vector.shape_cast %get3A_2092 : vector<1x16xf32> to vector<16xf32>
        %get3A_2094 = arith.index_cast %add3A_2001 : i32 to index
        %get3A_2095 = arith.constant 96 : index
        %get3A_2096 = tpu.vector_load %arg8[%get3A_2094, %get3A_2095] {strides = array<i32>} : memref<128x128xf32, #tpu.memory_space<vmem>>, vector<1x16xf32>,
        %get3A_2097 = vector.shape_cast %get3A_2096 : vector<1x16xf32> to vector<16xf32>
        %mul3A_2098 = arith.mulf %get3A_2093, %get3A_2097 : vector<16xf32>
        %gt3A_2099 = arith.cmpf ogt, %mul3A_2098, %select_n3A_2086 : vector<16xf32>
        %select_n3A_2100 = arith.select %gt3A_2099, %mul3A_2098, %select_n3A_2086 : vector<16xi1>, vector<16xf32>
        %jit3A_2101 = arith.constant 6 : i32
        %broadcast_in_dim3A_2102 = vector.broadcast %jit3A_2101 : i32 to vector<16xi32>
        %select_n3A_2103 = arith.select %gt3A_2099, %broadcast_in_dim3A_2102, %select_n3A_2089 : vector<16xi1>, vector<16xi32>
        %get3A_2104 = arith.index_cast %add3A_2001 : i32 to index
        %get3A_2105 = arith.constant 112 : index
        %get3A_2106 = tpu.vector_load %arg7[%get3A_2104, %get3A_2105] {strides = array<i32>} : memref<128x128xf32, #tpu.memory_space<vmem>>, vector<1x16xf32>,
        %get3A_2107 = vector.shape_cast %get3A_2106 : vector<1x16xf32> to vector<16xf32>
        %get3A_2108 = arith.index_cast %add3A_2001 : i32 to index
        %get3A_2109 = arith.constant 112 : index
        %get3A_2110 = tpu.vector_load %arg8[%get3A_2108, %get3A_2109] {strides = array<i32>} : memref<128x128xf32, #tpu.memory_space<vmem>>, vector<1x16xf32>,
        %get3A_2111 = vector.shape_cast %get3A_2110 : vector<1x16xf32> to vector<16xf32>
        %mul3A_2112 = arith.mulf %get3A_2107, %get3A_2111 : vector<16xf32>
        %gt3A_2113 = arith.cmpf ogt, %mul3A_2112, %select_n3A_2100 : vector<16xf32>
        %select_n3A_2114 = arith.select %gt3A_2113, %mul3A_2112, %select_n3A_2100 : vector<16xi1>, vector<16xf32>
        %jit3A_2115 = arith.constant 7 : i32
        %broadcast_in_dim3A_2116 = vector.broadcast %jit3A_2115 : i32 to vector<16xi32>
        %select_n3A_2117 = arith.select %gt3A_2113, %broadcast_in_dim3A_2116, %select_n3A_2103 : vector<16xi1>, vector<16xi32>
        %mul3A_2118 = arith.constant 16 : i32
        %mul3A_2119 = vector.broadcast %mul3A_2118 : i32 to vector<16xi32>
        %mul3A_2120 = arith.muli %select_n3A_2117, %mul3A_2119 : vector<16xi32>
        %add3A_2121 = arith.addi %mul3A_2120, %iota3A : vector<16xi32>
        %xor3A_2122 = arith.constant 8 : i32
        %xor3A_2123 = vector.broadcast %xor3A_2122 : i32 to vector<16xi32>
        %xor3A_2124 = arith.xori %iota3A, %xor3A_2123 : vector<16xi32>
        %lt3A_2125 = arith.constant 0 : i32
        %lt3A_2126 = vector.broadcast %lt3A_2125 : i32 to vector<16xi32>
        %lt3A_2127 = arith.cmpi slt, %xor3A_2124, %lt3A_2126 : vector<16xi32>
        %add3A_2128 = arith.constant 16 : i32
        %add3A_2129 = vector.broadcast %add3A_2128 : i32 to vector<16xi32>
        %add3A_2130 = arith.addi %xor3A_2124, %add3A_2129 : vector<16xi32>
        %select_n3A_2131 = arith.select %lt3A_2127, %add3A_2130, %xor3A_2124 : vector<16xi1>, vector<16xi32>
        %broadcast_in_dim3A_2132 = vector.shape_cast %select_n3A_2131 : vector<16xi32> to vector<16x1xi32>
        %gather3A_2133 = vector.shape_cast %broadcast_in_dim3A_2132 : vector<16x1xi32> to vector<16xi32>
        %gather3A_2134 = tpu.dynamic_gather %select_n3A_2114[%gather3A_2133] in [0] : vector<16xf32>, vector<16xi32> -> vector<16xf32>
        %lt3A_2135 = arith.constant 0 : i32
        %lt3A_2136 = vector.broadcast %lt3A_2135 : i32 to vector<16xi32>
        %lt3A_2137 = arith.cmpi slt, %xor3A_2124, %lt3A_2136 : vector<16xi32>
        %add3A_2138 = arith.constant 16 : i32
        %add3A_2139 = vector.broadcast %add3A_2138 : i32 to vector<16xi32>
        %add3A_2140 = arith.addi %xor3A_2124, %add3A_2139 : vector<16xi32>
        %select_n3A_2141 = arith.select %lt3A_2137, %add3A_2140, %xor3A_2124 : vector<16xi1>, vector<16xi32>
        %broadcast_in_dim3A_2142 = vector.shape_cast %select_n3A_2141 : vector<16xi32> to vector<16x1xi32>
        %gather3A_2143 = vector.shape_cast %broadcast_in_dim3A_2142 : vector<16x1xi32> to vector<16xi32>
        %gather3A_2144 = tpu.dynamic_gather %add3A_2121[%gather3A_2143] in [0] : vector<16xi32>, vector<16xi32> -> vector<16xi32>
        %gt3A_2145 = arith.cmpf ogt, %gather3A_2134, %select_n3A_2114 : vector<16xf32>
        %eq3A_2146 = arith.cmpf oeq, %gather3A_2134, %select_n3A_2114 : vector<16xf32>
        %lt3A_2147 = arith.cmpi slt, %gather3A_2144, %add3A_2121 : vector<16xi32>
        %and3A_2148 = arith.andi %eq3A_2146, %lt3A_2147 : vector<16xi1>
        %or3A_2149 = arith.ori %gt3A_2145, %and3A_2148 : vector<16xi1>
        %select_n3A_2150 = arith.select %or3A_2149, %gather3A_2134, %select_n3A_2114 : vector<16xi1>, vector<16xf32>
        %select_n3A_2151 = arith.select %or3A_2149, %gather3A_2144, %add3A_2121 : vector<16xi1>, vector<16xi32>
        %xor3A_2152 = arith.constant 4 : i32
        %xor3A_2153 = vector.broadcast %xor3A_2152 : i32 to vector<16xi32>
        %xor3A_2154 = arith.xori %iota3A, %xor3A_2153 : vector<16xi32>
        %lt3A_2155 = arith.constant 0 : i32
        %lt3A_2156 = vector.broadcast %lt3A_2155 : i32 to vector<16xi32>
        %lt3A_2157 = arith.cmpi slt, %xor3A_2154, %lt3A_2156 : vector<16xi32>
        %add3A_2158 = arith.constant 16 : i32
        %add3A_2159 = vector.broadcast %add3A_2158 : i32 to vector<16xi32>
        %add3A_2160 = arith.addi %xor3A_2154, %add3A_2159 : vector<16xi32>
        %select_n3A_2161 = arith.select %lt3A_2157, %add3A_2160, %xor3A_2154 : vector<16xi1>, vector<16xi32>
        %broadcast_in_dim3A_2162 = vector.shape_cast %select_n3A_2161 : vector<16xi32> to vector<16x1xi32>
        %gather3A_2163 = vector.shape_cast %broadcast_in_dim3A_2162 : vector<16x1xi32> to vector<16xi32>
        %gather3A_2164 = tpu.dynamic_gather %select_n3A_2150[%gather3A_2163] in [0] : vector<16xf32>, vector<16xi32> -> vector<16xf32>
        %lt3A_2165 = arith.constant 0 : i32
        %lt3A_2166 = vector.broadcast %lt3A_2165 : i32 to vector<16xi32>
        %lt3A_2167 = arith.cmpi slt, %xor3A_2154, %lt3A_2166 : vector<16xi32>
        %add3A_2168 = arith.constant 16 : i32
        %add3A_2169 = vector.broadcast %add3A_2168 : i32 to vector<16xi32>
        %add3A_2170 = arith.addi %xor3A_2154, %add3A_2169 : vector<16xi32>
        %select_n3A_2171 = arith.select %lt3A_2167, %add3A_2170, %xor3A_2154 : vector<16xi1>, vector<16xi32>
        %broadcast_in_dim3A_2172 = vector.shape_cast %select_n3A_2171 : vector<16xi32> to vector<16x1xi32>
        %gather3A_2173 = vector.shape_cast %broadcast_in_dim3A_2172 : vector<16x1xi32> to vector<16xi32>
        %gather3A_2174 = tpu.dynamic_gather %select_n3A_2151[%gather3A_2173] in [0] : vector<16xi32>, vector<16xi32> -> vector<16xi32>
        %gt3A_2175 = arith.cmpf ogt, %gather3A_2164, %select_n3A_2150 : vector<16xf32>
        %eq3A_2176 = arith.cmpf oeq, %gather3A_2164, %select_n3A_2150 : vector<16xf32>
        %lt3A_2177 = arith.cmpi slt, %gather3A_2174, %select_n3A_2151 : vector<16xi32>
        %and3A_2178 = arith.andi %eq3A_2176, %lt3A_2177 : vector<16xi1>
        %or3A_2179 = arith.ori %gt3A_2175, %and3A_2178 : vector<16xi1>
        %select_n3A_2180 = arith.select %or3A_2179, %gather3A_2164, %select_n3A_2150 : vector<16xi1>, vector<16xf32>
        %select_n3A_2181 = arith.select %or3A_2179, %gather3A_2174, %select_n3A_2151 : vector<16xi1>, vector<16xi32>
        %xor3A_2182 = arith.constant 2 : i32
        %xor3A_2183 = vector.broadcast %xor3A_2182 : i32 to vector<16xi32>
        %xor3A_2184 = arith.xori %iota3A, %xor3A_2183 : vector<16xi32>
        %lt3A_2185 = arith.constant 0 : i32
        %lt3A_2186 = vector.broadcast %lt3A_2185 : i32 to vector<16xi32>
        %lt3A_2187 = arith.cmpi slt, %xor3A_2184, %lt3A_2186 : vector<16xi32>
        %add3A_2188 = arith.constant 16 : i32
        %add3A_2189 = vector.broadcast %add3A_2188 : i32 to vector<16xi32>
        %add3A_2190 = arith.addi %xor3A_2184, %add3A_2189 : vector<16xi32>
        %select_n3A_2191 = arith.select %lt3A_2187, %add3A_2190, %xor3A_2184 : vector<16xi1>, vector<16xi32>
        %broadcast_in_dim3A_2192 = vector.shape_cast %select_n3A_2191 : vector<16xi32> to vector<16x1xi32>
        %gather3A_2193 = vector.shape_cast %broadcast_in_dim3A_2192 : vector<16x1xi32> to vector<16xi32>
        %gather3A_2194 = tpu.dynamic_gather %select_n3A_2180[%gather3A_2193] in [0] : vector<16xf32>, vector<16xi32> -> vector<16xf32>
        %lt3A_2195 = arith.constant 0 : i32
        %lt3A_2196 = vector.broadcast %lt3A_2195 : i32 to vector<16xi32>
        %lt3A_2197 = arith.cmpi slt, %xor3A_2184, %lt3A_2196 : vector<16xi32>
        %add3A_2198 = arith.constant 16 : i32
        %add3A_2199 = vector.broadcast %add3A_2198 : i32 to vector<16xi32>
        %add3A_2200 = arith.addi %xor3A_2184, %add3A_2199 : vector<16xi32>
        %select_n3A_2201 = arith.select %lt3A_2197, %add3A_2200, %xor3A_2184 : vector<16xi1>, vector<16xi32>
        %broadcast_in_dim3A_2202 = vector.shape_cast %select_n3A_2201 : vector<16xi32> to vector<16x1xi32>
        %gather3A_2203 = vector.shape_cast %broadcast_in_dim3A_2202 : vector<16x1xi32> to vector<16xi32>
        %gather3A_2204 = tpu.dynamic_gather %select_n3A_2181[%gather3A_2203] in [0] : vector<16xi32>, vector<16xi32> -> vector<16xi32>
        %gt3A_2205 = arith.cmpf ogt, %gather3A_2194, %select_n3A_2180 : vector<16xf32>
        %eq3A_2206 = arith.cmpf oeq, %gather3A_2194, %select_n3A_2180 : vector<16xf32>
        %lt3A_2207 = arith.cmpi slt, %gather3A_2204, %select_n3A_2181 : vector<16xi32>
        %and3A_2208 = arith.andi %eq3A_2206, %lt3A_2207 : vector<16xi1>
        %or3A_2209 = arith.ori %gt3A_2205, %and3A_2208 : vector<16xi1>
        %select_n3A_2210 = arith.select %or3A_2209, %gather3A_2194, %select_n3A_2180 : vector<16xi1>, vector<16xf32>
        %select_n3A_2211 = arith.select %or3A_2209, %gather3A_2204, %select_n3A_2181 : vector<16xi1>, vector<16xi32>
        %xor3A_2212 = arith.constant 1 : i32
        %xor3A_2213 = vector.broadcast %xor3A_2212 : i32 to vector<16xi32>
        %xor3A_2214 = arith.xori %iota3A, %xor3A_2213 : vector<16xi32>
        %lt3A_2215 = arith.constant 0 : i32
        %lt3A_2216 = vector.broadcast %lt3A_2215 : i32 to vector<16xi32>
        %lt3A_2217 = arith.cmpi slt, %xor3A_2214, %lt3A_2216 : vector<16xi32>
        %add3A_2218 = arith.constant 16 : i32
        %add3A_2219 = vector.broadcast %add3A_2218 : i32 to vector<16xi32>
        %add3A_2220 = arith.addi %xor3A_2214, %add3A_2219 : vector<16xi32>
        %select_n3A_2221 = arith.select %lt3A_2217, %add3A_2220, %xor3A_2214 : vector<16xi1>, vector<16xi32>
        %broadcast_in_dim3A_2222 = vector.shape_cast %select_n3A_2221 : vector<16xi32> to vector<16x1xi32>
        %gather3A_2223 = vector.shape_cast %broadcast_in_dim3A_2222 : vector<16x1xi32> to vector<16xi32>
        %gather3A_2224 = tpu.dynamic_gather %select_n3A_2210[%gather3A_2223] in [0] : vector<16xf32>, vector<16xi32> -> vector<16xf32>
        %lt3A_2225 = arith.constant 0 : i32
        %lt3A_2226 = vector.broadcast %lt3A_2225 : i32 to vector<16xi32>
        %lt3A_2227 = arith.cmpi slt, %xor3A_2214, %lt3A_2226 : vector<16xi32>
        %add3A_2228 = arith.constant 16 : i32
        %add3A_2229 = vector.broadcast %add3A_2228 : i32 to vector<16xi32>
        %add3A_2230 = arith.addi %xor3A_2214, %add3A_2229 : vector<16xi32>
        %select_n3A_2231 = arith.select %lt3A_2227, %add3A_2230, %xor3A_2214 : vector<16xi1>, vector<16xi32>
        %broadcast_in_dim3A_2232 = vector.shape_cast %select_n3A_2231 : vector<16xi32> to vector<16x1xi32>
        %gather3A_2233 = vector.shape_cast %broadcast_in_dim3A_2232 : vector<16x1xi32> to vector<16xi32>
        %gather3A_2234 = tpu.dynamic_gather %select_n3A_2211[%gather3A_2233] in [0] : vector<16xi32>, vector<16xi32> -> vector<16xi32>
        %gt3A_2235 = arith.cmpf ogt, %gather3A_2224, %select_n3A_2210 : vector<16xf32>
        %eq3A_2236 = arith.cmpf oeq, %gather3A_2224, %select_n3A_2210 : vector<16xf32>
        %lt3A_2237 = arith.cmpi slt, %gather3A_2234, %select_n3A_2211 : vector<16xi32>
        %and3A_2238 = arith.andi %eq3A_2236, %lt3A_2237 : vector<16xi1>
        %or3A_2239 = arith.ori %gt3A_2235, %and3A_2238 : vector<16xi1>
        %select_n3A_2240 = arith.select %or3A_2239, %gather3A_2224, %select_n3A_2210 : vector<16xi1>, vector<16xf32>
        %select_n3A_2241 = arith.select %or3A_2239, %gather3A_2234, %select_n3A_2211 : vector<16xi1>, vector<16xi32>
        %eq3A_2242 = arith.constant 8 : i32
        %eq3A_2243 = vector.broadcast %eq3A_2242 : i32 to vector<16xi32>
        %eq3A_2244 = arith.cmpi eq, %iota3A, %eq3A_2243 : vector<16xi32>
        %select_n3A_2245 = arith.select %eq3A_2244, %select_n3A_2241, %select_n3A_1997 : vector<16xi1>, vector<16xi32>
        %mul3A_2246 = arith.constant 16 : i32
        %mul3A_2247 = arith.muli %scan3A_22, %mul3A_2246 : i32
        %add3A_2248 = arith.constant 9 : i32
        %add3A_2249 = arith.addi %mul3A_2247, %add3A_2248 : i32
        %broadcast_in_dim3A_2250 = arith.constant 0xFF800000 : f32
        %broadcast_in_dim3A_2251 = vector.broadcast %broadcast_in_dim3A_2250 : f32 to vector<16xf32>
        %broadcast_in_dim3A_2252 = arith.constant 0 : i32
        %broadcast_in_dim3A_2253 = vector.broadcast %broadcast_in_dim3A_2252 : i32 to vector<16xi32>
        %get3A_2254 = arith.index_cast %add3A_2249 : i32 to index
        %get3A_2255 = arith.constant 0 : index
        %get3A_2256 = tpu.vector_load %arg7[%get3A_2254, %get3A_2255] {strides = array<i32>} : memref<128x128xf32, #tpu.memory_space<vmem>>, vector<1x16xf32>,
        %get3A_2257 = vector.shape_cast %get3A_2256 : vector<1x16xf32> to vector<16xf32>
        %get3A_2258 = arith.index_cast %add3A_2249 : i32 to index
        %get3A_2259 = arith.constant 0 : index
        %get3A_2260 = tpu.vector_load %arg8[%get3A_2258, %get3A_2259] {strides = array<i32>} : memref<128x128xf32, #tpu.memory_space<vmem>>, vector<1x16xf32>,
        %get3A_2261 = vector.shape_cast %get3A_2260 : vector<1x16xf32> to vector<16xf32>
        %mul3A_2262 = arith.mulf %get3A_2257, %get3A_2261 : vector<16xf32>
        %gt3A_2263 = arith.cmpf ogt, %mul3A_2262, %broadcast_in_dim3A_2251 : vector<16xf32>
        %select_n3A_2264 = arith.select %gt3A_2263, %mul3A_2262, %broadcast_in_dim3A_2251 : vector<16xi1>, vector<16xf32>
        %jit3A_2265 = arith.constant 0 : i32
        %broadcast_in_dim3A_2266 = vector.broadcast %jit3A_2265 : i32 to vector<16xi32>
        %select_n3A_2267 = arith.select %gt3A_2263, %broadcast_in_dim3A_2266, %broadcast_in_dim3A_2253 : vector<16xi1>, vector<16xi32>
        %get3A_2268 = arith.index_cast %add3A_2249 : i32 to index
        %get3A_2269 = arith.constant 16 : index
        %get3A_2270 = tpu.vector_load %arg7[%get3A_2268, %get3A_2269] {strides = array<i32>} : memref<128x128xf32, #tpu.memory_space<vmem>>, vector<1x16xf32>,
        %get3A_2271 = vector.shape_cast %get3A_2270 : vector<1x16xf32> to vector<16xf32>
        %get3A_2272 = arith.index_cast %add3A_2249 : i32 to index
        %get3A_2273 = arith.constant 16 : index
        %get3A_2274 = tpu.vector_load %arg8[%get3A_2272, %get3A_2273] {strides = array<i32>} : memref<128x128xf32, #tpu.memory_space<vmem>>, vector<1x16xf32>,
        %get3A_2275 = vector.shape_cast %get3A_2274 : vector<1x16xf32> to vector<16xf32>
        %mul3A_2276 = arith.mulf %get3A_2271, %get3A_2275 : vector<16xf32>
        %gt3A_2277 = arith.cmpf ogt, %mul3A_2276, %select_n3A_2264 : vector<16xf32>
        %select_n3A_2278 = arith.select %gt3A_2277, %mul3A_2276, %select_n3A_2264 : vector<16xi1>, vector<16xf32>
        %jit3A_2279 = arith.constant 1 : i32
        %broadcast_in_dim3A_2280 = vector.broadcast %jit3A_2279 : i32 to vector<16xi32>
        %select_n3A_2281 = arith.select %gt3A_2277, %broadcast_in_dim3A_2280, %select_n3A_2267 : vector<16xi1>, vector<16xi32>
        %get3A_2282 = arith.index_cast %add3A_2249 : i32 to index
        %get3A_2283 = arith.constant 32 : index
        %get3A_2284 = tpu.vector_load %arg7[%get3A_2282, %get3A_2283] {strides = array<i32>} : memref<128x128xf32, #tpu.memory_space<vmem>>, vector<1x16xf32>,
        %get3A_2285 = vector.shape_cast %get3A_2284 : vector<1x16xf32> to vector<16xf32>
        %get3A_2286 = arith.index_cast %add3A_2249 : i32 to index
        %get3A_2287 = arith.constant 32 : index
        %get3A_2288 = tpu.vector_load %arg8[%get3A_2286, %get3A_2287] {strides = array<i32>} : memref<128x128xf32, #tpu.memory_space<vmem>>, vector<1x16xf32>,
        %get3A_2289 = vector.shape_cast %get3A_2288 : vector<1x16xf32> to vector<16xf32>
        %mul3A_2290 = arith.mulf %get3A_2285, %get3A_2289 : vector<16xf32>
        %gt3A_2291 = arith.cmpf ogt, %mul3A_2290, %select_n3A_2278 : vector<16xf32>
        %select_n3A_2292 = arith.select %gt3A_2291, %mul3A_2290, %select_n3A_2278 : vector<16xi1>, vector<16xf32>
        %jit3A_2293 = arith.constant 2 : i32
        %broadcast_in_dim3A_2294 = vector.broadcast %jit3A_2293 : i32 to vector<16xi32>
        %select_n3A_2295 = arith.select %gt3A_2291, %broadcast_in_dim3A_2294, %select_n3A_2281 : vector<16xi1>, vector<16xi32>
        %get3A_2296 = arith.index_cast %add3A_2249 : i32 to index
        %get3A_2297 = arith.constant 48 : index
        %get3A_2298 = tpu.vector_load %arg7[%get3A_2296, %get3A_2297] {strides = array<i32>} : memref<128x128xf32, #tpu.memory_space<vmem>>, vector<1x16xf32>,
        %get3A_2299 = vector.shape_cast %get3A_2298 : vector<1x16xf32> to vector<16xf32>
        %get3A_2300 = arith.index_cast %add3A_2249 : i32 to index
        %get3A_2301 = arith.constant 48 : index
        %get3A_2302 = tpu.vector_load %arg8[%get3A_2300, %get3A_2301] {strides = array<i32>} : memref<128x128xf32, #tpu.memory_space<vmem>>, vector<1x16xf32>,
        %get3A_2303 = vector.shape_cast %get3A_2302 : vector<1x16xf32> to vector<16xf32>
        %mul3A_2304 = arith.mulf %get3A_2299, %get3A_2303 : vector<16xf32>
        %gt3A_2305 = arith.cmpf ogt, %mul3A_2304, %select_n3A_2292 : vector<16xf32>
        %select_n3A_2306 = arith.select %gt3A_2305, %mul3A_2304, %select_n3A_2292 : vector<16xi1>, vector<16xf32>
        %jit3A_2307 = arith.constant 3 : i32
        %broadcast_in_dim3A_2308 = vector.broadcast %jit3A_2307 : i32 to vector<16xi32>
        %select_n3A_2309 = arith.select %gt3A_2305, %broadcast_in_dim3A_2308, %select_n3A_2295 : vector<16xi1>, vector<16xi32>
        %get3A_2310 = arith.index_cast %add3A_2249 : i32 to index
        %get3A_2311 = arith.constant 64 : index
        %get3A_2312 = tpu.vector_load %arg7[%get3A_2310, %get3A_2311] {strides = array<i32>} : memref<128x128xf32, #tpu.memory_space<vmem>>, vector<1x16xf32>,
        %get3A_2313 = vector.shape_cast %get3A_2312 : vector<1x16xf32> to vector<16xf32>
        %get3A_2314 = arith.index_cast %add3A_2249 : i32 to index
        %get3A_2315 = arith.constant 64 : index
        %get3A_2316 = tpu.vector_load %arg8[%get3A_2314, %get3A_2315] {strides = array<i32>} : memref<128x128xf32, #tpu.memory_space<vmem>>, vector<1x16xf32>,
        %get3A_2317 = vector.shape_cast %get3A_2316 : vector<1x16xf32> to vector<16xf32>
        %mul3A_2318 = arith.mulf %get3A_2313, %get3A_2317 : vector<16xf32>
        %gt3A_2319 = arith.cmpf ogt, %mul3A_2318, %select_n3A_2306 : vector<16xf32>
        %select_n3A_2320 = arith.select %gt3A_2319, %mul3A_2318, %select_n3A_2306 : vector<16xi1>, vector<16xf32>
        %jit3A_2321 = arith.constant 4 : i32
        %broadcast_in_dim3A_2322 = vector.broadcast %jit3A_2321 : i32 to vector<16xi32>
        %select_n3A_2323 = arith.select %gt3A_2319, %broadcast_in_dim3A_2322, %select_n3A_2309 : vector<16xi1>, vector<16xi32>
        %get3A_2324 = arith.index_cast %add3A_2249 : i32 to index
        %get3A_2325 = arith.constant 80 : index
        %get3A_2326 = tpu.vector_load %arg7[%get3A_2324, %get3A_2325] {strides = array<i32>} : memref<128x128xf32, #tpu.memory_space<vmem>>, vector<1x16xf32>,
        %get3A_2327 = vector.shape_cast %get3A_2326 : vector<1x16xf32> to vector<16xf32>
        %get3A_2328 = arith.index_cast %add3A_2249 : i32 to index
        %get3A_2329 = arith.constant 80 : index
        %get3A_2330 = tpu.vector_load %arg8[%get3A_2328, %get3A_2329] {strides = array<i32>} : memref<128x128xf32, #tpu.memory_space<vmem>>, vector<1x16xf32>,
        %get3A_2331 = vector.shape_cast %get3A_2330 : vector<1x16xf32> to vector<16xf32>
        %mul3A_2332 = arith.mulf %get3A_2327, %get3A_2331 : vector<16xf32>
        %gt3A_2333 = arith.cmpf ogt, %mul3A_2332, %select_n3A_2320 : vector<16xf32>
        %select_n3A_2334 = arith.select %gt3A_2333, %mul3A_2332, %select_n3A_2320 : vector<16xi1>, vector<16xf32>
        %jit3A_2335 = arith.constant 5 : i32
        %broadcast_in_dim3A_2336 = vector.broadcast %jit3A_2335 : i32 to vector<16xi32>
        %select_n3A_2337 = arith.select %gt3A_2333, %broadcast_in_dim3A_2336, %select_n3A_2323 : vector<16xi1>, vector<16xi32>
        %get3A_2338 = arith.index_cast %add3A_2249 : i32 to index
        %get3A_2339 = arith.constant 96 : index
        %get3A_2340 = tpu.vector_load %arg7[%get3A_2338, %get3A_2339] {strides = array<i32>} : memref<128x128xf32, #tpu.memory_space<vmem>>, vector<1x16xf32>,
        %get3A_2341 = vector.shape_cast %get3A_2340 : vector<1x16xf32> to vector<16xf32>
        %get3A_2342 = arith.index_cast %add3A_2249 : i32 to index
        %get3A_2343 = arith.constant 96 : index
        %get3A_2344 = tpu.vector_load %arg8[%get3A_2342, %get3A_2343] {strides = array<i32>} : memref<128x128xf32, #tpu.memory_space<vmem>>, vector<1x16xf32>,
        %get3A_2345 = vector.shape_cast %get3A_2344 : vector<1x16xf32> to vector<16xf32>
        %mul3A_2346 = arith.mulf %get3A_2341, %get3A_2345 : vector<16xf32>
        %gt3A_2347 = arith.cmpf ogt, %mul3A_2346, %select_n3A_2334 : vector<16xf32>
        %select_n3A_2348 = arith.select %gt3A_2347, %mul3A_2346, %select_n3A_2334 : vector<16xi1>, vector<16xf32>
        %jit3A_2349 = arith.constant 6 : i32
        %broadcast_in_dim3A_2350 = vector.broadcast %jit3A_2349 : i32 to vector<16xi32>
        %select_n3A_2351 = arith.select %gt3A_2347, %broadcast_in_dim3A_2350, %select_n3A_2337 : vector<16xi1>, vector<16xi32>
        %get3A_2352 = arith.index_cast %add3A_2249 : i32 to index
        %get3A_2353 = arith.constant 112 : index
        %get3A_2354 = tpu.vector_load %arg7[%get3A_2352, %get3A_2353] {strides = array<i32>} : memref<128x128xf32, #tpu.memory_space<vmem>>, vector<1x16xf32>,
        %get3A_2355 = vector.shape_cast %get3A_2354 : vector<1x16xf32> to vector<16xf32>
        %get3A_2356 = arith.index_cast %add3A_2249 : i32 to index
        %get3A_2357 = arith.constant 112 : index
        %get3A_2358 = tpu.vector_load %arg8[%get3A_2356, %get3A_2357] {strides = array<i32>} : memref<128x128xf32, #tpu.memory_space<vmem>>, vector<1x16xf32>,
        %get3A_2359 = vector.shape_cast %get3A_2358 : vector<1x16xf32> to vector<16xf32>
        %mul3A_2360 = arith.mulf %get3A_2355, %get3A_2359 : vector<16xf32>
        %gt3A_2361 = arith.cmpf ogt, %mul3A_2360, %select_n3A_2348 : vector<16xf32>
        %select_n3A_2362 = arith.select %gt3A_2361, %mul3A_2360, %select_n3A_2348 : vector<16xi1>, vector<16xf32>
        %jit3A_2363 = arith.constant 7 : i32
        %broadcast_in_dim3A_2364 = vector.broadcast %jit3A_2363 : i32 to vector<16xi32>
        %select_n3A_2365 = arith.select %gt3A_2361, %broadcast_in_dim3A_2364, %select_n3A_2351 : vector<16xi1>, vector<16xi32>
        %mul3A_2366 = arith.constant 16 : i32
        %mul3A_2367 = vector.broadcast %mul3A_2366 : i32 to vector<16xi32>
        %mul3A_2368 = arith.muli %select_n3A_2365, %mul3A_2367 : vector<16xi32>
        %add3A_2369 = arith.addi %mul3A_2368, %iota3A : vector<16xi32>
        %xor3A_2370 = arith.constant 8 : i32
        %xor3A_2371 = vector.broadcast %xor3A_2370 : i32 to vector<16xi32>
        %xor3A_2372 = arith.xori %iota3A, %xor3A_2371 : vector<16xi32>
        %lt3A_2373 = arith.constant 0 : i32
        %lt3A_2374 = vector.broadcast %lt3A_2373 : i32 to vector<16xi32>
        %lt3A_2375 = arith.cmpi slt, %xor3A_2372, %lt3A_2374 : vector<16xi32>
        %add3A_2376 = arith.constant 16 : i32
        %add3A_2377 = vector.broadcast %add3A_2376 : i32 to vector<16xi32>
        %add3A_2378 = arith.addi %xor3A_2372, %add3A_2377 : vector<16xi32>
        %select_n3A_2379 = arith.select %lt3A_2375, %add3A_2378, %xor3A_2372 : vector<16xi1>, vector<16xi32>
        %broadcast_in_dim3A_2380 = vector.shape_cast %select_n3A_2379 : vector<16xi32> to vector<16x1xi32>
        %gather3A_2381 = vector.shape_cast %broadcast_in_dim3A_2380 : vector<16x1xi32> to vector<16xi32>
        %gather3A_2382 = tpu.dynamic_gather %select_n3A_2362[%gather3A_2381] in [0] : vector<16xf32>, vector<16xi32> -> vector<16xf32>
        %lt3A_2383 = arith.constant 0 : i32
        %lt3A_2384 = vector.broadcast %lt3A_2383 : i32 to vector<16xi32>
        %lt3A_2385 = arith.cmpi slt, %xor3A_2372, %lt3A_2384 : vector<16xi32>
        %add3A_2386 = arith.constant 16 : i32
        %add3A_2387 = vector.broadcast %add3A_2386 : i32 to vector<16xi32>
        %add3A_2388 = arith.addi %xor3A_2372, %add3A_2387 : vector<16xi32>
        %select_n3A_2389 = arith.select %lt3A_2385, %add3A_2388, %xor3A_2372 : vector<16xi1>, vector<16xi32>
        %broadcast_in_dim3A_2390 = vector.shape_cast %select_n3A_2389 : vector<16xi32> to vector<16x1xi32>
        %gather3A_2391 = vector.shape_cast %broadcast_in_dim3A_2390 : vector<16x1xi32> to vector<16xi32>
        %gather3A_2392 = tpu.dynamic_gather %add3A_2369[%gather3A_2391] in [0] : vector<16xi32>, vector<16xi32> -> vector<16xi32>
        %gt3A_2393 = arith.cmpf ogt, %gather3A_2382, %select_n3A_2362 : vector<16xf32>
        %eq3A_2394 = arith.cmpf oeq, %gather3A_2382, %select_n3A_2362 : vector<16xf32>
        %lt3A_2395 = arith.cmpi slt, %gather3A_2392, %add3A_2369 : vector<16xi32>
        %and3A_2396 = arith.andi %eq3A_2394, %lt3A_2395 : vector<16xi1>
        %or3A_2397 = arith.ori %gt3A_2393, %and3A_2396 : vector<16xi1>
        %select_n3A_2398 = arith.select %or3A_2397, %gather3A_2382, %select_n3A_2362 : vector<16xi1>, vector<16xf32>
        %select_n3A_2399 = arith.select %or3A_2397, %gather3A_2392, %add3A_2369 : vector<16xi1>, vector<16xi32>
        %xor3A_2400 = arith.constant 4 : i32
        %xor3A_2401 = vector.broadcast %xor3A_2400 : i32 to vector<16xi32>
        %xor3A_2402 = arith.xori %iota3A, %xor3A_2401 : vector<16xi32>
        %lt3A_2403 = arith.constant 0 : i32
        %lt3A_2404 = vector.broadcast %lt3A_2403 : i32 to vector<16xi32>
        %lt3A_2405 = arith.cmpi slt, %xor3A_2402, %lt3A_2404 : vector<16xi32>
        %add3A_2406 = arith.constant 16 : i32
        %add3A_2407 = vector.broadcast %add3A_2406 : i32 to vector<16xi32>
        %add3A_2408 = arith.addi %xor3A_2402, %add3A_2407 : vector<16xi32>
        %select_n3A_2409 = arith.select %lt3A_2405, %add3A_2408, %xor3A_2402 : vector<16xi1>, vector<16xi32>
        %broadcast_in_dim3A_2410 = vector.shape_cast %select_n3A_2409 : vector<16xi32> to vector<16x1xi32>
        %gather3A_2411 = vector.shape_cast %broadcast_in_dim3A_2410 : vector<16x1xi32> to vector<16xi32>
        %gather3A_2412 = tpu.dynamic_gather %select_n3A_2398[%gather3A_2411] in [0] : vector<16xf32>, vector<16xi32> -> vector<16xf32>
        %lt3A_2413 = arith.constant 0 : i32
        %lt3A_2414 = vector.broadcast %lt3A_2413 : i32 to vector<16xi32>
        %lt3A_2415 = arith.cmpi slt, %xor3A_2402, %lt3A_2414 : vector<16xi32>
        %add3A_2416 = arith.constant 16 : i32
        %add3A_2417 = vector.broadcast %add3A_2416 : i32 to vector<16xi32>
        %add3A_2418 = arith.addi %xor3A_2402, %add3A_2417 : vector<16xi32>
        %select_n3A_2419 = arith.select %lt3A_2415, %add3A_2418, %xor3A_2402 : vector<16xi1>, vector<16xi32>
        %broadcast_in_dim3A_2420 = vector.shape_cast %select_n3A_2419 : vector<16xi32> to vector<16x1xi32>
        %gather3A_2421 = vector.shape_cast %broadcast_in_dim3A_2420 : vector<16x1xi32> to vector<16xi32>
        %gather3A_2422 = tpu.dynamic_gather %select_n3A_2399[%gather3A_2421] in [0] : vector<16xi32>, vector<16xi32> -> vector<16xi32>
        %gt3A_2423 = arith.cmpf ogt, %gather3A_2412, %select_n3A_2398 : vector<16xf32>
        %eq3A_2424 = arith.cmpf oeq, %gather3A_2412, %select_n3A_2398 : vector<16xf32>
        %lt3A_2425 = arith.cmpi slt, %gather3A_2422, %select_n3A_2399 : vector<16xi32>
        %and3A_2426 = arith.andi %eq3A_2424, %lt3A_2425 : vector<16xi1>
        %or3A_2427 = arith.ori %gt3A_2423, %and3A_2426 : vector<16xi1>
        %select_n3A_2428 = arith.select %or3A_2427, %gather3A_2412, %select_n3A_2398 : vector<16xi1>, vector<16xf32>
        %select_n3A_2429 = arith.select %or3A_2427, %gather3A_2422, %select_n3A_2399 : vector<16xi1>, vector<16xi32>
        %xor3A_2430 = arith.constant 2 : i32
        %xor3A_2431 = vector.broadcast %xor3A_2430 : i32 to vector<16xi32>
        %xor3A_2432 = arith.xori %iota3A, %xor3A_2431 : vector<16xi32>
        %lt3A_2433 = arith.constant 0 : i32
        %lt3A_2434 = vector.broadcast %lt3A_2433 : i32 to vector<16xi32>
        %lt3A_2435 = arith.cmpi slt, %xor3A_2432, %lt3A_2434 : vector<16xi32>
        %add3A_2436 = arith.constant 16 : i32
        %add3A_2437 = vector.broadcast %add3A_2436 : i32 to vector<16xi32>
        %add3A_2438 = arith.addi %xor3A_2432, %add3A_2437 : vector<16xi32>
        %select_n3A_2439 = arith.select %lt3A_2435, %add3A_2438, %xor3A_2432 : vector<16xi1>, vector<16xi32>
        %broadcast_in_dim3A_2440 = vector.shape_cast %select_n3A_2439 : vector<16xi32> to vector<16x1xi32>
        %gather3A_2441 = vector.shape_cast %broadcast_in_dim3A_2440 : vector<16x1xi32> to vector<16xi32>
        %gather3A_2442 = tpu.dynamic_gather %select_n3A_2428[%gather3A_2441] in [0] : vector<16xf32>, vector<16xi32> -> vector<16xf32>
        %lt3A_2443 = arith.constant 0 : i32
        %lt3A_2444 = vector.broadcast %lt3A_2443 : i32 to vector<16xi32>
        %lt3A_2445 = arith.cmpi slt, %xor3A_2432, %lt3A_2444 : vector<16xi32>
        %add3A_2446 = arith.constant 16 : i32
        %add3A_2447 = vector.broadcast %add3A_2446 : i32 to vector<16xi32>
        %add3A_2448 = arith.addi %xor3A_2432, %add3A_2447 : vector<16xi32>
        %select_n3A_2449 = arith.select %lt3A_2445, %add3A_2448, %xor3A_2432 : vector<16xi1>, vector<16xi32>
        %broadcast_in_dim3A_2450 = vector.shape_cast %select_n3A_2449 : vector<16xi32> to vector<16x1xi32>
        %gather3A_2451 = vector.shape_cast %broadcast_in_dim3A_2450 : vector<16x1xi32> to vector<16xi32>
        %gather3A_2452 = tpu.dynamic_gather %select_n3A_2429[%gather3A_2451] in [0] : vector<16xi32>, vector<16xi32> -> vector<16xi32>
        %gt3A_2453 = arith.cmpf ogt, %gather3A_2442, %select_n3A_2428 : vector<16xf32>
        %eq3A_2454 = arith.cmpf oeq, %gather3A_2442, %select_n3A_2428 : vector<16xf32>
        %lt3A_2455 = arith.cmpi slt, %gather3A_2452, %select_n3A_2429 : vector<16xi32>
        %and3A_2456 = arith.andi %eq3A_2454, %lt3A_2455 : vector<16xi1>
        %or3A_2457 = arith.ori %gt3A_2453, %and3A_2456 : vector<16xi1>
        %select_n3A_2458 = arith.select %or3A_2457, %gather3A_2442, %select_n3A_2428 : vector<16xi1>, vector<16xf32>
        %select_n3A_2459 = arith.select %or3A_2457, %gather3A_2452, %select_n3A_2429 : vector<16xi1>, vector<16xi32>
        %xor3A_2460 = arith.constant 1 : i32
        %xor3A_2461 = vector.broadcast %xor3A_2460 : i32 to vector<16xi32>
        %xor3A_2462 = arith.xori %iota3A, %xor3A_2461 : vector<16xi32>
        %lt3A_2463 = arith.constant 0 : i32
        %lt3A_2464 = vector.broadcast %lt3A_2463 : i32 to vector<16xi32>
        %lt3A_2465 = arith.cmpi slt, %xor3A_2462, %lt3A_2464 : vector<16xi32>
        %add3A_2466 = arith.constant 16 : i32
        %add3A_2467 = vector.broadcast %add3A_2466 : i32 to vector<16xi32>
        %add3A_2468 = arith.addi %xor3A_2462, %add3A_2467 : vector<16xi32>
        %select_n3A_2469 = arith.select %lt3A_2465, %add3A_2468, %xor3A_2462 : vector<16xi1>, vector<16xi32>
        %broadcast_in_dim3A_2470 = vector.shape_cast %select_n3A_2469 : vector<16xi32> to vector<16x1xi32>
        %gather3A_2471 = vector.shape_cast %broadcast_in_dim3A_2470 : vector<16x1xi32> to vector<16xi32>
        %gather3A_2472 = tpu.dynamic_gather %select_n3A_2458[%gather3A_2471] in [0] : vector<16xf32>, vector<16xi32> -> vector<16xf32>
        %lt3A_2473 = arith.constant 0 : i32
        %lt3A_2474 = vector.broadcast %lt3A_2473 : i32 to vector<16xi32>
        %lt3A_2475 = arith.cmpi slt, %xor3A_2462, %lt3A_2474 : vector<16xi32>
        %add3A_2476 = arith.constant 16 : i32
        %add3A_2477 = vector.broadcast %add3A_2476 : i32 to vector<16xi32>
        %add3A_2478 = arith.addi %xor3A_2462, %add3A_2477 : vector<16xi32>
        %select_n3A_2479 = arith.select %lt3A_2475, %add3A_2478, %xor3A_2462 : vector<16xi1>, vector<16xi32>
        %broadcast_in_dim3A_2480 = vector.shape_cast %select_n3A_2479 : vector<16xi32> to vector<16x1xi32>
        %gather3A_2481 = vector.shape_cast %broadcast_in_dim3A_2480 : vector<16x1xi32> to vector<16xi32>
        %gather3A_2482 = tpu.dynamic_gather %select_n3A_2459[%gather3A_2481] in [0] : vector<16xi32>, vector<16xi32> -> vector<16xi32>
        %gt3A_2483 = arith.cmpf ogt, %gather3A_2472, %select_n3A_2458 : vector<16xf32>
        %eq3A_2484 = arith.cmpf oeq, %gather3A_2472, %select_n3A_2458 : vector<16xf32>
        %lt3A_2485 = arith.cmpi slt, %gather3A_2482, %select_n3A_2459 : vector<16xi32>
        %and3A_2486 = arith.andi %eq3A_2484, %lt3A_2485 : vector<16xi1>
        %or3A_2487 = arith.ori %gt3A_2483, %and3A_2486 : vector<16xi1>
        %select_n3A_2488 = arith.select %or3A_2487, %gather3A_2472, %select_n3A_2458 : vector<16xi1>, vector<16xf32>
        %select_n3A_2489 = arith.select %or3A_2487, %gather3A_2482, %select_n3A_2459 : vector<16xi1>, vector<16xi32>
        %eq3A_2490 = arith.constant 9 : i32
        %eq3A_2491 = vector.broadcast %eq3A_2490 : i32 to vector<16xi32>
        %eq3A_2492 = arith.cmpi eq, %iota3A, %eq3A_2491 : vector<16xi32>
        %select_n3A_2493 = arith.select %eq3A_2492, %select_n3A_2489, %select_n3A_2245 : vector<16xi1>, vector<16xi32>
        %mul3A_2494 = arith.constant 16 : i32
        %mul3A_2495 = arith.muli %scan3A_22, %mul3A_2494 : i32
        %add3A_2496 = arith.constant 10 : i32
        %add3A_2497 = arith.addi %mul3A_2495, %add3A_2496 : i32
        %broadcast_in_dim3A_2498 = arith.constant 0xFF800000 : f32
        %broadcast_in_dim3A_2499 = vector.broadcast %broadcast_in_dim3A_2498 : f32 to vector<16xf32>
        %broadcast_in_dim3A_2500 = arith.constant 0 : i32
        %broadcast_in_dim3A_2501 = vector.broadcast %broadcast_in_dim3A_2500 : i32 to vector<16xi32>
        %get3A_2502 = arith.index_cast %add3A_2497 : i32 to index
        %get3A_2503 = arith.constant 0 : index
        %get3A_2504 = tpu.vector_load %arg7[%get3A_2502, %get3A_2503] {strides = array<i32>} : memref<128x128xf32, #tpu.memory_space<vmem>>, vector<1x16xf32>,
        %get3A_2505 = vector.shape_cast %get3A_2504 : vector<1x16xf32> to vector<16xf32>
        %get3A_2506 = arith.index_cast %add3A_2497 : i32 to index
        %get3A_2507 = arith.constant 0 : index
        %get3A_2508 = tpu.vector_load %arg8[%get3A_2506, %get3A_2507] {strides = array<i32>} : memref<128x128xf32, #tpu.memory_space<vmem>>, vector<1x16xf32>,
        %get3A_2509 = vector.shape_cast %get3A_2508 : vector<1x16xf32> to vector<16xf32>
        %mul3A_2510 = arith.mulf %get3A_2505, %get3A_2509 : vector<16xf32>
        %gt3A_2511 = arith.cmpf ogt, %mul3A_2510, %broadcast_in_dim3A_2499 : vector<16xf32>
        %select_n3A_2512 = arith.select %gt3A_2511, %mul3A_2510, %broadcast_in_dim3A_2499 : vector<16xi1>, vector<16xf32>
        %jit3A_2513 = arith.constant 0 : i32
        %broadcast_in_dim3A_2514 = vector.broadcast %jit3A_2513 : i32 to vector<16xi32>
        %select_n3A_2515 = arith.select %gt3A_2511, %broadcast_in_dim3A_2514, %broadcast_in_dim3A_2501 : vector<16xi1>, vector<16xi32>
        %get3A_2516 = arith.index_cast %add3A_2497 : i32 to index
        %get3A_2517 = arith.constant 16 : index
        %get3A_2518 = tpu.vector_load %arg7[%get3A_2516, %get3A_2517] {strides = array<i32>} : memref<128x128xf32, #tpu.memory_space<vmem>>, vector<1x16xf32>,
        %get3A_2519 = vector.shape_cast %get3A_2518 : vector<1x16xf32> to vector<16xf32>
        %get3A_2520 = arith.index_cast %add3A_2497 : i32 to index
        %get3A_2521 = arith.constant 16 : index
        %get3A_2522 = tpu.vector_load %arg8[%get3A_2520, %get3A_2521] {strides = array<i32>} : memref<128x128xf32, #tpu.memory_space<vmem>>, vector<1x16xf32>,
        %get3A_2523 = vector.shape_cast %get3A_2522 : vector<1x16xf32> to vector<16xf32>
        %mul3A_2524 = arith.mulf %get3A_2519, %get3A_2523 : vector<16xf32>
        %gt3A_2525 = arith.cmpf ogt, %mul3A_2524, %select_n3A_2512 : vector<16xf32>
        %select_n3A_2526 = arith.select %gt3A_2525, %mul3A_2524, %select_n3A_2512 : vector<16xi1>, vector<16xf32>
        %jit3A_2527 = arith.constant 1 : i32
        %broadcast_in_dim3A_2528 = vector.broadcast %jit3A_2527 : i32 to vector<16xi32>
        %select_n3A_2529 = arith.select %gt3A_2525, %broadcast_in_dim3A_2528, %select_n3A_2515 : vector<16xi1>, vector<16xi32>
        %get3A_2530 = arith.index_cast %add3A_2497 : i32 to index
        %get3A_2531 = arith.constant 32 : index
        %get3A_2532 = tpu.vector_load %arg7[%get3A_2530, %get3A_2531] {strides = array<i32>} : memref<128x128xf32, #tpu.memory_space<vmem>>, vector<1x16xf32>,
        %get3A_2533 = vector.shape_cast %get3A_2532 : vector<1x16xf32> to vector<16xf32>
        %get3A_2534 = arith.index_cast %add3A_2497 : i32 to index
        %get3A_2535 = arith.constant 32 : index
        %get3A_2536 = tpu.vector_load %arg8[%get3A_2534, %get3A_2535] {strides = array<i32>} : memref<128x128xf32, #tpu.memory_space<vmem>>, vector<1x16xf32>,
        %get3A_2537 = vector.shape_cast %get3A_2536 : vector<1x16xf32> to vector<16xf32>
        %mul3A_2538 = arith.mulf %get3A_2533, %get3A_2537 : vector<16xf32>
        %gt3A_2539 = arith.cmpf ogt, %mul3A_2538, %select_n3A_2526 : vector<16xf32>
        %select_n3A_2540 = arith.select %gt3A_2539, %mul3A_2538, %select_n3A_2526 : vector<16xi1>, vector<16xf32>
        %jit3A_2541 = arith.constant 2 : i32
        %broadcast_in_dim3A_2542 = vector.broadcast %jit3A_2541 : i32 to vector<16xi32>
        %select_n3A_2543 = arith.select %gt3A_2539, %broadcast_in_dim3A_2542, %select_n3A_2529 : vector<16xi1>, vector<16xi32>
        %get3A_2544 = arith.index_cast %add3A_2497 : i32 to index
        %get3A_2545 = arith.constant 48 : index
        %get3A_2546 = tpu.vector_load %arg7[%get3A_2544, %get3A_2545] {strides = array<i32>} : memref<128x128xf32, #tpu.memory_space<vmem>>, vector<1x16xf32>,
        %get3A_2547 = vector.shape_cast %get3A_2546 : vector<1x16xf32> to vector<16xf32>
        %get3A_2548 = arith.index_cast %add3A_2497 : i32 to index
        %get3A_2549 = arith.constant 48 : index
        %get3A_2550 = tpu.vector_load %arg8[%get3A_2548, %get3A_2549] {strides = array<i32>} : memref<128x128xf32, #tpu.memory_space<vmem>>, vector<1x16xf32>,
        %get3A_2551 = vector.shape_cast %get3A_2550 : vector<1x16xf32> to vector<16xf32>
        %mul3A_2552 = arith.mulf %get3A_2547, %get3A_2551 : vector<16xf32>
        %gt3A_2553 = arith.cmpf ogt, %mul3A_2552, %select_n3A_2540 : vector<16xf32>
        %select_n3A_2554 = arith.select %gt3A_2553, %mul3A_2552, %select_n3A_2540 : vector<16xi1>, vector<16xf32>
        %jit3A_2555 = arith.constant 3 : i32
        %broadcast_in_dim3A_2556 = vector.broadcast %jit3A_2555 : i32 to vector<16xi32>
        %select_n3A_2557 = arith.select %gt3A_2553, %broadcast_in_dim3A_2556, %select_n3A_2543 : vector<16xi1>, vector<16xi32>
        %get3A_2558 = arith.index_cast %add3A_2497 : i32 to index
        %get3A_2559 = arith.constant 64 : index
        %get3A_2560 = tpu.vector_load %arg7[%get3A_2558, %get3A_2559] {strides = array<i32>} : memref<128x128xf32, #tpu.memory_space<vmem>>, vector<1x16xf32>,
        %get3A_2561 = vector.shape_cast %get3A_2560 : vector<1x16xf32> to vector<16xf32>
        %get3A_2562 = arith.index_cast %add3A_2497 : i32 to index
        %get3A_2563 = arith.constant 64 : index
        %get3A_2564 = tpu.vector_load %arg8[%get3A_2562, %get3A_2563] {strides = array<i32>} : memref<128x128xf32, #tpu.memory_space<vmem>>, vector<1x16xf32>,
        %get3A_2565 = vector.shape_cast %get3A_2564 : vector<1x16xf32> to vector<16xf32>
        %mul3A_2566 = arith.mulf %get3A_2561, %get3A_2565 : vector<16xf32>
        %gt3A_2567 = arith.cmpf ogt, %mul3A_2566, %select_n3A_2554 : vector<16xf32>
        %select_n3A_2568 = arith.select %gt3A_2567, %mul3A_2566, %select_n3A_2554 : vector<16xi1>, vector<16xf32>
        %jit3A_2569 = arith.constant 4 : i32
        %broadcast_in_dim3A_2570 = vector.broadcast %jit3A_2569 : i32 to vector<16xi32>
        %select_n3A_2571 = arith.select %gt3A_2567, %broadcast_in_dim3A_2570, %select_n3A_2557 : vector<16xi1>, vector<16xi32>
        %get3A_2572 = arith.index_cast %add3A_2497 : i32 to index
        %get3A_2573 = arith.constant 80 : index
        %get3A_2574 = tpu.vector_load %arg7[%get3A_2572, %get3A_2573] {strides = array<i32>} : memref<128x128xf32, #tpu.memory_space<vmem>>, vector<1x16xf32>,
        %get3A_2575 = vector.shape_cast %get3A_2574 : vector<1x16xf32> to vector<16xf32>
        %get3A_2576 = arith.index_cast %add3A_2497 : i32 to index
        %get3A_2577 = arith.constant 80 : index
        %get3A_2578 = tpu.vector_load %arg8[%get3A_2576, %get3A_2577] {strides = array<i32>} : memref<128x128xf32, #tpu.memory_space<vmem>>, vector<1x16xf32>,
        %get3A_2579 = vector.shape_cast %get3A_2578 : vector<1x16xf32> to vector<16xf32>
        %mul3A_2580 = arith.mulf %get3A_2575, %get3A_2579 : vector<16xf32>
        %gt3A_2581 = arith.cmpf ogt, %mul3A_2580, %select_n3A_2568 : vector<16xf32>
        %select_n3A_2582 = arith.select %gt3A_2581, %mul3A_2580, %select_n3A_2568 : vector<16xi1>, vector<16xf32>
        %jit3A_2583 = arith.constant 5 : i32
        %broadcast_in_dim3A_2584 = vector.broadcast %jit3A_2583 : i32 to vector<16xi32>
        %select_n3A_2585 = arith.select %gt3A_2581, %broadcast_in_dim3A_2584, %select_n3A_2571 : vector<16xi1>, vector<16xi32>
        %get3A_2586 = arith.index_cast %add3A_2497 : i32 to index
        %get3A_2587 = arith.constant 96 : index
        %get3A_2588 = tpu.vector_load %arg7[%get3A_2586, %get3A_2587] {strides = array<i32>} : memref<128x128xf32, #tpu.memory_space<vmem>>, vector<1x16xf32>,
        %get3A_2589 = vector.shape_cast %get3A_2588 : vector<1x16xf32> to vector<16xf32>
        %get3A_2590 = arith.index_cast %add3A_2497 : i32 to index
        %get3A_2591 = arith.constant 96 : index
        %get3A_2592 = tpu.vector_load %arg8[%get3A_2590, %get3A_2591] {strides = array<i32>} : memref<128x128xf32, #tpu.memory_space<vmem>>, vector<1x16xf32>,
        %get3A_2593 = vector.shape_cast %get3A_2592 : vector<1x16xf32> to vector<16xf32>
        %mul3A_2594 = arith.mulf %get3A_2589, %get3A_2593 : vector<16xf32>
        %gt3A_2595 = arith.cmpf ogt, %mul3A_2594, %select_n3A_2582 : vector<16xf32>
        %select_n3A_2596 = arith.select %gt3A_2595, %mul3A_2594, %select_n3A_2582 : vector<16xi1>, vector<16xf32>
        %jit3A_2597 = arith.constant 6 : i32
        %broadcast_in_dim3A_2598 = vector.broadcast %jit3A_2597 : i32 to vector<16xi32>
        %select_n3A_2599 = arith.select %gt3A_2595, %broadcast_in_dim3A_2598, %select_n3A_2585 : vector<16xi1>, vector<16xi32>
        %get3A_2600 = arith.index_cast %add3A_2497 : i32 to index
        %get3A_2601 = arith.constant 112 : index
        %get3A_2602 = tpu.vector_load %arg7[%get3A_2600, %get3A_2601] {strides = array<i32>} : memref<128x128xf32, #tpu.memory_space<vmem>>, vector<1x16xf32>,
        %get3A_2603 = vector.shape_cast %get3A_2602 : vector<1x16xf32> to vector<16xf32>
        %get3A_2604 = arith.index_cast %add3A_2497 : i32 to index
        %get3A_2605 = arith.constant 112 : index
        %get3A_2606 = tpu.vector_load %arg8[%get3A_2604, %get3A_2605] {strides = array<i32>} : memref<128x128xf32, #tpu.memory_space<vmem>>, vector<1x16xf32>,
        %get3A_2607 = vector.shape_cast %get3A_2606 : vector<1x16xf32> to vector<16xf32>
        %mul3A_2608 = arith.mulf %get3A_2603, %get3A_2607 : vector<16xf32>
        %gt3A_2609 = arith.cmpf ogt, %mul3A_2608, %select_n3A_2596 : vector<16xf32>
        %select_n3A_2610 = arith.select %gt3A_2609, %mul3A_2608, %select_n3A_2596 : vector<16xi1>, vector<16xf32>
        %jit3A_2611 = arith.constant 7 : i32
        %broadcast_in_dim3A_2612 = vector.broadcast %jit3A_2611 : i32 to vector<16xi32>
        %select_n3A_2613 = arith.select %gt3A_2609, %broadcast_in_dim3A_2612, %select_n3A_2599 : vector<16xi1>, vector<16xi32>
        %mul3A_2614 = arith.constant 16 : i32
        %mul3A_2615 = vector.broadcast %mul3A_2614 : i32 to vector<16xi32>
        %mul3A_2616 = arith.muli %select_n3A_2613, %mul3A_2615 : vector<16xi32>
        %add3A_2617 = arith.addi %mul3A_2616, %iota3A : vector<16xi32>
        %xor3A_2618 = arith.constant 8 : i32
        %xor3A_2619 = vector.broadcast %xor3A_2618 : i32 to vector<16xi32>
        %xor3A_2620 = arith.xori %iota3A, %xor3A_2619 : vector<16xi32>
        %lt3A_2621 = arith.constant 0 : i32
        %lt3A_2622 = vector.broadcast %lt3A_2621 : i32 to vector<16xi32>
        %lt3A_2623 = arith.cmpi slt, %xor3A_2620, %lt3A_2622 : vector<16xi32>
        %add3A_2624 = arith.constant 16 : i32
        %add3A_2625 = vector.broadcast %add3A_2624 : i32 to vector<16xi32>
        %add3A_2626 = arith.addi %xor3A_2620, %add3A_2625 : vector<16xi32>
        %select_n3A_2627 = arith.select %lt3A_2623, %add3A_2626, %xor3A_2620 : vector<16xi1>, vector<16xi32>
        %broadcast_in_dim3A_2628 = vector.shape_cast %select_n3A_2627 : vector<16xi32> to vector<16x1xi32>
        %gather3A_2629 = vector.shape_cast %broadcast_in_dim3A_2628 : vector<16x1xi32> to vector<16xi32>
        %gather3A_2630 = tpu.dynamic_gather %select_n3A_2610[%gather3A_2629] in [0] : vector<16xf32>, vector<16xi32> -> vector<16xf32>
        %lt3A_2631 = arith.constant 0 : i32
        %lt3A_2632 = vector.broadcast %lt3A_2631 : i32 to vector<16xi32>
        %lt3A_2633 = arith.cmpi slt, %xor3A_2620, %lt3A_2632 : vector<16xi32>
        %add3A_2634 = arith.constant 16 : i32
        %add3A_2635 = vector.broadcast %add3A_2634 : i32 to vector<16xi32>
        %add3A_2636 = arith.addi %xor3A_2620, %add3A_2635 : vector<16xi32>
        %select_n3A_2637 = arith.select %lt3A_2633, %add3A_2636, %xor3A_2620 : vector<16xi1>, vector<16xi32>
        %broadcast_in_dim3A_2638 = vector.shape_cast %select_n3A_2637 : vector<16xi32> to vector<16x1xi32>
        %gather3A_2639 = vector.shape_cast %broadcast_in_dim3A_2638 : vector<16x1xi32> to vector<16xi32>
        %gather3A_2640 = tpu.dynamic_gather %add3A_2617[%gather3A_2639] in [0] : vector<16xi32>, vector<16xi32> -> vector<16xi32>
        %gt3A_2641 = arith.cmpf ogt, %gather3A_2630, %select_n3A_2610 : vector<16xf32>
        %eq3A_2642 = arith.cmpf oeq, %gather3A_2630, %select_n3A_2610 : vector<16xf32>
        %lt3A_2643 = arith.cmpi slt, %gather3A_2640, %add3A_2617 : vector<16xi32>
        %and3A_2644 = arith.andi %eq3A_2642, %lt3A_2643 : vector<16xi1>
        %or3A_2645 = arith.ori %gt3A_2641, %and3A_2644 : vector<16xi1>
        %select_n3A_2646 = arith.select %or3A_2645, %gather3A_2630, %select_n3A_2610 : vector<16xi1>, vector<16xf32>
        %select_n3A_2647 = arith.select %or3A_2645, %gather3A_2640, %add3A_2617 : vector<16xi1>, vector<16xi32>
        %xor3A_2648 = arith.constant 4 : i32
        %xor3A_2649 = vector.broadcast %xor3A_2648 : i32 to vector<16xi32>
        %xor3A_2650 = arith.xori %iota3A, %xor3A_2649 : vector<16xi32>
        %lt3A_2651 = arith.constant 0 : i32
        %lt3A_2652 = vector.broadcast %lt3A_2651 : i32 to vector<16xi32>
        %lt3A_2653 = arith.cmpi slt, %xor3A_2650, %lt3A_2652 : vector<16xi32>
        %add3A_2654 = arith.constant 16 : i32
        %add3A_2655 = vector.broadcast %add3A_2654 : i32 to vector<16xi32>
        %add3A_2656 = arith.addi %xor3A_2650, %add3A_2655 : vector<16xi32>
        %select_n3A_2657 = arith.select %lt3A_2653, %add3A_2656, %xor3A_2650 : vector<16xi1>, vector<16xi32>
        %broadcast_in_dim3A_2658 = vector.shape_cast %select_n3A_2657 : vector<16xi32> to vector<16x1xi32>
        %gather3A_2659 = vector.shape_cast %broadcast_in_dim3A_2658 : vector<16x1xi32> to vector<16xi32>
        %gather3A_2660 = tpu.dynamic_gather %select_n3A_2646[%gather3A_2659] in [0] : vector<16xf32>, vector<16xi32> -> vector<16xf32>
        %lt3A_2661 = arith.constant 0 : i32
        %lt3A_2662 = vector.broadcast %lt3A_2661 : i32 to vector<16xi32>
        %lt3A_2663 = arith.cmpi slt, %xor3A_2650, %lt3A_2662 : vector<16xi32>
        %add3A_2664 = arith.constant 16 : i32
        %add3A_2665 = vector.broadcast %add3A_2664 : i32 to vector<16xi32>
        %add3A_2666 = arith.addi %xor3A_2650, %add3A_2665 : vector<16xi32>
        %select_n3A_2667 = arith.select %lt3A_2663, %add3A_2666, %xor3A_2650 : vector<16xi1>, vector<16xi32>
        %broadcast_in_dim3A_2668 = vector.shape_cast %select_n3A_2667 : vector<16xi32> to vector<16x1xi32>
        %gather3A_2669 = vector.shape_cast %broadcast_in_dim3A_2668 : vector<16x1xi32> to vector<16xi32>
        %gather3A_2670 = tpu.dynamic_gather %select_n3A_2647[%gather3A_2669] in [0] : vector<16xi32>, vector<16xi32> -> vector<16xi32>
        %gt3A_2671 = arith.cmpf ogt, %gather3A_2660, %select_n3A_2646 : vector<16xf32>
        %eq3A_2672 = arith.cmpf oeq, %gather3A_2660, %select_n3A_2646 : vector<16xf32>
        %lt3A_2673 = arith.cmpi slt, %gather3A_2670, %select_n3A_2647 : vector<16xi32>
        %and3A_2674 = arith.andi %eq3A_2672, %lt3A_2673 : vector<16xi1>
        %or3A_2675 = arith.ori %gt3A_2671, %and3A_2674 : vector<16xi1>
        %select_n3A_2676 = arith.select %or3A_2675, %gather3A_2660, %select_n3A_2646 : vector<16xi1>, vector<16xf32>
        %select_n3A_2677 = arith.select %or3A_2675, %gather3A_2670, %select_n3A_2647 : vector<16xi1>, vector<16xi32>
        %xor3A_2678 = arith.constant 2 : i32
        %xor3A_2679 = vector.broadcast %xor3A_2678 : i32 to vector<16xi32>
        %xor3A_2680 = arith.xori %iota3A, %xor3A_2679 : vector<16xi32>
        %lt3A_2681 = arith.constant 0 : i32
        %lt3A_2682 = vector.broadcast %lt3A_2681 : i32 to vector<16xi32>
        %lt3A_2683 = arith.cmpi slt, %xor3A_2680, %lt3A_2682 : vector<16xi32>
        %add3A_2684 = arith.constant 16 : i32
        %add3A_2685 = vector.broadcast %add3A_2684 : i32 to vector<16xi32>
        %add3A_2686 = arith.addi %xor3A_2680, %add3A_2685 : vector<16xi32>
        %select_n3A_2687 = arith.select %lt3A_2683, %add3A_2686, %xor3A_2680 : vector<16xi1>, vector<16xi32>
        %broadcast_in_dim3A_2688 = vector.shape_cast %select_n3A_2687 : vector<16xi32> to vector<16x1xi32>
        %gather3A_2689 = vector.shape_cast %broadcast_in_dim3A_2688 : vector<16x1xi32> to vector<16xi32>
        %gather3A_2690 = tpu.dynamic_gather %select_n3A_2676[%gather3A_2689] in [0] : vector<16xf32>, vector<16xi32> -> vector<16xf32>
        %lt3A_2691 = arith.constant 0 : i32
        %lt3A_2692 = vector.broadcast %lt3A_2691 : i32 to vector<16xi32>
        %lt3A_2693 = arith.cmpi slt, %xor3A_2680, %lt3A_2692 : vector<16xi32>
        %add3A_2694 = arith.constant 16 : i32
        %add3A_2695 = vector.broadcast %add3A_2694 : i32 to vector<16xi32>
        %add3A_2696 = arith.addi %xor3A_2680, %add3A_2695 : vector<16xi32>
        %select_n3A_2697 = arith.select %lt3A_2693, %add3A_2696, %xor3A_2680 : vector<16xi1>, vector<16xi32>
        %broadcast_in_dim3A_2698 = vector.shape_cast %select_n3A_2697 : vector<16xi32> to vector<16x1xi32>
        %gather3A_2699 = vector.shape_cast %broadcast_in_dim3A_2698 : vector<16x1xi32> to vector<16xi32>
        %gather3A_2700 = tpu.dynamic_gather %select_n3A_2677[%gather3A_2699] in [0] : vector<16xi32>, vector<16xi32> -> vector<16xi32>
        %gt3A_2701 = arith.cmpf ogt, %gather3A_2690, %select_n3A_2676 : vector<16xf32>
        %eq3A_2702 = arith.cmpf oeq, %gather3A_2690, %select_n3A_2676 : vector<16xf32>
        %lt3A_2703 = arith.cmpi slt, %gather3A_2700, %select_n3A_2677 : vector<16xi32>
        %and3A_2704 = arith.andi %eq3A_2702, %lt3A_2703 : vector<16xi1>
        %or3A_2705 = arith.ori %gt3A_2701, %and3A_2704 : vector<16xi1>
        %select_n3A_2706 = arith.select %or3A_2705, %gather3A_2690, %select_n3A_2676 : vector<16xi1>, vector<16xf32>
        %select_n3A_2707 = arith.select %or3A_2705, %gather3A_2700, %select_n3A_2677 : vector<16xi1>, vector<16xi32>
        %xor3A_2708 = arith.constant 1 : i32
        %xor3A_2709 = vector.broadcast %xor3A_2708 : i32 to vector<16xi32>
        %xor3A_2710 = arith.xori %iota3A, %xor3A_2709 : vector<16xi32>
        %lt3A_2711 = arith.constant 0 : i32
        %lt3A_2712 = vector.broadcast %lt3A_2711 : i32 to vector<16xi32>
        %lt3A_2713 = arith.cmpi slt, %xor3A_2710, %lt3A_2712 : vector<16xi32>
        %add3A_2714 = arith.constant 16 : i32
        %add3A_2715 = vector.broadcast %add3A_2714 : i32 to vector<16xi32>
        %add3A_2716 = arith.addi %xor3A_2710, %add3A_2715 : vector<16xi32>
        %select_n3A_2717 = arith.select %lt3A_2713, %add3A_2716, %xor3A_2710 : vector<16xi1>, vector<16xi32>
        %broadcast_in_dim3A_2718 = vector.shape_cast %select_n3A_2717 : vector<16xi32> to vector<16x1xi32>
        %gather3A_2719 = vector.shape_cast %broadcast_in_dim3A_2718 : vector<16x1xi32> to vector<16xi32>
        %gather3A_2720 = tpu.dynamic_gather %select_n3A_2706[%gather3A_2719] in [0] : vector<16xf32>, vector<16xi32> -> vector<16xf32>
        %lt3A_2721 = arith.constant 0 : i32
        %lt3A_2722 = vector.broadcast %lt3A_2721 : i32 to vector<16xi32>
        %lt3A_2723 = arith.cmpi slt, %xor3A_2710, %lt3A_2722 : vector<16xi32>
        %add3A_2724 = arith.constant 16 : i32
        %add3A_2725 = vector.broadcast %add3A_2724 : i32 to vector<16xi32>
        %add3A_2726 = arith.addi %xor3A_2710, %add3A_2725 : vector<16xi32>
        %select_n3A_2727 = arith.select %lt3A_2723, %add3A_2726, %xor3A_2710 : vector<16xi1>, vector<16xi32>
        %broadcast_in_dim3A_2728 = vector.shape_cast %select_n3A_2727 : vector<16xi32> to vector<16x1xi32>
        %gather3A_2729 = vector.shape_cast %broadcast_in_dim3A_2728 : vector<16x1xi32> to vector<16xi32>
        %gather3A_2730 = tpu.dynamic_gather %select_n3A_2707[%gather3A_2729] in [0] : vector<16xi32>, vector<16xi32> -> vector<16xi32>
        %gt3A_2731 = arith.cmpf ogt, %gather3A_2720, %select_n3A_2706 : vector<16xf32>
        %eq3A_2732 = arith.cmpf oeq, %gather3A_2720, %select_n3A_2706 : vector<16xf32>
        %lt3A_2733 = arith.cmpi slt, %gather3A_2730, %select_n3A_2707 : vector<16xi32>
        %and3A_2734 = arith.andi %eq3A_2732, %lt3A_2733 : vector<16xi1>
        %or3A_2735 = arith.ori %gt3A_2731, %and3A_2734 : vector<16xi1>
        %select_n3A_2736 = arith.select %or3A_2735, %gather3A_2720, %select_n3A_2706 : vector<16xi1>, vector<16xf32>
        %select_n3A_2737 = arith.select %or3A_2735, %gather3A_2730, %select_n3A_2707 : vector<16xi1>, vector<16xi32>
        %eq3A_2738 = arith.constant 10 : i32
        %eq3A_2739 = vector.broadcast %eq3A_2738 : i32 to vector<16xi32>
        %eq3A_2740 = arith.cmpi eq, %iota3A, %eq3A_2739 : vector<16xi32>
        %select_n3A_2741 = arith.select %eq3A_2740, %select_n3A_2737, %select_n3A_2493 : vector<16xi1>, vector<16xi32>
        %mul3A_2742 = arith.constant 16 : i32
        %mul3A_2743 = arith.muli %scan3A_22, %mul3A_2742 : i32
        %add3A_2744 = arith.constant 11 : i32
        %add3A_2745 = arith.addi %mul3A_2743, %add3A_2744 : i32
        %broadcast_in_dim3A_2746 = arith.constant 0xFF800000 : f32
        %broadcast_in_dim3A_2747 = vector.broadcast %broadcast_in_dim3A_2746 : f32 to vector<16xf32>
        %broadcast_in_dim3A_2748 = arith.constant 0 : i32
        %broadcast_in_dim3A_2749 = vector.broadcast %broadcast_in_dim3A_2748 : i32 to vector<16xi32>
        %get3A_2750 = arith.index_cast %add3A_2745 : i32 to index
        %get3A_2751 = arith.constant 0 : index
        %get3A_2752 = tpu.vector_load %arg7[%get3A_2750, %get3A_2751] {strides = array<i32>} : memref<128x128xf32, #tpu.memory_space<vmem>>, vector<1x16xf32>,
        %get3A_2753 = vector.shape_cast %get3A_2752 : vector<1x16xf32> to vector<16xf32>
        %get3A_2754 = arith.index_cast %add3A_2745 : i32 to index
        %get3A_2755 = arith.constant 0 : index
        %get3A_2756 = tpu.vector_load %arg8[%get3A_2754, %get3A_2755] {strides = array<i32>} : memref<128x128xf32, #tpu.memory_space<vmem>>, vector<1x16xf32>,
        %get3A_2757 = vector.shape_cast %get3A_2756 : vector<1x16xf32> to vector<16xf32>
        %mul3A_2758 = arith.mulf %get3A_2753, %get3A_2757 : vector<16xf32>
        %gt3A_2759 = arith.cmpf ogt, %mul3A_2758, %broadcast_in_dim3A_2747 : vector<16xf32>
        %select_n3A_2760 = arith.select %gt3A_2759, %mul3A_2758, %broadcast_in_dim3A_2747 : vector<16xi1>, vector<16xf32>
        %jit3A_2761 = arith.constant 0 : i32
        %broadcast_in_dim3A_2762 = vector.broadcast %jit3A_2761 : i32 to vector<16xi32>
        %select_n3A_2763 = arith.select %gt3A_2759, %broadcast_in_dim3A_2762, %broadcast_in_dim3A_2749 : vector<16xi1>, vector<16xi32>
        %get3A_2764 = arith.index_cast %add3A_2745 : i32 to index
        %get3A_2765 = arith.constant 16 : index
        %get3A_2766 = tpu.vector_load %arg7[%get3A_2764, %get3A_2765] {strides = array<i32>} : memref<128x128xf32, #tpu.memory_space<vmem>>, vector<1x16xf32>,
        %get3A_2767 = vector.shape_cast %get3A_2766 : vector<1x16xf32> to vector<16xf32>
        %get3A_2768 = arith.index_cast %add3A_2745 : i32 to index
        %get3A_2769 = arith.constant 16 : index
        %get3A_2770 = tpu.vector_load %arg8[%get3A_2768, %get3A_2769] {strides = array<i32>} : memref<128x128xf32, #tpu.memory_space<vmem>>, vector<1x16xf32>,
        %get3A_2771 = vector.shape_cast %get3A_2770 : vector<1x16xf32> to vector<16xf32>
        %mul3A_2772 = arith.mulf %get3A_2767, %get3A_2771 : vector<16xf32>
        %gt3A_2773 = arith.cmpf ogt, %mul3A_2772, %select_n3A_2760 : vector<16xf32>
        %select_n3A_2774 = arith.select %gt3A_2773, %mul3A_2772, %select_n3A_2760 : vector<16xi1>, vector<16xf32>
        %jit3A_2775 = arith.constant 1 : i32
        %broadcast_in_dim3A_2776 = vector.broadcast %jit3A_2775 : i32 to vector<16xi32>
        %select_n3A_2777 = arith.select %gt3A_2773, %broadcast_in_dim3A_2776, %select_n3A_2763 : vector<16xi1>, vector<16xi32>
        %get3A_2778 = arith.index_cast %add3A_2745 : i32 to index
        %get3A_2779 = arith.constant 32 : index
        %get3A_2780 = tpu.vector_load %arg7[%get3A_2778, %get3A_2779] {strides = array<i32>} : memref<128x128xf32, #tpu.memory_space<vmem>>, vector<1x16xf32>,
        %get3A_2781 = vector.shape_cast %get3A_2780 : vector<1x16xf32> to vector<16xf32>
        %get3A_2782 = arith.index_cast %add3A_2745 : i32 to index
        %get3A_2783 = arith.constant 32 : index
        %get3A_2784 = tpu.vector_load %arg8[%get3A_2782, %get3A_2783] {strides = array<i32>} : memref<128x128xf32, #tpu.memory_space<vmem>>, vector<1x16xf32>,
        %get3A_2785 = vector.shape_cast %get3A_2784 : vector<1x16xf32> to vector<16xf32>
        %mul3A_2786 = arith.mulf %get3A_2781, %get3A_2785 : vector<16xf32>
        %gt3A_2787 = arith.cmpf ogt, %mul3A_2786, %select_n3A_2774 : vector<16xf32>
        %select_n3A_2788 = arith.select %gt3A_2787, %mul3A_2786, %select_n3A_2774 : vector<16xi1>, vector<16xf32>
        %jit3A_2789 = arith.constant 2 : i32
        %broadcast_in_dim3A_2790 = vector.broadcast %jit3A_2789 : i32 to vector<16xi32>
        %select_n3A_2791 = arith.select %gt3A_2787, %broadcast_in_dim3A_2790, %select_n3A_2777 : vector<16xi1>, vector<16xi32>
        %get3A_2792 = arith.index_cast %add3A_2745 : i32 to index
        %get3A_2793 = arith.constant 48 : index
        %get3A_2794 = tpu.vector_load %arg7[%get3A_2792, %get3A_2793] {strides = array<i32>} : memref<128x128xf32, #tpu.memory_space<vmem>>, vector<1x16xf32>,
        %get3A_2795 = vector.shape_cast %get3A_2794 : vector<1x16xf32> to vector<16xf32>
        %get3A_2796 = arith.index_cast %add3A_2745 : i32 to index
        %get3A_2797 = arith.constant 48 : index
        %get3A_2798 = tpu.vector_load %arg8[%get3A_2796, %get3A_2797] {strides = array<i32>} : memref<128x128xf32, #tpu.memory_space<vmem>>, vector<1x16xf32>,
        %get3A_2799 = vector.shape_cast %get3A_2798 : vector<1x16xf32> to vector<16xf32>
        %mul3A_2800 = arith.mulf %get3A_2795, %get3A_2799 : vector<16xf32>
        %gt3A_2801 = arith.cmpf ogt, %mul3A_2800, %select_n3A_2788 : vector<16xf32>
        %select_n3A_2802 = arith.select %gt3A_2801, %mul3A_2800, %select_n3A_2788 : vector<16xi1>, vector<16xf32>
        %jit3A_2803 = arith.constant 3 : i32
        %broadcast_in_dim3A_2804 = vector.broadcast %jit3A_2803 : i32 to vector<16xi32>
        %select_n3A_2805 = arith.select %gt3A_2801, %broadcast_in_dim3A_2804, %select_n3A_2791 : vector<16xi1>, vector<16xi32>
        %get3A_2806 = arith.index_cast %add3A_2745 : i32 to index
        %get3A_2807 = arith.constant 64 : index
        %get3A_2808 = tpu.vector_load %arg7[%get3A_2806, %get3A_2807] {strides = array<i32>} : memref<128x128xf32, #tpu.memory_space<vmem>>, vector<1x16xf32>,
        %get3A_2809 = vector.shape_cast %get3A_2808 : vector<1x16xf32> to vector<16xf32>
        %get3A_2810 = arith.index_cast %add3A_2745 : i32 to index
        %get3A_2811 = arith.constant 64 : index
        %get3A_2812 = tpu.vector_load %arg8[%get3A_2810, %get3A_2811] {strides = array<i32>} : memref<128x128xf32, #tpu.memory_space<vmem>>, vector<1x16xf32>,
        %get3A_2813 = vector.shape_cast %get3A_2812 : vector<1x16xf32> to vector<16xf32>
        %mul3A_2814 = arith.mulf %get3A_2809, %get3A_2813 : vector<16xf32>
        %gt3A_2815 = arith.cmpf ogt, %mul3A_2814, %select_n3A_2802 : vector<16xf32>
        %select_n3A_2816 = arith.select %gt3A_2815, %mul3A_2814, %select_n3A_2802 : vector<16xi1>, vector<16xf32>
        %jit3A_2817 = arith.constant 4 : i32
        %broadcast_in_dim3A_2818 = vector.broadcast %jit3A_2817 : i32 to vector<16xi32>
        %select_n3A_2819 = arith.select %gt3A_2815, %broadcast_in_dim3A_2818, %select_n3A_2805 : vector<16xi1>, vector<16xi32>
        %get3A_2820 = arith.index_cast %add3A_2745 : i32 to index
        %get3A_2821 = arith.constant 80 : index
        %get3A_2822 = tpu.vector_load %arg7[%get3A_2820, %get3A_2821] {strides = array<i32>} : memref<128x128xf32, #tpu.memory_space<vmem>>, vector<1x16xf32>,
        %get3A_2823 = vector.shape_cast %get3A_2822 : vector<1x16xf32> to vector<16xf32>
        %get3A_2824 = arith.index_cast %add3A_2745 : i32 to index
        %get3A_2825 = arith.constant 80 : index
        %get3A_2826 = tpu.vector_load %arg8[%get3A_2824, %get3A_2825] {strides = array<i32>} : memref<128x128xf32, #tpu.memory_space<vmem>>, vector<1x16xf32>,
        %get3A_2827 = vector.shape_cast %get3A_2826 : vector<1x16xf32> to vector<16xf32>
        %mul3A_2828 = arith.mulf %get3A_2823, %get3A_2827 : vector<16xf32>
        %gt3A_2829 = arith.cmpf ogt, %mul3A_2828, %select_n3A_2816 : vector<16xf32>
        %select_n3A_2830 = arith.select %gt3A_2829, %mul3A_2828, %select_n3A_2816 : vector<16xi1>, vector<16xf32>
        %jit3A_2831 = arith.constant 5 : i32
        %broadcast_in_dim3A_2832 = vector.broadcast %jit3A_2831 : i32 to vector<16xi32>
        %select_n3A_2833 = arith.select %gt3A_2829, %broadcast_in_dim3A_2832, %select_n3A_2819 : vector<16xi1>, vector<16xi32>
        %get3A_2834 = arith.index_cast %add3A_2745 : i32 to index
        %get3A_2835 = arith.constant 96 : index
        %get3A_2836 = tpu.vector_load %arg7[%get3A_2834, %get3A_2835] {strides = array<i32>} : memref<128x128xf32, #tpu.memory_space<vmem>>, vector<1x16xf32>,
        %get3A_2837 = vector.shape_cast %get3A_2836 : vector<1x16xf32> to vector<16xf32>
        %get3A_2838 = arith.index_cast %add3A_2745 : i32 to index
        %get3A_2839 = arith.constant 96 : index
        %get3A_2840 = tpu.vector_load %arg8[%get3A_2838, %get3A_2839] {strides = array<i32>} : memref<128x128xf32, #tpu.memory_space<vmem>>, vector<1x16xf32>,
        %get3A_2841 = vector.shape_cast %get3A_2840 : vector<1x16xf32> to vector<16xf32>
        %mul3A_2842 = arith.mulf %get3A_2837, %get3A_2841 : vector<16xf32>
        %gt3A_2843 = arith.cmpf ogt, %mul3A_2842, %select_n3A_2830 : vector<16xf32>
        %select_n3A_2844 = arith.select %gt3A_2843, %mul3A_2842, %select_n3A_2830 : vector<16xi1>, vector<16xf32>
        %jit3A_2845 = arith.constant 6 : i32
        %broadcast_in_dim3A_2846 = vector.broadcast %jit3A_2845 : i32 to vector<16xi32>
        %select_n3A_2847 = arith.select %gt3A_2843, %broadcast_in_dim3A_2846, %select_n3A_2833 : vector<16xi1>, vector<16xi32>
        %get3A_2848 = arith.index_cast %add3A_2745 : i32 to index
        %get3A_2849 = arith.constant 112 : index
        %get3A_2850 = tpu.vector_load %arg7[%get3A_2848, %get3A_2849] {strides = array<i32>} : memref<128x128xf32, #tpu.memory_space<vmem>>, vector<1x16xf32>,
        %get3A_2851 = vector.shape_cast %get3A_2850 : vector<1x16xf32> to vector<16xf32>
        %get3A_2852 = arith.index_cast %add3A_2745 : i32 to index
        %get3A_2853 = arith.constant 112 : index
        %get3A_2854 = tpu.vector_load %arg8[%get3A_2852, %get3A_2853] {strides = array<i32>} : memref<128x128xf32, #tpu.memory_space<vmem>>, vector<1x16xf32>,
        %get3A_2855 = vector.shape_cast %get3A_2854 : vector<1x16xf32> to vector<16xf32>
        %mul3A_2856 = arith.mulf %get3A_2851, %get3A_2855 : vector<16xf32>
        %gt3A_2857 = arith.cmpf ogt, %mul3A_2856, %select_n3A_2844 : vector<16xf32>
        %select_n3A_2858 = arith.select %gt3A_2857, %mul3A_2856, %select_n3A_2844 : vector<16xi1>, vector<16xf32>
        %jit3A_2859 = arith.constant 7 : i32
        %broadcast_in_dim3A_2860 = vector.broadcast %jit3A_2859 : i32 to vector<16xi32>
        %select_n3A_2861 = arith.select %gt3A_2857, %broadcast_in_dim3A_2860, %select_n3A_2847 : vector<16xi1>, vector<16xi32>
        %mul3A_2862 = arith.constant 16 : i32
        %mul3A_2863 = vector.broadcast %mul3A_2862 : i32 to vector<16xi32>
        %mul3A_2864 = arith.muli %select_n3A_2861, %mul3A_2863 : vector<16xi32>
        %add3A_2865 = arith.addi %mul3A_2864, %iota3A : vector<16xi32>
        %xor3A_2866 = arith.constant 8 : i32
        %xor3A_2867 = vector.broadcast %xor3A_2866 : i32 to vector<16xi32>
        %xor3A_2868 = arith.xori %iota3A, %xor3A_2867 : vector<16xi32>
        %lt3A_2869 = arith.constant 0 : i32
        %lt3A_2870 = vector.broadcast %lt3A_2869 : i32 to vector<16xi32>
        %lt3A_2871 = arith.cmpi slt, %xor3A_2868, %lt3A_2870 : vector<16xi32>
        %add3A_2872 = arith.constant 16 : i32
        %add3A_2873 = vector.broadcast %add3A_2872 : i32 to vector<16xi32>
        %add3A_2874 = arith.addi %xor3A_2868, %add3A_2873 : vector<16xi32>
        %select_n3A_2875 = arith.select %lt3A_2871, %add3A_2874, %xor3A_2868 : vector<16xi1>, vector<16xi32>
        %broadcast_in_dim3A_2876 = vector.shape_cast %select_n3A_2875 : vector<16xi32> to vector<16x1xi32>
        %gather3A_2877 = vector.shape_cast %broadcast_in_dim3A_2876 : vector<16x1xi32> to vector<16xi32>
        %gather3A_2878 = tpu.dynamic_gather %select_n3A_2858[%gather3A_2877] in [0] : vector<16xf32>, vector<16xi32> -> vector<16xf32>
        %lt3A_2879 = arith.constant 0 : i32
        %lt3A_2880 = vector.broadcast %lt3A_2879 : i32 to vector<16xi32>
        %lt3A_2881 = arith.cmpi slt, %xor3A_2868, %lt3A_2880 : vector<16xi32>
        %add3A_2882 = arith.constant 16 : i32
        %add3A_2883 = vector.broadcast %add3A_2882 : i32 to vector<16xi32>
        %add3A_2884 = arith.addi %xor3A_2868, %add3A_2883 : vector<16xi32>
        %select_n3A_2885 = arith.select %lt3A_2881, %add3A_2884, %xor3A_2868 : vector<16xi1>, vector<16xi32>
        %broadcast_in_dim3A_2886 = vector.shape_cast %select_n3A_2885 : vector<16xi32> to vector<16x1xi32>
        %gather3A_2887 = vector.shape_cast %broadcast_in_dim3A_2886 : vector<16x1xi32> to vector<16xi32>
        %gather3A_2888 = tpu.dynamic_gather %add3A_2865[%gather3A_2887] in [0] : vector<16xi32>, vector<16xi32> -> vector<16xi32>
        %gt3A_2889 = arith.cmpf ogt, %gather3A_2878, %select_n3A_2858 : vector<16xf32>
        %eq3A_2890 = arith.cmpf oeq, %gather3A_2878, %select_n3A_2858 : vector<16xf32>
        %lt3A_2891 = arith.cmpi slt, %gather3A_2888, %add3A_2865 : vector<16xi32>
        %and3A_2892 = arith.andi %eq3A_2890, %lt3A_2891 : vector<16xi1>
        %or3A_2893 = arith.ori %gt3A_2889, %and3A_2892 : vector<16xi1>
        %select_n3A_2894 = arith.select %or3A_2893, %gather3A_2878, %select_n3A_2858 : vector<16xi1>, vector<16xf32>
        %select_n3A_2895 = arith.select %or3A_2893, %gather3A_2888, %add3A_2865 : vector<16xi1>, vector<16xi32>
        %xor3A_2896 = arith.constant 4 : i32
        %xor3A_2897 = vector.broadcast %xor3A_2896 : i32 to vector<16xi32>
        %xor3A_2898 = arith.xori %iota3A, %xor3A_2897 : vector<16xi32>
        %lt3A_2899 = arith.constant 0 : i32
        %lt3A_2900 = vector.broadcast %lt3A_2899 : i32 to vector<16xi32>
        %lt3A_2901 = arith.cmpi slt, %xor3A_2898, %lt3A_2900 : vector<16xi32>
        %add3A_2902 = arith.constant 16 : i32
        %add3A_2903 = vector.broadcast %add3A_2902 : i32 to vector<16xi32>
        %add3A_2904 = arith.addi %xor3A_2898, %add3A_2903 : vector<16xi32>
        %select_n3A_2905 = arith.select %lt3A_2901, %add3A_2904, %xor3A_2898 : vector<16xi1>, vector<16xi32>
        %broadcast_in_dim3A_2906 = vector.shape_cast %select_n3A_2905 : vector<16xi32> to vector<16x1xi32>
        %gather3A_2907 = vector.shape_cast %broadcast_in_dim3A_2906 : vector<16x1xi32> to vector<16xi32>
        %gather3A_2908 = tpu.dynamic_gather %select_n3A_2894[%gather3A_2907] in [0] : vector<16xf32>, vector<16xi32> -> vector<16xf32>
        %lt3A_2909 = arith.constant 0 : i32
        %lt3A_2910 = vector.broadcast %lt3A_2909 : i32 to vector<16xi32>
        %lt3A_2911 = arith.cmpi slt, %xor3A_2898, %lt3A_2910 : vector<16xi32>
        %add3A_2912 = arith.constant 16 : i32
        %add3A_2913 = vector.broadcast %add3A_2912 : i32 to vector<16xi32>
        %add3A_2914 = arith.addi %xor3A_2898, %add3A_2913 : vector<16xi32>
        %select_n3A_2915 = arith.select %lt3A_2911, %add3A_2914, %xor3A_2898 : vector<16xi1>, vector<16xi32>
        %broadcast_in_dim3A_2916 = vector.shape_cast %select_n3A_2915 : vector<16xi32> to vector<16x1xi32>
        %gather3A_2917 = vector.shape_cast %broadcast_in_dim3A_2916 : vector<16x1xi32> to vector<16xi32>
        %gather3A_2918 = tpu.dynamic_gather %select_n3A_2895[%gather3A_2917] in [0] : vector<16xi32>, vector<16xi32> -> vector<16xi32>
        %gt3A_2919 = arith.cmpf ogt, %gather3A_2908, %select_n3A_2894 : vector<16xf32>
        %eq3A_2920 = arith.cmpf oeq, %gather3A_2908, %select_n3A_2894 : vector<16xf32>
        %lt3A_2921 = arith.cmpi slt, %gather3A_2918, %select_n3A_2895 : vector<16xi32>
        %and3A_2922 = arith.andi %eq3A_2920, %lt3A_2921 : vector<16xi1>
        %or3A_2923 = arith.ori %gt3A_2919, %and3A_2922 : vector<16xi1>
        %select_n3A_2924 = arith.select %or3A_2923, %gather3A_2908, %select_n3A_2894 : vector<16xi1>, vector<16xf32>
        %select_n3A_2925 = arith.select %or3A_2923, %gather3A_2918, %select_n3A_2895 : vector<16xi1>, vector<16xi32>
        %xor3A_2926 = arith.constant 2 : i32
        %xor3A_2927 = vector.broadcast %xor3A_2926 : i32 to vector<16xi32>
        %xor3A_2928 = arith.xori %iota3A, %xor3A_2927 : vector<16xi32>
        %lt3A_2929 = arith.constant 0 : i32
        %lt3A_2930 = vector.broadcast %lt3A_2929 : i32 to vector<16xi32>
        %lt3A_2931 = arith.cmpi slt, %xor3A_2928, %lt3A_2930 : vector<16xi32>
        %add3A_2932 = arith.constant 16 : i32
        %add3A_2933 = vector.broadcast %add3A_2932 : i32 to vector<16xi32>
        %add3A_2934 = arith.addi %xor3A_2928, %add3A_2933 : vector<16xi32>
        %select_n3A_2935 = arith.select %lt3A_2931, %add3A_2934, %xor3A_2928 : vector<16xi1>, vector<16xi32>
        %broadcast_in_dim3A_2936 = vector.shape_cast %select_n3A_2935 : vector<16xi32> to vector<16x1xi32>
        %gather3A_2937 = vector.shape_cast %broadcast_in_dim3A_2936 : vector<16x1xi32> to vector<16xi32>
        %gather3A_2938 = tpu.dynamic_gather %select_n3A_2924[%gather3A_2937] in [0] : vector<16xf32>, vector<16xi32> -> vector<16xf32>
        %lt3A_2939 = arith.constant 0 : i32
        %lt3A_2940 = vector.broadcast %lt3A_2939 : i32 to vector<16xi32>
        %lt3A_2941 = arith.cmpi slt, %xor3A_2928, %lt3A_2940 : vector<16xi32>
        %add3A_2942 = arith.constant 16 : i32
        %add3A_2943 = vector.broadcast %add3A_2942 : i32 to vector<16xi32>
        %add3A_2944 = arith.addi %xor3A_2928, %add3A_2943 : vector<16xi32>
        %select_n3A_2945 = arith.select %lt3A_2941, %add3A_2944, %xor3A_2928 : vector<16xi1>, vector<16xi32>
        %broadcast_in_dim3A_2946 = vector.shape_cast %select_n3A_2945 : vector<16xi32> to vector<16x1xi32>
        %gather3A_2947 = vector.shape_cast %broadcast_in_dim3A_2946 : vector<16x1xi32> to vector<16xi32>
        %gather3A_2948 = tpu.dynamic_gather %select_n3A_2925[%gather3A_2947] in [0] : vector<16xi32>, vector<16xi32> -> vector<16xi32>
        %gt3A_2949 = arith.cmpf ogt, %gather3A_2938, %select_n3A_2924 : vector<16xf32>
        %eq3A_2950 = arith.cmpf oeq, %gather3A_2938, %select_n3A_2924 : vector<16xf32>
        %lt3A_2951 = arith.cmpi slt, %gather3A_2948, %select_n3A_2925 : vector<16xi32>
        %and3A_2952 = arith.andi %eq3A_2950, %lt3A_2951 : vector<16xi1>
        %or3A_2953 = arith.ori %gt3A_2949, %and3A_2952 : vector<16xi1>
        %select_n3A_2954 = arith.select %or3A_2953, %gather3A_2938, %select_n3A_2924 : vector<16xi1>, vector<16xf32>
        %select_n3A_2955 = arith.select %or3A_2953, %gather3A_2948, %select_n3A_2925 : vector<16xi1>, vector<16xi32>
        %xor3A_2956 = arith.constant 1 : i32
        %xor3A_2957 = vector.broadcast %xor3A_2956 : i32 to vector<16xi32>
        %xor3A_2958 = arith.xori %iota3A, %xor3A_2957 : vector<16xi32>
        %lt3A_2959 = arith.constant 0 : i32
        %lt3A_2960 = vector.broadcast %lt3A_2959 : i32 to vector<16xi32>
        %lt3A_2961 = arith.cmpi slt, %xor3A_2958, %lt3A_2960 : vector<16xi32>
        %add3A_2962 = arith.constant 16 : i32
        %add3A_2963 = vector.broadcast %add3A_2962 : i32 to vector<16xi32>
        %add3A_2964 = arith.addi %xor3A_2958, %add3A_2963 : vector<16xi32>
        %select_n3A_2965 = arith.select %lt3A_2961, %add3A_2964, %xor3A_2958 : vector<16xi1>, vector<16xi32>
        %broadcast_in_dim3A_2966 = vector.shape_cast %select_n3A_2965 : vector<16xi32> to vector<16x1xi32>
        %gather3A_2967 = vector.shape_cast %broadcast_in_dim3A_2966 : vector<16x1xi32> to vector<16xi32>
        %gather3A_2968 = tpu.dynamic_gather %select_n3A_2954[%gather3A_2967] in [0] : vector<16xf32>, vector<16xi32> -> vector<16xf32>
        %lt3A_2969 = arith.constant 0 : i32
        %lt3A_2970 = vector.broadcast %lt3A_2969 : i32 to vector<16xi32>
        %lt3A_2971 = arith.cmpi slt, %xor3A_2958, %lt3A_2970 : vector<16xi32>
        %add3A_2972 = arith.constant 16 : i32
        %add3A_2973 = vector.broadcast %add3A_2972 : i32 to vector<16xi32>
        %add3A_2974 = arith.addi %xor3A_2958, %add3A_2973 : vector<16xi32>
        %select_n3A_2975 = arith.select %lt3A_2971, %add3A_2974, %xor3A_2958 : vector<16xi1>, vector<16xi32>
        %broadcast_in_dim3A_2976 = vector.shape_cast %select_n3A_2975 : vector<16xi32> to vector<16x1xi32>
        %gather3A_2977 = vector.shape_cast %broadcast_in_dim3A_2976 : vector<16x1xi32> to vector<16xi32>
        %gather3A_2978 = tpu.dynamic_gather %select_n3A_2955[%gather3A_2977] in [0] : vector<16xi32>, vector<16xi32> -> vector<16xi32>
        %gt3A_2979 = arith.cmpf ogt, %gather3A_2968, %select_n3A_2954 : vector<16xf32>
        %eq3A_2980 = arith.cmpf oeq, %gather3A_2968, %select_n3A_2954 : vector<16xf32>
        %lt3A_2981 = arith.cmpi slt, %gather3A_2978, %select_n3A_2955 : vector<16xi32>
        %and3A_2982 = arith.andi %eq3A_2980, %lt3A_2981 : vector<16xi1>
        %or3A_2983 = arith.ori %gt3A_2979, %and3A_2982 : vector<16xi1>
        %select_n3A_2984 = arith.select %or3A_2983, %gather3A_2968, %select_n3A_2954 : vector<16xi1>, vector<16xf32>
        %select_n3A_2985 = arith.select %or3A_2983, %gather3A_2978, %select_n3A_2955 : vector<16xi1>, vector<16xi32>
        %eq3A_2986 = arith.constant 11 : i32
        %eq3A_2987 = vector.broadcast %eq3A_2986 : i32 to vector<16xi32>
        %eq3A_2988 = arith.cmpi eq, %iota3A, %eq3A_2987 : vector<16xi32>
        %select_n3A_2989 = arith.select %eq3A_2988, %select_n3A_2985, %select_n3A_2741 : vector<16xi1>, vector<16xi32>
        %mul3A_2990 = arith.constant 16 : i32
        %mul3A_2991 = arith.muli %scan3A_22, %mul3A_2990 : i32
        %add3A_2992 = arith.constant 12 : i32
        %add3A_2993 = arith.addi %mul3A_2991, %add3A_2992 : i32
        %broadcast_in_dim3A_2994 = arith.constant 0xFF800000 : f32
        %broadcast_in_dim3A_2995 = vector.broadcast %broadcast_in_dim3A_2994 : f32 to vector<16xf32>
        %broadcast_in_dim3A_2996 = arith.constant 0 : i32
        %broadcast_in_dim3A_2997 = vector.broadcast %broadcast_in_dim3A_2996 : i32 to vector<16xi32>
        %get3A_2998 = arith.index_cast %add3A_2993 : i32 to index
        %get3A_2999 = arith.constant 0 : index
        %get3A_3000 = tpu.vector_load %arg7[%get3A_2998, %get3A_2999] {strides = array<i32>} : memref<128x128xf32, #tpu.memory_space<vmem>>, vector<1x16xf32>,
        %get3A_3001 = vector.shape_cast %get3A_3000 : vector<1x16xf32> to vector<16xf32>
        %get3A_3002 = arith.index_cast %add3A_2993 : i32 to index
        %get3A_3003 = arith.constant 0 : index
        %get3A_3004 = tpu.vector_load %arg8[%get3A_3002, %get3A_3003] {strides = array<i32>} : memref<128x128xf32, #tpu.memory_space<vmem>>, vector<1x16xf32>,
        %get3A_3005 = vector.shape_cast %get3A_3004 : vector<1x16xf32> to vector<16xf32>
        %mul3A_3006 = arith.mulf %get3A_3001, %get3A_3005 : vector<16xf32>
        %gt3A_3007 = arith.cmpf ogt, %mul3A_3006, %broadcast_in_dim3A_2995 : vector<16xf32>
        %select_n3A_3008 = arith.select %gt3A_3007, %mul3A_3006, %broadcast_in_dim3A_2995 : vector<16xi1>, vector<16xf32>
        %jit3A_3009 = arith.constant 0 : i32
        %broadcast_in_dim3A_3010 = vector.broadcast %jit3A_3009 : i32 to vector<16xi32>
        %select_n3A_3011 = arith.select %gt3A_3007, %broadcast_in_dim3A_3010, %broadcast_in_dim3A_2997 : vector<16xi1>, vector<16xi32>
        %get3A_3012 = arith.index_cast %add3A_2993 : i32 to index
        %get3A_3013 = arith.constant 16 : index
        %get3A_3014 = tpu.vector_load %arg7[%get3A_3012, %get3A_3013] {strides = array<i32>} : memref<128x128xf32, #tpu.memory_space<vmem>>, vector<1x16xf32>,
        %get3A_3015 = vector.shape_cast %get3A_3014 : vector<1x16xf32> to vector<16xf32>
        %get3A_3016 = arith.index_cast %add3A_2993 : i32 to index
        %get3A_3017 = arith.constant 16 : index
        %get3A_3018 = tpu.vector_load %arg8[%get3A_3016, %get3A_3017] {strides = array<i32>} : memref<128x128xf32, #tpu.memory_space<vmem>>, vector<1x16xf32>,
        %get3A_3019 = vector.shape_cast %get3A_3018 : vector<1x16xf32> to vector<16xf32>
        %mul3A_3020 = arith.mulf %get3A_3015, %get3A_3019 : vector<16xf32>
        %gt3A_3021 = arith.cmpf ogt, %mul3A_3020, %select_n3A_3008 : vector<16xf32>
        %select_n3A_3022 = arith.select %gt3A_3021, %mul3A_3020, %select_n3A_3008 : vector<16xi1>, vector<16xf32>
        %jit3A_3023 = arith.constant 1 : i32
        %broadcast_in_dim3A_3024 = vector.broadcast %jit3A_3023 : i32 to vector<16xi32>
        %select_n3A_3025 = arith.select %gt3A_3021, %broadcast_in_dim3A_3024, %select_n3A_3011 : vector<16xi1>, vector<16xi32>
        %get3A_3026 = arith.index_cast %add3A_2993 : i32 to index
        %get3A_3027 = arith.constant 32 : index
        %get3A_3028 = tpu.vector_load %arg7[%get3A_3026, %get3A_3027] {strides = array<i32>} : memref<128x128xf32, #tpu.memory_space<vmem>>, vector<1x16xf32>,
        %get3A_3029 = vector.shape_cast %get3A_3028 : vector<1x16xf32> to vector<16xf32>
        %get3A_3030 = arith.index_cast %add3A_2993 : i32 to index
        %get3A_3031 = arith.constant 32 : index
        %get3A_3032 = tpu.vector_load %arg8[%get3A_3030, %get3A_3031] {strides = array<i32>} : memref<128x128xf32, #tpu.memory_space<vmem>>, vector<1x16xf32>,
        %get3A_3033 = vector.shape_cast %get3A_3032 : vector<1x16xf32> to vector<16xf32>
        %mul3A_3034 = arith.mulf %get3A_3029, %get3A_3033 : vector<16xf32>
        %gt3A_3035 = arith.cmpf ogt, %mul3A_3034, %select_n3A_3022 : vector<16xf32>
        %select_n3A_3036 = arith.select %gt3A_3035, %mul3A_3034, %select_n3A_3022 : vector<16xi1>, vector<16xf32>
        %jit3A_3037 = arith.constant 2 : i32
        %broadcast_in_dim3A_3038 = vector.broadcast %jit3A_3037 : i32 to vector<16xi32>
        %select_n3A_3039 = arith.select %gt3A_3035, %broadcast_in_dim3A_3038, %select_n3A_3025 : vector<16xi1>, vector<16xi32>
        %get3A_3040 = arith.index_cast %add3A_2993 : i32 to index
        %get3A_3041 = arith.constant 48 : index
        %get3A_3042 = tpu.vector_load %arg7[%get3A_3040, %get3A_3041] {strides = array<i32>} : memref<128x128xf32, #tpu.memory_space<vmem>>, vector<1x16xf32>,
        %get3A_3043 = vector.shape_cast %get3A_3042 : vector<1x16xf32> to vector<16xf32>
        %get3A_3044 = arith.index_cast %add3A_2993 : i32 to index
        %get3A_3045 = arith.constant 48 : index
        %get3A_3046 = tpu.vector_load %arg8[%get3A_3044, %get3A_3045] {strides = array<i32>} : memref<128x128xf32, #tpu.memory_space<vmem>>, vector<1x16xf32>,
        %get3A_3047 = vector.shape_cast %get3A_3046 : vector<1x16xf32> to vector<16xf32>
        %mul3A_3048 = arith.mulf %get3A_3043, %get3A_3047 : vector<16xf32>
        %gt3A_3049 = arith.cmpf ogt, %mul3A_3048, %select_n3A_3036 : vector<16xf32>
        %select_n3A_3050 = arith.select %gt3A_3049, %mul3A_3048, %select_n3A_3036 : vector<16xi1>, vector<16xf32>
        %jit3A_3051 = arith.constant 3 : i32
        %broadcast_in_dim3A_3052 = vector.broadcast %jit3A_3051 : i32 to vector<16xi32>
        %select_n3A_3053 = arith.select %gt3A_3049, %broadcast_in_dim3A_3052, %select_n3A_3039 : vector<16xi1>, vector<16xi32>
        %get3A_3054 = arith.index_cast %add3A_2993 : i32 to index
        %get3A_3055 = arith.constant 64 : index
        %get3A_3056 = tpu.vector_load %arg7[%get3A_3054, %get3A_3055] {strides = array<i32>} : memref<128x128xf32, #tpu.memory_space<vmem>>, vector<1x16xf32>,
        %get3A_3057 = vector.shape_cast %get3A_3056 : vector<1x16xf32> to vector<16xf32>
        %get3A_3058 = arith.index_cast %add3A_2993 : i32 to index
        %get3A_3059 = arith.constant 64 : index
        %get3A_3060 = tpu.vector_load %arg8[%get3A_3058, %get3A_3059] {strides = array<i32>} : memref<128x128xf32, #tpu.memory_space<vmem>>, vector<1x16xf32>,
        %get3A_3061 = vector.shape_cast %get3A_3060 : vector<1x16xf32> to vector<16xf32>
        %mul3A_3062 = arith.mulf %get3A_3057, %get3A_3061 : vector<16xf32>
        %gt3A_3063 = arith.cmpf ogt, %mul3A_3062, %select_n3A_3050 : vector<16xf32>
        %select_n3A_3064 = arith.select %gt3A_3063, %mul3A_3062, %select_n3A_3050 : vector<16xi1>, vector<16xf32>
        %jit3A_3065 = arith.constant 4 : i32
        %broadcast_in_dim3A_3066 = vector.broadcast %jit3A_3065 : i32 to vector<16xi32>
        %select_n3A_3067 = arith.select %gt3A_3063, %broadcast_in_dim3A_3066, %select_n3A_3053 : vector<16xi1>, vector<16xi32>
        %get3A_3068 = arith.index_cast %add3A_2993 : i32 to index
        %get3A_3069 = arith.constant 80 : index
        %get3A_3070 = tpu.vector_load %arg7[%get3A_3068, %get3A_3069] {strides = array<i32>} : memref<128x128xf32, #tpu.memory_space<vmem>>, vector<1x16xf32>,
        %get3A_3071 = vector.shape_cast %get3A_3070 : vector<1x16xf32> to vector<16xf32>
        %get3A_3072 = arith.index_cast %add3A_2993 : i32 to index
        %get3A_3073 = arith.constant 80 : index
        %get3A_3074 = tpu.vector_load %arg8[%get3A_3072, %get3A_3073] {strides = array<i32>} : memref<128x128xf32, #tpu.memory_space<vmem>>, vector<1x16xf32>,
        %get3A_3075 = vector.shape_cast %get3A_3074 : vector<1x16xf32> to vector<16xf32>
        %mul3A_3076 = arith.mulf %get3A_3071, %get3A_3075 : vector<16xf32>
        %gt3A_3077 = arith.cmpf ogt, %mul3A_3076, %select_n3A_3064 : vector<16xf32>
        %select_n3A_3078 = arith.select %gt3A_3077, %mul3A_3076, %select_n3A_3064 : vector<16xi1>, vector<16xf32>
        %jit3A_3079 = arith.constant 5 : i32
        %broadcast_in_dim3A_3080 = vector.broadcast %jit3A_3079 : i32 to vector<16xi32>
        %select_n3A_3081 = arith.select %gt3A_3077, %broadcast_in_dim3A_3080, %select_n3A_3067 : vector<16xi1>, vector<16xi32>
        %get3A_3082 = arith.index_cast %add3A_2993 : i32 to index
        %get3A_3083 = arith.constant 96 : index
        %get3A_3084 = tpu.vector_load %arg7[%get3A_3082, %get3A_3083] {strides = array<i32>} : memref<128x128xf32, #tpu.memory_space<vmem>>, vector<1x16xf32>,
        %get3A_3085 = vector.shape_cast %get3A_3084 : vector<1x16xf32> to vector<16xf32>
        %get3A_3086 = arith.index_cast %add3A_2993 : i32 to index
        %get3A_3087 = arith.constant 96 : index
        %get3A_3088 = tpu.vector_load %arg8[%get3A_3086, %get3A_3087] {strides = array<i32>} : memref<128x128xf32, #tpu.memory_space<vmem>>, vector<1x16xf32>,
        %get3A_3089 = vector.shape_cast %get3A_3088 : vector<1x16xf32> to vector<16xf32>
        %mul3A_3090 = arith.mulf %get3A_3085, %get3A_3089 : vector<16xf32>
        %gt3A_3091 = arith.cmpf ogt, %mul3A_3090, %select_n3A_3078 : vector<16xf32>
        %select_n3A_3092 = arith.select %gt3A_3091, %mul3A_3090, %select_n3A_3078 : vector<16xi1>, vector<16xf32>
        %jit3A_3093 = arith.constant 6 : i32
        %broadcast_in_dim3A_3094 = vector.broadcast %jit3A_3093 : i32 to vector<16xi32>
        %select_n3A_3095 = arith.select %gt3A_3091, %broadcast_in_dim3A_3094, %select_n3A_3081 : vector<16xi1>, vector<16xi32>
        %get3A_3096 = arith.index_cast %add3A_2993 : i32 to index
        %get3A_3097 = arith.constant 112 : index
        %get3A_3098 = tpu.vector_load %arg7[%get3A_3096, %get3A_3097] {strides = array<i32>} : memref<128x128xf32, #tpu.memory_space<vmem>>, vector<1x16xf32>,
        %get3A_3099 = vector.shape_cast %get3A_3098 : vector<1x16xf32> to vector<16xf32>
        %get3A_3100 = arith.index_cast %add3A_2993 : i32 to index
        %get3A_3101 = arith.constant 112 : index
        %get3A_3102 = tpu.vector_load %arg8[%get3A_3100, %get3A_3101] {strides = array<i32>} : memref<128x128xf32, #tpu.memory_space<vmem>>, vector<1x16xf32>,
        %get3A_3103 = vector.shape_cast %get3A_3102 : vector<1x16xf32> to vector<16xf32>
        %mul3A_3104 = arith.mulf %get3A_3099, %get3A_3103 : vector<16xf32>
        %gt3A_3105 = arith.cmpf ogt, %mul3A_3104, %select_n3A_3092 : vector<16xf32>
        %select_n3A_3106 = arith.select %gt3A_3105, %mul3A_3104, %select_n3A_3092 : vector<16xi1>, vector<16xf32>
        %jit3A_3107 = arith.constant 7 : i32
        %broadcast_in_dim3A_3108 = vector.broadcast %jit3A_3107 : i32 to vector<16xi32>
        %select_n3A_3109 = arith.select %gt3A_3105, %broadcast_in_dim3A_3108, %select_n3A_3095 : vector<16xi1>, vector<16xi32>
        %mul3A_3110 = arith.constant 16 : i32
        %mul3A_3111 = vector.broadcast %mul3A_3110 : i32 to vector<16xi32>
        %mul3A_3112 = arith.muli %select_n3A_3109, %mul3A_3111 : vector<16xi32>
        %add3A_3113 = arith.addi %mul3A_3112, %iota3A : vector<16xi32>
        %xor3A_3114 = arith.constant 8 : i32
        %xor3A_3115 = vector.broadcast %xor3A_3114 : i32 to vector<16xi32>
        %xor3A_3116 = arith.xori %iota3A, %xor3A_3115 : vector<16xi32>
        %lt3A_3117 = arith.constant 0 : i32
        %lt3A_3118 = vector.broadcast %lt3A_3117 : i32 to vector<16xi32>
        %lt3A_3119 = arith.cmpi slt, %xor3A_3116, %lt3A_3118 : vector<16xi32>
        %add3A_3120 = arith.constant 16 : i32
        %add3A_3121 = vector.broadcast %add3A_3120 : i32 to vector<16xi32>
        %add3A_3122 = arith.addi %xor3A_3116, %add3A_3121 : vector<16xi32>
        %select_n3A_3123 = arith.select %lt3A_3119, %add3A_3122, %xor3A_3116 : vector<16xi1>, vector<16xi32>
        %broadcast_in_dim3A_3124 = vector.shape_cast %select_n3A_3123 : vector<16xi32> to vector<16x1xi32>
        %gather3A_3125 = vector.shape_cast %broadcast_in_dim3A_3124 : vector<16x1xi32> to vector<16xi32>
        %gather3A_3126 = tpu.dynamic_gather %select_n3A_3106[%gather3A_3125] in [0] : vector<16xf32>, vector<16xi32> -> vector<16xf32>
        %lt3A_3127 = arith.constant 0 : i32
        %lt3A_3128 = vector.broadcast %lt3A_3127 : i32 to vector<16xi32>
        %lt3A_3129 = arith.cmpi slt, %xor3A_3116, %lt3A_3128 : vector<16xi32>
        %add3A_3130 = arith.constant 16 : i32
        %add3A_3131 = vector.broadcast %add3A_3130 : i32 to vector<16xi32>
        %add3A_3132 = arith.addi %xor3A_3116, %add3A_3131 : vector<16xi32>
        %select_n3A_3133 = arith.select %lt3A_3129, %add3A_3132, %xor3A_3116 : vector<16xi1>, vector<16xi32>
        %broadcast_in_dim3A_3134 = vector.shape_cast %select_n3A_3133 : vector<16xi32> to vector<16x1xi32>
        %gather3A_3135 = vector.shape_cast %broadcast_in_dim3A_3134 : vector<16x1xi32> to vector<16xi32>
        %gather3A_3136 = tpu.dynamic_gather %add3A_3113[%gather3A_3135] in [0] : vector<16xi32>, vector<16xi32> -> vector<16xi32>
        %gt3A_3137 = arith.cmpf ogt, %gather3A_3126, %select_n3A_3106 : vector<16xf32>
        %eq3A_3138 = arith.cmpf oeq, %gather3A_3126, %select_n3A_3106 : vector<16xf32>
        %lt3A_3139 = arith.cmpi slt, %gather3A_3136, %add3A_3113 : vector<16xi32>
        %and3A_3140 = arith.andi %eq3A_3138, %lt3A_3139 : vector<16xi1>
        %or3A_3141 = arith.ori %gt3A_3137, %and3A_3140 : vector<16xi1>
        %select_n3A_3142 = arith.select %or3A_3141, %gather3A_3126, %select_n3A_3106 : vector<16xi1>, vector<16xf32>
        %select_n3A_3143 = arith.select %or3A_3141, %gather3A_3136, %add3A_3113 : vector<16xi1>, vector<16xi32>
        %xor3A_3144 = arith.constant 4 : i32
        %xor3A_3145 = vector.broadcast %xor3A_3144 : i32 to vector<16xi32>
        %xor3A_3146 = arith.xori %iota3A, %xor3A_3145 : vector<16xi32>
        %lt3A_3147 = arith.constant 0 : i32
        %lt3A_3148 = vector.broadcast %lt3A_3147 : i32 to vector<16xi32>
        %lt3A_3149 = arith.cmpi slt, %xor3A_3146, %lt3A_3148 : vector<16xi32>
        %add3A_3150 = arith.constant 16 : i32
        %add3A_3151 = vector.broadcast %add3A_3150 : i32 to vector<16xi32>
        %add3A_3152 = arith.addi %xor3A_3146, %add3A_3151 : vector<16xi32>
        %select_n3A_3153 = arith.select %lt3A_3149, %add3A_3152, %xor3A_3146 : vector<16xi1>, vector<16xi32>
        %broadcast_in_dim3A_3154 = vector.shape_cast %select_n3A_3153 : vector<16xi32> to vector<16x1xi32>
        %gather3A_3155 = vector.shape_cast %broadcast_in_dim3A_3154 : vector<16x1xi32> to vector<16xi32>
        %gather3A_3156 = tpu.dynamic_gather %select_n3A_3142[%gather3A_3155] in [0] : vector<16xf32>, vector<16xi32> -> vector<16xf32>
        %lt3A_3157 = arith.constant 0 : i32
        %lt3A_3158 = vector.broadcast %lt3A_3157 : i32 to vector<16xi32>
        %lt3A_3159 = arith.cmpi slt, %xor3A_3146, %lt3A_3158 : vector<16xi32>
        %add3A_3160 = arith.constant 16 : i32
        %add3A_3161 = vector.broadcast %add3A_3160 : i32 to vector<16xi32>
        %add3A_3162 = arith.addi %xor3A_3146, %add3A_3161 : vector<16xi32>
        %select_n3A_3163 = arith.select %lt3A_3159, %add3A_3162, %xor3A_3146 : vector<16xi1>, vector<16xi32>
        %broadcast_in_dim3A_3164 = vector.shape_cast %select_n3A_3163 : vector<16xi32> to vector<16x1xi32>
        %gather3A_3165 = vector.shape_cast %broadcast_in_dim3A_3164 : vector<16x1xi32> to vector<16xi32>
        %gather3A_3166 = tpu.dynamic_gather %select_n3A_3143[%gather3A_3165] in [0] : vector<16xi32>, vector<16xi32> -> vector<16xi32>
        %gt3A_3167 = arith.cmpf ogt, %gather3A_3156, %select_n3A_3142 : vector<16xf32>
        %eq3A_3168 = arith.cmpf oeq, %gather3A_3156, %select_n3A_3142 : vector<16xf32>
        %lt3A_3169 = arith.cmpi slt, %gather3A_3166, %select_n3A_3143 : vector<16xi32>
        %and3A_3170 = arith.andi %eq3A_3168, %lt3A_3169 : vector<16xi1>
        %or3A_3171 = arith.ori %gt3A_3167, %and3A_3170 : vector<16xi1>
        %select_n3A_3172 = arith.select %or3A_3171, %gather3A_3156, %select_n3A_3142 : vector<16xi1>, vector<16xf32>
        %select_n3A_3173 = arith.select %or3A_3171, %gather3A_3166, %select_n3A_3143 : vector<16xi1>, vector<16xi32>
        %xor3A_3174 = arith.constant 2 : i32
        %xor3A_3175 = vector.broadcast %xor3A_3174 : i32 to vector<16xi32>
        %xor3A_3176 = arith.xori %iota3A, %xor3A_3175 : vector<16xi32>
        %lt3A_3177 = arith.constant 0 : i32
        %lt3A_3178 = vector.broadcast %lt3A_3177 : i32 to vector<16xi32>
        %lt3A_3179 = arith.cmpi slt, %xor3A_3176, %lt3A_3178 : vector<16xi32>
        %add3A_3180 = arith.constant 16 : i32
        %add3A_3181 = vector.broadcast %add3A_3180 : i32 to vector<16xi32>
        %add3A_3182 = arith.addi %xor3A_3176, %add3A_3181 : vector<16xi32>
        %select_n3A_3183 = arith.select %lt3A_3179, %add3A_3182, %xor3A_3176 : vector<16xi1>, vector<16xi32>
        %broadcast_in_dim3A_3184 = vector.shape_cast %select_n3A_3183 : vector<16xi32> to vector<16x1xi32>
        %gather3A_3185 = vector.shape_cast %broadcast_in_dim3A_3184 : vector<16x1xi32> to vector<16xi32>
        %gather3A_3186 = tpu.dynamic_gather %select_n3A_3172[%gather3A_3185] in [0] : vector<16xf32>, vector<16xi32> -> vector<16xf32>
        %lt3A_3187 = arith.constant 0 : i32
        %lt3A_3188 = vector.broadcast %lt3A_3187 : i32 to vector<16xi32>
        %lt3A_3189 = arith.cmpi slt, %xor3A_3176, %lt3A_3188 : vector<16xi32>
        %add3A_3190 = arith.constant 16 : i32
        %add3A_3191 = vector.broadcast %add3A_3190 : i32 to vector<16xi32>
        %add3A_3192 = arith.addi %xor3A_3176, %add3A_3191 : vector<16xi32>
        %select_n3A_3193 = arith.select %lt3A_3189, %add3A_3192, %xor3A_3176 : vector<16xi1>, vector<16xi32>
        %broadcast_in_dim3A_3194 = vector.shape_cast %select_n3A_3193 : vector<16xi32> to vector<16x1xi32>
        %gather3A_3195 = vector.shape_cast %broadcast_in_dim3A_3194 : vector<16x1xi32> to vector<16xi32>
        %gather3A_3196 = tpu.dynamic_gather %select_n3A_3173[%gather3A_3195] in [0] : vector<16xi32>, vector<16xi32> -> vector<16xi32>
        %gt3A_3197 = arith.cmpf ogt, %gather3A_3186, %select_n3A_3172 : vector<16xf32>
        %eq3A_3198 = arith.cmpf oeq, %gather3A_3186, %select_n3A_3172 : vector<16xf32>
        %lt3A_3199 = arith.cmpi slt, %gather3A_3196, %select_n3A_3173 : vector<16xi32>
        %and3A_3200 = arith.andi %eq3A_3198, %lt3A_3199 : vector<16xi1>
        %or3A_3201 = arith.ori %gt3A_3197, %and3A_3200 : vector<16xi1>
        %select_n3A_3202 = arith.select %or3A_3201, %gather3A_3186, %select_n3A_3172 : vector<16xi1>, vector<16xf32>
        %select_n3A_3203 = arith.select %or3A_3201, %gather3A_3196, %select_n3A_3173 : vector<16xi1>, vector<16xi32>
        %xor3A_3204 = arith.constant 1 : i32
        %xor3A_3205 = vector.broadcast %xor3A_3204 : i32 to vector<16xi32>
        %xor3A_3206 = arith.xori %iota3A, %xor3A_3205 : vector<16xi32>
        %lt3A_3207 = arith.constant 0 : i32
        %lt3A_3208 = vector.broadcast %lt3A_3207 : i32 to vector<16xi32>
        %lt3A_3209 = arith.cmpi slt, %xor3A_3206, %lt3A_3208 : vector<16xi32>
        %add3A_3210 = arith.constant 16 : i32
        %add3A_3211 = vector.broadcast %add3A_3210 : i32 to vector<16xi32>
        %add3A_3212 = arith.addi %xor3A_3206, %add3A_3211 : vector<16xi32>
        %select_n3A_3213 = arith.select %lt3A_3209, %add3A_3212, %xor3A_3206 : vector<16xi1>, vector<16xi32>
        %broadcast_in_dim3A_3214 = vector.shape_cast %select_n3A_3213 : vector<16xi32> to vector<16x1xi32>
        %gather3A_3215 = vector.shape_cast %broadcast_in_dim3A_3214 : vector<16x1xi32> to vector<16xi32>
        %gather3A_3216 = tpu.dynamic_gather %select_n3A_3202[%gather3A_3215] in [0] : vector<16xf32>, vector<16xi32> -> vector<16xf32>
        %lt3A_3217 = arith.constant 0 : i32
        %lt3A_3218 = vector.broadcast %lt3A_3217 : i32 to vector<16xi32>
        %lt3A_3219 = arith.cmpi slt, %xor3A_3206, %lt3A_3218 : vector<16xi32>
        %add3A_3220 = arith.constant 16 : i32
        %add3A_3221 = vector.broadcast %add3A_3220 : i32 to vector<16xi32>
        %add3A_3222 = arith.addi %xor3A_3206, %add3A_3221 : vector<16xi32>
        %select_n3A_3223 = arith.select %lt3A_3219, %add3A_3222, %xor3A_3206 : vector<16xi1>, vector<16xi32>
        %broadcast_in_dim3A_3224 = vector.shape_cast %select_n3A_3223 : vector<16xi32> to vector<16x1xi32>
        %gather3A_3225 = vector.shape_cast %broadcast_in_dim3A_3224 : vector<16x1xi32> to vector<16xi32>
        %gather3A_3226 = tpu.dynamic_gather %select_n3A_3203[%gather3A_3225] in [0] : vector<16xi32>, vector<16xi32> -> vector<16xi32>
        %gt3A_3227 = arith.cmpf ogt, %gather3A_3216, %select_n3A_3202 : vector<16xf32>
        %eq3A_3228 = arith.cmpf oeq, %gather3A_3216, %select_n3A_3202 : vector<16xf32>
        %lt3A_3229 = arith.cmpi slt, %gather3A_3226, %select_n3A_3203 : vector<16xi32>
        %and3A_3230 = arith.andi %eq3A_3228, %lt3A_3229 : vector<16xi1>
        %or3A_3231 = arith.ori %gt3A_3227, %and3A_3230 : vector<16xi1>
        %select_n3A_3232 = arith.select %or3A_3231, %gather3A_3216, %select_n3A_3202 : vector<16xi1>, vector<16xf32>
        %select_n3A_3233 = arith.select %or3A_3231, %gather3A_3226, %select_n3A_3203 : vector<16xi1>, vector<16xi32>
        %eq3A_3234 = arith.constant 12 : i32
        %eq3A_3235 = vector.broadcast %eq3A_3234 : i32 to vector<16xi32>
        %eq3A_3236 = arith.cmpi eq, %iota3A, %eq3A_3235 : vector<16xi32>
        %select_n3A_3237 = arith.select %eq3A_3236, %select_n3A_3233, %select_n3A_2989 : vector<16xi1>, vector<16xi32>
        %mul3A_3238 = arith.constant 16 : i32
        %mul3A_3239 = arith.muli %scan3A_22, %mul3A_3238 : i32
        %add3A_3240 = arith.constant 13 : i32
        %add3A_3241 = arith.addi %mul3A_3239, %add3A_3240 : i32
        %broadcast_in_dim3A_3242 = arith.constant 0xFF800000 : f32
        %broadcast_in_dim3A_3243 = vector.broadcast %broadcast_in_dim3A_3242 : f32 to vector<16xf32>
        %broadcast_in_dim3A_3244 = arith.constant 0 : i32
        %broadcast_in_dim3A_3245 = vector.broadcast %broadcast_in_dim3A_3244 : i32 to vector<16xi32>
        %get3A_3246 = arith.index_cast %add3A_3241 : i32 to index
        %get3A_3247 = arith.constant 0 : index
        %get3A_3248 = tpu.vector_load %arg7[%get3A_3246, %get3A_3247] {strides = array<i32>} : memref<128x128xf32, #tpu.memory_space<vmem>>, vector<1x16xf32>,
        %get3A_3249 = vector.shape_cast %get3A_3248 : vector<1x16xf32> to vector<16xf32>
        %get3A_3250 = arith.index_cast %add3A_3241 : i32 to index
        %get3A_3251 = arith.constant 0 : index
        %get3A_3252 = tpu.vector_load %arg8[%get3A_3250, %get3A_3251] {strides = array<i32>} : memref<128x128xf32, #tpu.memory_space<vmem>>, vector<1x16xf32>,
        %get3A_3253 = vector.shape_cast %get3A_3252 : vector<1x16xf32> to vector<16xf32>
        %mul3A_3254 = arith.mulf %get3A_3249, %get3A_3253 : vector<16xf32>
        %gt3A_3255 = arith.cmpf ogt, %mul3A_3254, %broadcast_in_dim3A_3243 : vector<16xf32>
        %select_n3A_3256 = arith.select %gt3A_3255, %mul3A_3254, %broadcast_in_dim3A_3243 : vector<16xi1>, vector<16xf32>
        %jit3A_3257 = arith.constant 0 : i32
        %broadcast_in_dim3A_3258 = vector.broadcast %jit3A_3257 : i32 to vector<16xi32>
        %select_n3A_3259 = arith.select %gt3A_3255, %broadcast_in_dim3A_3258, %broadcast_in_dim3A_3245 : vector<16xi1>, vector<16xi32>
        %get3A_3260 = arith.index_cast %add3A_3241 : i32 to index
        %get3A_3261 = arith.constant 16 : index
        %get3A_3262 = tpu.vector_load %arg7[%get3A_3260, %get3A_3261] {strides = array<i32>} : memref<128x128xf32, #tpu.memory_space<vmem>>, vector<1x16xf32>,
        %get3A_3263 = vector.shape_cast %get3A_3262 : vector<1x16xf32> to vector<16xf32>
        %get3A_3264 = arith.index_cast %add3A_3241 : i32 to index
        %get3A_3265 = arith.constant 16 : index
        %get3A_3266 = tpu.vector_load %arg8[%get3A_3264, %get3A_3265] {strides = array<i32>} : memref<128x128xf32, #tpu.memory_space<vmem>>, vector<1x16xf32>,
        %get3A_3267 = vector.shape_cast %get3A_3266 : vector<1x16xf32> to vector<16xf32>
        %mul3A_3268 = arith.mulf %get3A_3263, %get3A_3267 : vector<16xf32>
        %gt3A_3269 = arith.cmpf ogt, %mul3A_3268, %select_n3A_3256 : vector<16xf32>
        %select_n3A_3270 = arith.select %gt3A_3269, %mul3A_3268, %select_n3A_3256 : vector<16xi1>, vector<16xf32>
        %jit3A_3271 = arith.constant 1 : i32
        %broadcast_in_dim3A_3272 = vector.broadcast %jit3A_3271 : i32 to vector<16xi32>
        %select_n3A_3273 = arith.select %gt3A_3269, %broadcast_in_dim3A_3272, %select_n3A_3259 : vector<16xi1>, vector<16xi32>
        %get3A_3274 = arith.index_cast %add3A_3241 : i32 to index
        %get3A_3275 = arith.constant 32 : index
        %get3A_3276 = tpu.vector_load %arg7[%get3A_3274, %get3A_3275] {strides = array<i32>} : memref<128x128xf32, #tpu.memory_space<vmem>>, vector<1x16xf32>,
        %get3A_3277 = vector.shape_cast %get3A_3276 : vector<1x16xf32> to vector<16xf32>
        %get3A_3278 = arith.index_cast %add3A_3241 : i32 to index
        %get3A_3279 = arith.constant 32 : index
        %get3A_3280 = tpu.vector_load %arg8[%get3A_3278, %get3A_3279] {strides = array<i32>} : memref<128x128xf32, #tpu.memory_space<vmem>>, vector<1x16xf32>,
        %get3A_3281 = vector.shape_cast %get3A_3280 : vector<1x16xf32> to vector<16xf32>
        %mul3A_3282 = arith.mulf %get3A_3277, %get3A_3281 : vector<16xf32>
        %gt3A_3283 = arith.cmpf ogt, %mul3A_3282, %select_n3A_3270 : vector<16xf32>
        %select_n3A_3284 = arith.select %gt3A_3283, %mul3A_3282, %select_n3A_3270 : vector<16xi1>, vector<16xf32>
        %jit3A_3285 = arith.constant 2 : i32
        %broadcast_in_dim3A_3286 = vector.broadcast %jit3A_3285 : i32 to vector<16xi32>
        %select_n3A_3287 = arith.select %gt3A_3283, %broadcast_in_dim3A_3286, %select_n3A_3273 : vector<16xi1>, vector<16xi32>
        %get3A_3288 = arith.index_cast %add3A_3241 : i32 to index
        %get3A_3289 = arith.constant 48 : index
        %get3A_3290 = tpu.vector_load %arg7[%get3A_3288, %get3A_3289] {strides = array<i32>} : memref<128x128xf32, #tpu.memory_space<vmem>>, vector<1x16xf32>,
        %get3A_3291 = vector.shape_cast %get3A_3290 : vector<1x16xf32> to vector<16xf32>
        %get3A_3292 = arith.index_cast %add3A_3241 : i32 to index
        %get3A_3293 = arith.constant 48 : index
        %get3A_3294 = tpu.vector_load %arg8[%get3A_3292, %get3A_3293] {strides = array<i32>} : memref<128x128xf32, #tpu.memory_space<vmem>>, vector<1x16xf32>,
        %get3A_3295 = vector.shape_cast %get3A_3294 : vector<1x16xf32> to vector<16xf32>
        %mul3A_3296 = arith.mulf %get3A_3291, %get3A_3295 : vector<16xf32>
        %gt3A_3297 = arith.cmpf ogt, %mul3A_3296, %select_n3A_3284 : vector<16xf32>
        %select_n3A_3298 = arith.select %gt3A_3297, %mul3A_3296, %select_n3A_3284 : vector<16xi1>, vector<16xf32>
        %jit3A_3299 = arith.constant 3 : i32
        %broadcast_in_dim3A_3300 = vector.broadcast %jit3A_3299 : i32 to vector<16xi32>
        %select_n3A_3301 = arith.select %gt3A_3297, %broadcast_in_dim3A_3300, %select_n3A_3287 : vector<16xi1>, vector<16xi32>
        %get3A_3302 = arith.index_cast %add3A_3241 : i32 to index
        %get3A_3303 = arith.constant 64 : index
        %get3A_3304 = tpu.vector_load %arg7[%get3A_3302, %get3A_3303] {strides = array<i32>} : memref<128x128xf32, #tpu.memory_space<vmem>>, vector<1x16xf32>,
        %get3A_3305 = vector.shape_cast %get3A_3304 : vector<1x16xf32> to vector<16xf32>
        %get3A_3306 = arith.index_cast %add3A_3241 : i32 to index
        %get3A_3307 = arith.constant 64 : index
        %get3A_3308 = tpu.vector_load %arg8[%get3A_3306, %get3A_3307] {strides = array<i32>} : memref<128x128xf32, #tpu.memory_space<vmem>>, vector<1x16xf32>,
        %get3A_3309 = vector.shape_cast %get3A_3308 : vector<1x16xf32> to vector<16xf32>
        %mul3A_3310 = arith.mulf %get3A_3305, %get3A_3309 : vector<16xf32>
        %gt3A_3311 = arith.cmpf ogt, %mul3A_3310, %select_n3A_3298 : vector<16xf32>
        %select_n3A_3312 = arith.select %gt3A_3311, %mul3A_3310, %select_n3A_3298 : vector<16xi1>, vector<16xf32>
        %jit3A_3313 = arith.constant 4 : i32
        %broadcast_in_dim3A_3314 = vector.broadcast %jit3A_3313 : i32 to vector<16xi32>
        %select_n3A_3315 = arith.select %gt3A_3311, %broadcast_in_dim3A_3314, %select_n3A_3301 : vector<16xi1>, vector<16xi32>
        %get3A_3316 = arith.index_cast %add3A_3241 : i32 to index
        %get3A_3317 = arith.constant 80 : index
        %get3A_3318 = tpu.vector_load %arg7[%get3A_3316, %get3A_3317] {strides = array<i32>} : memref<128x128xf32, #tpu.memory_space<vmem>>, vector<1x16xf32>,
        %get3A_3319 = vector.shape_cast %get3A_3318 : vector<1x16xf32> to vector<16xf32>
        %get3A_3320 = arith.index_cast %add3A_3241 : i32 to index
        %get3A_3321 = arith.constant 80 : index
        %get3A_3322 = tpu.vector_load %arg8[%get3A_3320, %get3A_3321] {strides = array<i32>} : memref<128x128xf32, #tpu.memory_space<vmem>>, vector<1x16xf32>,
        %get3A_3323 = vector.shape_cast %get3A_3322 : vector<1x16xf32> to vector<16xf32>
        %mul3A_3324 = arith.mulf %get3A_3319, %get3A_3323 : vector<16xf32>
        %gt3A_3325 = arith.cmpf ogt, %mul3A_3324, %select_n3A_3312 : vector<16xf32>
        %select_n3A_3326 = arith.select %gt3A_3325, %mul3A_3324, %select_n3A_3312 : vector<16xi1>, vector<16xf32>
        %jit3A_3327 = arith.constant 5 : i32
        %broadcast_in_dim3A_3328 = vector.broadcast %jit3A_3327 : i32 to vector<16xi32>
        %select_n3A_3329 = arith.select %gt3A_3325, %broadcast_in_dim3A_3328, %select_n3A_3315 : vector<16xi1>, vector<16xi32>
        %get3A_3330 = arith.index_cast %add3A_3241 : i32 to index
        %get3A_3331 = arith.constant 96 : index
        %get3A_3332 = tpu.vector_load %arg7[%get3A_3330, %get3A_3331] {strides = array<i32>} : memref<128x128xf32, #tpu.memory_space<vmem>>, vector<1x16xf32>,
        %get3A_3333 = vector.shape_cast %get3A_3332 : vector<1x16xf32> to vector<16xf32>
        %get3A_3334 = arith.index_cast %add3A_3241 : i32 to index
        %get3A_3335 = arith.constant 96 : index
        %get3A_3336 = tpu.vector_load %arg8[%get3A_3334, %get3A_3335] {strides = array<i32>} : memref<128x128xf32, #tpu.memory_space<vmem>>, vector<1x16xf32>,
        %get3A_3337 = vector.shape_cast %get3A_3336 : vector<1x16xf32> to vector<16xf32>
        %mul3A_3338 = arith.mulf %get3A_3333, %get3A_3337 : vector<16xf32>
        %gt3A_3339 = arith.cmpf ogt, %mul3A_3338, %select_n3A_3326 : vector<16xf32>
        %select_n3A_3340 = arith.select %gt3A_3339, %mul3A_3338, %select_n3A_3326 : vector<16xi1>, vector<16xf32>
        %jit3A_3341 = arith.constant 6 : i32
        %broadcast_in_dim3A_3342 = vector.broadcast %jit3A_3341 : i32 to vector<16xi32>
        %select_n3A_3343 = arith.select %gt3A_3339, %broadcast_in_dim3A_3342, %select_n3A_3329 : vector<16xi1>, vector<16xi32>
        %get3A_3344 = arith.index_cast %add3A_3241 : i32 to index
        %get3A_3345 = arith.constant 112 : index
        %get3A_3346 = tpu.vector_load %arg7[%get3A_3344, %get3A_3345] {strides = array<i32>} : memref<128x128xf32, #tpu.memory_space<vmem>>, vector<1x16xf32>,
        %get3A_3347 = vector.shape_cast %get3A_3346 : vector<1x16xf32> to vector<16xf32>
        %get3A_3348 = arith.index_cast %add3A_3241 : i32 to index
        %get3A_3349 = arith.constant 112 : index
        %get3A_3350 = tpu.vector_load %arg8[%get3A_3348, %get3A_3349] {strides = array<i32>} : memref<128x128xf32, #tpu.memory_space<vmem>>, vector<1x16xf32>,
        %get3A_3351 = vector.shape_cast %get3A_3350 : vector<1x16xf32> to vector<16xf32>
        %mul3A_3352 = arith.mulf %get3A_3347, %get3A_3351 : vector<16xf32>
        %gt3A_3353 = arith.cmpf ogt, %mul3A_3352, %select_n3A_3340 : vector<16xf32>
        %select_n3A_3354 = arith.select %gt3A_3353, %mul3A_3352, %select_n3A_3340 : vector<16xi1>, vector<16xf32>
        %jit3A_3355 = arith.constant 7 : i32
        %broadcast_in_dim3A_3356 = vector.broadcast %jit3A_3355 : i32 to vector<16xi32>
        %select_n3A_3357 = arith.select %gt3A_3353, %broadcast_in_dim3A_3356, %select_n3A_3343 : vector<16xi1>, vector<16xi32>
        %mul3A_3358 = arith.constant 16 : i32
        %mul3A_3359 = vector.broadcast %mul3A_3358 : i32 to vector<16xi32>
        %mul3A_3360 = arith.muli %select_n3A_3357, %mul3A_3359 : vector<16xi32>
        %add3A_3361 = arith.addi %mul3A_3360, %iota3A : vector<16xi32>
        %xor3A_3362 = arith.constant 8 : i32
        %xor3A_3363 = vector.broadcast %xor3A_3362 : i32 to vector<16xi32>
        %xor3A_3364 = arith.xori %iota3A, %xor3A_3363 : vector<16xi32>
        %lt3A_3365 = arith.constant 0 : i32
        %lt3A_3366 = vector.broadcast %lt3A_3365 : i32 to vector<16xi32>
        %lt3A_3367 = arith.cmpi slt, %xor3A_3364, %lt3A_3366 : vector<16xi32>
        %add3A_3368 = arith.constant 16 : i32
        %add3A_3369 = vector.broadcast %add3A_3368 : i32 to vector<16xi32>
        %add3A_3370 = arith.addi %xor3A_3364, %add3A_3369 : vector<16xi32>
        %select_n3A_3371 = arith.select %lt3A_3367, %add3A_3370, %xor3A_3364 : vector<16xi1>, vector<16xi32>
        %broadcast_in_dim3A_3372 = vector.shape_cast %select_n3A_3371 : vector<16xi32> to vector<16x1xi32>
        %gather3A_3373 = vector.shape_cast %broadcast_in_dim3A_3372 : vector<16x1xi32> to vector<16xi32>
        %gather3A_3374 = tpu.dynamic_gather %select_n3A_3354[%gather3A_3373] in [0] : vector<16xf32>, vector<16xi32> -> vector<16xf32>
        %lt3A_3375 = arith.constant 0 : i32
        %lt3A_3376 = vector.broadcast %lt3A_3375 : i32 to vector<16xi32>
        %lt3A_3377 = arith.cmpi slt, %xor3A_3364, %lt3A_3376 : vector<16xi32>
        %add3A_3378 = arith.constant 16 : i32
        %add3A_3379 = vector.broadcast %add3A_3378 : i32 to vector<16xi32>
        %add3A_3380 = arith.addi %xor3A_3364, %add3A_3379 : vector<16xi32>
        %select_n3A_3381 = arith.select %lt3A_3377, %add3A_3380, %xor3A_3364 : vector<16xi1>, vector<16xi32>
        %broadcast_in_dim3A_3382 = vector.shape_cast %select_n3A_3381 : vector<16xi32> to vector<16x1xi32>
        %gather3A_3383 = vector.shape_cast %broadcast_in_dim3A_3382 : vector<16x1xi32> to vector<16xi32>
        %gather3A_3384 = tpu.dynamic_gather %add3A_3361[%gather3A_3383] in [0] : vector<16xi32>, vector<16xi32> -> vector<16xi32>
        %gt3A_3385 = arith.cmpf ogt, %gather3A_3374, %select_n3A_3354 : vector<16xf32>
        %eq3A_3386 = arith.cmpf oeq, %gather3A_3374, %select_n3A_3354 : vector<16xf32>
        %lt3A_3387 = arith.cmpi slt, %gather3A_3384, %add3A_3361 : vector<16xi32>
        %and3A_3388 = arith.andi %eq3A_3386, %lt3A_3387 : vector<16xi1>
        %or3A_3389 = arith.ori %gt3A_3385, %and3A_3388 : vector<16xi1>
        %select_n3A_3390 = arith.select %or3A_3389, %gather3A_3374, %select_n3A_3354 : vector<16xi1>, vector<16xf32>
        %select_n3A_3391 = arith.select %or3A_3389, %gather3A_3384, %add3A_3361 : vector<16xi1>, vector<16xi32>
        %xor3A_3392 = arith.constant 4 : i32
        %xor3A_3393 = vector.broadcast %xor3A_3392 : i32 to vector<16xi32>
        %xor3A_3394 = arith.xori %iota3A, %xor3A_3393 : vector<16xi32>
        %lt3A_3395 = arith.constant 0 : i32
        %lt3A_3396 = vector.broadcast %lt3A_3395 : i32 to vector<16xi32>
        %lt3A_3397 = arith.cmpi slt, %xor3A_3394, %lt3A_3396 : vector<16xi32>
        %add3A_3398 = arith.constant 16 : i32
        %add3A_3399 = vector.broadcast %add3A_3398 : i32 to vector<16xi32>
        %add3A_3400 = arith.addi %xor3A_3394, %add3A_3399 : vector<16xi32>
        %select_n3A_3401 = arith.select %lt3A_3397, %add3A_3400, %xor3A_3394 : vector<16xi1>, vector<16xi32>
        %broadcast_in_dim3A_3402 = vector.shape_cast %select_n3A_3401 : vector<16xi32> to vector<16x1xi32>
        %gather3A_3403 = vector.shape_cast %broadcast_in_dim3A_3402 : vector<16x1xi32> to vector<16xi32>
        %gather3A_3404 = tpu.dynamic_gather %select_n3A_3390[%gather3A_3403] in [0] : vector<16xf32>, vector<16xi32> -> vector<16xf32>
        %lt3A_3405 = arith.constant 0 : i32
        %lt3A_3406 = vector.broadcast %lt3A_3405 : i32 to vector<16xi32>
        %lt3A_3407 = arith.cmpi slt, %xor3A_3394, %lt3A_3406 : vector<16xi32>
        %add3A_3408 = arith.constant 16 : i32
        %add3A_3409 = vector.broadcast %add3A_3408 : i32 to vector<16xi32>
        %add3A_3410 = arith.addi %xor3A_3394, %add3A_3409 : vector<16xi32>
        %select_n3A_3411 = arith.select %lt3A_3407, %add3A_3410, %xor3A_3394 : vector<16xi1>, vector<16xi32>
        %broadcast_in_dim3A_3412 = vector.shape_cast %select_n3A_3411 : vector<16xi32> to vector<16x1xi32>
        %gather3A_3413 = vector.shape_cast %broadcast_in_dim3A_3412 : vector<16x1xi32> to vector<16xi32>
        %gather3A_3414 = tpu.dynamic_gather %select_n3A_3391[%gather3A_3413] in [0] : vector<16xi32>, vector<16xi32> -> vector<16xi32>
        %gt3A_3415 = arith.cmpf ogt, %gather3A_3404, %select_n3A_3390 : vector<16xf32>
        %eq3A_3416 = arith.cmpf oeq, %gather3A_3404, %select_n3A_3390 : vector<16xf32>
        %lt3A_3417 = arith.cmpi slt, %gather3A_3414, %select_n3A_3391 : vector<16xi32>
        %and3A_3418 = arith.andi %eq3A_3416, %lt3A_3417 : vector<16xi1>
        %or3A_3419 = arith.ori %gt3A_3415, %and3A_3418 : vector<16xi1>
        %select_n3A_3420 = arith.select %or3A_3419, %gather3A_3404, %select_n3A_3390 : vector<16xi1>, vector<16xf32>
        %select_n3A_3421 = arith.select %or3A_3419, %gather3A_3414, %select_n3A_3391 : vector<16xi1>, vector<16xi32>
        %xor3A_3422 = arith.constant 2 : i32
        %xor3A_3423 = vector.broadcast %xor3A_3422 : i32 to vector<16xi32>
        %xor3A_3424 = arith.xori %iota3A, %xor3A_3423 : vector<16xi32>
        %lt3A_3425 = arith.constant 0 : i32
        %lt3A_3426 = vector.broadcast %lt3A_3425 : i32 to vector<16xi32>
        %lt3A_3427 = arith.cmpi slt, %xor3A_3424, %lt3A_3426 : vector<16xi32>
        %add3A_3428 = arith.constant 16 : i32
        %add3A_3429 = vector.broadcast %add3A_3428 : i32 to vector<16xi32>
        %add3A_3430 = arith.addi %xor3A_3424, %add3A_3429 : vector<16xi32>
        %select_n3A_3431 = arith.select %lt3A_3427, %add3A_3430, %xor3A_3424 : vector<16xi1>, vector<16xi32>
        %broadcast_in_dim3A_3432 = vector.shape_cast %select_n3A_3431 : vector<16xi32> to vector<16x1xi32>
        %gather3A_3433 = vector.shape_cast %broadcast_in_dim3A_3432 : vector<16x1xi32> to vector<16xi32>
        %gather3A_3434 = tpu.dynamic_gather %select_n3A_3420[%gather3A_3433] in [0] : vector<16xf32>, vector<16xi32> -> vector<16xf32>
        %lt3A_3435 = arith.constant 0 : i32
        %lt3A_3436 = vector.broadcast %lt3A_3435 : i32 to vector<16xi32>
        %lt3A_3437 = arith.cmpi slt, %xor3A_3424, %lt3A_3436 : vector<16xi32>
        %add3A_3438 = arith.constant 16 : i32
        %add3A_3439 = vector.broadcast %add3A_3438 : i32 to vector<16xi32>
        %add3A_3440 = arith.addi %xor3A_3424, %add3A_3439 : vector<16xi32>
        %select_n3A_3441 = arith.select %lt3A_3437, %add3A_3440, %xor3A_3424 : vector<16xi1>, vector<16xi32>
        %broadcast_in_dim3A_3442 = vector.shape_cast %select_n3A_3441 : vector<16xi32> to vector<16x1xi32>
        %gather3A_3443 = vector.shape_cast %broadcast_in_dim3A_3442 : vector<16x1xi32> to vector<16xi32>
        %gather3A_3444 = tpu.dynamic_gather %select_n3A_3421[%gather3A_3443] in [0] : vector<16xi32>, vector<16xi32> -> vector<16xi32>
        %gt3A_3445 = arith.cmpf ogt, %gather3A_3434, %select_n3A_3420 : vector<16xf32>
        %eq3A_3446 = arith.cmpf oeq, %gather3A_3434, %select_n3A_3420 : vector<16xf32>
        %lt3A_3447 = arith.cmpi slt, %gather3A_3444, %select_n3A_3421 : vector<16xi32>
        %and3A_3448 = arith.andi %eq3A_3446, %lt3A_3447 : vector<16xi1>
        %or3A_3449 = arith.ori %gt3A_3445, %and3A_3448 : vector<16xi1>
        %select_n3A_3450 = arith.select %or3A_3449, %gather3A_3434, %select_n3A_3420 : vector<16xi1>, vector<16xf32>
        %select_n3A_3451 = arith.select %or3A_3449, %gather3A_3444, %select_n3A_3421 : vector<16xi1>, vector<16xi32>
        %xor3A_3452 = arith.constant 1 : i32
        %xor3A_3453 = vector.broadcast %xor3A_3452 : i32 to vector<16xi32>
        %xor3A_3454 = arith.xori %iota3A, %xor3A_3453 : vector<16xi32>
        %lt3A_3455 = arith.constant 0 : i32
        %lt3A_3456 = vector.broadcast %lt3A_3455 : i32 to vector<16xi32>
        %lt3A_3457 = arith.cmpi slt, %xor3A_3454, %lt3A_3456 : vector<16xi32>
        %add3A_3458 = arith.constant 16 : i32
        %add3A_3459 = vector.broadcast %add3A_3458 : i32 to vector<16xi32>
        %add3A_3460 = arith.addi %xor3A_3454, %add3A_3459 : vector<16xi32>
        %select_n3A_3461 = arith.select %lt3A_3457, %add3A_3460, %xor3A_3454 : vector<16xi1>, vector<16xi32>
        %broadcast_in_dim3A_3462 = vector.shape_cast %select_n3A_3461 : vector<16xi32> to vector<16x1xi32>
        %gather3A_3463 = vector.shape_cast %broadcast_in_dim3A_3462 : vector<16x1xi32> to vector<16xi32>
        %gather3A_3464 = tpu.dynamic_gather %select_n3A_3450[%gather3A_3463] in [0] : vector<16xf32>, vector<16xi32> -> vector<16xf32>
        %lt3A_3465 = arith.constant 0 : i32
        %lt3A_3466 = vector.broadcast %lt3A_3465 : i32 to vector<16xi32>
        %lt3A_3467 = arith.cmpi slt, %xor3A_3454, %lt3A_3466 : vector<16xi32>
        %add3A_3468 = arith.constant 16 : i32
        %add3A_3469 = vector.broadcast %add3A_3468 : i32 to vector<16xi32>
        %add3A_3470 = arith.addi %xor3A_3454, %add3A_3469 : vector<16xi32>
        %select_n3A_3471 = arith.select %lt3A_3467, %add3A_3470, %xor3A_3454 : vector<16xi1>, vector<16xi32>
        %broadcast_in_dim3A_3472 = vector.shape_cast %select_n3A_3471 : vector<16xi32> to vector<16x1xi32>
        %gather3A_3473 = vector.shape_cast %broadcast_in_dim3A_3472 : vector<16x1xi32> to vector<16xi32>
        %gather3A_3474 = tpu.dynamic_gather %select_n3A_3451[%gather3A_3473] in [0] : vector<16xi32>, vector<16xi32> -> vector<16xi32>
        %gt3A_3475 = arith.cmpf ogt, %gather3A_3464, %select_n3A_3450 : vector<16xf32>
        %eq3A_3476 = arith.cmpf oeq, %gather3A_3464, %select_n3A_3450 : vector<16xf32>
        %lt3A_3477 = arith.cmpi slt, %gather3A_3474, %select_n3A_3451 : vector<16xi32>
        %and3A_3478 = arith.andi %eq3A_3476, %lt3A_3477 : vector<16xi1>
        %or3A_3479 = arith.ori %gt3A_3475, %and3A_3478 : vector<16xi1>
        %select_n3A_3480 = arith.select %or3A_3479, %gather3A_3464, %select_n3A_3450 : vector<16xi1>, vector<16xf32>
        %select_n3A_3481 = arith.select %or3A_3479, %gather3A_3474, %select_n3A_3451 : vector<16xi1>, vector<16xi32>
        %eq3A_3482 = arith.constant 13 : i32
        %eq3A_3483 = vector.broadcast %eq3A_3482 : i32 to vector<16xi32>
        %eq3A_3484 = arith.cmpi eq, %iota3A, %eq3A_3483 : vector<16xi32>
        %select_n3A_3485 = arith.select %eq3A_3484, %select_n3A_3481, %select_n3A_3237 : vector<16xi1>, vector<16xi32>
        %mul3A_3486 = arith.constant 16 : i32
        %mul3A_3487 = arith.muli %scan3A_22, %mul3A_3486 : i32
        %add3A_3488 = arith.constant 14 : i32
        %add3A_3489 = arith.addi %mul3A_3487, %add3A_3488 : i32
        %broadcast_in_dim3A_3490 = arith.constant 0xFF800000 : f32
        %broadcast_in_dim3A_3491 = vector.broadcast %broadcast_in_dim3A_3490 : f32 to vector<16xf32>
        %broadcast_in_dim3A_3492 = arith.constant 0 : i32
        %broadcast_in_dim3A_3493 = vector.broadcast %broadcast_in_dim3A_3492 : i32 to vector<16xi32>
        %get3A_3494 = arith.index_cast %add3A_3489 : i32 to index
        %get3A_3495 = arith.constant 0 : index
        %get3A_3496 = tpu.vector_load %arg7[%get3A_3494, %get3A_3495] {strides = array<i32>} : memref<128x128xf32, #tpu.memory_space<vmem>>, vector<1x16xf32>,
        %get3A_3497 = vector.shape_cast %get3A_3496 : vector<1x16xf32> to vector<16xf32>
        %get3A_3498 = arith.index_cast %add3A_3489 : i32 to index
        %get3A_3499 = arith.constant 0 : index
        %get3A_3500 = tpu.vector_load %arg8[%get3A_3498, %get3A_3499] {strides = array<i32>} : memref<128x128xf32, #tpu.memory_space<vmem>>, vector<1x16xf32>,
        %get3A_3501 = vector.shape_cast %get3A_3500 : vector<1x16xf32> to vector<16xf32>
        %mul3A_3502 = arith.mulf %get3A_3497, %get3A_3501 : vector<16xf32>
        %gt3A_3503 = arith.cmpf ogt, %mul3A_3502, %broadcast_in_dim3A_3491 : vector<16xf32>
        %select_n3A_3504 = arith.select %gt3A_3503, %mul3A_3502, %broadcast_in_dim3A_3491 : vector<16xi1>, vector<16xf32>
        %jit3A_3505 = arith.constant 0 : i32
        %broadcast_in_dim3A_3506 = vector.broadcast %jit3A_3505 : i32 to vector<16xi32>
        %select_n3A_3507 = arith.select %gt3A_3503, %broadcast_in_dim3A_3506, %broadcast_in_dim3A_3493 : vector<16xi1>, vector<16xi32>
        %get3A_3508 = arith.index_cast %add3A_3489 : i32 to index
        %get3A_3509 = arith.constant 16 : index
        %get3A_3510 = tpu.vector_load %arg7[%get3A_3508, %get3A_3509] {strides = array<i32>} : memref<128x128xf32, #tpu.memory_space<vmem>>, vector<1x16xf32>,
        %get3A_3511 = vector.shape_cast %get3A_3510 : vector<1x16xf32> to vector<16xf32>
        %get3A_3512 = arith.index_cast %add3A_3489 : i32 to index
        %get3A_3513 = arith.constant 16 : index
        %get3A_3514 = tpu.vector_load %arg8[%get3A_3512, %get3A_3513] {strides = array<i32>} : memref<128x128xf32, #tpu.memory_space<vmem>>, vector<1x16xf32>,
        %get3A_3515 = vector.shape_cast %get3A_3514 : vector<1x16xf32> to vector<16xf32>
        %mul3A_3516 = arith.mulf %get3A_3511, %get3A_3515 : vector<16xf32>
        %gt3A_3517 = arith.cmpf ogt, %mul3A_3516, %select_n3A_3504 : vector<16xf32>
        %select_n3A_3518 = arith.select %gt3A_3517, %mul3A_3516, %select_n3A_3504 : vector<16xi1>, vector<16xf32>
        %jit3A_3519 = arith.constant 1 : i32
        %broadcast_in_dim3A_3520 = vector.broadcast %jit3A_3519 : i32 to vector<16xi32>
        %select_n3A_3521 = arith.select %gt3A_3517, %broadcast_in_dim3A_3520, %select_n3A_3507 : vector<16xi1>, vector<16xi32>
        %get3A_3522 = arith.index_cast %add3A_3489 : i32 to index
        %get3A_3523 = arith.constant 32 : index
        %get3A_3524 = tpu.vector_load %arg7[%get3A_3522, %get3A_3523] {strides = array<i32>} : memref<128x128xf32, #tpu.memory_space<vmem>>, vector<1x16xf32>,
        %get3A_3525 = vector.shape_cast %get3A_3524 : vector<1x16xf32> to vector<16xf32>
        %get3A_3526 = arith.index_cast %add3A_3489 : i32 to index
        %get3A_3527 = arith.constant 32 : index
        %get3A_3528 = tpu.vector_load %arg8[%get3A_3526, %get3A_3527] {strides = array<i32>} : memref<128x128xf32, #tpu.memory_space<vmem>>, vector<1x16xf32>,
        %get3A_3529 = vector.shape_cast %get3A_3528 : vector<1x16xf32> to vector<16xf32>
        %mul3A_3530 = arith.mulf %get3A_3525, %get3A_3529 : vector<16xf32>
        %gt3A_3531 = arith.cmpf ogt, %mul3A_3530, %select_n3A_3518 : vector<16xf32>
        %select_n3A_3532 = arith.select %gt3A_3531, %mul3A_3530, %select_n3A_3518 : vector<16xi1>, vector<16xf32>
        %jit3A_3533 = arith.constant 2 : i32
        %broadcast_in_dim3A_3534 = vector.broadcast %jit3A_3533 : i32 to vector<16xi32>
        %select_n3A_3535 = arith.select %gt3A_3531, %broadcast_in_dim3A_3534, %select_n3A_3521 : vector<16xi1>, vector<16xi32>
        %get3A_3536 = arith.index_cast %add3A_3489 : i32 to index
        %get3A_3537 = arith.constant 48 : index
        %get3A_3538 = tpu.vector_load %arg7[%get3A_3536, %get3A_3537] {strides = array<i32>} : memref<128x128xf32, #tpu.memory_space<vmem>>, vector<1x16xf32>,
        %get3A_3539 = vector.shape_cast %get3A_3538 : vector<1x16xf32> to vector<16xf32>
        %get3A_3540 = arith.index_cast %add3A_3489 : i32 to index
        %get3A_3541 = arith.constant 48 : index
        %get3A_3542 = tpu.vector_load %arg8[%get3A_3540, %get3A_3541] {strides = array<i32>} : memref<128x128xf32, #tpu.memory_space<vmem>>, vector<1x16xf32>,
        %get3A_3543 = vector.shape_cast %get3A_3542 : vector<1x16xf32> to vector<16xf32>
        %mul3A_3544 = arith.mulf %get3A_3539, %get3A_3543 : vector<16xf32>
        %gt3A_3545 = arith.cmpf ogt, %mul3A_3544, %select_n3A_3532 : vector<16xf32>
        %select_n3A_3546 = arith.select %gt3A_3545, %mul3A_3544, %select_n3A_3532 : vector<16xi1>, vector<16xf32>
        %jit3A_3547 = arith.constant 3 : i32
        %broadcast_in_dim3A_3548 = vector.broadcast %jit3A_3547 : i32 to vector<16xi32>
        %select_n3A_3549 = arith.select %gt3A_3545, %broadcast_in_dim3A_3548, %select_n3A_3535 : vector<16xi1>, vector<16xi32>
        %get3A_3550 = arith.index_cast %add3A_3489 : i32 to index
        %get3A_3551 = arith.constant 64 : index
        %get3A_3552 = tpu.vector_load %arg7[%get3A_3550, %get3A_3551] {strides = array<i32>} : memref<128x128xf32, #tpu.memory_space<vmem>>, vector<1x16xf32>,
        %get3A_3553 = vector.shape_cast %get3A_3552 : vector<1x16xf32> to vector<16xf32>
        %get3A_3554 = arith.index_cast %add3A_3489 : i32 to index
        %get3A_3555 = arith.constant 64 : index
        %get3A_3556 = tpu.vector_load %arg8[%get3A_3554, %get3A_3555] {strides = array<i32>} : memref<128x128xf32, #tpu.memory_space<vmem>>, vector<1x16xf32>,
        %get3A_3557 = vector.shape_cast %get3A_3556 : vector<1x16xf32> to vector<16xf32>
        %mul3A_3558 = arith.mulf %get3A_3553, %get3A_3557 : vector<16xf32>
        %gt3A_3559 = arith.cmpf ogt, %mul3A_3558, %select_n3A_3546 : vector<16xf32>
        %select_n3A_3560 = arith.select %gt3A_3559, %mul3A_3558, %select_n3A_3546 : vector<16xi1>, vector<16xf32>
        %jit3A_3561 = arith.constant 4 : i32
        %broadcast_in_dim3A_3562 = vector.broadcast %jit3A_3561 : i32 to vector<16xi32>
        %select_n3A_3563 = arith.select %gt3A_3559, %broadcast_in_dim3A_3562, %select_n3A_3549 : vector<16xi1>, vector<16xi32>
        %get3A_3564 = arith.index_cast %add3A_3489 : i32 to index
        %get3A_3565 = arith.constant 80 : index
        %get3A_3566 = tpu.vector_load %arg7[%get3A_3564, %get3A_3565] {strides = array<i32>} : memref<128x128xf32, #tpu.memory_space<vmem>>, vector<1x16xf32>,
        %get3A_3567 = vector.shape_cast %get3A_3566 : vector<1x16xf32> to vector<16xf32>
        %get3A_3568 = arith.index_cast %add3A_3489 : i32 to index
        %get3A_3569 = arith.constant 80 : index
        %get3A_3570 = tpu.vector_load %arg8[%get3A_3568, %get3A_3569] {strides = array<i32>} : memref<128x128xf32, #tpu.memory_space<vmem>>, vector<1x16xf32>,
        %get3A_3571 = vector.shape_cast %get3A_3570 : vector<1x16xf32> to vector<16xf32>
        %mul3A_3572 = arith.mulf %get3A_3567, %get3A_3571 : vector<16xf32>
        %gt3A_3573 = arith.cmpf ogt, %mul3A_3572, %select_n3A_3560 : vector<16xf32>
        %select_n3A_3574 = arith.select %gt3A_3573, %mul3A_3572, %select_n3A_3560 : vector<16xi1>, vector<16xf32>
        %jit3A_3575 = arith.constant 5 : i32
        %broadcast_in_dim3A_3576 = vector.broadcast %jit3A_3575 : i32 to vector<16xi32>
        %select_n3A_3577 = arith.select %gt3A_3573, %broadcast_in_dim3A_3576, %select_n3A_3563 : vector<16xi1>, vector<16xi32>
        %get3A_3578 = arith.index_cast %add3A_3489 : i32 to index
        %get3A_3579 = arith.constant 96 : index
        %get3A_3580 = tpu.vector_load %arg7[%get3A_3578, %get3A_3579] {strides = array<i32>} : memref<128x128xf32, #tpu.memory_space<vmem>>, vector<1x16xf32>,
        %get3A_3581 = vector.shape_cast %get3A_3580 : vector<1x16xf32> to vector<16xf32>
        %get3A_3582 = arith.index_cast %add3A_3489 : i32 to index
        %get3A_3583 = arith.constant 96 : index
        %get3A_3584 = tpu.vector_load %arg8[%get3A_3582, %get3A_3583] {strides = array<i32>} : memref<128x128xf32, #tpu.memory_space<vmem>>, vector<1x16xf32>,
        %get3A_3585 = vector.shape_cast %get3A_3584 : vector<1x16xf32> to vector<16xf32>
        %mul3A_3586 = arith.mulf %get3A_3581, %get3A_3585 : vector<16xf32>
        %gt3A_3587 = arith.cmpf ogt, %mul3A_3586, %select_n3A_3574 : vector<16xf32>
        %select_n3A_3588 = arith.select %gt3A_3587, %mul3A_3586, %select_n3A_3574 : vector<16xi1>, vector<16xf32>
        %jit3A_3589 = arith.constant 6 : i32
        %broadcast_in_dim3A_3590 = vector.broadcast %jit3A_3589 : i32 to vector<16xi32>
        %select_n3A_3591 = arith.select %gt3A_3587, %broadcast_in_dim3A_3590, %select_n3A_3577 : vector<16xi1>, vector<16xi32>
        %get3A_3592 = arith.index_cast %add3A_3489 : i32 to index
        %get3A_3593 = arith.constant 112 : index
        %get3A_3594 = tpu.vector_load %arg7[%get3A_3592, %get3A_3593] {strides = array<i32>} : memref<128x128xf32, #tpu.memory_space<vmem>>, vector<1x16xf32>,
        %get3A_3595 = vector.shape_cast %get3A_3594 : vector<1x16xf32> to vector<16xf32>
        %get3A_3596 = arith.index_cast %add3A_3489 : i32 to index
        %get3A_3597 = arith.constant 112 : index
        %get3A_3598 = tpu.vector_load %arg8[%get3A_3596, %get3A_3597] {strides = array<i32>} : memref<128x128xf32, #tpu.memory_space<vmem>>, vector<1x16xf32>,
        %get3A_3599 = vector.shape_cast %get3A_3598 : vector<1x16xf32> to vector<16xf32>
        %mul3A_3600 = arith.mulf %get3A_3595, %get3A_3599 : vector<16xf32>
        %gt3A_3601 = arith.cmpf ogt, %mul3A_3600, %select_n3A_3588 : vector<16xf32>
        %select_n3A_3602 = arith.select %gt3A_3601, %mul3A_3600, %select_n3A_3588 : vector<16xi1>, vector<16xf32>
        %jit3A_3603 = arith.constant 7 : i32
        %broadcast_in_dim3A_3604 = vector.broadcast %jit3A_3603 : i32 to vector<16xi32>
        %select_n3A_3605 = arith.select %gt3A_3601, %broadcast_in_dim3A_3604, %select_n3A_3591 : vector<16xi1>, vector<16xi32>
        %mul3A_3606 = arith.constant 16 : i32
        %mul3A_3607 = vector.broadcast %mul3A_3606 : i32 to vector<16xi32>
        %mul3A_3608 = arith.muli %select_n3A_3605, %mul3A_3607 : vector<16xi32>
        %add3A_3609 = arith.addi %mul3A_3608, %iota3A : vector<16xi32>
        %xor3A_3610 = arith.constant 8 : i32
        %xor3A_3611 = vector.broadcast %xor3A_3610 : i32 to vector<16xi32>
        %xor3A_3612 = arith.xori %iota3A, %xor3A_3611 : vector<16xi32>
        %lt3A_3613 = arith.constant 0 : i32
        %lt3A_3614 = vector.broadcast %lt3A_3613 : i32 to vector<16xi32>
        %lt3A_3615 = arith.cmpi slt, %xor3A_3612, %lt3A_3614 : vector<16xi32>
        %add3A_3616 = arith.constant 16 : i32
        %add3A_3617 = vector.broadcast %add3A_3616 : i32 to vector<16xi32>
        %add3A_3618 = arith.addi %xor3A_3612, %add3A_3617 : vector<16xi32>
        %select_n3A_3619 = arith.select %lt3A_3615, %add3A_3618, %xor3A_3612 : vector<16xi1>, vector<16xi32>
        %broadcast_in_dim3A_3620 = vector.shape_cast %select_n3A_3619 : vector<16xi32> to vector<16x1xi32>
        %gather3A_3621 = vector.shape_cast %broadcast_in_dim3A_3620 : vector<16x1xi32> to vector<16xi32>
        %gather3A_3622 = tpu.dynamic_gather %select_n3A_3602[%gather3A_3621] in [0] : vector<16xf32>, vector<16xi32> -> vector<16xf32>
        %lt3A_3623 = arith.constant 0 : i32
        %lt3A_3624 = vector.broadcast %lt3A_3623 : i32 to vector<16xi32>
        %lt3A_3625 = arith.cmpi slt, %xor3A_3612, %lt3A_3624 : vector<16xi32>
        %add3A_3626 = arith.constant 16 : i32
        %add3A_3627 = vector.broadcast %add3A_3626 : i32 to vector<16xi32>
        %add3A_3628 = arith.addi %xor3A_3612, %add3A_3627 : vector<16xi32>
        %select_n3A_3629 = arith.select %lt3A_3625, %add3A_3628, %xor3A_3612 : vector<16xi1>, vector<16xi32>
        %broadcast_in_dim3A_3630 = vector.shape_cast %select_n3A_3629 : vector<16xi32> to vector<16x1xi32>
        %gather3A_3631 = vector.shape_cast %broadcast_in_dim3A_3630 : vector<16x1xi32> to vector<16xi32>
        %gather3A_3632 = tpu.dynamic_gather %add3A_3609[%gather3A_3631] in [0] : vector<16xi32>, vector<16xi32> -> vector<16xi32>
        %gt3A_3633 = arith.cmpf ogt, %gather3A_3622, %select_n3A_3602 : vector<16xf32>
        %eq3A_3634 = arith.cmpf oeq, %gather3A_3622, %select_n3A_3602 : vector<16xf32>
        %lt3A_3635 = arith.cmpi slt, %gather3A_3632, %add3A_3609 : vector<16xi32>
        %and3A_3636 = arith.andi %eq3A_3634, %lt3A_3635 : vector<16xi1>
        %or3A_3637 = arith.ori %gt3A_3633, %and3A_3636 : vector<16xi1>
        %select_n3A_3638 = arith.select %or3A_3637, %gather3A_3622, %select_n3A_3602 : vector<16xi1>, vector<16xf32>
        %select_n3A_3639 = arith.select %or3A_3637, %gather3A_3632, %add3A_3609 : vector<16xi1>, vector<16xi32>
        %xor3A_3640 = arith.constant 4 : i32
        %xor3A_3641 = vector.broadcast %xor3A_3640 : i32 to vector<16xi32>
        %xor3A_3642 = arith.xori %iota3A, %xor3A_3641 : vector<16xi32>
        %lt3A_3643 = arith.constant 0 : i32
        %lt3A_3644 = vector.broadcast %lt3A_3643 : i32 to vector<16xi32>
        %lt3A_3645 = arith.cmpi slt, %xor3A_3642, %lt3A_3644 : vector<16xi32>
        %add3A_3646 = arith.constant 16 : i32
        %add3A_3647 = vector.broadcast %add3A_3646 : i32 to vector<16xi32>
        %add3A_3648 = arith.addi %xor3A_3642, %add3A_3647 : vector<16xi32>
        %select_n3A_3649 = arith.select %lt3A_3645, %add3A_3648, %xor3A_3642 : vector<16xi1>, vector<16xi32>
        %broadcast_in_dim3A_3650 = vector.shape_cast %select_n3A_3649 : vector<16xi32> to vector<16x1xi32>
        %gather3A_3651 = vector.shape_cast %broadcast_in_dim3A_3650 : vector<16x1xi32> to vector<16xi32>
        %gather3A_3652 = tpu.dynamic_gather %select_n3A_3638[%gather3A_3651] in [0] : vector<16xf32>, vector<16xi32> -> vector<16xf32>
        %lt3A_3653 = arith.constant 0 : i32
        %lt3A_3654 = vector.broadcast %lt3A_3653 : i32 to vector<16xi32>
        %lt3A_3655 = arith.cmpi slt, %xor3A_3642, %lt3A_3654 : vector<16xi32>
        %add3A_3656 = arith.constant 16 : i32
        %add3A_3657 = vector.broadcast %add3A_3656 : i32 to vector<16xi32>
        %add3A_3658 = arith.addi %xor3A_3642, %add3A_3657 : vector<16xi32>
        %select_n3A_3659 = arith.select %lt3A_3655, %add3A_3658, %xor3A_3642 : vector<16xi1>, vector<16xi32>
        %broadcast_in_dim3A_3660 = vector.shape_cast %select_n3A_3659 : vector<16xi32> to vector<16x1xi32>
        %gather3A_3661 = vector.shape_cast %broadcast_in_dim3A_3660 : vector<16x1xi32> to vector<16xi32>
        %gather3A_3662 = tpu.dynamic_gather %select_n3A_3639[%gather3A_3661] in [0] : vector<16xi32>, vector<16xi32> -> vector<16xi32>
        %gt3A_3663 = arith.cmpf ogt, %gather3A_3652, %select_n3A_3638 : vector<16xf32>
        %eq3A_3664 = arith.cmpf oeq, %gather3A_3652, %select_n3A_3638 : vector<16xf32>
        %lt3A_3665 = arith.cmpi slt, %gather3A_3662, %select_n3A_3639 : vector<16xi32>
        %and3A_3666 = arith.andi %eq3A_3664, %lt3A_3665 : vector<16xi1>
        %or3A_3667 = arith.ori %gt3A_3663, %and3A_3666 : vector<16xi1>
        %select_n3A_3668 = arith.select %or3A_3667, %gather3A_3652, %select_n3A_3638 : vector<16xi1>, vector<16xf32>
        %select_n3A_3669 = arith.select %or3A_3667, %gather3A_3662, %select_n3A_3639 : vector<16xi1>, vector<16xi32>
        %xor3A_3670 = arith.constant 2 : i32
        %xor3A_3671 = vector.broadcast %xor3A_3670 : i32 to vector<16xi32>
        %xor3A_3672 = arith.xori %iota3A, %xor3A_3671 : vector<16xi32>
        %lt3A_3673 = arith.constant 0 : i32
        %lt3A_3674 = vector.broadcast %lt3A_3673 : i32 to vector<16xi32>
        %lt3A_3675 = arith.cmpi slt, %xor3A_3672, %lt3A_3674 : vector<16xi32>
        %add3A_3676 = arith.constant 16 : i32
        %add3A_3677 = vector.broadcast %add3A_3676 : i32 to vector<16xi32>
        %add3A_3678 = arith.addi %xor3A_3672, %add3A_3677 : vector<16xi32>
        %select_n3A_3679 = arith.select %lt3A_3675, %add3A_3678, %xor3A_3672 : vector<16xi1>, vector<16xi32>
        %broadcast_in_dim3A_3680 = vector.shape_cast %select_n3A_3679 : vector<16xi32> to vector<16x1xi32>
        %gather3A_3681 = vector.shape_cast %broadcast_in_dim3A_3680 : vector<16x1xi32> to vector<16xi32>
        %gather3A_3682 = tpu.dynamic_gather %select_n3A_3668[%gather3A_3681] in [0] : vector<16xf32>, vector<16xi32> -> vector<16xf32>
        %lt3A_3683 = arith.constant 0 : i32
        %lt3A_3684 = vector.broadcast %lt3A_3683 : i32 to vector<16xi32>
        %lt3A_3685 = arith.cmpi slt, %xor3A_3672, %lt3A_3684 : vector<16xi32>
        %add3A_3686 = arith.constant 16 : i32
        %add3A_3687 = vector.broadcast %add3A_3686 : i32 to vector<16xi32>
        %add3A_3688 = arith.addi %xor3A_3672, %add3A_3687 : vector<16xi32>
        %select_n3A_3689 = arith.select %lt3A_3685, %add3A_3688, %xor3A_3672 : vector<16xi1>, vector<16xi32>
        %broadcast_in_dim3A_3690 = vector.shape_cast %select_n3A_3689 : vector<16xi32> to vector<16x1xi32>
        %gather3A_3691 = vector.shape_cast %broadcast_in_dim3A_3690 : vector<16x1xi32> to vector<16xi32>
        %gather3A_3692 = tpu.dynamic_gather %select_n3A_3669[%gather3A_3691] in [0] : vector<16xi32>, vector<16xi32> -> vector<16xi32>
        %gt3A_3693 = arith.cmpf ogt, %gather3A_3682, %select_n3A_3668 : vector<16xf32>
        %eq3A_3694 = arith.cmpf oeq, %gather3A_3682, %select_n3A_3668 : vector<16xf32>
        %lt3A_3695 = arith.cmpi slt, %gather3A_3692, %select_n3A_3669 : vector<16xi32>
        %and3A_3696 = arith.andi %eq3A_3694, %lt3A_3695 : vector<16xi1>
        %or3A_3697 = arith.ori %gt3A_3693, %and3A_3696 : vector<16xi1>
        %select_n3A_3698 = arith.select %or3A_3697, %gather3A_3682, %select_n3A_3668 : vector<16xi1>, vector<16xf32>
        %select_n3A_3699 = arith.select %or3A_3697, %gather3A_3692, %select_n3A_3669 : vector<16xi1>, vector<16xi32>
        %xor3A_3700 = arith.constant 1 : i32
        %xor3A_3701 = vector.broadcast %xor3A_3700 : i32 to vector<16xi32>
        %xor3A_3702 = arith.xori %iota3A, %xor3A_3701 : vector<16xi32>
        %lt3A_3703 = arith.constant 0 : i32
        %lt3A_3704 = vector.broadcast %lt3A_3703 : i32 to vector<16xi32>
        %lt3A_3705 = arith.cmpi slt, %xor3A_3702, %lt3A_3704 : vector<16xi32>
        %add3A_3706 = arith.constant 16 : i32
        %add3A_3707 = vector.broadcast %add3A_3706 : i32 to vector<16xi32>
        %add3A_3708 = arith.addi %xor3A_3702, %add3A_3707 : vector<16xi32>
        %select_n3A_3709 = arith.select %lt3A_3705, %add3A_3708, %xor3A_3702 : vector<16xi1>, vector<16xi32>
        %broadcast_in_dim3A_3710 = vector.shape_cast %select_n3A_3709 : vector<16xi32> to vector<16x1xi32>
        %gather3A_3711 = vector.shape_cast %broadcast_in_dim3A_3710 : vector<16x1xi32> to vector<16xi32>
        %gather3A_3712 = tpu.dynamic_gather %select_n3A_3698[%gather3A_3711] in [0] : vector<16xf32>, vector<16xi32> -> vector<16xf32>
        %lt3A_3713 = arith.constant 0 : i32
        %lt3A_3714 = vector.broadcast %lt3A_3713 : i32 to vector<16xi32>
        %lt3A_3715 = arith.cmpi slt, %xor3A_3702, %lt3A_3714 : vector<16xi32>
        %add3A_3716 = arith.constant 16 : i32
        %add3A_3717 = vector.broadcast %add3A_3716 : i32 to vector<16xi32>
        %add3A_3718 = arith.addi %xor3A_3702, %add3A_3717 : vector<16xi32>
        %select_n3A_3719 = arith.select %lt3A_3715, %add3A_3718, %xor3A_3702 : vector<16xi1>, vector<16xi32>
        %broadcast_in_dim3A_3720 = vector.shape_cast %select_n3A_3719 : vector<16xi32> to vector<16x1xi32>
        %gather3A_3721 = vector.shape_cast %broadcast_in_dim3A_3720 : vector<16x1xi32> to vector<16xi32>
        %gather3A_3722 = tpu.dynamic_gather %select_n3A_3699[%gather3A_3721] in [0] : vector<16xi32>, vector<16xi32> -> vector<16xi32>
        %gt3A_3723 = arith.cmpf ogt, %gather3A_3712, %select_n3A_3698 : vector<16xf32>
        %eq3A_3724 = arith.cmpf oeq, %gather3A_3712, %select_n3A_3698 : vector<16xf32>
        %lt3A_3725 = arith.cmpi slt, %gather3A_3722, %select_n3A_3699 : vector<16xi32>
        %and3A_3726 = arith.andi %eq3A_3724, %lt3A_3725 : vector<16xi1>
        %or3A_3727 = arith.ori %gt3A_3723, %and3A_3726 : vector<16xi1>
        %select_n3A_3728 = arith.select %or3A_3727, %gather3A_3712, %select_n3A_3698 : vector<16xi1>, vector<16xf32>
        %select_n3A_3729 = arith.select %or3A_3727, %gather3A_3722, %select_n3A_3699 : vector<16xi1>, vector<16xi32>
        %eq3A_3730 = arith.constant 14 : i32
        %eq3A_3731 = vector.broadcast %eq3A_3730 : i32 to vector<16xi32>
        %eq3A_3732 = arith.cmpi eq, %iota3A, %eq3A_3731 : vector<16xi32>
        %select_n3A_3733 = arith.select %eq3A_3732, %select_n3A_3729, %select_n3A_3485 : vector<16xi1>, vector<16xi32>
        %mul3A_3734 = arith.constant 16 : i32
        %mul3A_3735 = arith.muli %scan3A_22, %mul3A_3734 : i32
        %add3A_3736 = arith.constant 15 : i32
        %add3A_3737 = arith.addi %mul3A_3735, %add3A_3736 : i32
        %broadcast_in_dim3A_3738 = arith.constant 0xFF800000 : f32
        %broadcast_in_dim3A_3739 = vector.broadcast %broadcast_in_dim3A_3738 : f32 to vector<16xf32>
        %broadcast_in_dim3A_3740 = arith.constant 0 : i32
        %broadcast_in_dim3A_3741 = vector.broadcast %broadcast_in_dim3A_3740 : i32 to vector<16xi32>
        %get3A_3742 = arith.index_cast %add3A_3737 : i32 to index
        %get3A_3743 = arith.constant 0 : index
        %get3A_3744 = tpu.vector_load %arg7[%get3A_3742, %get3A_3743] {strides = array<i32>} : memref<128x128xf32, #tpu.memory_space<vmem>>, vector<1x16xf32>,
        %get3A_3745 = vector.shape_cast %get3A_3744 : vector<1x16xf32> to vector<16xf32>
        %get3A_3746 = arith.index_cast %add3A_3737 : i32 to index
        %get3A_3747 = arith.constant 0 : index
        %get3A_3748 = tpu.vector_load %arg8[%get3A_3746, %get3A_3747] {strides = array<i32>} : memref<128x128xf32, #tpu.memory_space<vmem>>, vector<1x16xf32>,
        %get3A_3749 = vector.shape_cast %get3A_3748 : vector<1x16xf32> to vector<16xf32>
        %mul3A_3750 = arith.mulf %get3A_3745, %get3A_3749 : vector<16xf32>
        %gt3A_3751 = arith.cmpf ogt, %mul3A_3750, %broadcast_in_dim3A_3739 : vector<16xf32>
        %select_n3A_3752 = arith.select %gt3A_3751, %mul3A_3750, %broadcast_in_dim3A_3739 : vector<16xi1>, vector<16xf32>
        %jit3A_3753 = arith.constant 0 : i32
        %broadcast_in_dim3A_3754 = vector.broadcast %jit3A_3753 : i32 to vector<16xi32>
        %select_n3A_3755 = arith.select %gt3A_3751, %broadcast_in_dim3A_3754, %broadcast_in_dim3A_3741 : vector<16xi1>, vector<16xi32>
        %get3A_3756 = arith.index_cast %add3A_3737 : i32 to index
        %get3A_3757 = arith.constant 16 : index
        %get3A_3758 = tpu.vector_load %arg7[%get3A_3756, %get3A_3757] {strides = array<i32>} : memref<128x128xf32, #tpu.memory_space<vmem>>, vector<1x16xf32>,
        %get3A_3759 = vector.shape_cast %get3A_3758 : vector<1x16xf32> to vector<16xf32>
        %get3A_3760 = arith.index_cast %add3A_3737 : i32 to index
        %get3A_3761 = arith.constant 16 : index
        %get3A_3762 = tpu.vector_load %arg8[%get3A_3760, %get3A_3761] {strides = array<i32>} : memref<128x128xf32, #tpu.memory_space<vmem>>, vector<1x16xf32>,
        %get3A_3763 = vector.shape_cast %get3A_3762 : vector<1x16xf32> to vector<16xf32>
        %mul3A_3764 = arith.mulf %get3A_3759, %get3A_3763 : vector<16xf32>
        %gt3A_3765 = arith.cmpf ogt, %mul3A_3764, %select_n3A_3752 : vector<16xf32>
        %select_n3A_3766 = arith.select %gt3A_3765, %mul3A_3764, %select_n3A_3752 : vector<16xi1>, vector<16xf32>
        %jit3A_3767 = arith.constant 1 : i32
        %broadcast_in_dim3A_3768 = vector.broadcast %jit3A_3767 : i32 to vector<16xi32>
        %select_n3A_3769 = arith.select %gt3A_3765, %broadcast_in_dim3A_3768, %select_n3A_3755 : vector<16xi1>, vector<16xi32>
        %get3A_3770 = arith.index_cast %add3A_3737 : i32 to index
        %get3A_3771 = arith.constant 32 : index
        %get3A_3772 = tpu.vector_load %arg7[%get3A_3770, %get3A_3771] {strides = array<i32>} : memref<128x128xf32, #tpu.memory_space<vmem>>, vector<1x16xf32>,
        %get3A_3773 = vector.shape_cast %get3A_3772 : vector<1x16xf32> to vector<16xf32>
        %get3A_3774 = arith.index_cast %add3A_3737 : i32 to index
        %get3A_3775 = arith.constant 32 : index
        %get3A_3776 = tpu.vector_load %arg8[%get3A_3774, %get3A_3775] {strides = array<i32>} : memref<128x128xf32, #tpu.memory_space<vmem>>, vector<1x16xf32>,
        %get3A_3777 = vector.shape_cast %get3A_3776 : vector<1x16xf32> to vector<16xf32>
        %mul3A_3778 = arith.mulf %get3A_3773, %get3A_3777 : vector<16xf32>
        %gt3A_3779 = arith.cmpf ogt, %mul3A_3778, %select_n3A_3766 : vector<16xf32>
        %select_n3A_3780 = arith.select %gt3A_3779, %mul3A_3778, %select_n3A_3766 : vector<16xi1>, vector<16xf32>
        %jit3A_3781 = arith.constant 2 : i32
        %broadcast_in_dim3A_3782 = vector.broadcast %jit3A_3781 : i32 to vector<16xi32>
        %select_n3A_3783 = arith.select %gt3A_3779, %broadcast_in_dim3A_3782, %select_n3A_3769 : vector<16xi1>, vector<16xi32>
        %get3A_3784 = arith.index_cast %add3A_3737 : i32 to index
        %get3A_3785 = arith.constant 48 : index
        %get3A_3786 = tpu.vector_load %arg7[%get3A_3784, %get3A_3785] {strides = array<i32>} : memref<128x128xf32, #tpu.memory_space<vmem>>, vector<1x16xf32>,
        %get3A_3787 = vector.shape_cast %get3A_3786 : vector<1x16xf32> to vector<16xf32>
        %get3A_3788 = arith.index_cast %add3A_3737 : i32 to index
        %get3A_3789 = arith.constant 48 : index
        %get3A_3790 = tpu.vector_load %arg8[%get3A_3788, %get3A_3789] {strides = array<i32>} : memref<128x128xf32, #tpu.memory_space<vmem>>, vector<1x16xf32>,
        %get3A_3791 = vector.shape_cast %get3A_3790 : vector<1x16xf32> to vector<16xf32>
        %mul3A_3792 = arith.mulf %get3A_3787, %get3A_3791 : vector<16xf32>
        %gt3A_3793 = arith.cmpf ogt, %mul3A_3792, %select_n3A_3780 : vector<16xf32>
        %select_n3A_3794 = arith.select %gt3A_3793, %mul3A_3792, %select_n3A_3780 : vector<16xi1>, vector<16xf32>
        %jit3A_3795 = arith.constant 3 : i32
        %broadcast_in_dim3A_3796 = vector.broadcast %jit3A_3795 : i32 to vector<16xi32>
        %select_n3A_3797 = arith.select %gt3A_3793, %broadcast_in_dim3A_3796, %select_n3A_3783 : vector<16xi1>, vector<16xi32>
        %get3A_3798 = arith.index_cast %add3A_3737 : i32 to index
        %get3A_3799 = arith.constant 64 : index
        %get3A_3800 = tpu.vector_load %arg7[%get3A_3798, %get3A_3799] {strides = array<i32>} : memref<128x128xf32, #tpu.memory_space<vmem>>, vector<1x16xf32>,
        %get3A_3801 = vector.shape_cast %get3A_3800 : vector<1x16xf32> to vector<16xf32>
        %get3A_3802 = arith.index_cast %add3A_3737 : i32 to index
        %get3A_3803 = arith.constant 64 : index
        %get3A_3804 = tpu.vector_load %arg8[%get3A_3802, %get3A_3803] {strides = array<i32>} : memref<128x128xf32, #tpu.memory_space<vmem>>, vector<1x16xf32>,
        %get3A_3805 = vector.shape_cast %get3A_3804 : vector<1x16xf32> to vector<16xf32>
        %mul3A_3806 = arith.mulf %get3A_3801, %get3A_3805 : vector<16xf32>
        %gt3A_3807 = arith.cmpf ogt, %mul3A_3806, %select_n3A_3794 : vector<16xf32>
        %select_n3A_3808 = arith.select %gt3A_3807, %mul3A_3806, %select_n3A_3794 : vector<16xi1>, vector<16xf32>
        %jit3A_3809 = arith.constant 4 : i32
        %broadcast_in_dim3A_3810 = vector.broadcast %jit3A_3809 : i32 to vector<16xi32>
        %select_n3A_3811 = arith.select %gt3A_3807, %broadcast_in_dim3A_3810, %select_n3A_3797 : vector<16xi1>, vector<16xi32>
        %get3A_3812 = arith.index_cast %add3A_3737 : i32 to index
        %get3A_3813 = arith.constant 80 : index
        %get3A_3814 = tpu.vector_load %arg7[%get3A_3812, %get3A_3813] {strides = array<i32>} : memref<128x128xf32, #tpu.memory_space<vmem>>, vector<1x16xf32>,
        %get3A_3815 = vector.shape_cast %get3A_3814 : vector<1x16xf32> to vector<16xf32>
        %get3A_3816 = arith.index_cast %add3A_3737 : i32 to index
        %get3A_3817 = arith.constant 80 : index
        %get3A_3818 = tpu.vector_load %arg8[%get3A_3816, %get3A_3817] {strides = array<i32>} : memref<128x128xf32, #tpu.memory_space<vmem>>, vector<1x16xf32>,
        %get3A_3819 = vector.shape_cast %get3A_3818 : vector<1x16xf32> to vector<16xf32>
        %mul3A_3820 = arith.mulf %get3A_3815, %get3A_3819 : vector<16xf32>
        %gt3A_3821 = arith.cmpf ogt, %mul3A_3820, %select_n3A_3808 : vector<16xf32>
        %select_n3A_3822 = arith.select %gt3A_3821, %mul3A_3820, %select_n3A_3808 : vector<16xi1>, vector<16xf32>
        %jit3A_3823 = arith.constant 5 : i32
        %broadcast_in_dim3A_3824 = vector.broadcast %jit3A_3823 : i32 to vector<16xi32>
        %select_n3A_3825 = arith.select %gt3A_3821, %broadcast_in_dim3A_3824, %select_n3A_3811 : vector<16xi1>, vector<16xi32>
        %get3A_3826 = arith.index_cast %add3A_3737 : i32 to index
        %get3A_3827 = arith.constant 96 : index
        %get3A_3828 = tpu.vector_load %arg7[%get3A_3826, %get3A_3827] {strides = array<i32>} : memref<128x128xf32, #tpu.memory_space<vmem>>, vector<1x16xf32>,
        %get3A_3829 = vector.shape_cast %get3A_3828 : vector<1x16xf32> to vector<16xf32>
        %get3A_3830 = arith.index_cast %add3A_3737 : i32 to index
        %get3A_3831 = arith.constant 96 : index
        %get3A_3832 = tpu.vector_load %arg8[%get3A_3830, %get3A_3831] {strides = array<i32>} : memref<128x128xf32, #tpu.memory_space<vmem>>, vector<1x16xf32>,
        %get3A_3833 = vector.shape_cast %get3A_3832 : vector<1x16xf32> to vector<16xf32>
        %mul3A_3834 = arith.mulf %get3A_3829, %get3A_3833 : vector<16xf32>
        %gt3A_3835 = arith.cmpf ogt, %mul3A_3834, %select_n3A_3822 : vector<16xf32>
        %select_n3A_3836 = arith.select %gt3A_3835, %mul3A_3834, %select_n3A_3822 : vector<16xi1>, vector<16xf32>
        %jit3A_3837 = arith.constant 6 : i32
        %broadcast_in_dim3A_3838 = vector.broadcast %jit3A_3837 : i32 to vector<16xi32>
        %select_n3A_3839 = arith.select %gt3A_3835, %broadcast_in_dim3A_3838, %select_n3A_3825 : vector<16xi1>, vector<16xi32>
        %get3A_3840 = arith.index_cast %add3A_3737 : i32 to index
        %get3A_3841 = arith.constant 112 : index
        %get3A_3842 = tpu.vector_load %arg7[%get3A_3840, %get3A_3841] {strides = array<i32>} : memref<128x128xf32, #tpu.memory_space<vmem>>, vector<1x16xf32>,
        %get3A_3843 = vector.shape_cast %get3A_3842 : vector<1x16xf32> to vector<16xf32>
        %get3A_3844 = arith.index_cast %add3A_3737 : i32 to index
        %get3A_3845 = arith.constant 112 : index
        %get3A_3846 = tpu.vector_load %arg8[%get3A_3844, %get3A_3845] {strides = array<i32>} : memref<128x128xf32, #tpu.memory_space<vmem>>, vector<1x16xf32>,
        %get3A_3847 = vector.shape_cast %get3A_3846 : vector<1x16xf32> to vector<16xf32>
        %mul3A_3848 = arith.mulf %get3A_3843, %get3A_3847 : vector<16xf32>
        %gt3A_3849 = arith.cmpf ogt, %mul3A_3848, %select_n3A_3836 : vector<16xf32>
        %select_n3A_3850 = arith.select %gt3A_3849, %mul3A_3848, %select_n3A_3836 : vector<16xi1>, vector<16xf32>
        %jit3A_3851 = arith.constant 7 : i32
        %broadcast_in_dim3A_3852 = vector.broadcast %jit3A_3851 : i32 to vector<16xi32>
        %select_n3A_3853 = arith.select %gt3A_3849, %broadcast_in_dim3A_3852, %select_n3A_3839 : vector<16xi1>, vector<16xi32>
        %mul3A_3854 = arith.constant 16 : i32
        %mul3A_3855 = vector.broadcast %mul3A_3854 : i32 to vector<16xi32>
        %mul3A_3856 = arith.muli %select_n3A_3853, %mul3A_3855 : vector<16xi32>
        %add3A_3857 = arith.addi %mul3A_3856, %iota3A : vector<16xi32>
        %xor3A_3858 = arith.constant 8 : i32
        %xor3A_3859 = vector.broadcast %xor3A_3858 : i32 to vector<16xi32>
        %xor3A_3860 = arith.xori %iota3A, %xor3A_3859 : vector<16xi32>
        %lt3A_3861 = arith.constant 0 : i32
        %lt3A_3862 = vector.broadcast %lt3A_3861 : i32 to vector<16xi32>
        %lt3A_3863 = arith.cmpi slt, %xor3A_3860, %lt3A_3862 : vector<16xi32>
        %add3A_3864 = arith.constant 16 : i32
        %add3A_3865 = vector.broadcast %add3A_3864 : i32 to vector<16xi32>
        %add3A_3866 = arith.addi %xor3A_3860, %add3A_3865 : vector<16xi32>
        %select_n3A_3867 = arith.select %lt3A_3863, %add3A_3866, %xor3A_3860 : vector<16xi1>, vector<16xi32>
        %broadcast_in_dim3A_3868 = vector.shape_cast %select_n3A_3867 : vector<16xi32> to vector<16x1xi32>
        %gather3A_3869 = vector.shape_cast %broadcast_in_dim3A_3868 : vector<16x1xi32> to vector<16xi32>
        %gather3A_3870 = tpu.dynamic_gather %select_n3A_3850[%gather3A_3869] in [0] : vector<16xf32>, vector<16xi32> -> vector<16xf32>
        %lt3A_3871 = arith.constant 0 : i32
        %lt3A_3872 = vector.broadcast %lt3A_3871 : i32 to vector<16xi32>
        %lt3A_3873 = arith.cmpi slt, %xor3A_3860, %lt3A_3872 : vector<16xi32>
        %add3A_3874 = arith.constant 16 : i32
        %add3A_3875 = vector.broadcast %add3A_3874 : i32 to vector<16xi32>
        %add3A_3876 = arith.addi %xor3A_3860, %add3A_3875 : vector<16xi32>
        %select_n3A_3877 = arith.select %lt3A_3873, %add3A_3876, %xor3A_3860 : vector<16xi1>, vector<16xi32>
        %broadcast_in_dim3A_3878 = vector.shape_cast %select_n3A_3877 : vector<16xi32> to vector<16x1xi32>
        %gather3A_3879 = vector.shape_cast %broadcast_in_dim3A_3878 : vector<16x1xi32> to vector<16xi32>
        %gather3A_3880 = tpu.dynamic_gather %add3A_3857[%gather3A_3879] in [0] : vector<16xi32>, vector<16xi32> -> vector<16xi32>
        %gt3A_3881 = arith.cmpf ogt, %gather3A_3870, %select_n3A_3850 : vector<16xf32>
        %eq3A_3882 = arith.cmpf oeq, %gather3A_3870, %select_n3A_3850 : vector<16xf32>
        %lt3A_3883 = arith.cmpi slt, %gather3A_3880, %add3A_3857 : vector<16xi32>
        %and3A_3884 = arith.andi %eq3A_3882, %lt3A_3883 : vector<16xi1>
        %or3A_3885 = arith.ori %gt3A_3881, %and3A_3884 : vector<16xi1>
        %select_n3A_3886 = arith.select %or3A_3885, %gather3A_3870, %select_n3A_3850 : vector<16xi1>, vector<16xf32>
        %select_n3A_3887 = arith.select %or3A_3885, %gather3A_3880, %add3A_3857 : vector<16xi1>, vector<16xi32>
        %xor3A_3888 = arith.constant 4 : i32
        %xor3A_3889 = vector.broadcast %xor3A_3888 : i32 to vector<16xi32>
        %xor3A_3890 = arith.xori %iota3A, %xor3A_3889 : vector<16xi32>
        %lt3A_3891 = arith.constant 0 : i32
        %lt3A_3892 = vector.broadcast %lt3A_3891 : i32 to vector<16xi32>
        %lt3A_3893 = arith.cmpi slt, %xor3A_3890, %lt3A_3892 : vector<16xi32>
        %add3A_3894 = arith.constant 16 : i32
        %add3A_3895 = vector.broadcast %add3A_3894 : i32 to vector<16xi32>
        %add3A_3896 = arith.addi %xor3A_3890, %add3A_3895 : vector<16xi32>
        %select_n3A_3897 = arith.select %lt3A_3893, %add3A_3896, %xor3A_3890 : vector<16xi1>, vector<16xi32>
        %broadcast_in_dim3A_3898 = vector.shape_cast %select_n3A_3897 : vector<16xi32> to vector<16x1xi32>
        %gather3A_3899 = vector.shape_cast %broadcast_in_dim3A_3898 : vector<16x1xi32> to vector<16xi32>
        %gather3A_3900 = tpu.dynamic_gather %select_n3A_3886[%gather3A_3899] in [0] : vector<16xf32>, vector<16xi32> -> vector<16xf32>
        %lt3A_3901 = arith.constant 0 : i32
        %lt3A_3902 = vector.broadcast %lt3A_3901 : i32 to vector<16xi32>
        %lt3A_3903 = arith.cmpi slt, %xor3A_3890, %lt3A_3902 : vector<16xi32>
        %add3A_3904 = arith.constant 16 : i32
        %add3A_3905 = vector.broadcast %add3A_3904 : i32 to vector<16xi32>
        %add3A_3906 = arith.addi %xor3A_3890, %add3A_3905 : vector<16xi32>
        %select_n3A_3907 = arith.select %lt3A_3903, %add3A_3906, %xor3A_3890 : vector<16xi1>, vector<16xi32>
        %broadcast_in_dim3A_3908 = vector.shape_cast %select_n3A_3907 : vector<16xi32> to vector<16x1xi32>
        %gather3A_3909 = vector.shape_cast %broadcast_in_dim3A_3908 : vector<16x1xi32> to vector<16xi32>
        %gather3A_3910 = tpu.dynamic_gather %select_n3A_3887[%gather3A_3909] in [0] : vector<16xi32>, vector<16xi32> -> vector<16xi32>
        %gt3A_3911 = arith.cmpf ogt, %gather3A_3900, %select_n3A_3886 : vector<16xf32>
        %eq3A_3912 = arith.cmpf oeq, %gather3A_3900, %select_n3A_3886 : vector<16xf32>
        %lt3A_3913 = arith.cmpi slt, %gather3A_3910, %select_n3A_3887 : vector<16xi32>
        %and3A_3914 = arith.andi %eq3A_3912, %lt3A_3913 : vector<16xi1>
        %or3A_3915 = arith.ori %gt3A_3911, %and3A_3914 : vector<16xi1>
        %select_n3A_3916 = arith.select %or3A_3915, %gather3A_3900, %select_n3A_3886 : vector<16xi1>, vector<16xf32>
        %select_n3A_3917 = arith.select %or3A_3915, %gather3A_3910, %select_n3A_3887 : vector<16xi1>, vector<16xi32>
        %xor3A_3918 = arith.constant 2 : i32
        %xor3A_3919 = vector.broadcast %xor3A_3918 : i32 to vector<16xi32>
        %xor3A_3920 = arith.xori %iota3A, %xor3A_3919 : vector<16xi32>
        %lt3A_3921 = arith.constant 0 : i32
        %lt3A_3922 = vector.broadcast %lt3A_3921 : i32 to vector<16xi32>
        %lt3A_3923 = arith.cmpi slt, %xor3A_3920, %lt3A_3922 : vector<16xi32>
        %add3A_3924 = arith.constant 16 : i32
        %add3A_3925 = vector.broadcast %add3A_3924 : i32 to vector<16xi32>
        %add3A_3926 = arith.addi %xor3A_3920, %add3A_3925 : vector<16xi32>
        %select_n3A_3927 = arith.select %lt3A_3923, %add3A_3926, %xor3A_3920 : vector<16xi1>, vector<16xi32>
        %broadcast_in_dim3A_3928 = vector.shape_cast %select_n3A_3927 : vector<16xi32> to vector<16x1xi32>
        %gather3A_3929 = vector.shape_cast %broadcast_in_dim3A_3928 : vector<16x1xi32> to vector<16xi32>
        %gather3A_3930 = tpu.dynamic_gather %select_n3A_3916[%gather3A_3929] in [0] : vector<16xf32>, vector<16xi32> -> vector<16xf32>
        %lt3A_3931 = arith.constant 0 : i32
        %lt3A_3932 = vector.broadcast %lt3A_3931 : i32 to vector<16xi32>
        %lt3A_3933 = arith.cmpi slt, %xor3A_3920, %lt3A_3932 : vector<16xi32>
        %add3A_3934 = arith.constant 16 : i32
        %add3A_3935 = vector.broadcast %add3A_3934 : i32 to vector<16xi32>
        %add3A_3936 = arith.addi %xor3A_3920, %add3A_3935 : vector<16xi32>
        %select_n3A_3937 = arith.select %lt3A_3933, %add3A_3936, %xor3A_3920 : vector<16xi1>, vector<16xi32>
        %broadcast_in_dim3A_3938 = vector.shape_cast %select_n3A_3937 : vector<16xi32> to vector<16x1xi32>
        %gather3A_3939 = vector.shape_cast %broadcast_in_dim3A_3938 : vector<16x1xi32> to vector<16xi32>
        %gather3A_3940 = tpu.dynamic_gather %select_n3A_3917[%gather3A_3939] in [0] : vector<16xi32>, vector<16xi32> -> vector<16xi32>
        %gt3A_3941 = arith.cmpf ogt, %gather3A_3930, %select_n3A_3916 : vector<16xf32>
        %eq3A_3942 = arith.cmpf oeq, %gather3A_3930, %select_n3A_3916 : vector<16xf32>
        %lt3A_3943 = arith.cmpi slt, %gather3A_3940, %select_n3A_3917 : vector<16xi32>
        %and3A_3944 = arith.andi %eq3A_3942, %lt3A_3943 : vector<16xi1>
        %or3A_3945 = arith.ori %gt3A_3941, %and3A_3944 : vector<16xi1>
        %select_n3A_3946 = arith.select %or3A_3945, %gather3A_3930, %select_n3A_3916 : vector<16xi1>, vector<16xf32>
        %select_n3A_3947 = arith.select %or3A_3945, %gather3A_3940, %select_n3A_3917 : vector<16xi1>, vector<16xi32>
        %xor3A_3948 = arith.constant 1 : i32
        %xor3A_3949 = vector.broadcast %xor3A_3948 : i32 to vector<16xi32>
        %xor3A_3950 = arith.xori %iota3A, %xor3A_3949 : vector<16xi32>
        %lt3A_3951 = arith.constant 0 : i32
        %lt3A_3952 = vector.broadcast %lt3A_3951 : i32 to vector<16xi32>
        %lt3A_3953 = arith.cmpi slt, %xor3A_3950, %lt3A_3952 : vector<16xi32>
        %add3A_3954 = arith.constant 16 : i32
        %add3A_3955 = vector.broadcast %add3A_3954 : i32 to vector<16xi32>
        %add3A_3956 = arith.addi %xor3A_3950, %add3A_3955 : vector<16xi32>
        %select_n3A_3957 = arith.select %lt3A_3953, %add3A_3956, %xor3A_3950 : vector<16xi1>, vector<16xi32>
        %broadcast_in_dim3A_3958 = vector.shape_cast %select_n3A_3957 : vector<16xi32> to vector<16x1xi32>
        %gather3A_3959 = vector.shape_cast %broadcast_in_dim3A_3958 : vector<16x1xi32> to vector<16xi32>
        %gather3A_3960 = tpu.dynamic_gather %select_n3A_3946[%gather3A_3959] in [0] : vector<16xf32>, vector<16xi32> -> vector<16xf32>
        %lt3A_3961 = arith.constant 0 : i32
        %lt3A_3962 = vector.broadcast %lt3A_3961 : i32 to vector<16xi32>
        %lt3A_3963 = arith.cmpi slt, %xor3A_3950, %lt3A_3962 : vector<16xi32>
        %add3A_3964 = arith.constant 16 : i32
        %add3A_3965 = vector.broadcast %add3A_3964 : i32 to vector<16xi32>
        %add3A_3966 = arith.addi %xor3A_3950, %add3A_3965 : vector<16xi32>
        %select_n3A_3967 = arith.select %lt3A_3963, %add3A_3966, %xor3A_3950 : vector<16xi1>, vector<16xi32>
        %broadcast_in_dim3A_3968 = vector.shape_cast %select_n3A_3967 : vector<16xi32> to vector<16x1xi32>
        %gather3A_3969 = vector.shape_cast %broadcast_in_dim3A_3968 : vector<16x1xi32> to vector<16xi32>
        %gather3A_3970 = tpu.dynamic_gather %select_n3A_3947[%gather3A_3969] in [0] : vector<16xi32>, vector<16xi32> -> vector<16xi32>
        %gt3A_3971 = arith.cmpf ogt, %gather3A_3960, %select_n3A_3946 : vector<16xf32>
        %eq3A_3972 = arith.cmpf oeq, %gather3A_3960, %select_n3A_3946 : vector<16xf32>
        %lt3A_3973 = arith.cmpi slt, %gather3A_3970, %select_n3A_3947 : vector<16xi32>
        %and3A_3974 = arith.andi %eq3A_3972, %lt3A_3973 : vector<16xi1>
        %or3A_3975 = arith.ori %gt3A_3971, %and3A_3974 : vector<16xi1>
        %select_n3A_3976 = arith.select %or3A_3975, %gather3A_3960, %select_n3A_3946 : vector<16xi1>, vector<16xf32>
        %select_n3A_3977 = arith.select %or3A_3975, %gather3A_3970, %select_n3A_3947 : vector<16xi1>, vector<16xi32>
        %eq3A_3978 = arith.constant 15 : i32
        %eq3A_3979 = vector.broadcast %eq3A_3978 : i32 to vector<16xi32>
        %eq3A_3980 = arith.cmpi eq, %iota3A, %eq3A_3979 : vector<16xi32>
        %select_n3A_3981 = arith.select %eq3A_3980, %select_n3A_3977, %select_n3A_3733 : vector<16xi1>, vector<16xi32>
        %mul3A_3982 = arith.constant 16 : i32
        %mul3A_3983 = arith.muli %scan3A_22, %mul3A_3982 : i32
        %swap3A = arith.index_cast %mul3A_3983 : i32 to index
        %swap3A_3984 = tpu.vector_load %arg9[%swap3A] {strides = array<i32>} : memref<128xi32, #tpu.memory_space<vmem>>, vector<16xi32>,
        %swap3A_3985 = vector.shape_cast %swap3A_3984 : vector<16xi32> to vector<16xi32>
        %swap3A_3986 = vector.shape_cast %select_n3A_3981 : vector<16xi32> to vector<16xi32>
        tpu.vector_store %arg9[%swap3A], %swap3A_3986 {strides = array<i32>} : memref<128xi32, #tpu.memory_space<vmem>>, vector<16xi32>,
      }
      %scan3A_21 = arith.constant 8 : i32
      "tpu.region"() ({
        %run_scoped3A = tpu.sem_alloc : memref<!tpu.dma_semaphore, #tpu.memory_space<semaphore_mem>>
        %dma_start3A_22 = tpu.memref_slice %arg5[%add3A_11] : memref<16384xi32, #tpu.memory_space<hbm>> -> memref<128xi32, #tpu.memory_space<hbm>>
        %dma_start3A_23 = tpu.memref_slice %arg5[%add3A_11] : memref<16384xi32, #tpu.memory_space<hbm>> -> memref<128xi32, #tpu.memory_space<hbm>>
        tpu.enqueue_dma source(%arg9 : memref<128xi32, #tpu.memory_space<vmem>>) target(%dma_start3A_23 : memref<128xi32, #tpu.memory_space<hbm>>) target_semaphore(%run_scoped3A : memref<!tpu.dma_semaphore, #tpu.memory_space<semaphore_mem>>)
        %dma_wait3A_24 = tpu.memref_slice %arg5[%add3A_11] : memref<16384xi32, #tpu.memory_space<hbm>> -> memref<128xi32, #tpu.memory_space<hbm>>
        %dma_wait3A_25 = tpu.memref_slice %arg5[%add3A_11] : memref<16384xi32, #tpu.memory_space<hbm>> -> memref<128xi32, #tpu.memory_space<hbm>>
        tpu.wait_dma2 semaphore(%run_scoped3A : memref<!tpu.dma_semaphore, #tpu.memory_space<semaphore_mem>>) src(%arg9 : memref<128xi32, #tpu.memory_space<vmem>>) dst(%dma_wait3A_25 : memref<128xi32, #tpu.memory_space<hbm>>)
        tpu.yield
      }) : () -> ()
    }
    %scan3A_7 = arith.constant 4 : i32
    return
  }
}

</mosaic_0001>

<sc_bundles>
// kernel: kernel.3.cloned.1.call-start
scs
__scs_entry_jumppad:
0x0: {  	(pc) =	sbr.rel $0x88, $3  }
0x1: {  	(tag) =	ssettag $0x0;
	lr =	simm.s32 $0x1  }
0x2: {  	[smem:$0x3F9F] =	sst lr;
	_ =	strace $0xD0000000  }
0x3: {  	_ = 	snop  }
0x4: {  	_ = 	snop  }
0x5: {  	_ = 	snop  }
0x6: {  	_ = 	snop  }
0x7: {  	_ = 	snop  }
__scs_overlays_trampoline_lowered:
0x8: {  	[smem:$0x3FAE] =	sst s0  }
0x9: {  	[smem:$0x3FAF] =	sst s1  }
0xa: {  	[smem:$0x3FB0] =	sst s2  }
0xb: {  	[smem:$0x3FB1] =	sst s3  }
0xc: {  	[smem:$0x3FB2] =	sst s4  }
0xd: {  	[smem:$0x3FB3] =	sst s5  }
0xe: {  	[smem:$0x3FB4] =	sst s6  }
0xf: {  	[smem:$0x3FB5] =	sst s7  }
0x10: {  	[smem:$0x3FB6] =	sst s8  }
0x11: {  	[smem:$0x3FB7] =	sst s9;
	s0 =	simm.s32 @!p0 $0x0  }
0x12: {  	s1 =	sld [smem:$0x3F9D];
	s0 =	simm.s32 @p0 $0x1  }
0x13: {  	[smem:$0x3FB8] =	sst s0;
	s0 =	simm.s32 @!p1 $0x0  }
0x14: {  	s2 =	sld [smem:$0x3F9C];
	s0 =	simm.s32 @p1 $0x1  }
0x15: {  	[smem:$0x3FB9] =	sst s0;
	s0 =	simm.s32 @!p2 $0x0  }
0x16: {  	s3 =	sld [smem:$0x3FDB];
	s0 =	simm.s32 @p2 $0x1  }
0x17: {  	s4 =	simm.s32 $0x1BF5;
	[smem:$0x3FBB] =	sst s0  }
0x18: {  	s0 =	sld [smem:$0x3F9E];
	_ =	swait.ge [sflag:s4], $0x0  }
0x19: {  	s7 =	sld [smem:$0x3F9F]  }
0x1a: {  	s8 =	sadd.s32 $0xFFFFE003, lr  }
0x1b: {  	s9 =	sadd.s32 $0xFFFFFEF7, lr;
	s5 =	simm.s32 $0xFFFFFFFF;
	p2 =	slt.u32 s8, $0xFFFFF086  }
0x1c: {  	p1 =	slt.u32 s9, $0xF7A;
	s5 =	simm.s32 @!p2 $0x0  }
0x1d: {  	s5 =	simm.s32 @p1 $0x1;
	p0 =	seq.s32 s7, s2  }
0x1e: {  	s7 =	smul.u32 @!p0 $0xF7A, s2;
	p2 =	seq.s32 @!p0 s5, $0x0  }
0x1f: {  	s9 =	smul.u32 $0xF7A, s1;
	s8 =	simm.s32 @!p0 $0x1BF5;
	p2 =	por !p2, p0  }
0x20: {  	[sflag:s8] =	ssyncset.s32 @!p0 $0xFFFFF086;
	s6 =	sadd.s32 @!p0 s3, s7;
	s7 =	simm.s32 @!p0 $0x108  }
0x21: {  	s3 =	sadd.s32 s3, s9;
	s6 =	sadd.s32 @!p0 $0x88, s6;
	s7 =	simm.s32 @p2 $0x1082  }
0x22: {  	[simem:s7], [sflag:s8] =	dma.local @!p0 [hbm:s6], $0xF7A  }
0x23: {  	s9 =	sor.u32 $0xD0000000, s2;
	s6 =	simm.s32 $0x108;
	_ =	swait.ge @!p0 [sflag:s8], $0x0  }
0x24: {  	s3 =	sadd.s32 $0x88, s3;
	s6 =	simm.s32 @!p1 $0x1082;
	[sflag:s4] =	ssyncset.s32 $0xFFFFF086  }
0x25: {  	[simem:s6], [sflag:s4] =	dma.local [hbm:s3], $0xF7A  }
0x26: {  	[smem:$0x3F9F] =	sst s1;
	(tag) =	ssettag s2;
	_ =	strace s9  }
0x27: {  	s1 =	sld [smem:$0x3FAF]  }
0x28: {  	s2 =	sld [smem:$0x3FB0]  }
0x29: {  	s4 =	sld [smem:$0x3FB2]  }
0x2a: {  	p0 =	seq.s32 s5, $0x0;
	s5 =	sld [smem:$0x3FB3]  }
0x2b: {  	s6 =	sld [smem:$0x3FB4]  }
0x2c: {  	s7 =	sld [smem:$0x3FB5]  }
0x2d: {  	s3 =	simm.s32 $0x108;
	s8 =	sld [smem:$0x3FB6]  }
0x2e: {  	s3 =	simm.s32 @!p0 $0x1082;
	s9 =	sld [smem:$0x3FB7]  }
0x2f: {  	lr =	sadd.s32 s0, s3;
	s0 =	sld [smem:$0x3FAE]  }
0x30: {  	s3 =	sld [smem:$0x3FB1]  }
0x31: {  	[smem:$0x3FBA] =	sst s10  }
0x32: {  	s10 =	sld [smem:$0x3FB8];
	_ =	sdelay $0x3  }
0x33: {  	p0 =	seq.s32 s10, $0x1;
	s10 =	sld [smem:$0x3FBA];
	_ =	sdelay $0x3  }
0x34: {  	[smem:$0x3FBA] =	sst s10  }
0x35: {  	s10 =	sld [smem:$0x3FB9];
	_ =	sdelay $0x3  }
0x36: {  	p1 =	seq.s32 s10, $0x1;
	s10 =	sld [smem:$0x3FBA];
	_ =	sdelay $0x3  }
0x37: {  	[smem:$0x3FBA] =	sst s10  }
0x38: {  	s10 =	sld [smem:$0x3FBB]  }
0x39: {  	_ = 	snop;
	(pc) =	sbr.ind lr, $3  }
0x3a: {  	_ = 	snop  }
0x3b: {  	_ = 	snop  }
0x3c: {  	p2 =	seq.s32 s10, $0x1;
	s10 =	sld [smem:$0x3FBA]  }
0x3d: {  	_ =	shalt  }
0x3e: {  	_ =	shalt  }
0x3f: {  	_ =	shalt  }
0x40: {  	_ =	shalt  }
0x41: {  	_ =	shalt  }
0x42: {  	_ =	shalt  }
0x43: {  	_ =	shalt  }
0x44: {  	_ =	shalt  }
0x45: {  	_ =	shalt  }
0x46: {  	_ =	shalt  }
0x47: {  	_ =	shalt  }
0x48: {  	_ =	shalt  }
0x49: {  	_ =	shalt  }
0x4a: {  	_ =	shalt  }
0x4b: {  	_ =	shalt  }
0x4c: {  	_ =	shalt  }
0x4d: {  	_ =	shalt  }
0x4e: {  	_ =	shalt  }
0x4f: {  	_ =	shalt  }
0x50: {  	_ =	shalt  }
0x51: {  	_ =	shalt  }
0x52: {  	_ =	shalt  }
0x53: {  	_ =	shalt  }
0x54: {  	_ =	shalt  }
0x55: {  	_ =	shalt  }
0x56: {  	_ =	shalt  }
0x57: {  	_ =	shalt  }
0x58: {  	_ =	shalt  }
0x59: {  	_ =	shalt  }
0x5a: {  	_ =	shalt  }
0x5b: {  	_ =	shalt  }
0x5c: {  	_ =	shalt  }
0x5d: {  	_ =	shalt  }
0x5e: {  	_ =	shalt  }
0x5f: {  	_ =	shalt  }
0x60: {  	_ =	shalt  }
0x61: {  	_ =	shalt  }
0x62: {  	_ =	shalt  }
0x63: {  	_ =	shalt  }
0x64: {  	_ =	shalt  }
0x65: {  	_ =	shalt  }
0x66: {  	_ =	shalt  }
0x67: {  	_ =	shalt  }
0x68: {  	_ =	shalt  }
0x69: {  	_ =	shalt  }
0x6a: {  	_ =	shalt  }
0x6b: {  	_ =	shalt  }
0x6c: {  	_ =	shalt  }
0x6d: {  	_ =	shalt  }
0x6e: {  	_ =	shalt  }
0x6f: {  	_ =	shalt  }
0x70: {  	_ =	shalt  }
0x71: {  	_ =	shalt  }
0x72: {  	_ =	shalt  }
0x73: {  	_ =	shalt  }
0x74: {  	_ =	shalt  }
0x75: {  	_ =	shalt  }
0x76: {  	_ =	shalt  }
0x77: {  	_ =	shalt  }
0x78: {  	_ =	shalt  }
0x79: {  	_ =	shalt  }
0x7a: {  	_ =	shalt  }
0x7b: {  	_ =	shalt  }
0x7c: {  	_ =	shalt  }
0x7d: {  	_ =	shalt  }
0x7e: {  	_ =	shalt  }
0x7f: {  	_ =	shalt  }
0x80: {  	_ =	shalt  }
0x81: {  	_ =	shalt  }
0x82: {  	_ =	shalt  }
0x83: {  	_ =	shalt  }
0x84: {  	_ =	shalt  }
0x85: {  	_ =	shalt  }
0x86: {  	_ =	shalt  }
0x87: {  	_ =	shalt  }
.Lfunc_end0:
.L_simem_size_0:
called_computation_lowered:
.L_overlay_start_0:
0x88: {  	s2 =	sld [smem:$0x3FD9]  }
0x89: {  	s3 =	sld [smem:$0x3FFE];
	_ =	sdelay $0x1  }
0x8a: {  	s1 =	srdreg.scid  }
0x8b: {  	s0 =	sand.u32 $0x1, s1  }
0x8c: {  	s17 =	sshll.u32 s0, $0xA;
	s2 =	sadd.s32 s3, s2  }
0x8d: {  	s2 =	sadd.s32 s2, s17  }
0x8e: {  	[smem:$0x3FC6] =	sst s2  }
0x8f: {  	_ = 	snop  }
0x90: {  	s2 =	sld [smem:$0x3FC9]  }
0x91: {  	s18 =	sld [smem:$0x3FC8]  }
0x92: {  	s4 =	sld [smem:$0x3FD0];
	(tm) =	ssettm $0x1  }
0x93: {  	s5 =	sld [smem:$0x3FFB];
	_ =	sdelay $0x3  }
0x94: {  	_ =	strace s5  }
0x95: {  	s5 =	sld [smem:$0x3FFC];
	_ =	sdelay $0x3  }
0x96: {  	_ =	strace s5  }
0x97: {  	s5 =	sld [smem:$0x3FFD];
	_ =	sdelay $0x3  }
0x98: {  	_ =	strace s5  }
0x99: {  	_ =	strace $0x8FFFFFFF  }
0x9a: {  	s19 =	sld [smem:$0x3FDB];
	_ =	sdelay $0x1  }
0x9b: {  	s6 =	simm.s32 $_scs_section_size  }
0x9c: {  	s7 =	simm.s32 $_size__tile_overlayer_lowered;
	s8 =	simm.s32 $_tile_overlayer_lowered  }
0x9d: {  	s22 =	simm.s32 $0x1BFF;
	s21 =	sshll.u32 s8, $0x1;
	s5 =	sadd.s32 s6, s19  }
0x9e: {  	s9 =	simm.s32 $0x0;
	s20 =	sshll.u32 s7, $0x1;
	s7 =	sadd.s32 s21, s5  }
0x9f: {  	[timem:s9], [sflag:s22] =	dma.local [hbm:s7], s20  }
0xa0: {  	_ =	swait.ge [sflag:s22], s20  }
0xa1: {  	s6 =	ssub.s32 $0x0, s20;
	[sflag:s22] =	ssyncset.done $0x0  }
0xa2: {  	[sflag:s22] =	ssyncadd.s32 s6;
	_ =	sdelay $0x1  }
0xa3: {  	s23 =	simm.s32 $0x1B8B  }
0xa4: {  	_ =	swait.ge [sflag:s23], $0x1  }
0xa5: {  	[sflag:s23] =	ssyncset.done $0x0  }
0xa6: {  	s25 =	simm.s32 $0x1B8E;
	s24 =	sld [smem:$0x3FFE];
	[sflag:s23] =	ssyncadd.s32 $0xFFFFFFFF  }
0xa7: {  	s26 =	simm.s32 $execute0_lowered;
	[smem:$0x3FD2] =	sst s25  }
0xa8: {  	s7 =	sshll.u32 s26, $0x1;
	_ =	strace $0x80000046;
	[dreg:$0x1] =	wrdreg $0xFFFFFFFF  }
0xa9: {  	s28 =	simm.s32 $_size_execute0_lowered;
	s5 =	sadd.s32 s5, s7;
	[dreg:$0x0] =	wrdreg $0x0  }
0xaa: {  	s7 =	sshll.u32 s28, $0x1;
	[dreg:$0x2] =	wrdreg s5  }
0xab: {  	[dreg:$0x3] =	wrdreg s7  }
0xac: {  	[dreg:$0x4] =	wrdreg $0xC0  }
0xad: {  	_ =	task [dreg:s9], $0x5FFFF  }
0xae: {  	[dreg:$0x1] =	wrdreg $0xFFFFFFFF  }
0xaf: {  	[dreg:$0x0] =	wrdreg $0x60  }
0xb0: {  	[dreg:$0x2] =	wrdreg s2  }
0xb1: {  	[dreg:$0x3] =	wrdreg s18  }
0xb2: {  	[dreg:$0x4] =	wrdreg s24  }
0xb3: {  	[dreg:$0x5] =	wrdreg s4  }
0xb4: {  	[dreg:$0x6] =	wrdreg $0x9  }
0xb5: {  	_ =	task.clear_ibuf [dreg:s9], $0x7FFFF;
	_ =	strace $0x90000046  }
0xb6: {  	s29 =	simm.s32 $0x9;
	_ =	strace $0x80000048  }
0xb7: {  	_ =	swait.ge [sflag:s29], $0x1  }
0xb8: {  	[sflag:s29] =	ssyncadd.s32 $0xFFFFFFFF  }
0xb9: {  	_ =	strace $0x90000048  }
0xba: {  	_ =	sfence  }
0xbb: {  	s30 =	sld [smem:$0x0];
	_ =	sdelay $0x2  }
0xbc: {  	s31 =	sshll.u32 s1, $0xD;
	s1 =	sshrl.u32 s1, $0x2  }
0xbd: {  	s3 =	sand.u32 $0x4000, s31;
	s1 =	sadd.s32 s1, s30  }
0xbe: {  	s0 =	sor.u32 s3, s0;
	s1 =	sshll.u32 s1, $0x11  }
0xbf: {  	s0 =	sor.u32 s1, s0  }
0xc0: {  	s0 =	sadd.s32 $0x8F2B, s0  }
0xc1: {  	[sflag:s0] =	ssyncadd.remote.s32 $0x1  }
0xc2: {  	_ =	sfence.sel $0xFFFF  }
0xc3: {  	[dreg:$0x0] =	wrdreg $0xFFFFFFFF;
	(pc) =	sbr.abs _section_cstart, $3  }
0xc4: {  	[dreg:$0x1] =	wrdreg $0xFFFFFFFF  }
0xc5: {  	_ =	task.clear_ibuf [dreg:s9], $0x2FFFF;
	_ =	strace $0x9FFFFFFF  }
0xc6: {  	(tm) =	ssettm $0x7FFFFFFF  }
0xc7: {  	_ =	shalt  }
tec
execute0_lowered:
.L_overlay_start_1:
0x0: {  	(tag) =	ssettag $0x1  }
0x1: {  	v0 =	vlaneseq.u32;
	v2 =	vimm.s32 $0xFEDCBA98;
	v6 =	vimm.s32 $0x76543210  }
0x2: {  	v8 =	vimm.s32 $0x32107654;
	v9 =	vimm.s32 $0xDCFE98BA;
	v10 =	vimm.s32 $0x54761032  }
0x3: {  	v11 =	vimm.s32 $0xEFCDAB89;
	v12 =	vimm.s32 $0x67452301;
	vm7 =	vmmov $0x1  }
0x4: {  	vm8 =	vmmov $0x3;
	vm9 =	vmmov $0x7;
	vm10 =	vmmov $0xf  }
0x5: {  	vm11 =	vmmov $0x1f;
	vm12 =	vmmov $0x3f;
	vm13 =	vmmov $0x7f  }
0x6: {  	vm3 =	vmmov $0xff;
	vm6 =	vmmov $0x1ff;
	vm4 =	vmmov $0x3ff  }
0x7: {  	vm5 =	vmmov $0x7ff;
	vm14 =	vmmov $0xfff;
	vm1 =	vmmov $0x1fff  }
0x8: {  	vm0 =	vmmov $0x3fff;
	vm2 =	vmmov $0x7fff;
	v57 =	vimm.s32 $0x0  }
0x9: {  	v58 =	vimm.s32 $0x0;
	v59 =	vimm.s32 $0x0;
	v60 =	vimm.s32 $0x0  }
0xa: {  	v61 =	vimm.s32 $0x0;
	v62 =	vimm.s32 $0x0;
	v63 =	vimm.s32 $0x0  }
0xb: {  	v1 =	vor.u32 $0x10, v0;
	v5 =	vunpack.c.l.s4.s8 v2;
	v2 =	vor.u32 $0x20, v0  }
0xc: {  	s0 =	rddreg [dreg:$0x0];
	v3 =	vor.u32 $0x30, v0;
	v11 =	vunpack.c.l.s4.s8 v11;
	v12 =	vunpack.c.l.s4.s8 v12  }
0xd: {  	s1 =	rddreg [dreg:$0x1];
	v4 =	vor.u32 $0x40, v0;
	v8 =	vunpack.c.l.s4.s8 v8;
	v9 =	vunpack.c.l.s4.s8 v9  }
0xe: {  	s6 =	rddreg [dreg:$0x2];
	v10 =	vunpack.c.l.s4.s8 v10;
	v11 =	vunpack.c.0.s8.s32 v11;
	v12 =	vunpack.c.0.s8.s32 v12  }
0xf: {  	s3 =	rddreg [dreg:$0x3];
	s4 =	simm.s32 $0x0;
	v7 =	vunpack.c.0.s8.s32 v5;
	v5 =	vimm.s32 $0xBA98FEDC;
	v9 =	vunpack.c.0.s8.s32 v9  }
0x10: {  	[smem:$0x7FF] =	sst s4;
	v10 =	vunpack.c.0.s8.s32 v10;
	v11 =	vcombine.low v12, v11;
	v12 =	vsel vm3, $0xFFFFFFFF, v57  }
0x11: {  	s2 =	rddreg [dreg:$0x4];
	v6 =	vunpack.c.l.s4.s8 v6;
	_ =	strace $0x80000047;
	v5 =	vunpack.c.l.s4.s8 v5;
	[tilespmem:$0x1FF90] =	vst v12;
	v12 =	vsel vm4, $0xFFFFFFFF, v58  }
0x12: {  	s5 =	srdreg.scid;
	s10 =	simm.s32 $0x80;
	v8 =	vunpack.c.0.s8.s32 v8;
	v10 =	vcombine.low v10, v9;
	[tilespmem:$0x1FFA0] =	vst v12;
	v12 =	vsel vm6, $0xFFFFFFFF, v59  }
0x13: {  	s11 =	simm.s32 $0x4080;
	s12 =	simm.s32 $0x1;
	s7 =	sand.u32 $0x1, s5;
	v14 =	vand.u32 $0xF, v7;
	v5 =	vunpack.c.0.s8.s32 v5;
	[tilespmem:$0x1FFB0] =	vst v12;
	v12 =	vsel vm14, $0xFFFFFFFF, v60  }
0x14: {  	s13 =	simm.s32 $0x8080;
	s14 =	simm.s32 $0x0;
	s8 =	ssub.s32 $0x2, s7;
	v7 =	vor.u32 $0x70, v0;
	v10 =	vand.u32 $0xF, v10;
	[tilespmem:$0x1FFC0] =	vst v12;
	v12 =	vsel vm1, $0xFFFFFFFF, v61  }
0x15: {  	s5 =	stileid.u32;
	s6 =	sadd.s32 $0x600, s6;
	s9 =	sshrl.u32 s8, $0x1;
	v13 =	vcombine.low v8, v5;
	v8 =	vunpack.c.0.s8.s32 v6;
	[tilespmem:$0x1FFD0] =	vst v12;
	v12 =	vsel vm0, $0xFFFFFFFF, v62  }
0x16: {  	s31 =	sshll.u32 s5, $0xA;
	s7 =	sshll.u32 s7, $0x9;
	s8 =	ssub.s32 s8, s9;
	v11 =	vand.u32 $0xF, v11;
	v5 =	vor.u32 $0x50, v0;
	[tilespmem:$0x1FFE0] =	vst v12;
	v12 =	vsel vm2, $0xFFFFFFFF, v63  }
0x17: {  	s7 =	sor.u32 s7, s31;
	s9 =	simm.s32 $0x2;
	s8 =	smax.u32 s8, $0x1;
	v6 =	vor.u32 $0x60, v0;
	v8 =	vcombine.low v14, v8;
	v9 =	vand.u32 $0xF, v13;
	[tilespmem:$0x1FFF0] =	vst v12  }
.LBB2_1:
0x18: {  	s15 =	simm.s32 $0x0  }
.LBB2_2:
0x19: {  	s16 =	sshll.u32 s15, $0x7  }
0x1a: {  	s18 =	sadd.s32 s7, s16  }
0x1b: {  	s16 =	sshrl.u32 s18, $0x3  }
0x1c: {  	s17 =	simm.s32 $0x0;
	s19 =	sadd.s32 s1, s16  }
0x1d: {  	[tilespmem:s17], [sflag:$0x2] =	stream.linear.gather [hbm4b:s19+s17], $0x80, $0x38;
	[tilespmem:$0x8100] =	vst v63  }
0x1e: {  	_ =	swait.ge [sflag:s9], $0x80  }
0x1f: {  	[sflag:s9] =	ssyncset.done $0x0  }
0x20: {  	s18 =	sshll.u32 s18, $0x4;
	[sflag:s9] =	ssyncadd.s32 $0xFFFFFF80  }
0x21: {  	[tilespmem:s10], [sflag:$0x1] =	stream.indirect.gather [hbm4b:s0+s10], $0x80, s17, s10, $0xb8;
	[tilespmem:$0x8100] =	vst v63  }
0x22: {  	s18 =	sadd.s32 s6, s18  }
0x23: {  	[tilespmem:s11], [sflag:$0x2] =	stream.linear.gather [hbm4b:s18+s17], $0x4000, $0x38;
	[tilespmem:$0x8100] =	vst v63  }
0x24: {  	_ =	swait.ge [sflag:s9], $0x4000  }
0x25: {  	[sflag:s9] =	ssyncset.done $0x0  }
0x26: {  	[sflag:s9] =	ssyncadd.s32 $0xFFFFC000  }
0x27: {  	_ =	swait.ge [sflag:s12], $0x4000  }
0x28: {  	[sflag:s12] =	ssyncset.done $0x0  }
0x29: {  	[sflag:s12] =	ssyncadd.s32 $0xFFFFC000  }
.LBB2_3:
0x2a: {  	s18 =	sshll.u32 s17, $0xB  }
0x2b: {  	v12 =	vld [tilespmem:s18+$0x80]  }
0x2c: {  	v13 =	vld [tilespmem:s18+$0x4080]  }
0x2d: {  	v14 =	vld [tilespmem:s18+$0x90]  }
0x2e: {  	v15 =	vld [tilespmem:s18+$0x4090]  }
0x2f: {  	v16 =	vld [tilespmem:s18+$0xA0]  }
0x30: {  	v17 =	vld [tilespmem:s18+$0x40A0]  }
0x31: {  	v22 =	vld [tilespmem:s18+$0xB0]  }
0x32: {  	v18 =	vld [tilespmem:s18+$0x40B0]  }
0x33: {  	v23 =	vld [tilespmem:s18+$0xC0]  }
0x34: {  	v19 =	vld [tilespmem:s18+$0x40C0]  }
0x35: {  	v24 =	vld [tilespmem:s18+$0xD0]  }
0x36: {  	v25 =	vld [tilespmem:s18+$0x40D0]  }
0x37: {  	v26 =	vld [tilespmem:s18+$0xE0]  }
0x38: {  	v27 =	vld [tilespmem:s18+$0x40E0];
	v12 =	vmul.f32 v13, v12  }
0x39: {  	v28 =	vld [tilespmem:s18+$0xF0]  }
0x3a: {  	v29 =	vld [tilespmem:s18+$0x40F0];
	v14 =	vmul.f32 v15, v14;
	vm0 =	vgt.f32 v12, $-Inf  }
0x3b: {  	v32 =	vld [tilespmem:s18+$0x100];
	v12 =	vnsel vm0, $0xFF800000, v12  }
0x3c: {  	v33 =	vld [tilespmem:s18+$0x4100];
	v16 =	vmul.f32 v17, v16;
	vm0 =	vgt.f32 v14, v12  }
0x3d: {  	v34 =	vld [tilespmem:s18+$0x110];
	v12 =	vsel vm0, v14, v12  }
0x3e: {  	v35 =	vld [tilespmem:s18+$0x4110];
	v13 =	vmul.f32 v18, v22;
	vm1 =	vgt.f32 v16, v12  }
0x3f: {  	v37 =	vld [tilespmem:s18+$0x120];
	v12 =	vsel vm1, v16, v12  }
0x40: {  	v21 =	vld [tilespmem:s18+$0x4120];
	v15 =	vmul.f32 v19, v23;
	vm15 =	vgt.f32 v13, v12  }
0x41: {  	v39 =	vld [tilespmem:s18+$0x130];
	v12 =	vsel vm15, v13, v12  }
0x42: {  	v22 =	vld [tilespmem:s18+$0x4130];
	v14 =	vmul.f32 v25, v24;
	vm2 =	vgt.f32 v15, v12  }
0x43: {  	v40 =	vld [tilespmem:s18+$0x140];
	v30 =	vsel vm0, v1, v0;
	v12 =	vsel vm2, v15, v12  }
0x44: {  	v23 =	vld [tilespmem:s18+$0x4140];
	v16 =	vmul.f32 v27, v26;
	v15 =	vsel vm1, v2, v30;
	vm0 =	vgt.f32 v14, v12  }
0x45: {  	v57 =	vld [tilespmem:s18+$0x190];
	v31 =	vsel vm15, v3, v15;
	v12 =	vsel vm0, v14, v12  }
0x46: {  	v59 =	vld [tilespmem:s18+$0x4190];
	v13 =	vmul.f32 v29, v28;
	v14 =	vsel vm2, v4, v31;
	vm1 =	vgt.f32 v16, v12  }
0x47: {  	v41 =	vld [tilespmem:s18+$0x150];
	v17 =	vmul.f32 v22, v39;
	v14 =	vsel vm0, v5, v14;
	v12 =	vsel vm1, v16, v12  }
0x48: {  	v15 =	vmul.f32 v33, v32;
	v32 =	vld [tilespmem:s18+$0x1D0];
	v14 =	vsel vm1, v6, v14;
	vm0 =	vgt.f32 v13, v12  }
0x49: {  	v18 =	vmul.f32 v23, v40;
	v33 =	vld [tilespmem:s18+$0x41D0];
	v12 =	vsel vm0, v13, v12;
	v36 =	vsel vm0, v7, v14  }
0x4a: {  	vm14 =	vmmov vm10;
	v55 =	vld [tilespmem:s18+$0x180];
	v38 =	vperm.xlane v12, v8;
	v20 =	vperm.xlane v36, v8  }
0x4b: {  	vm10 =	vmmov vm5;
	v56 =	vld [tilespmem:s18+$0x4180];
	v29 =	vmul.f32 v59, v57;
	v16 =	vmul.f32 v35, v34  }
0x4c: {  	v43 =	vld [tilespmem:s18+$0x4150];
	v14 =	vmul.f32 v21, v37;
	vm1 =	veq.f32 v38, v12;
	vm2 =	vlt.s32 v20, v36  }
0x4d: {  	v45 =	vld [tilespmem:s18+$0x160];
	vm0 =	vgt.f32 v38, v12;
	vm1 =	vmand vm1, vm2;
	vm2 =	vgt.f32 v15, $-Inf  }
0x4e: {  	v46 =	vld [tilespmem:s18+$0x4160];
	v19 =	vmul.f32 v33, v32;
	vm0 =	vmor vm0, vm1;
	v15 =	vnsel vm2, $0xFF800000, v15  }
0x4f: {  	v47 =	vld [tilespmem:s18+$0x170];
	v12 =	vsel vm0, v38, v12;
	vm1 =	vgt.f32 v16, v15;
	v13 =	vsel vm0, v20, v36  }
0x50: {  	v48 =	vld [tilespmem:s18+$0x4170];
	v20 =	vmul.f32 v56, v55;
	v42 =	vperm.xlane v12, v9;
	v15 =	vsel vm1, v16, v15  }
0x51: {  	v44 =	vperm.xlane v13, v9;
	v16 =	vmul.f32 v43, v41;
	vm0 =	vgt.f32 v14, v15  }
0x52: {  	v49 =	vsel vm1, v1, v0;
	vm2 =	veq.f32 v42, v12;
	v14 =	vsel vm0, v14, v15  }
0x53: {  	v30 =	vld [tilespmem:s18+$0x1C0];
	vm15 =	vlt.s32 v44, v13;
	vm4 =	vgt.f32 v42, v12;
	vm3 =	vgt.f32 v17, v14  }
0x54: {  	v31 =	vld [tilespmem:s18+$0x41C0];
	v15 =	vmul.f32 v46, v45;
	vm2 =	vmand vm2, vm15;
	v14 =	vsel vm3, v17, v14  }
0x55: {  	vm2 =	vmor vm4, vm2;
	v17 =	vmul.f32 v48, v47;
	vm4 =	vgt.f32 v18, v14  }
0x56: {  	v12 =	vsel vm2, v42, v12;
	v13 =	vsel vm2, v44, v13;
	v14 =	vsel vm4, v18, v14  }
0x57: {  	v18 =	vsel vm0, v2, v49;
	v51 =	vperm.xlane v12, v10;
	vm1 =	vgt.f32 v16, v14  }
0x58: {  	v40 =	vld [tilespmem:s18+$0x200];
	v53 =	vperm.xlane v13, v10;
	v50 =	vsel vm3, v3, v18;
	v14 =	vsel vm1, v16, v14  }
0x59: {  	v41 =	vld [tilespmem:s18+$0x4200];
	v18 =	vmul.f32 v31, v30;
	v16 =	vsel vm4, v4, v50;
	vm0 =	vgt.f32 v15, v14  }
0x5a: {  	vm2 =	vgt.f32 v51, v12;
	v52 =	vsel vm1, v5, v16;
	v14 =	vsel vm0, v15, v14  }
0x5b: {  	v61 =	vld [tilespmem:s18+$0x1A0];
	v15 =	vsel vm0, v6, v52;
	vm0 =	veq.f32 v51, v12;
	vm1 =	vgt.f32 v17, v14  }
0x5c: {  	v26 =	vld [tilespmem:s18+$0x4220];
	v14 =	vsel vm1, v17, v14;
	v15 =	vsel vm1, v7, v15;
	vm1 =	vlt.s32 v53, v13  }
0x5d: {  	v47 =	vld [tilespmem:s18+$0x220];
	v17 =	vperm.xlane v14, v8;
	v54 =	vperm.xlane v15, v8;
	vm0 =	vmand vm0, vm1  }
0x5e: {  	v63 =	vld [tilespmem:s18+$0x1B0];
	vm4 =	vgt.f32 v20, $-Inf;
	v50 =	vmul.f32 v41, v40;
	vm0 =	vmor vm2, vm0  }
0x5f: {  	v24 =	vld [tilespmem:s18+$0x41A0];
	vm1 =	veq.f32 v17, v14;
	vm2 =	vlt.s32 v54, v15;
	v12 =	vsel vm0, v51, v12  }
0x60: {  	v28 =	vld [tilespmem:s18+$0x41B0];
	vm3 =	vgt.f32 v17, v14;
	v13 =	vsel vm0, v53, v13;
	vm1 =	vmand vm1, vm2  }
0x61: {  	v58 =	vperm.xlane v12, v11;
	v60 =	vperm.xlane v13, v11;
	vm0 =	vmor vm3, vm1  }
0x62: {  	v20 =	vnsel vm4, $0xFF800000, v20;
	v55 =	vmul.f32 v26, v47;
	v14 =	vsel vm0, v17, v14  }
0x63: {  	v35 =	vld [tilespmem:s18+$0x1E0];
	vm1 =	veq.f32 v58, v12;
	v15 =	vsel vm0, v54, v15;
	vm0 =	vlt.s32 v60, v13  }
0x64: {  	v36 =	vld [tilespmem:s18+$0x41E0];
	vm2 =	vgt.f32 v58, v12;
	v62 =	vperm.xlane v14, v9;
	v25 =	vperm.xlane v15, v9  }
0x65: {  	v53 =	vld [tilespmem:s18+$0x240];
	v17 =	vmul.f32 v24, v61;
	v12 =	vmul.f32 v28, v63;
	vm0 =	vmand vm1, vm0  }
0x66: {  	v54 =	vld [tilespmem:s18+$0x4240];
	vm0 =	vmor vm2, vm0;
	vm1 =	veq.f32 v62, v14;
	vm3 =	vlt.s32 v25, v15  }
0x67: {  	vm15 =	vgt.f32 v62, v14;
	vm1 =	vmand vm1, vm3;
	vm3 =	vgt.f32 v29, v20  }
0x68: {  	v37 =	vld [tilespmem:s18+$0x1F0];
	vm1 =	vmor vm15, vm1;
	v16 =	vsel vm3, v29, v20;
	v39 =	vsel vm3, v1, v0  }
0x69: {  	v38 =	vld [tilespmem:s18+$0x41F0];
	v14 =	vsel vm1, v62, v14;
	v15 =	vsel vm1, v25, v15;
	vm1 =	vgt.f32 v17, v16  }
0x6a: {  	v34 =	vperm.xlane v14, v10;
	v25 =	vperm.xlane v15, v10;
	v16 =	vsel vm1, v17, v16  }
0x6b: {  	v21 =	vmul.f32 v54, v53;
	v17 =	vmul.f32 v36, v35;
	vm4 =	vgt.f32 v12, v16  }
0x6c: {  	v43 =	vld [tilespmem:s18+$0x210];
	vm15 =	veq.f32 v34, v14;
	vm5 =	vlt.s32 v25, v15;
	v12 =	vsel vm4, v12, v16  }
0x6d: {  	v52 =	vld [tilespmem:s18+$0x4230];
	vm2 =	vgt.f32 v34, v14;
	vm5 =	vmand vm15, vm5;
	vm15 =	vgt.f32 v18, v12  }
0x6e: {  	v51 =	vld [tilespmem:s18+$0x230];
	v16 =	vmul.f32 v38, v37;
	vm2 =	vmor vm2, vm5;
	v12 =	vsel vm15, v18, v12  }
0x6f: {  	v45 =	vld [tilespmem:s18+$0x4210];
	v18 =	vsel vm1, v2, v39;
	vm3 =	vgt.f32 v19, v12;
	v14 =	vsel vm2, v34, v14  }
0x70: {  	v36 =	vld [tilespmem:s18+$0x290];
	v18 =	vsel vm4, v3, v18;
	v15 =	vsel vm2, v25, v15;
	v12 =	vsel vm3, v19, v12  }
0x71: {  	v38 =	vld [tilespmem:s18+$0x4290];
	v18 =	vsel vm15, v4, v18;
	v44 =	vperm.xlane v14, v11;
	vm1 =	vgt.f32 v17, v12  }
0x72: {  	v46 =	vperm.xlane v15, v11;
	v42 =	vsel vm3, v5, v18;
	v12 =	vsel vm1, v17, v12  }
0x73: {  	v35 =	vld [tilespmem:s18+$0x4280];
	v19 =	vmul.f32 v52, v51;
	v17 =	vsel vm1, v6, v42;
	vm2 =	vgt.f32 v16, v12  }
0x74: {  	v34 =	vld [tilespmem:s18+$0x280];
	v18 =	vmul.f32 v45, v43;
	v16 =	vsel vm2, v16, v12;
	v17 =	vsel vm2, v7, v17  }
0x75: {  	v48 =	vperm.xlane v16, v8;
	v49 =	vperm.xlane v17, v8  }
0x76: {  	v61 =	vld [tilespmem:s18+$0x4260];
	v45 =	vmul.f32 v38, v36;
	vm15 =	vgt.f32 v44, v14;
	vm4 =	vlt.s32 v46, v15  }
0x77: {  	v12 =	vsel vm0, v60, v13;
	v60 =	vld [tilespmem:s18+$0x260];
	vm2 =	veq.f32 v48, v16;
	vm3 =	vlt.s32 v49, v17  }
0x78: {  	v56 =	vld [tilespmem:s18+$0x250];
	vm0 =	veq.f32 v44, v14;
	vm2 =	vmand vm2, vm3;
	vm3 =	vgt.f32 v50, $-Inf  }
0x79: {  	v58 =	vld [tilespmem:s18+$0x4250];
	v22 =	vmul.f32 v35, v34;
	vm1 =	vgt.f32 v48, v16;
	v14 =	vnsel vm3, $0xFF800000, v50  }
0x7a: {  	vm0 =	vmand vm0, vm4;
	vm1 =	vmor vm1, vm2;
	vm2 =	vgt.f32 v18, v14  }
0x7b: {  	vm0 =	vmor vm15, vm0;
	v13 =	vsel vm1, v48, v16;
	v14 =	vsel vm2, v18, v14  }
0x7c: {  	v63 =	vld [tilespmem:s18+$0x4270];
	v17 =	vsel vm1, v49, v17;
	v16 =	vmul.f32 v61, v60;
	vm1 =	vgt.f32 v55, v14  }
0x7d: {  	v62 =	vld [tilespmem:s18+$0x270];
	v57 =	vperm.xlane v13, v9;
	v59 =	vperm.xlane v17, v9;
	v14 =	vsel vm1, v55, v14  }
0x7e: {  	v18 =	vmul.f32 v58, v56;
	v27 =	vsel vm2, v1, v0;
	vm5 =	vgt.f32 v19, v14  }
0x7f: {  	vm3 =	veq.f32 v57, v13;
	vm4 =	vlt.s32 v59, v17;
	v14 =	vsel vm5, v19, v14  }
0x80: {  	v48 =	vld [tilespmem:s18+$0x2D0];
	vm6 =	vgt.f32 v57, v13;
	vm3 =	vmand vm3, vm4;
	vm4 =	vgt.f32 v21, v14  }
0x81: {  	v49 =	vld [tilespmem:s18+$0x42D0];
	v28 =	vsel vm1, v2, v27;
	vm3 =	vmor vm6, vm3;
	v14 =	vsel vm4, v21, v14  }
0x82: {  	v29 =	vsel vm5, v3, v28;
	v19 =	vmul.f32 v63, v62;
	vm2 =	vgt.f32 v18, v14  }
0x83: {  	v43 =	vld [tilespmem:s18+$0x2B0];
	v13 =	vsel vm3, v57, v13;
	v17 =	vsel vm3, v59, v17;
	v14 =	vsel vm2, v18, v14  }
0x84: {  	v44 =	vld [tilespmem:s18+$0x42B0];
	v30 =	vperm.xlane v13, v10;
	v18 =	vsel vm4, v4, v29;
	vm1 =	vgt.f32 v16, v14  }
0x85: {  	v32 =	vperm.xlane v17, v10;
	v31 =	vsel vm2, v5, v18;
	v14 =	vsel vm1, v16, v14  }
0x86: {  	v21 =	vmul.f32 v49, v48;
	v16 =	vsel vm1, v6, v31;
	vm2 =	vgt.f32 v19, v14  }
0x87: {  	vm1 =	veq.f32 v30, v13;
	v14 =	vsel vm2, v19, v14;
	v16 =	vsel vm2, v7, v16  }
0x88: {  	vm2 =	vlt.s32 v32, v17;
	v19 =	vperm.xlane v14, v8;
	v33 =	vperm.xlane v16, v8  }
0x89: {  	vm3 =	vgt.f32 v30, v13;
	v18 =	vmul.f32 v44, v43;
	vm1 =	vmand vm1, vm2  }
0x8a: {  	v40 =	vld [tilespmem:s18+$0x2A0];
	vm1 =	vmor vm3, vm1;
	vm2 =	veq.f32 v19, v14;
	vm3 =	vlt.s32 v33, v16  }
0x8b: {  	v42 =	vld [tilespmem:s18+$0x42A0];
	v20 =	vsel vm1, v30, v13;
	vm4 =	vgt.f32 v19, v14;
	v17 =	vsel vm1, v32, v17  }
0x8c: {  	v47 =	vld [tilespmem:s18+$0x42C0];
	v13 =	vsel vm0, v46, v15;
	vm2 =	vmand vm2, vm3;
	v37 =	vperm.xlane v20, v11  }
0x8d: {  	v28 =	vld [tilespmem:s18+$0x4320];
	v39 =	vperm.xlane v17, v11;
	vm1 =	vmor vm4, vm2;
	vm4 =	vgt.f32 v22, $-Inf  }
0x8e: {  	v46 =	vld [tilespmem:s18+$0x2C0];
	v14 =	vsel vm1, v19, v14;
	vm0 =	veq.f32 v37, v20;
	v16 =	vsel vm1, v33, v16  }
0x8f: {  	vm1 =	vlt.s32 v39, v17;
	v33 =	vld [tilespmem:s18+$0x320];
	v41 =	vperm.xlane v14, v9;
	v27 =	vperm.xlane v16, v9  }
0x90: {  	vm2 =	vgt.f32 v37, v20;
	v22 =	vnsel vm4, $0xFF800000, v22;
	v19 =	vmul.f32 v42, v40  }
0x91: {  	v51 =	vld [tilespmem:s18+$0x2E0];
	vm0 =	vmand vm0, vm1;
	vm1 =	veq.f32 v41, v14;
	vm3 =	vlt.s32 v27, v16  }
0x92: {  	v52 =	vld [tilespmem:s18+$0x42E0];
	vm0 =	vmor vm2, vm0;
	vm5 =	vgt.f32 v41, v14;
	vm1 =	vmand vm1, vm3  }
0x93: {  	v48 =	vld [tilespmem:s18+$0x4370];
	v25 =	vmul.f32 v47, v46;
	vm3 =	vgt.f32 v45, v22;
	vm1 =	vmor vm5, vm1  }
0x94: {  	v47 =	vld [tilespmem:s18+$0x370];
	v20 =	vsel vm3, v45, v22;
	v55 =	vsel vm3, v1, v0;
	v40 =	vmul.f32 v28, v33  }
0x95: {  	v53 =	vld [tilespmem:s18+$0x2F0];
	v14 =	vsel vm1, v41, v14;
	v16 =	vsel vm1, v27, v16;
	vm1 =	vgt.f32 v19, v20  }
0x96: {  	v54 =	vld [tilespmem:s18+$0x42F0];
	v50 =	vperm.xlane v14, v10;
	v27 =	vperm.xlane v16, v10;
	v19 =	vsel vm1, v19, v20  }
0x97: {  	v20 =	vmul.f32 v52, v51;
	v56 =	vsel vm1, v2, v55;
	vm4 =	vgt.f32 v18, v19  }
0x98: {  	v36 =	vld [tilespmem:s18+$0x330];
	vm5 =	veq.f32 v50, v14;
	vm6 =	vlt.s32 v27, v16;
	v18 =	vsel vm4, v18, v19  }
0x99: {  	v60 =	vld [tilespmem:s18+$0x4300];
	v51 =	vmul.f32 v48, v47;
	vm5 =	vmand vm5, vm6;
	vm6 =	vgt.f32 v25, v18  }
0x9a: {  	v59 =	vld [tilespmem:s18+$0x300];
	vm2 =	vgt.f32 v50, v14;
	v58 =	vsel vm4, v3, v56;
	v18 =	vsel vm6, v25, v18  }
0x9b: {  	v38 =	vld [tilespmem:s18+$0x340];
	v19 =	vmul.f32 v54, v53;
	vm2 =	vmor vm2, vm5;
	vm3 =	vgt.f32 v21, v18  }
0x9c: {  	v61 =	vld [tilespmem:s18+$0x310];
	v22 =	vsel vm2, v50, v14;
	v16 =	vsel vm2, v27, v16;
	v57 =	vsel vm3, v21, v18  }
0x9d: {  	v63 =	vld [tilespmem:s18+$0x4310];
	v18 =	vsel vm6, v4, v58;
	v62 =	vperm.xlane v22, v11;
	vm1 =	vgt.f32 v20, v57  }
0x9e: {  	v37 =	vld [tilespmem:s18+$0x4330];
	v32 =	vperm.xlane v16, v11;
	v18 =	vsel vm3, v5, v18;
	v14 =	vsel vm1, v20, v57  }
0x9f: {  	v43 =	vld [tilespmem:s18+$0x4350];
	v21 =	vmul.f32 v60, v59;
	v18 =	vsel vm1, v6, v18;
	vm2 =	vgt.f32 v19, v14  }
0xa0: {  	v46 =	vld [tilespmem:s18+$0x4360];
	vm15 =	vgt.f32 v62, v22;
	v19 =	vsel vm2, v19, v14;
	v18 =	vsel vm2, v7, v18  }
0xa1: {  	v14 =	vsel vm0, v39, v17;
	v39 =	vld [tilespmem:s18+$0x4340];
	v34 =	vperm.xlane v19, v8;
	v35 =	vperm.xlane v18, v8  }
0xa2: {  	v59 =	vld [tilespmem:s18+$0x4390];
	v20 =	vmul.f32 v63, v61;
	vm4 =	vlt.s32 v32, v16;
	vm0 =	veq.f32 v62, v22  }
0xa3: {  	v57 =	vld [tilespmem:s18+$0x390];
	v22 =	vmul.f32 v37, v36;
	vm2 =	veq.f32 v34, v19;
	vm3 =	vlt.s32 v35, v18  }
0xa4: {  	v41 =	vld [tilespmem:s18+$0x350];
	vm0 =	vmand vm0, vm4;
	vm2 =	vmand vm2, vm3;
	vm3 =	vgt.f32 v21, $-Inf  }
0xa5: {  	v45 =	vld [tilespmem:s18+$0x360];
	vm0 =	vmor vm15, vm0;
	vm1 =	vgt.f32 v34, v19;
	v21 =	vnsel vm3, $0xFF800000, v21  }
0xa6: {  	v36 =	vld [tilespmem:s18+$0x43C0];
	vm1 =	vmor vm1, vm2;
	v24 =	vmul.f32 v39, v38;
	vm2 =	vgt.f32 v20, v21  }
0xa7: {  	v37 =	vld [tilespmem:s18+$0x3D0];
	v15 =	vsel vm1, v34, v19;
	v17 =	vsel vm1, v35, v18;
	v20 =	vsel vm2, v20, v21  }
0xa8: {  	v38 =	vld [tilespmem:s18+$0x43D0];
	v34 =	vmul.f32 v59, v57;
	v42 =	vperm.xlane v15, v9;
	vm1 =	vgt.f32 v40, v20  }
0xa9: {  	v35 =	vld [tilespmem:s18+$0x3C0];
	v44 =	vperm.xlane v17, v9;
	v21 =	vmul.f32 v43, v41;
	v19 =	vsel vm1, v40, v20  }
0xaa: {  	v50 =	vsel vm2, v1, v0;
	vm3 =	veq.f32 v42, v15;
	vm5 =	vgt.f32 v22, v19  }
0xab: {  	vm4 =	vlt.s32 v44, v17;
	vm6 =	vgt.f32 v42, v15;
	v19 =	vsel vm5, v22, v19  }
0xac: {  	v20 =	vmul.f32 v46, v45;
	vm3 =	vmand vm3, vm4;
	vm4 =	vgt.f32 v24, v19  }
0xad: {  	v23 =	vmul.f32 v38, v37;
	vm3 =	vmor vm6, vm3;
	v49 =	vsel vm4, v24, v19  }
0xae: {  	v27 =	vmul.f32 v36, v35;
	v19 =	vsel vm1, v2, v50;
	vm2 =	vgt.f32 v21, v49  }
0xaf: {  	v55 =	vld [tilespmem:s18+$0x380];
	v15 =	vsel vm3, v42, v15;
	v19 =	vsel vm5, v3, v19;
	v18 =	vsel vm2, v21, v49  }
0xb0: {  	v56 =	vld [tilespmem:s18+$0x4380];
	v17 =	vsel vm3, v44, v17;
	v19 =	vsel vm4, v4, v19;
	vm1 =	vgt.f32 v20, v18  }
0xb1: {  	v52 =	vperm.xlane v15, v10;
	v19 =	vsel vm2, v5, v19;
	v18 =	vsel vm1, v20, v18  }
0xb2: {  	v53 =	vperm.xlane v17, v10;
	v19 =	vsel vm1, v6, v19;
	vm2 =	vgt.f32 v51, v18  }
0xb3: {  	v33 =	vld [tilespmem:s18+$0x43B0];
	vm1 =	veq.f32 v52, v15;
	v18 =	vsel vm2, v51, v18;
	v19 =	vsel vm2, v7, v19  }
0xb4: {  	v47 =	vld [tilespmem:s18+$0x400];
	vm2 =	vlt.s32 v53, v17;
	v21 =	vperm.xlane v18, v8;
	v54 =	vperm.xlane v19, v8  }
0xb5: {  	v61 =	vld [tilespmem:s18+$0x3A0];
	v24 =	vmul.f32 v56, v55;
	vm3 =	vgt.f32 v52, v15;
	vm1 =	vmand vm1, vm2  }
0xb6: {  	v63 =	vld [tilespmem:s18+$0x43A0];
	vm1 =	vmor vm3, vm1;
	vm2 =	veq.f32 v21, v18;
	vm3 =	vlt.s32 v54, v19  }
0xb7: {  	v48 =	vld [tilespmem:s18+$0x4400];
	v22 =	vsel vm1, v52, v15;
	vm4 =	vgt.f32 v21, v18;
	v17 =	vsel vm1, v53, v17  }
0xb8: {  	v15 =	vsel vm0, v32, v16;
	v32 =	vld [tilespmem:s18+$0x3B0];
	vm2 =	vmand vm2, vm3;
	v58 =	vperm.xlane v22, v11  }
0xb9: {  	v60 =	vperm.xlane v17, v11;
	vm1 =	vmor vm4, vm2;
	vm4 =	vgt.f32 v24, $-Inf  }
0xba: {  	v18 =	vsel vm1, v21, v18;
	vm0 =	veq.f32 v58, v22;
	v19 =	vsel vm1, v54, v19  }
0xbb: {  	v30 =	vld [tilespmem:s18+$0x4420];
	vm1 =	vlt.s32 v60, v17;
	vm2 =	vgt.f32 v58, v22;
	v21 =	vmul.f32 v63, v61  }
0xbc: {  	v59 =	vld [tilespmem:s18+$0x430];
	v24 =	vnsel vm4, $0xFF800000, v24;
	v62 =	vperm.xlane v18, v9;
	v29 =	vperm.xlane v19, v9  }
0xbd: {  	v41 =	vld [tilespmem:s18+$0x43E0];
	v58 =	vmul.f32 v48, v47;
	vm0 =	vmand vm0, vm1;
	v20 =	vmul.f32 v33, v32  }
0xbe: {  	v55 =	vld [tilespmem:s18+$0x420];
	vm0 =	vmor vm2, vm0;
	vm1 =	veq.f32 v62, v18;
	vm3 =	vlt.s32 v29, v19  }
0xbf: {  	v43 =	vld [tilespmem:s18+$0x43F0];
	vm5 =	vgt.f32 v62, v18;
	vm1 =	vmand vm1, vm3;
	vm3 =	vgt.f32 v34, v24  }
0xc0: {  	v40 =	vld [tilespmem:s18+$0x3E0];
	v16 =	vsel vm0, v60, v17;
	vm1 =	vmor vm5, vm1;
	v22 =	vsel vm3, v34, v24  }
0xc1: {  	v60 =	vld [tilespmem:s18+$0x4430];
	v18 =	vsel vm1, v62, v18;
	v19 =	vsel vm1, v29, v19;
	vm1 =	vgt.f32 v21, v22  }
0xc2: {  	v42 =	vld [tilespmem:s18+$0x3F0];
	v39 =	vperm.xlane v18, v10;
	v29 =	vperm.xlane v19, v10;
	v21 =	vsel vm1, v21, v22  }
0xc3: {  	v61 =	vld [tilespmem:s18+$0x440];
	v63 =	vmul.f32 v30, v55;
	v44 =	vsel vm3, v1, v0;
	vm4 =	vgt.f32 v20, v21  }
0xc4: {  	v62 =	vld [tilespmem:s18+$0x4440];
	vm5 =	veq.f32 v39, v18;
	vm6 =	vlt.s32 v29, v19;
	v20 =	vsel vm4, v20, v21  }
0xc5: {  	v22 =	vmul.f32 v41, v40;
	vm5 =	vmand vm5, vm6;
	vm6 =	vgt.f32 v27, v20  }
0xc6: {  	v45 =	vsel vm1, v2, v44;
	v24 =	vmul.f32 v60, v59;
	v20 =	vsel vm6, v27, v20  }
0xc7: {  	v35 =	vld [tilespmem:s18+$0x4450];
	vm2 =	vgt.f32 v39, v18;
	v46 =	vsel vm4, v3, v45;
	vm3 =	vgt.f32 v23, v20  }
0xc8: {  	v50 =	vld [tilespmem:s18+$0x410];
	v21 =	vmul.f32 v43, v42;
	vm2 =	vmor vm2, vm5;
	v20 =	vsel vm3, v23, v20  }
0xc9: {  	v52 =	vld [tilespmem:s18+$0x4410];
	v26 =	vmul.f32 v62, v61;
	v23 =	vsel vm6, v4, v46;
	vm1 =	vgt.f32 v22, v20  }
0xca: {  	v33 =	vld [tilespmem:s18+$0x450];
	v18 =	vsel vm2, v39, v18;
	v49 =	vsel vm3, v5, v23;
	v20 =	vsel vm1, v22, v20  }
0xcb: {  	v40 =	vld [tilespmem:s18+$0x4470];
	v19 =	vsel vm2, v29, v19;
	v22 =	vsel vm1, v6, v49;
	vm2 =	vgt.f32 v21, v20  }
0xcc: {  	v60 =	vld [tilespmem:s18+$0x4C0];
	v51 =	vperm.xlane v18, v11;
	v20 =	vsel vm2, v21, v20;
	v54 =	vsel vm2, v7, v22  }
0xcd: {  	v61 =	vld [tilespmem:s18+$0x44C0];
	v56 =	vperm.xlane v20, v8;
	v57 =	vperm.xlane v54, v8  }
0xce: {  	v39 =	vld [tilespmem:s18+$0x470];
	v53 =	vperm.xlane v19, v11;
	v23 =	vmul.f32 v52, v50;
	vm15 =	vgt.f32 v51, v18  }
0xcf: {  	vm0 =	veq.f32 v51, v18;
	vm2 =	veq.f32 v56, v20;
	vm3 =	vlt.s32 v57, v54  }
0xd0: {  	v50 =	vld [tilespmem:s18+$0x490];
	vm4 =	vlt.s32 v53, v19;
	vm2 =	vmand vm2, vm3;
	vm3 =	vgt.f32 v58, $-Inf  }
0xd1: {  	v52 =	vld [tilespmem:s18+$0x4490];
	vm0 =	vmand vm0, vm4;
	vm1 =	vgt.f32 v56, v20;
	v18 =	vnsel vm3, $0xFF800000, v58  }
0xd2: {  	v37 =	vld [tilespmem:s18+$0x460];
	v29 =	vmul.f32 v61, v60;
	vm1 =	vmor vm1, vm2;
	vm2 =	vgt.f32 v23, v18  }
0xd3: {  	v38 =	vld [tilespmem:s18+$0x4460];
	v22 =	vmul.f32 v35, v33;
	v43 =	vmul.f32 v40, v39;
	v18 =	vsel vm2, v23, v18  }
0xd4: {  	v17 =	vsel vm1, v56, v20;
	v21 =	vsel vm1, v57, v54;
	vm1 =	vgt.f32 v63, v18  }
0xd5: {  	v34 =	vperm.xlane v17, v9;
	v36 =	vperm.xlane v21, v9;
	v18 =	vsel vm1, v63, v18  }
0xd6: {  	vm0 =	vmor vm15, vm0;
	v59 =	vmul.f32 v52, v50;
	vm5 =	vgt.f32 v24, v18  }
0xd7: {  	vm3 =	veq.f32 v34, v17;
	vm4 =	vlt.s32 v36, v21;
	v18 =	vsel vm5, v24, v18  }
0xd8: {  	v48 =	vld [tilespmem:s18+$0x480];
	v20 =	vmul.f32 v38, v37;
	vm3 =	vmand vm3, vm4;
	vm4 =	vgt.f32 v26, v18  }
0xd9: {  	v49 =	vld [tilespmem:s18+$0x4480];
	v41 =	vsel vm2, v1, v0;
	vm6 =	vgt.f32 v34, v17;
	v18 =	vsel vm4, v26, v18  }
0xda: {  	v23 =	vsel vm1, v2, v41;
	vm3 =	vmor vm6, vm3;
	vm2 =	vgt.f32 v22, v18  }
0xdb: {  	v42 =	vsel vm5, v3, v23;
	v17 =	vsel vm3, v34, v17;
	v18 =	vsel vm2, v22, v18  }
0xdc: {  	v62 =	vld [tilespmem:s18+$0x4D0];
	v21 =	vsel vm3, v36, v21;
	v44 =	vperm.xlane v17, v10;
	vm1 =	vgt.f32 v20, v18  }
0xdd: {  	v63 =	vld [tilespmem:s18+$0x44D0];
	v46 =	vperm.xlane v21, v10;
	v22 =	vsel vm4, v4, v42;
	v18 =	vsel vm1, v20, v18  }
0xde: {  	v26 =	vmul.f32 v49, v48;
	v45 =	vsel vm2, v5, v22;
	vm2 =	vgt.f32 v43, v18  }
0xdf: {  	v20 =	vsel vm1, v6, v45;
	vm1 =	veq.f32 v44, v17;
	v18 =	vsel vm2, v43, v18  }
0xe0: {  	v58 =	vld [tilespmem:s18+$0x44B0];
	v20 =	vsel vm2, v7, v20;
	vm2 =	vlt.s32 v46, v21;
	v23 =	vperm.xlane v18, v8  }
0xe1: {  	v57 =	vld [tilespmem:s18+$0x4B0];
	vm3 =	vgt.f32 v44, v17;
	v47 =	vperm.xlane v20, v8;
	vm1 =	vmand vm1, vm2  }
0xe2: {  	v25 =	vmul.f32 v63, v62;
	vm1 =	vmor vm3, vm1;
	vm2 =	veq.f32 v23, v18  }
0xe3: {  	v54 =	vld [tilespmem:s18+$0x4A0];
	vm3 =	vlt.s32 v47, v20;
	v24 =	vsel vm1, v44, v17;
	vm4 =	vgt.f32 v23, v18  }
0xe4: {  	v56 =	vld [tilespmem:s18+$0x44A0];
	v21 =	vsel vm1, v46, v21;
	v17 =	vsel vm0, v53, v19;
	vm2 =	vmand vm2, vm3  }
0xe5: {  	v51 =	vperm.xlane v24, v11;
	v53 =	vperm.xlane v21, v11;
	vm1 =	vmor vm4, vm2  }
0xe6: {  	v22 =	vmul.f32 v58, v57;
	vm4 =	vgt.f32 v26, $-Inf;
	v18 =	vsel vm1, v23, v18  }
0xe7: {  	v32 =	vld [tilespmem:s18+$0x4520];
	vm0 =	veq.f32 v51, v24;
	v20 =	vsel vm1, v47, v20;
	vm1 =	vlt.s32 v53, v21  }
0xe8: {  	v35 =	vld [tilespmem:s18+$0x44E0];
	vm2 =	vgt.f32 v51, v24;
	v55 =	vperm.xlane v18, v9;
	v31 =	vperm.xlane v20, v9  }
0xe9: {  	v34 =	vld [tilespmem:s18+$0x4E0];
	v26 =	vnsel vm4, $0xFF800000, v26;
	v23 =	vmul.f32 v56, v54;
	vm0 =	vmand vm0, vm1  }
0xea: {  	v48 =	vld [tilespmem:s18+$0x520];
	vm0 =	vmor vm2, vm0;
	vm1 =	veq.f32 v55, v18;
	vm3 =	vlt.s32 v31, v20  }
0xeb: {  	vm5 =	vgt.f32 v55, v18;
	vm1 =	vmand vm1, vm3;
	vm3 =	vgt.f32 v59, v26  }
0xec: {  	v52 =	vld [tilespmem:s18+$0x4530];
	vm1 =	vmor vm5, vm1;
	v24 =	vsel vm3, v59, v26;
	v38 =	vsel vm3, v1, v0  }
0xed: {  	v37 =	vld [tilespmem:s18+$0x44F0];
	v18 =	vsel vm1, v55, v18;
	v20 =	vsel vm1, v31, v20;
	vm1 =	vgt.f32 v23, v24  }
0xee: {  	v36 =	vld [tilespmem:s18+$0x4F0];
	v33 =	vperm.xlane v18, v10;
	v31 =	vperm.xlane v20, v10;
	v23 =	vsel vm1, v23, v24  }
0xef: {  	v62 =	vld [tilespmem:s18+$0x570];
	v55 =	vmul.f32 v32, v48;
	v24 =	vmul.f32 v35, v34;
	vm4 =	vgt.f32 v22, v23  }
0xf0: {  	v63 =	vld [tilespmem:s18+$0x4570];
	vm5 =	veq.f32 v33, v18;
	vm6 =	vlt.s32 v31, v20;
	v22 =	vsel vm4, v22, v23  }
0xf1: {  	v42 =	vld [tilespmem:s18+$0x500];
	v39 =	vsel vm1, v2, v38;
	vm5 =	vmand vm5, vm6;
	vm6 =	vgt.f32 v29, v22  }
0xf2: {  	v58 =	vld [tilespmem:s18+$0x4550];
	vm2 =	vgt.f32 v33, v18;
	v41 =	vsel vm4, v3, v39;
	v22 =	vsel vm6, v29, v22  }
0xf3: {  	v43 =	vld [tilespmem:s18+$0x4500];
	v23 =	vmul.f32 v37, v36;
	vm2 =	vmor vm2, vm5;
	vm3 =	vgt.f32 v25, v22  }
0xf4: {  	v44 =	vld [tilespmem:s18+$0x510];
	v26 =	vsel vm2, v33, v18;
	v20 =	vsel vm2, v31, v20;
	v40 =	vsel vm3, v25, v22  }
0xf5: {  	v46 =	vld [tilespmem:s18+$0x4510];
	v33 =	vmul.f32 v63, v62;
	v22 =	vsel vm6, v4, v41;
	vm1 =	vgt.f32 v24, v40  }
0xf6: {  	v51 =	vld [tilespmem:s18+$0x530];
	v45 =	vperm.xlane v26, v11;
	v22 =	vsel vm3, v5, v22;
	v18 =	vsel vm1, v24, v40  }
0xf7: {  	v54 =	vld [tilespmem:s18+$0x4540];
	v47 =	vperm.xlane v20, v11;
	v22 =	vsel vm1, v6, v22;
	vm2 =	vgt.f32 v23, v18  }
0xf8: {  	v39 =	vld [tilespmem:s18+$0x590];
	v25 =	vmul.f32 v43, v42;
	v23 =	vsel vm2, v23, v18;
	v22 =	vsel vm2, v7, v22  }
0xf9: {  	v41 =	vld [tilespmem:s18+$0x4590];
	vm15 =	vgt.f32 v45, v26;
	v49 =	vperm.xlane v23, v8;
	v50 =	vperm.xlane v22, v8  }
0xfa: {  	v24 =	vmul.f32 v46, v44;
	vm4 =	vlt.s32 v47, v20;
	v18 =	vsel vm0, v53, v21;
	v53 =	vld [tilespmem:s18+$0x540]  }
0xfb: {  	v56 =	vld [tilespmem:s18+$0x550];
	vm0 =	veq.f32 v45, v26;
	vm2 =	veq.f32 v49, v23;
	vm3 =	vlt.s32 v50, v22  }
0xfc: {  	v26 =	vmul.f32 v52, v51;
	v51 =	vld [tilespmem:s18+$0x5D0];
	vm2 =	vmand vm2, vm3;
	vm3 =	vgt.f32 v25, $-Inf  }
0xfd: {  	v52 =	vld [tilespmem:s18+$0x45D0];
	vm0 =	vmand vm0, vm4;
	vm1 =	vgt.f32 v49, v23;
	v25 =	vnsel vm3, $0xFF800000, v25  }
0xfe: {  	v48 =	vmul.f32 v41, v39;
	vm1 =	vmor vm1, vm2;
	vm2 =	vgt.f32 v24, v25  }
0xff: {  	vm0 =	vmor vm15, vm0;
	v28 =	vmul.f32 v54, v53;
	v24 =	vsel vm2, v24, v25  }
0x100: {  	v60 =	vld [tilespmem:s18+$0x560];
	v19 =	vsel vm1, v49, v23;
	v21 =	vsel vm1, v50, v22;
	vm1 =	vgt.f32 v55, v24  }
0x101: {  	v61 =	vld [tilespmem:s18+$0x4560];
	v57 =	vperm.xlane v19, v9;
	v59 =	vperm.xlane v21, v9;
	v23 =	vsel vm1, v55, v24  }
0x102: {  	v27 =	vmul.f32 v52, v51;
	v25 =	vmul.f32 v58, v56;
	vm5 =	vgt.f32 v26, v23  }
0x103: {  	vm3 =	veq.f32 v57, v19;
	vm4 =	vlt.s32 v59, v21;
	v23 =	vsel vm5, v26, v23  }
0x104: {  	v49 =	vld [tilespmem:s18+$0x5C0];
	vm6 =	vgt.f32 v57, v19;
	vm3 =	vmand vm3, vm4;
	vm4 =	vgt.f32 v28, v23  }
0x105: {  	v50 =	vld [tilespmem:s18+$0x45C0];
	v31 =	vsel vm2, v1, v0;
	vm3 =	vmor vm6, vm3;
	v28 =	vsel vm4, v28, v23  }
0x106: {  	v24 =	vmul.f32 v61, v60;
	v19 =	vsel vm3, v57, v19;
	vm2 =	vgt.f32 v25, v28  }
0x107: {  	v21 =	vsel vm3, v59, v21;
	v23 =	vsel vm1, v2, v31;
	v22 =	vsel vm2, v25, v28  }
0x108: {  	v38 =	vld [tilespmem:s18+$0x4580];
	v34 =	vperm.xlane v19, v10;
	v23 =	vsel vm5, v3, v23;
	vm1 =	vgt.f32 v24, v22  }
0x109: {  	v37 =	vld [tilespmem:s18+$0x580];
	v35 =	vperm.xlane v21, v10;
	v23 =	vsel vm4, v4, v23;
	v22 =	vsel vm1, v24, v22  }
0x10a: {  	v31 =	vmul.f32 v50, v49;
	v23 =	vsel vm2, v5, v23;
	vm2 =	vgt.f32 v33, v22  }
0x10b: {  	v23 =	vsel vm1, v6, v23;
	vm1 =	veq.f32 v34, v19;
	v22 =	vsel vm2, v33, v22  }
0x10c: {  	v62 =	vld [tilespmem:s18+$0x4600];
	v23 =	vsel vm2, v7, v23;
	vm2 =	vlt.s32 v35, v21;
	v25 =	vperm.xlane v22, v8  }
0x10d: {  	v43 =	vld [tilespmem:s18+$0x5A0];
	vm3 =	vgt.f32 v34, v19;
	v36 =	vperm.xlane v23, v8;
	vm1 =	vmand vm1, vm2  }
0x10e: {  	v46 =	vld [tilespmem:s18+$0x5B0];
	v28 =	vmul.f32 v38, v37;
	vm1 =	vmor vm3, vm1;
	vm2 =	veq.f32 v25, v22  }
0x10f: {  	v45 =	vld [tilespmem:s18+$0x45A0];
	vm3 =	vlt.s32 v36, v23;
	v26 =	vsel vm1, v34, v19;
	vm4 =	vgt.f32 v25, v22  }
0x110: {  	v61 =	vld [tilespmem:s18+$0x600];
	v21 =	vsel vm1, v35, v21;
	vm2 =	vmand vm2, vm3;
	v40 =	vperm.xlane v26, v11  }
0x111: {  	v19 =	vsel vm0, v47, v20;
	v47 =	vld [tilespmem:s18+$0x45B0];
	v42 =	vperm.xlane v21, v11;
	vm1 =	vmor vm4, vm2  }
0x112: {  	vm4 =	vgt.f32 v28, $-Inf;
	v22 =	vsel vm1, v25, v22;
	vm0 =	veq.f32 v40, v26  }
0x113: {  	v34 =	vld [tilespmem:s18+$0x4620];
	v23 =	vsel vm1, v36, v23;
	vm1 =	vlt.s32 v42, v21;
	vm2 =	vgt.f32 v40, v26  }
0x114: {  	v28 =	vnsel vm4, $0xFF800000, v28;
	v40 =	vld [tilespmem:s18+$0x620];
	v44 =	vperm.xlane v22, v9;
	v33 =	vperm.xlane v23, v9  }
0x115: {  	v25 =	vmul.f32 v45, v43;
	v43 =	vmul.f32 v62, v61;
	vm0 =	vmand vm0, vm1  }
0x116: {  	v54 =	vld [tilespmem:s18+$0x5E0];
	v24 =	vmul.f32 v47, v46;
	vm1 =	veq.f32 v44, v22;
	vm3 =	vlt.s32 v33, v23  }
0x117: {  	v55 =	vld [tilespmem:s18+$0x45E0];
	vm0 =	vmor vm2, vm0;
	vm5 =	vgt.f32 v44, v22;
	vm1 =	vmand vm1, vm3  }
0x118: {  	v46 =	vld [tilespmem:s18+$0x640];
	v20 =	vsel vm0, v42, v21;
	vm3 =	vgt.f32 v48, v28;
	vm1 =	vmor vm5, vm1  }
0x119: {  	v47 =	vld [tilespmem:s18+$0x4640];
	v26 =	vsel vm3, v48, v28;
	v58 =	vsel vm3, v1, v0;
	v48 =	vmul.f32 v34, v40  }
0x11a: {  	v56 =	vld [tilespmem:s18+$0x5F0];
	v22 =	vsel vm1, v44, v22;
	v23 =	vsel vm1, v33, v23;
	vm1 =	vgt.f32 v25, v26  }
0x11b: {  	v57 =	vld [tilespmem:s18+$0x45F0];
	v53 =	vperm.xlane v22, v10;
	v33 =	vperm.xlane v23, v10;
	v25 =	vsel vm1, v25, v26  }
0x11c: {  	v26 =	vmul.f32 v55, v54;
	v59 =	vsel vm1, v2, v58;
	vm4 =	vgt.f32 v24, v25  }
0x11d: {  	vm5 =	veq.f32 v53, v22;
	vm6 =	vlt.s32 v33, v23;
	v24 =	vsel vm4, v24, v25  }
0x11e: {  	v39 =	vld [tilespmem:s18+$0x4610];
	v29 =	vmul.f32 v47, v46;
	vm5 =	vmand vm5, vm6;
	vm6 =	vgt.f32 v31, v24  }
0x11f: {  	v37 =	vld [tilespmem:s18+$0x610];
	vm2 =	vgt.f32 v53, v22;
	v60 =	vsel vm4, v3, v59;
	v24 =	vsel vm6, v31, v24  }
0x120: {  	v45 =	vld [tilespmem:s18+$0x4630];
	v25 =	vmul.f32 v57, v56;
	vm2 =	vmor vm2, vm5;
	vm3 =	vgt.f32 v27, v24  }
0x121: {  	v44 =	vld [tilespmem:s18+$0x630];
	v22 =	vsel vm2, v53, v22;
	v24 =	vsel vm3, v27, v24;
	v27 =	vsel vm6, v4, v60  }
0x122: {  	v55 =	vld [tilespmem:s18+$0x670];
	v38 =	vperm.xlane v22, v11;
	vm1 =	vgt.f32 v26, v24;
	v36 =	vsel vm3, v5, v27  }
0x123: {  	v56 =	vld [tilespmem:s18+$0x4670];
	v30 =	vsel vm2, v33, v23;
	v63 =	vsel vm1, v26, v24;
	v24 =	vsel vm1, v6, v36  }
0x124: {  	v51 =	vld [tilespmem:s18+$0x4650];
	vm15 =	vgt.f32 v38, v22;
	vm0 =	veq.f32 v38, v22;
	vm2 =	vgt.f32 v25, v63  }
0x125: {  	v26 =	vmul.f32 v39, v37;
	v38 =	vld [tilespmem:s18+$0x680];
	v23 =	vsel vm2, v25, v63;
	v24 =	vsel vm2, v7, v24  }
0x126: {  	v12 =	vsel vm7, v12, v13;
	v39 =	vld [tilespmem:s18+$0x4680];
	v41 =	vperm.xlane v23, v8;
	v42 =	vperm.xlane v24, v8  }
0x127: {  	v12 =	vsel vm8, v12, v14;
	v49 =	vld [tilespmem:s18+$0x650];
	v32 =	vperm.xlane v30, v11;
	v27 =	vmul.f32 v45, v44  }
0x128: {  	v59 =	vmul.f32 v56, v55;
	vm2 =	veq.f32 v41, v23;
	vm3 =	vlt.s32 v42, v24  }
0x129: {  	v54 =	vld [tilespmem:s18+$0x4660];
	vm4 =	vlt.s32 v32, v30;
	vm2 =	vmand vm2, vm3;
	vm3 =	vgt.f32 v43, $-Inf  }
0x12a: {  	v53 =	vld [tilespmem:s18+$0x660];
	vm0 =	vmand vm0, vm4;
	vm1 =	vgt.f32 v41, v23;
	v22 =	vnsel vm3, $0xFF800000, v43  }
0x12b: {  	v45 =	vmul.f32 v39, v38;
	v38 =	vld [tilespmem:s18+$0x7B0];
	vm1 =	vmor vm1, vm2;
	vm2 =	vgt.f32 v26, v22  }
0x12c: {  	v25 =	vmul.f32 v51, v49;
	vm0 =	vmor vm15, vm0;
	v39 =	vld [tilespmem:s18+$0x47B0];
	v22 =	vsel vm2, v26, v22  }
0x12d: {  	v21 =	vsel vm1, v41, v23;
	v24 =	vsel vm1, v42, v24;
	vm1 =	vgt.f32 v48, v22  }
0x12e: {  	v50 =	vperm.xlane v21, v9;
	v52 =	vperm.xlane v24, v9;
	v22 =	vsel vm1, v48, v22  }
0x12f: {  	v44 =	vld [tilespmem:s18+$0x46A0];
	v23 =	vmul.f32 v54, v53;
	v57 =	vsel vm2, v1, v0;
	vm5 =	vgt.f32 v27, v22  }
0x130: {  	v49 =	vld [tilespmem:s18+$0x46C0];
	vm3 =	veq.f32 v50, v21;
	vm4 =	vlt.s32 v52, v24;
	v22 =	vsel vm5, v27, v22  }
0x131: {  	v42 =	vld [tilespmem:s18+$0x6A0];
	v38 =	vmul.f32 v39, v38;
	vm3 =	vmand vm3, vm4;
	vm4 =	vgt.f32 v29, v22  }
0x132: {  	vm6 =	vgt.f32 v50, v21;
	v26 =	vsel vm1, v2, v57;
	v48 =	vld [tilespmem:s18+$0x6C0];
	v22 =	vsel vm4, v29, v22  }
0x133: {  	vm3 =	vmor vm6, vm3;
	v58 =	vsel vm5, v3, v26;
	vm2 =	vgt.f32 v25, v22  }
0x134: {  	v21 =	vsel vm3, v50, v21;
	v24 =	vsel vm3, v52, v24;
	v22 =	vsel vm2, v25, v22  }
0x135: {  	v35 =	vld [tilespmem:s18+$0x690];
	v60 =	vperm.xlane v21, v10;
	v62 =	vperm.xlane v24, v10;
	vm1 =	vgt.f32 v23, v22  }
0x136: {  	v41 =	vld [tilespmem:s18+$0x4690];
	v29 =	vmul.f32 v44, v42;
	v25 =	vsel vm4, v4, v58;
	v22 =	vsel vm1, v23, v22  }
0x137: {  	v34 =	vmul.f32 v49, v48;
	v61 =	vsel vm2, v5, v25;
	vm2 =	vgt.f32 v59, v22  }
0x138: {  	v23 =	vsel vm1, v6, v61;
	vm1 =	veq.f32 v60, v21;
	v26 =	vsel vm2, v59, v22  }
0x139: {  	v61 =	vld [tilespmem:s18+$0x4700];
	v63 =	vsel vm2, v7, v23;
	vm2 =	vlt.s32 v62, v24;
	v36 =	vperm.xlane v26, v8  }
0x13a: {  	vm3 =	vgt.f32 v60, v21;
	v59 =	vld [tilespmem:s18+$0x700];
	v37 =	vperm.xlane v63, v8;
	vm1 =	vmand vm1, vm2  }
0x13b: {  	v46 =	vld [tilespmem:s18+$0x6B0];
	v25 =	vmul.f32 v41, v35;
	vm1 =	vmor vm3, vm1;
	vm2 =	veq.f32 v36, v26  }
0x13c: {  	v47 =	vld [tilespmem:s18+$0x46B0];
	vm3 =	vlt.s32 v37, v63;
	v27 =	vsel vm1, v60, v21;
	vm4 =	vgt.f32 v36, v26  }
0x13d: {  	v22 =	vsel vm1, v62, v24;
	v21 =	vsel vm0, v32, v30;
	vm2 =	vmand vm2, vm3  }
0x13e: {  	v40 =	vperm.xlane v27, v11;
	v23 =	vperm.xlane v22, v11;
	vm1 =	vmor vm4, vm2  }
0x13f: {  	v50 =	vld [tilespmem:s18+$0x6D0];
	v30 =	vmul.f32 v61, v59;
	v26 =	vsel vm1, v36, v26;
	v28 =	vsel vm1, v37, v63  }
0x140: {  	v12 =	vsel vm9, v12, v15;
	v49 =	vld [tilespmem:s18+$0x4730];
	v43 =	vperm.xlane v26, v9;
	v31 =	vperm.xlane v28, v9  }
0x141: {  	vm0 =	vgt.f32 v40, v27;
	vm1 =	veq.f32 v40, v27;
	v27 =	vmul.f32 v47, v46;
	v47 =	vld [tilespmem:s18+$0x730]  }
0x142: {  	v52 =	vld [tilespmem:s18+$0x46D0];
	vm5 =	vlt.s32 v23, v22;
	vm3 =	veq.f32 v43, v26;
	vm4 =	vlt.s32 v31, v28  }
0x143: {  	v55 =	vld [tilespmem:s18+$0x46E0];
	vm2 =	vgt.f32 v43, v26;
	vm3 =	vmand vm3, vm4;
	vm4 =	vgt.f32 v45, $-Inf  }
0x144: {  	v54 =	vld [tilespmem:s18+$0x6E0];
	vm1 =	vmand vm1, vm5;
	vm2 =	vmor vm2, vm3;
	v24 =	vnsel vm4, $0xFF800000, v45  }
0x145: {  	v26 =	vsel vm2, v43, v26;
	vm3 =	vgt.f32 v25, v24;
	v28 =	vsel vm2, v31, v28  }
0x146: {  	v56 =	vld [tilespmem:s18+$0x6F0];
	v31 =	vmul.f32 v49, v47;
	v51 =	vperm.xlane v26, v10;
	v24 =	vsel vm3, v25, v24  }
0x147: {  	v57 =	vld [tilespmem:s18+$0x46F0];
	v53 =	vperm.xlane v28, v10;
	v25 =	vmul.f32 v52, v50;
	vm2 =	vgt.f32 v29, v24  }
0x148: {  	v37 =	vld [tilespmem:s18+$0x4740];
	v58 =	vsel vm3, v1, v0;
	vm4 =	veq.f32 v51, v26;
	v24 =	vsel vm2, v29, v24  }
0x149: {  	v50 =	vld [tilespmem:s18+$0x740];
	vm5 =	vlt.s32 v53, v28;
	vm15 =	vgt.f32 v51, v26;
	v29 =	vmul.f32 v55, v54  }
0x14a: {  	v60 =	vsel vm2, v2, v58;
	vm6 =	vgt.f32 v27, v24;
	vm4 =	vmand vm4, vm5  }
0x14b: {  	v24 =	vsel vm6, v27, v24;
	vm4 =	vmor vm15, vm4;
	vm15 =	vmor vm0, vm1  }
0x14c: {  	v27 =	vmul.f32 v57, v56;
	vm5 =	vgt.f32 v34, v24;
	v26 =	vsel vm4, v51, v26  }
0x14d: {  	v62 =	vld [tilespmem:s18+$0x710];
	v28 =	vsel vm4, v53, v28;
	vm4 =	vgt.f32 v30, $-Inf;
	v24 =	vsel vm5, v34, v24  }
0x14e: {  	v40 =	vld [tilespmem:s18+$0x4710];
	v32 =	vmul.f32 v37, v50;
	v23 =	vsel vm15, v23, v22;
	vm0 =	vgt.f32 v25, v24  }
0x14f: {  	v46 =	vld [tilespmem:s18+$0x4720];
	v63 =	vperm.xlane v26, v11;
	v24 =	vsel vm0, v25, v24;
	v25 =	vsel vm6, v3, v60  }
0x150: {  	v45 =	vld [tilespmem:s18+$0x720];
	v41 =	vperm.xlane v28, v11;
	vm1 =	vgt.f32 v29, v24;
	v25 =	vsel vm5, v4, v25  }
0x151: {  	v30 =	vnsel vm4, $0xFF800000, v30;
	v24 =	vsel vm1, v29, v24;
	v25 =	vsel vm0, v5, v25  }
0x152: {  	vm0 =	vgt.f32 v63, v26;
	vm2 =	vgt.f32 v27, v24;
	v25 =	vsel vm1, v6, v25  }
0x153: {  	v52 =	vld [tilespmem:s18+$0x4750];
	vm1 =	veq.f32 v63, v26;
	v24 =	vsel vm2, v27, v24;
	v25 =	vsel vm2, v7, v25  }
0x154: {  	v51 =	vld [tilespmem:s18+$0x750];
	vm2 =	vlt.s32 v41, v28;
	v36 =	vperm.xlane v24, v8;
	v48 =	vperm.xlane v25, v8  }
0x155: {  	v55 =	vld [tilespmem:s18+$0x4760];
	v29 =	vmul.f32 v40, v62;
	v27 =	vmul.f32 v46, v45;
	vm1 =	vmand vm1, vm2  }
0x156: {  	v58 =	vld [tilespmem:s18+$0x4770];
	vm0 =	vmor vm0, vm1;
	vm5 =	veq.f32 v36, v24;
	vm6 =	vlt.s32 v48, v25  }
0x157: {  	v53 =	vld [tilespmem:s18+$0x760];
	vm3 =	vgt.f32 v36, v24;
	vm4 =	vmand vm5, vm6;
	vm5 =	vgt.f32 v29, v30  }
0x158: {  	v57 =	vld [tilespmem:s18+$0x770];
	v22 =	vsel vm0, v41, v28;
	vm2 =	vmor vm3, vm4;
	v29 =	vsel vm5, v29, v30  }
0x159: {  	v50 =	vld [tilespmem:s18+$0x47A0];
	v30 =	vmul.f32 v52, v51;
	v24 =	vsel vm2, v36, v24;
	vm3 =	vgt.f32 v27, v29  }
0x15a: {  	v25 =	vsel vm2, v48, v25;
	v48 =	vld [tilespmem:s18+$0x7A0];
	v54 =	vperm.xlane v24, v9;
	v27 =	vsel vm3, v27, v29  }
0x15b: {  	v59 =	vsel vm5, v1, v0;
	v51 =	vld [tilespmem:s18+$0x7C0];
	v56 =	vperm.xlane v25, v9;
	vm2 =	vgt.f32 v31, v27  }
0x15c: {  	v52 =	vld [tilespmem:s18+$0x47C0];
	v29 =	vmul.f32 v55, v53;
	vm1 =	veq.f32 v54, v24;
	v27 =	vsel vm2, v31, v27  }
0x15d: {  	vm4 =	vlt.s32 v56, v25;
	v31 =	vmul.f32 v58, v57;
	vm6 =	vgt.f32 v32, v27  }
0x15e: {  	v61 =	vld [tilespmem:s18+$0x780];
	vm1 =	vmand vm1, vm4;
	v27 =	vsel vm6, v32, v27;
	v32 =	vsel vm3, v2, v59  }
0x15f: {  	v63 =	vld [tilespmem:s18+$0x4780];
	vm3 =	vgt.f32 v54, v24;
	v34 =	vmul.f32 v50, v48;
	vm4 =	vgt.f32 v30, v27  }
0x160: {  	v43 =	vld [tilespmem:s18+$0x790];
	v60 =	vsel vm2, v3, v32;
	vm1 =	vmor vm3, vm1;
	v27 =	vsel vm4, v30, v27  }
0x161: {  	v45 =	vld [tilespmem:s18+$0x4790];
	v32 =	vmul.f32 v52, v51;
	v30 =	vsel vm6, v4, v60;
	vm2 =	vgt.f32 v29, v27  }
0x162: {  	v41 =	vld [tilespmem:s18+$0x47D0];
	v24 =	vsel vm1, v54, v24;
	v62 =	vsel vm4, v5, v30;
	v27 =	vsel vm2, v29, v27  }
0x163: {  	v54 =	vld [tilespmem:s18+$0x7D0];
	v44 =	vperm.xlane v24, v10;
	v42 =	vsel vm2, v6, v62;
	vm3 =	vgt.f32 v31, v27  }
0x164: {  	v30 =	vmul.f32 v63, v61;
	v63 =	vld [tilespmem:s18+$0x810];
	v27 =	vsel vm3, v31, v27;
	v26 =	vsel vm3, v7, v42  }
0x165: {  	v25 =	vsel vm1, v56, v25;
	v42 =	vld [tilespmem:s18+$0x4810];
	v46 =	vperm.xlane v27, v8;
	v47 =	vperm.xlane v26, v8  }
0x166: {  	v55 =	vld [tilespmem:s18+$0x7E0];
	v49 =	vperm.xlane v25, v10;
	v29 =	vmul.f32 v45, v43;
	vm0 =	vgt.f32 v44, v24  }
0x167: {  	v57 =	vld [tilespmem:s18+$0x7F0];
	vm3 =	veq.f32 v44, v24;
	vm1 =	veq.f32 v46, v27;
	vm2 =	vlt.s32 v47, v26  }
0x168: {  	v59 =	vld [tilespmem:s18+$0x47F0];
	vm4 =	vgt.f32 v46, v27;
	vm1 =	vmand vm1, vm2;
	vm2 =	vlt.s32 v49, v25  }
0x169: {  	v48 =	vld [tilespmem:s18+$0x840];
	v31 =	vmul.f32 v41, v54;
	vm1 =	vmor vm4, vm1;
	vm2 =	vmand vm3, vm2  }
0x16a: {  	v56 =	vld [tilespmem:s18+$0x47E0];
	v28 =	vmul.f32 v42, v63;
	v27 =	vsel vm1, v46, v27;
	v26 =	vsel vm1, v47, v26  }
0x16b: {  	v60 =	vld [tilespmem:s18+$0x800];
	vm1 =	vgt.f32 v30, $-Inf;
	vm2 =	vmor vm0, vm2;
	v53 =	vperm.xlane v27, v9  }
0x16c: {  	v62 =	vld [tilespmem:s18+$0x4800];
	v40 =	vperm.xlane v26, v9;
	v30 =	vnsel vm1, $0xFF800000, v30;
	v33 =	vsel vm2, v44, v24  }
0x16d: {  	v43 =	vld [tilespmem:s18+$0x820];
	v24 =	vsel vm2, v49, v25;
	vm0 =	vgt.f32 v29, v30;
	v63 =	vperm.xlane v33, v11  }
0x16e: {  	v49 =	vld [tilespmem:s18+$0x4840];
	vm1 =	vgt.f32 v53, v27;
	vm3 =	veq.f32 v53, v27;
	vm4 =	vlt.s32 v40, v26  }
0x16f: {  	v29 =	vsel vm0, v29, v30;
	v30 =	vmul.f32 v56, v55;
	v44 =	vsel vm0, v1, v0;
	v55 =	vld [tilespmem:s18+$0x860]  }
0x170: {  	v56 =	vld [tilespmem:s18+$0x4860];
	vm3 =	vmand vm3, vm4;
	vm4 =	vgt.f32 v34, v29;
	vm15 =	vgt.f32 v63, v33  }
0x171: {  	v45 =	vld [tilespmem:s18+$0x4820];
	vm1 =	vmor vm1, vm3;
	v58 =	vsel vm4, v34, v29;
	v34 =	vmul.f32 v62, v60  }
0x172: {  	v29 =	vmul.f32 v59, v57;
	v27 =	vsel vm1, v53, v27;
	vm3 =	vgt.f32 v38, v58  }
0x173: {  	v26 =	vsel vm1, v40, v26;
	v35 =	vperm.xlane v27, v10;
	v61 =	vsel vm3, v38, v58  }
0x174: {  	v46 =	vld [tilespmem:s18+$0x830];
	v40 =	vperm.xlane v26, v10;
	v38 =	vmul.f32 v49, v48;
	vm5 =	vgt.f32 v32, v61  }
0x175: {  	v47 =	vld [tilespmem:s18+$0x4830];
	v62 =	vmul.f32 v56, v55;
	vm1 =	veq.f32 v35, v27;
	v36 =	vsel vm5, v32, v61  }
0x176: {  	vm2 =	vlt.s32 v40, v26;
	v32 =	vmul.f32 v45, v43;
	vm6 =	vgt.f32 v31, v36  }
0x177: {  	v50 =	vld [tilespmem:s18+$0x850];
	vm1 =	vmand vm1, vm2;
	v25 =	vsel vm6, v31, v36;
	v31 =	vsel vm4, v2, v44  }
0x178: {  	v52 =	vld [tilespmem:s18+$0x4850];
	vm2 =	vgt.f32 v35, v27;
	vm0 =	vgt.f32 v30, v25;
	v31 =	vsel vm3, v3, v31  }
0x179: {  	vm3 =	vgt.f32 v34, $-Inf;
	v25 =	vsel vm0, v30, v25;
	v31 =	vsel vm5, v4, v31  }
0x17a: {  	v34 =	vnsel vm3, $0xFF800000, v34;
	v30 =	vmul.f32 v47, v46;
	v46 =	vperm.xlane v24, v11  }
0x17b: {  	vm4 =	vgt.f32 v29, v25;
	v31 =	vsel vm6, v5, v31;
	vm3 =	vgt.f32 v28, v34  }
0x17c: {  	v25 =	vsel vm4, v29, v25;
	v51 =	vsel vm0, v6, v31;
	v28 =	vsel vm3, v28, v34  }
0x17d: {  	vm0 =	vmor vm2, vm1;
	v31 =	vmul.f32 v52, v50;
	v59 =	vsel vm3, v1, v0  }
0x17e: {  	v57 =	vld [tilespmem:s18+$0x870];
	v29 =	vsel vm4, v7, v51;
	vm4 =	vgt.f32 v32, v28;
	v53 =	vperm.xlane v25, v8  }
0x17f: {  	v58 =	vld [tilespmem:s18+$0x4870];
	v42 =	vsel vm0, v35, v27;
	v54 =	vperm.xlane v29, v8;
	v28 =	vsel vm4, v32, v28  }
0x180: {  	v26 =	vsel vm0, v40, v26;
	v61 =	vsel vm4, v2, v59;
	vm1 =	vgt.f32 v30, v28  }
0x181: {  	vm2 =	veq.f32 v53, v25;
	vm5 =	vlt.s32 v54, v29;
	v28 =	vsel vm1, v30, v28  }
0x182: {  	v36 =	vld [tilespmem:$0x1FFC0];
	v49 =	vperm.xlane v42, v11;
	vm2 =	vmand vm2, vm5;
	vm5 =	vgt.f32 v38, v28  }
0x183: {  	v50 =	vperm.xlane v26, v11;
	v14 =	vsel vm1, v3, v61;
	v60 =	vsel vm5, v38, v28  }
0x184: {  	vm1 =	vgt.f32 v53, v25;
	v30 =	vmul.f32 v58, v57;
	vm3 =	vgt.f32 v31, v60  }
0x185: {  	vm2 =	vmor vm1, vm2;
	v14 =	vsel vm5, v4, v14;
	v13 =	vsel vm3, v31, v60  }
0x186: {  	vm5 =	vmmov vm10;
	v14 =	vsel vm3, v5, v14;
	vm3 =	vgt.f32 v62, v13  }
0x187: {  	vm10 =	vmmov vm14;
	vm14 =	vnez.u8 v36;
	v13 =	vsel vm3, v62, v13  }
0x188: {  	vm1 =	veq.f32 v63, v33;
	v14 =	vsel vm3, v6, v14;
	vm3 =	vgt.f32 v30, v13  }
0x189: {  	v12 =	vsel vm10, v12, v16;
	v13 =	vsel vm3, v30, v13;
	v14 =	vsel vm3, v7, v14  }
0x18a: {  	v38 =	vsel vm2, v53, v25;
	v53 =	vld [tilespmem:$0x1FFB0];
	v39 =	vperm.xlane v13, v8;
	v41 =	vperm.xlane v14, v8  }
0x18b: {  	v43 =	vsel vm2, v54, v29;
	v12 =	vsel vm11, v12, v17;
	v44 =	vperm.xlane v38, v9  }
0x18c: {  	v45 =	vperm.xlane v43, v9;
	vm2 =	veq.f32 v39, v13;
	vm3 =	vlt.s32 v41, v14  }
0x18d: {  	v12 =	vsel vm12, v12, v18;
	vm0 =	vgt.f32 v39, v13;
	vm2 =	vmand vm2, vm3  }
0x18e: {  	vm3 =	veq.f32 v44, v38;
	vm0 =	vmor vm0, vm2;
	vm2 =	vlt.s32 v45, v43  }
0x18f: {  	v12 =	vsel vm13, v12, v19;
	vm6 =	vnez.u8 v53;
	vm2 =	vmand vm3, vm2  }
0x190: {  	vm3 =	vgt.f32 v44, v38;
	v13 =	vsel vm0, v39, v13;
	v14 =	vsel vm0, v41, v14  }
0x191: {  	vm0 =	vlt.s32 v46, v24;
	vm2 =	vmor vm3, vm2;
	v47 =	vperm.xlane v13, v9  }
0x192: {  	v48 =	vperm.xlane v14, v9;
	vm0 =	vmand vm1, vm0;
	vm3 =	vgt.f32 v49, v42  }
0x193: {  	v15 =	vsel vm2, v44, v38;
	v25 =	vsel vm2, v45, v43;
	vm0 =	vmor vm15, vm0  }
0x194: {  	vm1 =	veq.f32 v47, v13;
	vm2 =	vlt.s32 v48, v14;
	v51 =	vperm.xlane v15, v10  }
0x195: {  	v54 =	vld [tilespmem:$0x1FF90];
	v52 =	vperm.xlane v25, v10;
	vm1 =	vmand vm1, vm2;
	vm2 =	vgt.f32 v47, v13  }
0x196: {  	v55 =	vld [tilespmem:$0x1FFA0];
	v16 =	vsel vm0, v46, v24;
	vm1 =	vmor vm2, vm1;
	vm2 =	veq.f32 v49, v42  }
0x197: {  	v13 =	vsel vm1, v47, v13;
	v14 =	vsel vm1, v48, v14;
	vm1 =	vlt.s32 v50, v26  }
0x198: {  	vm4 =	vlt.s32 v52, v25;
	vm1 =	vmand vm2, vm1;
	vm2 =	veq.f32 v51, v15  }
0x199: {  	v56 =	vperm.xlane v13, v10;
	v57 =	vperm.xlane v14, v10;
	vm2 =	vmand vm2, vm4  }
0x19a: {  	vm4 =	vgt.f32 v51, v15;
	vm1 =	vmor vm3, vm1;
	vm3 =	vnez.u8 v54  }
0x19b: {  	vm2 =	vmor vm4, vm2;
	vm4 =	vnez.u8 v55;
	v12 =	vsel vm3, v12, v20  }
0x19c: {  	v18 =	vsel vm1, v50, v26;
	vm0 =	veq.f32 v56, v13;
	vm1 =	vlt.s32 v57, v14  }
0x19d: {  	v12 =	vsel vm6, v12, v21;
	v15 =	vsel vm2, v51, v15;
	v17 =	vsel vm2, v52, v25  }
0x19e: {  	vm0 =	vmand vm0, vm1;
	vm1 =	vgt.f32 v56, v13;
	v58 =	vperm.xlane v15, v11  }
0x19f: {  	v12 =	vsel vm4, v12, v23;
	v59 =	vperm.xlane v17, v11;
	vm0 =	vmor vm1, vm0  }
0x1a0: {  	v62 =	vld [tilespmem:$0x1FFD0];
	v13 =	vsel vm0, v56, v13;
	v14 =	vsel vm0, v57, v14;
	vm1 =	veq.f32 v58, v15  }
0x1a1: {  	v63 =	vld [tilespmem:$0x1FFE0];
	vm0 =	vlt.s32 v59, v17;
	v19 =	vperm.xlane v13, v11;
	v20 =	vperm.xlane v14, v11  }
0x1a2: {  	v61 =	vld [tilespmem:$0x1FFF0];
	v12 =	vsel vm5, v12, v22;
	vm2 =	vgt.f32 v58, v15;
	vm0 =	vmand vm1, vm0  }
0x1a3: {  	vm0 =	vmor vm2, vm0;
	vm1 =	veq.f32 v19, v13;
	vm2 =	vlt.s32 v20, v14  }
0x1a4: {  	p0 =	sne.s32 s17, $0x7;
	v12 =	vsel vm14, v12, v16;
	vm1 =	vmand vm1, vm2;
	vm2 =	vgt.f32 v19, v13  }
.Ltmp0:
0x1a5: {  	v60 =	vsel vm0, v59, v17;
	vm0 =	vmor vm2, vm1;
	vm1 =	vnez.u8 v62;
	(pc) =	sbr.rel @p0 .LBB2_3-.Ltmp0, $4  }
0x1a6: {  	v12 =	vsel vm1, v12, v18;
	v14 =	vsel vm0, v20, v14;
	vm0 =	vnez.u8 v63  }
0x1a7: {  	s31 =	sshll.u32 s17, $0x4;
	vm2 =	vnez.u8 v61;
	v12 =	vsel vm0, v12, v60  }
0x1a8: {  	s18 =	sand.u32 $0x3FFFFFF0, s31;
	v12 =	vsel vm2, v12, v14  }
0x1a9: {  	s17 =	sadd.s32 $0x1, s17;
	[tilespmem:s18+$0x8080] =	vst v12  }
0x1aa: {  	s15 =	sadd.s32 $0x1, s15  }
0x1ab: {  	p0 =	sne.s32 s15, $0x4  }
.Ltmp1:
0x1ac: {  	s16 =	sadd.s32 s3, s16;
	(pc) =	sbr.rel @p0 .LBB2_2-.Ltmp1, $4  }
0x1ad: {  	[hbm4b:s16+s4] =	stream.linear.scatter [tilespmem:s13], [sflag:$0x2], $0x80, $0x38;
	[tilespmem:$0x8100] =	vst v63  }
0x1ae: {  	_ =	swait.ge [sflag:s9], $0x80  }
0x1af: {  	[sflag:s9] =	ssyncset.done $0x0  }
0x1b0: {  	[sflag:s9] =	ssyncadd.s32 $0xFFFFFF80  }
0x1b1: {  	s14 =	sadd.s32 $0x1, s14  }
0x1b2: {  	p0 =	sne.s32 s14, s8  }
.Ltmp2:
0x1b3: {  	_ = 	snop;
	(pc) =	sbr.rel @p0 .LBB2_1-.Ltmp2, $1  }
0x1b4: {  	_ =	sdelay $0x3  }
0x1b5: {  	_ =	sfence.sel $0x180000  }
0x1b6: {  	[bflag:$0x0] =	sbarrier.arrive $0xFFFF  }
0x1b7: {  	p0 =	sne.s32 s5, $0x0;
	_ =	strace $0x90000047  }
0x1b8: {  	s0 =	sadd.s32 @!p0 $0x100000, s2;
	[bflag:$0x2] =	sbarrier.arrive $0xFFFF  }
0x1b9: {  	[sflag:s0] =	ssyncadd.tile.s32 @!p0 $0x1;
	_ =	shalt  }
.Lfunc_end2:
_tile_overlayer_lowered:
.L_overlay_start_2:
0x1ba: {  	(tag) =	ssettag $0x2  }
0x1bb: {  	s0 =	rddreg [dreg:$0x0];
	s2 =	stileid.u32  }
0x1bc: {  	s1 =	rddreg [dreg:$0x1];
	p0 =	sne.s32 s2, $0x0  }
0x1bd: {  	s3 =	rddreg [dreg:$0x2];
	[bflag:$0x3] =	sbarrier.arrive $0xFFFF;
	s2 =	simm.s32 @!p0 $0x1C02  }
0x1be: {  	[timem:s3], [sflag:s2] =	dma.local @!p0 [hbm:s0], s1  }
0x1bf: {  	s0 =	simm.s32 @!p0 $0x2  }
0x1c0: {  	_ =	swait.ge @!p0 [sflag:s0], s1  }
0x1c1: {  	s1 =	ssub.s32 @!p0 $0x0, s1;
	[sflag:s0] =	ssyncset.done @!p0 $0x0  }
0x1c2: {  	[sflag:s0] =	ssyncadd.s32 @!p0 s1  }
0x1c3: {  	[bflag:$0x3] =	sbarrier.arrive $0xFFFF  }
0x1c4: {  	_ =	shalt  }

</sc_bundles>
